<compile_context>
chip_gen: v7x
topology: tpu7x:2x2x1
jax: 0.10.2.dev20260603
libtpu: 0.0.44.dev20260713+nightly
codegen_flags: <defaults>
</compile_context>

<pallas_src>
import functools

import jax
import jax.numpy as jnp
from jax import lax
from jax.experimental import pallas as pl
from jax.experimental.pallas import tpu as pltpu
from jax.experimental.pallas import tpu_sc as plsc

B, F, V, D = 16384, 26, 100000, 16
H1, H2, OUT = 512, 256, 1
BF = B * F
NC, NS = 2, 16
NW = NC * NS
BW = B // NW
BWC = 256
NCH = BW // BWC


SPLITS = (13, 13)


def _sc_gather(idxT, tab_flat, fh, foff):
    mesh = plsc.VectorSubcoreMesh(
        core_axis_name="c", subcore_axis_name="s",
        num_cores=NC, num_subcores=NS)

    @functools.partial(
        pl.kernel,
        out_type=jax.ShapeDtypeStruct((B, fh * D), jnp.float32),
        mesh=mesh,
        scratch_types=[
            pltpu.VMEM((3, BWC), jnp.int32),
            pltpu.VMEM((3, D, BWC), jnp.int32),
            pltpu.VMEM((3, D, BWC), jnp.float32),
            pltpu.VMEM((BWC, fh * D), jnp.float32),
            pltpu.SemaphoreType.DMA,
        ],
        compiler_params=pltpu.CompilerParams(use_tc_tiling_on_sc=False,
                                             needs_layout_passes=False),
    )
    def gather_kernel(idx_hbm, tab_hbm, out_hbm, idx_v, fidx_v, rows_v, x_v,
                      sem):
        wid = lax.axis_index("s") * NC + lax.axis_index("c")
        lanes = lax.iota(jnp.int32, 16)

        def load_and_fire(f, sl0, wb):
            pltpu.sync_copy(idx_hbm.at[f, pl.ds(wb, BWC)], idx_v.at[sl0])

            def fire(d, carry3):
                base = (foff + f) * (D * V) + d * V
                for i in range(BWC // 16):
                    sl = pl.ds(i * 16, 16)
                    fidx_v[sl0, d, sl] = idx_v[sl0, sl] + base
                pltpu.async_copy(tab_hbm.at[fidx_v.at[sl0, d]],
                                 rows_v.at[sl0, d], sem)
                return carry3

            lax.fori_loop(0, D, fire, 0)

        def drain_and_scatter(f, sl0):
            def drain(d, carry3):
                pltpu.make_async_copy(tab_hbm.at[fidx_v.at[sl0, d]],
                                      rows_v.at[sl0, d], sem).wait()
                return carry3

            lax.fori_loop(0, D, drain, 0)

            def scatter(d, carry3):
                col = jnp.full((16,), f * D, jnp.int32) + d
                for i in range(BWC // 16):
                    vals = rows_v[sl0, d, pl.ds(i * 16, 16)]
                    plsc.store_scatter(x_v, [i * 16 + lanes, col], vals)
                return carry3

            lax.fori_loop(0, D, scatter, 0)

        def chunk_body(ci, carry):
            wb = wid * BW + ci * BWC
            load_and_fire(0, 0, wb)
            if fh > 1:
                load_and_fire(1, 1, wb)

            def f_body(f, carry2):
                load_and_fire(f + 2, (f + 2) % 3, wb)
                drain_and_scatter(f, f % 3)
                return carry2

            lax.fori_loop(0, max(fh - 2, 0), f_body, 0)
            if fh > 1:
                drain_and_scatter(fh - 2, (fh - 2) % 3)
            drain_and_scatter(fh - 1, (fh - 1) % 3)
            pltpu.sync_copy(x_v, out_hbm.at[pl.ds(wb, BWC)])
            return carry

        lax.fori_loop(0, NCH, chunk_body, 0)

    return gather_kernel(idxT, tab_flat)


TB = 1024


def _mlp_body(*refs):
    n = len(SPLITS)
    xrefs, w1refs = refs[:n], refs[n:2 * n]
    b1_ref, w2_ref, b2_ref, wo_ref, bo_ref, out_ref = refs[2 * n:]
    h = sum(jnp.dot(x[...], w[...], preferred_element_type=jnp.float32)
            for x, w in zip(xrefs, w1refs))
    h = jnp.maximum(h + b1_ref[...], 0.0)
    h = jnp.dot(h, w2_ref[...], preferred_element_type=jnp.float32)
    h = jnp.maximum(h + b2_ref[...], 0.0)
    out_ref[...] = (
        jnp.dot(h, wo_ref[...], preferred_element_type=jnp.float32) + bo_ref[...])


def _mlp(xparts, W1parts, b1, W2, b2, Wout, bout):
    xspecs = [pl.BlockSpec((TB, fh * D), lambda i: (i, 0)) for fh in SPLITS]
    wspecs = [pl.BlockSpec((fh * D, H1), lambda i: (0, 0)) for fh in SPLITS]
    return pl.pallas_call(
        _mlp_body,
        grid=(B // TB,),
        in_specs=xspecs + wspecs + [
            pl.BlockSpec((1, H1), lambda i: (0, 0)),
            pl.BlockSpec((H1, H2), lambda i: (0, 0)),
            pl.BlockSpec((1, H2), lambda i: (0, 0)),
            pl.BlockSpec((H2, OUT), lambda i: (0, 0)),
            pl.BlockSpec((1, OUT), lambda i: (0, 0)),
        ],
        out_specs=pl.BlockSpec((TB, OUT), lambda i: (i, 0)),
        out_shape=jax.ShapeDtypeStruct((B, OUT), jnp.float32),
    )(*xparts, *W1parts, b1, W2, b2, Wout, bout)


def kernel(indices, tables, W1, b1, W2, b2, Wout, bout):
    idxT = indices.astype(jnp.int32).T
    tab_flat = jnp.swapaxes(tables, 1, 2).reshape(F * D * V)
    xs, w1s, f0 = [], [], 0
    for fh in SPLITS:
        xs.append(_sc_gather(idxT[f0:f0 + fh], tab_flat, fh, f0))
        w1s.append(W1[f0 * D:(f0 + fh) * D])
        f0 += fh
    return _mlp(xs, w1s, b1.reshape(1, H1), W2, b2.reshape(1, H2),
                Wout, bout.reshape(1, OUT))

# --- scband reference (transcript-rebuilt; emitter-appended) ---
"""Pipeline reference for scband-entity-embedding-80900003987631 (READ-ONLY COPY).

The authoritative reference and input builder live on the scoring server;
editing this copy changes nothing except your own understanding.
"""

import jax, jax.numpy as jnp
import numpy as np

B, F, V, D = 16384, 26, 100000, 16
H1, H2, OUT = 512, 256, 1

def setup_inputs(seed: int = 0) -> dict:
    key = jax.random.key(seed)
    ks = jax.random.split(key, 8)
    indices = jax.random.randint(ks[0], (B, F), 0, V, dtype=jnp.int64) if jax.config.jax_enable_x64 else jax.random.randint(ks[0], (B, F), 0, V, dtype=jnp.int32)
    # 26 embedding tables of shape [V, D], init uniform(-1, 1) like the torch module
    tables = jax.random.uniform(ks[1], (F, V, D), minval=-1.0, maxval=1.0, dtype=jnp.float32)
    conc = F * D  # 416
    # kaiming-normal init for linear weights
    W1 = jax.random.normal(ks[2], (conc, H1), dtype=jnp.float32) * np.sqrt(2.0 / conc)
    b1 = jnp.zeros((H1,), dtype=jnp.float32)
    W2 = jax.random.normal(ks[3], (H1, H2), dtype=jnp.float32) * np.sqrt(2.0 / H1)
    b2 = jnp.zeros((H2,), dtype=jnp.float32)
    Wout = jax.random.normal(ks[4], (H2, OUT), dtype=jnp.float32) * np.sqrt(2.0 / H2)
    bout = jnp.zeros((OUT,), dtype=jnp.float32)
    return {"indices": indices, "tables": tables, "W1": W1, "b1": b1, "W2": W2, "b2": b2, "Wout": Wout, "bout": bout}

def reference(indices, tables, W1, b1, W2, b2, Wout, bout):
    # per-feature embedding lookup then concat (faithful to torch ModuleList loop)
    embs = [jnp.take(tables[i], indices[:, i], axis=0) for i in range(tables.shape[0])]
    x = jnp.concatenate(embs, axis=1)
    # emb dropout p=0.0 -> identity
    x = jax.nn.relu(x @ W1 + b1)  # hidden dropout p=0.0 -> identity; use_bn=False
    x = jax.nn.relu(x @ W2 + b2)
    x = x @ Wout + bout
    # y_range is None -> no sigmoid rescale
    return x

if __name__ == "__main__":
    import jax
    _d = setup_inputs()
    print(jax.jit(kernel)(*tuple(_d.values())))

</pallas_src>

<mosaic_0001>
#map = affine_map<(d0, d1) -> (0, 0)>
#map1 = affine_map<(d0, d1) -> (0)>
module attributes {stable_mosaic.version = 14 : i64} {
  func.func @gather_kernel(%arg0: i32, %arg1: i32, %arg2: memref<13x16384xi32, #tpu.memory_space<hbm>>, %arg3: memref<41600000xf32, #tpu.memory_space<hbm>>, %arg4: memref<16384x208xf32, #tpu.memory_space<hbm>>, %arg5: memref<3x256xi32, #tpu.memory_space<vmem>>, %arg6: memref<3x16x256xi32, #tpu.memory_space<vmem>>, %arg7: memref<3x16x256xf32, #tpu.memory_space<vmem>>, %arg8: memref<256x208xf32, #tpu.memory_space<vmem>>, %arg9: memref<!tpu.dma_semaphore, #tpu.memory_space<semaphore_mem>>) attributes {dimension_semantics = [#tpu.dimension_semantics<core_parallel>, #tpu.dimension_semantics<subcore_parallel>], iteration_bounds = array<i64: 2, 16>, scalar_prefetch = 0 : i64, scratch_operands = 5 : i64, tpu.core_type = #tpu.core_type<sc_vector_subcore>, window_params = [{transform_indices = #map}, {transform_indices = #map1}, {transform_indices = #map}]} {
    %mul3A = arith.constant 2 : i32
    %mul3A_0 = arith.muli %arg1, %mul3A : i32
    %add3A = arith.addi %mul3A_0, %arg0 : i32
    %iota3A = tpu.iota {dimensions = array<i32: 0>} : vector<16xi32>
    %scan3A = arith.constant 0 : i32
    %scan3A_1 = arith.constant 0 : i32
    %scan3A_2 = arith.constant 2 : i32
    %scan3A_3 = arith.addi %scan3A_1, %scan3A_2 : i32
    %scan3A_4 = arith.constant 1 : i32
    scf.for %scan3A_6 = %scan3A_1 to %scan3A_3 step %scan3A_4  : i32 {
      %mul3A_7 = arith.constant 512 : i32
      %mul3A_8 = arith.muli %add3A, %mul3A_7 : i32
      %mul3A_9 = arith.constant 256 : i32
      %mul3A_10 = arith.muli %scan3A_6, %mul3A_9 : i32
      %add3A_11 = arith.addi %mul3A_8, %mul3A_10 : i32
      %run_scoped3A = arith.constant 0 : i32
      %run_scoped3A_12 = arith.constant 0 : i32
      "tpu.region"() ({
        %run_scoped3A_57 = tpu.sem_alloc : memref<!tpu.dma_semaphore, #tpu.memory_space<semaphore_mem>>
        %dma_start3A = arith.constant 0 : i32
        %dma_start3A_58 = tpu.memref_slice %arg5[%run_scoped3A_12, %dma_start3A] : memref<3x256xi32, #tpu.memory_space<vmem>> -> memref<1x256xi32, #tpu.memory_space<vmem>>
        %dma_start3A_59 = tpu.memref_squeeze %dma_start3A_58 : memref<1x256xi32, #tpu.memory_space<vmem>> -> memref<256xi32, #tpu.memory_space<vmem>>
        %dma_start3A_60 = tpu.memref_slice %arg2[%run_scoped3A, %add3A_11] : memref<13x16384xi32, #tpu.memory_space<hbm>> -> memref<1x256xi32, #tpu.memory_space<hbm>>
        %dma_start3A_61 = tpu.memref_squeeze %dma_start3A_60 : memref<1x256xi32, #tpu.memory_space<hbm>> -> memref<256xi32, #tpu.memory_space<hbm>>
        %dma_start3A_62 = arith.constant 0 : i32
        %dma_start3A_63 = tpu.memref_slice %arg5[%run_scoped3A_12, %dma_start3A_62] : memref<3x256xi32, #tpu.memory_space<vmem>> -> memref<1x256xi32, #tpu.memory_space<vmem>>
        %dma_start3A_64 = tpu.memref_squeeze %dma_start3A_63 : memref<1x256xi32, #tpu.memory_space<vmem>> -> memref<256xi32, #tpu.memory_space<vmem>>
        %dma_start3A_65 = tpu.memref_slice %arg2[%run_scoped3A, %add3A_11] : memref<13x16384xi32, #tpu.memory_space<hbm>> -> memref<1x256xi32, #tpu.memory_space<hbm>>
        %dma_start3A_66 = tpu.memref_squeeze %dma_start3A_65 : memref<1x256xi32, #tpu.memory_space<hbm>> -> memref<256xi32, #tpu.memory_space<hbm>>
        tpu.enqueue_dma source(%dma_start3A_66 : memref<256xi32, #tpu.memory_space<hbm>>) target(%dma_start3A_64 : memref<256xi32, #tpu.memory_space<vmem>>) target_semaphore(%run_scoped3A_57 : memref<!tpu.dma_semaphore, #tpu.memory_space<semaphore_mem>>)
        %dma_wait3A = arith.constant 0 : i32
        %dma_wait3A_67 = tpu.memref_slice %arg5[%run_scoped3A_12, %dma_wait3A] : memref<3x256xi32, #tpu.memory_space<vmem>> -> memref<1x256xi32, #tpu.memory_space<vmem>>
        %dma_wait3A_68 = tpu.memref_squeeze %dma_wait3A_67 : memref<1x256xi32, #tpu.memory_space<vmem>> -> memref<256xi32, #tpu.memory_space<vmem>>
        %dma_wait3A_69 = tpu.memref_slice %arg2[%run_scoped3A, %add3A_11] : memref<13x16384xi32, #tpu.memory_space<hbm>> -> memref<1x256xi32, #tpu.memory_space<hbm>>
        %dma_wait3A_70 = tpu.memref_squeeze %dma_wait3A_69 : memref<1x256xi32, #tpu.memory_space<hbm>> -> memref<256xi32, #tpu.memory_space<hbm>>
        %dma_wait3A_71 = arith.constant 0 : i32
        %dma_wait3A_72 = tpu.memref_slice %arg5[%run_scoped3A_12, %dma_wait3A_71] : memref<3x256xi32, #tpu.memory_space<vmem>> -> memref<1x256xi32, #tpu.memory_space<vmem>>
        %dma_wait3A_73 = tpu.memref_squeeze %dma_wait3A_72 : memref<1x256xi32, #tpu.memory_space<vmem>> -> memref<256xi32, #tpu.memory_space<vmem>>
        %dma_wait3A_74 = tpu.memref_slice %arg2[%run_scoped3A, %add3A_11] : memref<13x16384xi32, #tpu.memory_space<hbm>> -> memref<1x256xi32, #tpu.memory_space<hbm>>
        %dma_wait3A_75 = tpu.memref_squeeze %dma_wait3A_74 : memref<1x256xi32, #tpu.memory_space<hbm>> -> memref<256xi32, #tpu.memory_space<hbm>>
        tpu.wait_dma2 semaphore(%run_scoped3A_57 : memref<!tpu.dma_semaphore, #tpu.memory_space<semaphore_mem>>) src(%dma_wait3A_75 : memref<256xi32, #tpu.memory_space<hbm>>) dst(%dma_wait3A_73 : memref<256xi32, #tpu.memory_space<vmem>>)
        tpu.yield
      }) : () -> ()
      %scan3A_13 = arith.constant 0 : i32
      %scan3A_14 = arith.constant 0 : i32
      %scan3A_15 = arith.constant 16 : i32
      %scan3A_16 = arith.addi %scan3A_14, %scan3A_15 : i32
      %scan3A_17 = arith.constant 1 : i32
      scf.for %scan3A_57 = %scan3A_14 to %scan3A_16 step %scan3A_17  : i32 {
        %mul3A_58 = arith.constant 100000 : i32
        %mul3A_59 = arith.muli %scan3A_57, %mul3A_58 : i32
        %add3A_60 = arith.constant 20800000 : i32
        %add3A_61 = arith.addi %add3A_60, %mul3A_59 : i32
        %get3A = arith.constant 0 : i32
        %get3A_62 = arith.index_cast %get3A : i32 to index
        %get3A_63 = arith.constant 0 : index
        %get3A_64 = tpu.vector_load %arg5[%get3A_62, %get3A_63] {strides = array<i32>} : memref<3x256xi32, #tpu.memory_space<vmem>>, vector<16xi32>,
        %add3A_65 = vector.broadcast %add3A_61 : i32 to vector<16xi32>
        %add3A_66 = arith.addi %get3A_64, %add3A_65 : vector<16xi32>
        %swap3A = arith.constant 0 : i32
        %swap3A_67 = arith.index_cast %swap3A : i32 to index
        %swap3A_68 = arith.index_cast %scan3A_57 : i32 to index
        %swap3A_69 = arith.constant 0 : index
        %swap3A_70 = tpu.vector_load %arg6[%swap3A_67, %swap3A_68, %swap3A_69] {strides = array<i32>} : memref<3x16x256xi32, #tpu.memory_space<vmem>>, vector<16xi32>,
        tpu.vector_store %arg6[%swap3A_67, %swap3A_68, %swap3A_69], %add3A_66 {strides = array<i32>} : memref<3x16x256xi32, #tpu.memory_space<vmem>>, vector<16xi32>,
        %get3A_71 = arith.constant 0 : i32
        %get3A_72 = arith.index_cast %get3A_71 : i32 to index
        %get3A_73 = arith.constant 16 : index
        %get3A_74 = tpu.vector_load %arg5[%get3A_72, %get3A_73] {strides = array<i32>} : memref<3x256xi32, #tpu.memory_space<vmem>>, vector<16xi32>,
        %add3A_75 = vector.broadcast %add3A_61 : i32 to vector<16xi32>
        %add3A_76 = arith.addi %get3A_74, %add3A_75 : vector<16xi32>
        %swap3A_77 = arith.constant 0 : i32
        %swap3A_78 = arith.index_cast %swap3A_77 : i32 to index
        %swap3A_79 = arith.index_cast %scan3A_57 : i32 to index
        %swap3A_80 = arith.constant 16 : index
        %swap3A_81 = tpu.vector_load %arg6[%swap3A_78, %swap3A_79, %swap3A_80] {strides = array<i32>} : memref<3x16x256xi32, #tpu.memory_space<vmem>>, vector<16xi32>,
        tpu.vector_store %arg6[%swap3A_78, %swap3A_79, %swap3A_80], %add3A_76 {strides = array<i32>} : memref<3x16x256xi32, #tpu.memory_space<vmem>>, vector<16xi32>,
        %get3A_82 = arith.constant 0 : i32
        %get3A_83 = arith.index_cast %get3A_82 : i32 to index
        %get3A_84 = arith.constant 32 : index
        %get3A_85 = tpu.vector_load %arg5[%get3A_83, %get3A_84] {strides = array<i32>} : memref<3x256xi32, #tpu.memory_space<vmem>>, vector<16xi32>,
        %add3A_86 = vector.broadcast %add3A_61 : i32 to vector<16xi32>
        %add3A_87 = arith.addi %get3A_85, %add3A_86 : vector<16xi32>
        %swap3A_88 = arith.constant 0 : i32
        %swap3A_89 = arith.index_cast %swap3A_88 : i32 to index
        %swap3A_90 = arith.index_cast %scan3A_57 : i32 to index
        %swap3A_91 = arith.constant 32 : index
        %swap3A_92 = tpu.vector_load %arg6[%swap3A_89, %swap3A_90, %swap3A_91] {strides = array<i32>} : memref<3x16x256xi32, #tpu.memory_space<vmem>>, vector<16xi32>,
        tpu.vector_store %arg6[%swap3A_89, %swap3A_90, %swap3A_91], %add3A_87 {strides = array<i32>} : memref<3x16x256xi32, #tpu.memory_space<vmem>>, vector<16xi32>,
        %get3A_93 = arith.constant 0 : i32
        %get3A_94 = arith.index_cast %get3A_93 : i32 to index
        %get3A_95 = arith.constant 48 : index
        %get3A_96 = tpu.vector_load %arg5[%get3A_94, %get3A_95] {strides = array<i32>} : memref<3x256xi32, #tpu.memory_space<vmem>>, vector<16xi32>,
        %add3A_97 = vector.broadcast %add3A_61 : i32 to vector<16xi32>
        %add3A_98 = arith.addi %get3A_96, %add3A_97 : vector<16xi32>
        %swap3A_99 = arith.constant 0 : i32
        %swap3A_100 = arith.index_cast %swap3A_99 : i32 to index
        %swap3A_101 = arith.index_cast %scan3A_57 : i32 to index
        %swap3A_102 = arith.constant 48 : index
        %swap3A_103 = tpu.vector_load %arg6[%swap3A_100, %swap3A_101, %swap3A_102] {strides = array<i32>} : memref<3x16x256xi32, #tpu.memory_space<vmem>>, vector<16xi32>,
        tpu.vector_store %arg6[%swap3A_100, %swap3A_101, %swap3A_102], %add3A_98 {strides = array<i32>} : memref<3x16x256xi32, #tpu.memory_space<vmem>>, vector<16xi32>,
        %get3A_104 = arith.constant 0 : i32
        %get3A_105 = arith.index_cast %get3A_104 : i32 to index
        %get3A_106 = arith.constant 64 : index
        %get3A_107 = tpu.vector_load %arg5[%get3A_105, %get3A_106] {strides = array<i32>} : memref<3x256xi32, #tpu.memory_space<vmem>>, vector<16xi32>,
        %add3A_108 = vector.broadcast %add3A_61 : i32 to vector<16xi32>
        %add3A_109 = arith.addi %get3A_107, %add3A_108 : vector<16xi32>
        %swap3A_110 = arith.constant 0 : i32
        %swap3A_111 = arith.index_cast %swap3A_110 : i32 to index
        %swap3A_112 = arith.index_cast %scan3A_57 : i32 to index
        %swap3A_113 = arith.constant 64 : index
        %swap3A_114 = tpu.vector_load %arg6[%swap3A_111, %swap3A_112, %swap3A_113] {strides = array<i32>} : memref<3x16x256xi32, #tpu.memory_space<vmem>>, vector<16xi32>,
        tpu.vector_store %arg6[%swap3A_111, %swap3A_112, %swap3A_113], %add3A_109 {strides = array<i32>} : memref<3x16x256xi32, #tpu.memory_space<vmem>>, vector<16xi32>,
        %get3A_115 = arith.constant 0 : i32
        %get3A_116 = arith.index_cast %get3A_115 : i32 to index
        %get3A_117 = arith.constant 80 : index
        %get3A_118 = tpu.vector_load %arg5[%get3A_116, %get3A_117] {strides = array<i32>} : memref<3x256xi32, #tpu.memory_space<vmem>>, vector<16xi32>,
        %add3A_119 = vector.broadcast %add3A_61 : i32 to vector<16xi32>
        %add3A_120 = arith.addi %get3A_118, %add3A_119 : vector<16xi32>
        %swap3A_121 = arith.constant 0 : i32
        %swap3A_122 = arith.index_cast %swap3A_121 : i32 to index
        %swap3A_123 = arith.index_cast %scan3A_57 : i32 to index
        %swap3A_124 = arith.constant 80 : index
        %swap3A_125 = tpu.vector_load %arg6[%swap3A_122, %swap3A_123, %swap3A_124] {strides = array<i32>} : memref<3x16x256xi32, #tpu.memory_space<vmem>>, vector<16xi32>,
        tpu.vector_store %arg6[%swap3A_122, %swap3A_123, %swap3A_124], %add3A_120 {strides = array<i32>} : memref<3x16x256xi32, #tpu.memory_space<vmem>>, vector<16xi32>,
        %get3A_126 = arith.constant 0 : i32
        %get3A_127 = arith.index_cast %get3A_126 : i32 to index
        %get3A_128 = arith.constant 96 : index
        %get3A_129 = tpu.vector_load %arg5[%get3A_127, %get3A_128] {strides = array<i32>} : memref<3x256xi32, #tpu.memory_space<vmem>>, vector<16xi32>,
        %add3A_130 = vector.broadcast %add3A_61 : i32 to vector<16xi32>
        %add3A_131 = arith.addi %get3A_129, %add3A_130 : vector<16xi32>
        %swap3A_132 = arith.constant 0 : i32
        %swap3A_133 = arith.index_cast %swap3A_132 : i32 to index
        %swap3A_134 = arith.index_cast %scan3A_57 : i32 to index
        %swap3A_135 = arith.constant 96 : index
        %swap3A_136 = tpu.vector_load %arg6[%swap3A_133, %swap3A_134, %swap3A_135] {strides = array<i32>} : memref<3x16x256xi32, #tpu.memory_space<vmem>>, vector<16xi32>,
        tpu.vector_store %arg6[%swap3A_133, %swap3A_134, %swap3A_135], %add3A_131 {strides = array<i32>} : memref<3x16x256xi32, #tpu.memory_space<vmem>>, vector<16xi32>,
        %get3A_137 = arith.constant 0 : i32
        %get3A_138 = arith.index_cast %get3A_137 : i32 to index
        %get3A_139 = arith.constant 112 : index
        %get3A_140 = tpu.vector_load %arg5[%get3A_138, %get3A_139] {strides = array<i32>} : memref<3x256xi32, #tpu.memory_space<vmem>>, vector<16xi32>,
        %add3A_141 = vector.broadcast %add3A_61 : i32 to vector<16xi32>
        %add3A_142 = arith.addi %get3A_140, %add3A_141 : vector<16xi32>
        %swap3A_143 = arith.constant 0 : i32
        %swap3A_144 = arith.index_cast %swap3A_143 : i32 to index
        %swap3A_145 = arith.index_cast %scan3A_57 : i32 to index
        %swap3A_146 = arith.constant 112 : index
        %swap3A_147 = tpu.vector_load %arg6[%swap3A_144, %swap3A_145, %swap3A_146] {strides = array<i32>} : memref<3x16x256xi32, #tpu.memory_space<vmem>>, vector<16xi32>,
        tpu.vector_store %arg6[%swap3A_144, %swap3A_145, %swap3A_146], %add3A_142 {strides = array<i32>} : memref<3x16x256xi32, #tpu.memory_space<vmem>>, vector<16xi32>,
        %get3A_148 = arith.constant 0 : i32
        %get3A_149 = arith.index_cast %get3A_148 : i32 to index
        %get3A_150 = arith.constant 128 : index
        %get3A_151 = tpu.vector_load %arg5[%get3A_149, %get3A_150] {strides = array<i32>} : memref<3x256xi32, #tpu.memory_space<vmem>>, vector<16xi32>,
        %add3A_152 = vector.broadcast %add3A_61 : i32 to vector<16xi32>
        %add3A_153 = arith.addi %get3A_151, %add3A_152 : vector<16xi32>
        %swap3A_154 = arith.constant 0 : i32
        %swap3A_155 = arith.index_cast %swap3A_154 : i32 to index
        %swap3A_156 = arith.index_cast %scan3A_57 : i32 to index
        %swap3A_157 = arith.constant 128 : index
        %swap3A_158 = tpu.vector_load %arg6[%swap3A_155, %swap3A_156, %swap3A_157] {strides = array<i32>} : memref<3x16x256xi32, #tpu.memory_space<vmem>>, vector<16xi32>,
        tpu.vector_store %arg6[%swap3A_155, %swap3A_156, %swap3A_157], %add3A_153 {strides = array<i32>} : memref<3x16x256xi32, #tpu.memory_space<vmem>>, vector<16xi32>,
        %get3A_159 = arith.constant 0 : i32
        %get3A_160 = arith.index_cast %get3A_159 : i32 to index
        %get3A_161 = arith.constant 144 : index
        %get3A_162 = tpu.vector_load %arg5[%get3A_160, %get3A_161] {strides = array<i32>} : memref<3x256xi32, #tpu.memory_space<vmem>>, vector<16xi32>,
        %add3A_163 = vector.broadcast %add3A_61 : i32 to vector<16xi32>
        %add3A_164 = arith.addi %get3A_162, %add3A_163 : vector<16xi32>
        %swap3A_165 = arith.constant 0 : i32
        %swap3A_166 = arith.index_cast %swap3A_165 : i32 to index
        %swap3A_167 = arith.index_cast %scan3A_57 : i32 to index
        %swap3A_168 = arith.constant 144 : index
        %swap3A_169 = tpu.vector_load %arg6[%swap3A_166, %swap3A_167, %swap3A_168] {strides = array<i32>} : memref<3x16x256xi32, #tpu.memory_space<vmem>>, vector<16xi32>,
        tpu.vector_store %arg6[%swap3A_166, %swap3A_167, %swap3A_168], %add3A_164 {strides = array<i32>} : memref<3x16x256xi32, #tpu.memory_space<vmem>>, vector<16xi32>,
        %get3A_170 = arith.constant 0 : i32
        %get3A_171 = arith.index_cast %get3A_170 : i32 to index
        %get3A_172 = arith.constant 160 : index
        %get3A_173 = tpu.vector_load %arg5[%get3A_171, %get3A_172] {strides = array<i32>} : memref<3x256xi32, #tpu.memory_space<vmem>>, vector<16xi32>,
        %add3A_174 = vector.broadcast %add3A_61 : i32 to vector<16xi32>
        %add3A_175 = arith.addi %get3A_173, %add3A_174 : vector<16xi32>
        %swap3A_176 = arith.constant 0 : i32
        %swap3A_177 = arith.index_cast %swap3A_176 : i32 to index
        %swap3A_178 = arith.index_cast %scan3A_57 : i32 to index
        %swap3A_179 = arith.constant 160 : index
        %swap3A_180 = tpu.vector_load %arg6[%swap3A_177, %swap3A_178, %swap3A_179] {strides = array<i32>} : memref<3x16x256xi32, #tpu.memory_space<vmem>>, vector<16xi32>,
        tpu.vector_store %arg6[%swap3A_177, %swap3A_178, %swap3A_179], %add3A_175 {strides = array<i32>} : memref<3x16x256xi32, #tpu.memory_space<vmem>>, vector<16xi32>,
        %get3A_181 = arith.constant 0 : i32
        %get3A_182 = arith.index_cast %get3A_181 : i32 to index
        %get3A_183 = arith.constant 176 : index
        %get3A_184 = tpu.vector_load %arg5[%get3A_182, %get3A_183] {strides = array<i32>} : memref<3x256xi32, #tpu.memory_space<vmem>>, vector<16xi32>,
        %add3A_185 = vector.broadcast %add3A_61 : i32 to vector<16xi32>
        %add3A_186 = arith.addi %get3A_184, %add3A_185 : vector<16xi32>
        %swap3A_187 = arith.constant 0 : i32
        %swap3A_188 = arith.index_cast %swap3A_187 : i32 to index
        %swap3A_189 = arith.index_cast %scan3A_57 : i32 to index
        %swap3A_190 = arith.constant 176 : index
        %swap3A_191 = tpu.vector_load %arg6[%swap3A_188, %swap3A_189, %swap3A_190] {strides = array<i32>} : memref<3x16x256xi32, #tpu.memory_space<vmem>>, vector<16xi32>,
        tpu.vector_store %arg6[%swap3A_188, %swap3A_189, %swap3A_190], %add3A_186 {strides = array<i32>} : memref<3x16x256xi32, #tpu.memory_space<vmem>>, vector<16xi32>,
        %get3A_192 = arith.constant 0 : i32
        %get3A_193 = arith.index_cast %get3A_192 : i32 to index
        %get3A_194 = arith.constant 192 : index
        %get3A_195 = tpu.vector_load %arg5[%get3A_193, %get3A_194] {strides = array<i32>} : memref<3x256xi32, #tpu.memory_space<vmem>>, vector<16xi32>,
        %add3A_196 = vector.broadcast %add3A_61 : i32 to vector<16xi32>
        %add3A_197 = arith.addi %get3A_195, %add3A_196 : vector<16xi32>
        %swap3A_198 = arith.constant 0 : i32
        %swap3A_199 = arith.index_cast %swap3A_198 : i32 to index
        %swap3A_200 = arith.index_cast %scan3A_57 : i32 to index
        %swap3A_201 = arith.constant 192 : index
        %swap3A_202 = tpu.vector_load %arg6[%swap3A_199, %swap3A_200, %swap3A_201] {strides = array<i32>} : memref<3x16x256xi32, #tpu.memory_space<vmem>>, vector<16xi32>,
        tpu.vector_store %arg6[%swap3A_199, %swap3A_200, %swap3A_201], %add3A_197 {strides = array<i32>} : memref<3x16x256xi32, #tpu.memory_space<vmem>>, vector<16xi32>,
        %get3A_203 = arith.constant 0 : i32
        %get3A_204 = arith.index_cast %get3A_203 : i32 to index
        %get3A_205 = arith.constant 208 : index
        %get3A_206 = tpu.vector_load %arg5[%get3A_204, %get3A_205] {strides = array<i32>} : memref<3x256xi32, #tpu.memory_space<vmem>>, vector<16xi32>,
        %add3A_207 = vector.broadcast %add3A_61 : i32 to vector<16xi32>
        %add3A_208 = arith.addi %get3A_206, %add3A_207 : vector<16xi32>
        %swap3A_209 = arith.constant 0 : i32
        %swap3A_210 = arith.index_cast %swap3A_209 : i32 to index
        %swap3A_211 = arith.index_cast %scan3A_57 : i32 to index
        %swap3A_212 = arith.constant 208 : index
        %swap3A_213 = tpu.vector_load %arg6[%swap3A_210, %swap3A_211, %swap3A_212] {strides = array<i32>} : memref<3x16x256xi32, #tpu.memory_space<vmem>>, vector<16xi32>,
        tpu.vector_store %arg6[%swap3A_210, %swap3A_211, %swap3A_212], %add3A_208 {strides = array<i32>} : memref<3x16x256xi32, #tpu.memory_space<vmem>>, vector<16xi32>,
        %get3A_214 = arith.constant 0 : i32
        %get3A_215 = arith.index_cast %get3A_214 : i32 to index
        %get3A_216 = arith.constant 224 : index
        %get3A_217 = tpu.vector_load %arg5[%get3A_215, %get3A_216] {strides = array<i32>} : memref<3x256xi32, #tpu.memory_space<vmem>>, vector<16xi32>,
        %add3A_218 = vector.broadcast %add3A_61 : i32 to vector<16xi32>
        %add3A_219 = arith.addi %get3A_217, %add3A_218 : vector<16xi32>
        %swap3A_220 = arith.constant 0 : i32
        %swap3A_221 = arith.index_cast %swap3A_220 : i32 to index
        %swap3A_222 = arith.index_cast %scan3A_57 : i32 to index
        %swap3A_223 = arith.constant 224 : index
        %swap3A_224 = tpu.vector_load %arg6[%swap3A_221, %swap3A_222, %swap3A_223] {strides = array<i32>} : memref<3x16x256xi32, #tpu.memory_space<vmem>>, vector<16xi32>,
        tpu.vector_store %arg6[%swap3A_221, %swap3A_222, %swap3A_223], %add3A_219 {strides = array<i32>} : memref<3x16x256xi32, #tpu.memory_space<vmem>>, vector<16xi32>,
        %get3A_225 = arith.constant 0 : i32
        %get3A_226 = arith.index_cast %get3A_225 : i32 to index
        %get3A_227 = arith.constant 240 : index
        %get3A_228 = tpu.vector_load %arg5[%get3A_226, %get3A_227] {strides = array<i32>} : memref<3x256xi32, #tpu.memory_space<vmem>>, vector<16xi32>,
        %add3A_229 = vector.broadcast %add3A_61 : i32 to vector<16xi32>
        %add3A_230 = arith.addi %get3A_228, %add3A_229 : vector<16xi32>
        %swap3A_231 = arith.constant 0 : i32
        %swap3A_232 = arith.index_cast %swap3A_231 : i32 to index
        %swap3A_233 = arith.index_cast %scan3A_57 : i32 to index
        %swap3A_234 = arith.constant 240 : index
        %swap3A_235 = tpu.vector_load %arg6[%swap3A_232, %swap3A_233, %swap3A_234] {strides = array<i32>} : memref<3x16x256xi32, #tpu.memory_space<vmem>>, vector<16xi32>,
        tpu.vector_store %arg6[%swap3A_232, %swap3A_233, %swap3A_234], %add3A_230 {strides = array<i32>} : memref<3x16x256xi32, #tpu.memory_space<vmem>>, vector<16xi32>,
        %dma_start3A = arith.constant 0 : i32
        %dma_start3A_236 = arith.constant 0 : i32
        %dma_start3A_237 = arith.constant 0 : i32
        %dma_start3A_238 = tpu.memref_slice %arg7[%dma_start3A_236, %scan3A_57, %dma_start3A_237] : memref<3x16x256xf32, #tpu.memory_space<vmem>> -> memref<1x1x256xf32, #tpu.memory_space<vmem>>
        %dma_start3A_239 = tpu.memref_squeeze %dma_start3A_238 : memref<1x1x256xf32, #tpu.memory_space<vmem>> -> memref<256xf32, #tpu.memory_space<vmem>>
        %dma_start3A_240 = arith.constant 0 : i32
        %dma_start3A_241 = tpu.memref_slice %arg6[%dma_start3A, %scan3A_57, %dma_start3A_240] : memref<3x16x256xi32, #tpu.memory_space<vmem>> -> memref<1x1x256xi32, #tpu.memory_space<vmem>>
        %dma_start3A_242 = tpu.memref_squeeze %dma_start3A_241 : memref<1x1x256xi32, #tpu.memory_space<vmem>> -> memref<256xi32, #tpu.memory_space<vmem>>
        %dma_start3A_243 = arith.constant 0 : i32
        %dma_start3A_244 = tpu.memref_slice %arg3[%dma_start3A_243] : memref<41600000xf32, #tpu.memory_space<hbm>> -> memref<41600000xf32, #tpu.memory_space<hbm>>
        tpu.enqueue_indirect_dma source(%dma_start3A_244 : memref<41600000xf32, #tpu.memory_space<hbm>>) target(%dma_start3A_239 : memref<256xf32, #tpu.memory_space<vmem>>) offsets(%dma_start3A_242 : memref<256xi32, #tpu.memory_space<vmem>>) semaphore(%arg9 : memref<!tpu.dma_semaphore, #tpu.memory_space<semaphore_mem>>)
      }
      %scan3A_18 = arith.constant 16 : i32
      %run_scoped3A_19 = arith.constant 1 : i32
      %run_scoped3A_20 = arith.constant 1 : i32
      "tpu.region"() ({
        %run_scoped3A_57 = tpu.sem_alloc : memref<!tpu.dma_semaphore, #tpu.memory_space<semaphore_mem>>
        %dma_start3A = arith.constant 0 : i32
        %dma_start3A_58 = tpu.memref_slice %arg5[%run_scoped3A_20, %dma_start3A] : memref<3x256xi32, #tpu.memory_space<vmem>> -> memref<1x256xi32, #tpu.memory_space<vmem>>
        %dma_start3A_59 = tpu.memref_squeeze %dma_start3A_58 : memref<1x256xi32, #tpu.memory_space<vmem>> -> memref<256xi32, #tpu.memory_space<vmem>>
        %dma_start3A_60 = tpu.memref_slice %arg2[%run_scoped3A_19, %add3A_11] : memref<13x16384xi32, #tpu.memory_space<hbm>> -> memref<1x256xi32, #tpu.memory_space<hbm>>
        %dma_start3A_61 = tpu.memref_squeeze %dma_start3A_60 : memref<1x256xi32, #tpu.memory_space<hbm>> -> memref<256xi32, #tpu.memory_space<hbm>>
        %dma_start3A_62 = arith.constant 0 : i32
        %dma_start3A_63 = tpu.memref_slice %arg5[%run_scoped3A_20, %dma_start3A_62] : memref<3x256xi32, #tpu.memory_space<vmem>> -> memref<1x256xi32, #tpu.memory_space<vmem>>
        %dma_start3A_64 = tpu.memref_squeeze %dma_start3A_63 : memref<1x256xi32, #tpu.memory_space<vmem>> -> memref<256xi32, #tpu.memory_space<vmem>>
        %dma_start3A_65 = tpu.memref_slice %arg2[%run_scoped3A_19, %add3A_11] : memref<13x16384xi32, #tpu.memory_space<hbm>> -> memref<1x256xi32, #tpu.memory_space<hbm>>
        %dma_start3A_66 = tpu.memref_squeeze %dma_start3A_65 : memref<1x256xi32, #tpu.memory_space<hbm>> -> memref<256xi32, #tpu.memory_space<hbm>>
        tpu.enqueue_dma source(%dma_start3A_66 : memref<256xi32, #tpu.memory_space<hbm>>) target(%dma_start3A_64 : memref<256xi32, #tpu.memory_space<vmem>>) target_semaphore(%run_scoped3A_57 : memref<!tpu.dma_semaphore, #tpu.memory_space<semaphore_mem>>)
        %dma_wait3A = arith.constant 0 : i32
        %dma_wait3A_67 = tpu.memref_slice %arg5[%run_scoped3A_20, %dma_wait3A] : memref<3x256xi32, #tpu.memory_space<vmem>> -> memref<1x256xi32, #tpu.memory_space<vmem>>
        %dma_wait3A_68 = tpu.memref_squeeze %dma_wait3A_67 : memref<1x256xi32, #tpu.memory_space<vmem>> -> memref<256xi32, #tpu.memory_space<vmem>>
        %dma_wait3A_69 = tpu.memref_slice %arg2[%run_scoped3A_19, %add3A_11] : memref<13x16384xi32, #tpu.memory_space<hbm>> -> memref<1x256xi32, #tpu.memory_space<hbm>>
        %dma_wait3A_70 = tpu.memref_squeeze %dma_wait3A_69 : memref<1x256xi32, #tpu.memory_space<hbm>> -> memref<256xi32, #tpu.memory_space<hbm>>
        %dma_wait3A_71 = arith.constant 0 : i32
        %dma_wait3A_72 = tpu.memref_slice %arg5[%run_scoped3A_20, %dma_wait3A_71] : memref<3x256xi32, #tpu.memory_space<vmem>> -> memref<1x256xi32, #tpu.memory_space<vmem>>
        %dma_wait3A_73 = tpu.memref_squeeze %dma_wait3A_72 : memref<1x256xi32, #tpu.memory_space<vmem>> -> memref<256xi32, #tpu.memory_space<vmem>>
        %dma_wait3A_74 = tpu.memref_slice %arg2[%run_scoped3A_19, %add3A_11] : memref<13x16384xi32, #tpu.memory_space<hbm>> -> memref<1x256xi32, #tpu.memory_space<hbm>>
        %dma_wait3A_75 = tpu.memref_squeeze %dma_wait3A_74 : memref<1x256xi32, #tpu.memory_space<hbm>> -> memref<256xi32, #tpu.memory_space<hbm>>
        tpu.wait_dma2 semaphore(%run_scoped3A_57 : memref<!tpu.dma_semaphore, #tpu.memory_space<semaphore_mem>>) src(%dma_wait3A_75 : memref<256xi32, #tpu.memory_space<hbm>>) dst(%dma_wait3A_73 : memref<256xi32, #tpu.memory_space<vmem>>)
        tpu.yield
      }) : () -> ()
      %scan3A_21 = arith.constant 0 : i32
      %scan3A_22 = arith.constant 0 : i32
      %scan3A_23 = arith.constant 16 : i32
      %scan3A_24 = arith.addi %scan3A_22, %scan3A_23 : i32
      %scan3A_25 = arith.constant 1 : i32
      scf.for %scan3A_57 = %scan3A_22 to %scan3A_24 step %scan3A_25  : i32 {
        %mul3A_58 = arith.constant 100000 : i32
        %mul3A_59 = arith.muli %scan3A_57, %mul3A_58 : i32
        %add3A_60 = arith.constant 22400000 : i32
        %add3A_61 = arith.addi %add3A_60, %mul3A_59 : i32
        %get3A = arith.constant 1 : i32
        %get3A_62 = arith.index_cast %get3A : i32 to index
        %get3A_63 = arith.constant 0 : index
        %get3A_64 = tpu.vector_load %arg5[%get3A_62, %get3A_63] {strides = array<i32>} : memref<3x256xi32, #tpu.memory_space<vmem>>, vector<16xi32>,
        %add3A_65 = vector.broadcast %add3A_61 : i32 to vector<16xi32>
        %add3A_66 = arith.addi %get3A_64, %add3A_65 : vector<16xi32>
        %swap3A = arith.constant 1 : i32
        %swap3A_67 = arith.index_cast %swap3A : i32 to index
        %swap3A_68 = arith.index_cast %scan3A_57 : i32 to index
        %swap3A_69 = arith.constant 0 : index
        %swap3A_70 = tpu.vector_load %arg6[%swap3A_67, %swap3A_68, %swap3A_69] {strides = array<i32>} : memref<3x16x256xi32, #tpu.memory_space<vmem>>, vector<16xi32>,
        tpu.vector_store %arg6[%swap3A_67, %swap3A_68, %swap3A_69], %add3A_66 {strides = array<i32>} : memref<3x16x256xi32, #tpu.memory_space<vmem>>, vector<16xi32>,
        %get3A_71 = arith.constant 1 : i32
        %get3A_72 = arith.index_cast %get3A_71 : i32 to index
        %get3A_73 = arith.constant 16 : index
        %get3A_74 = tpu.vector_load %arg5[%get3A_72, %get3A_73] {strides = array<i32>} : memref<3x256xi32, #tpu.memory_space<vmem>>, vector<16xi32>,
        %add3A_75 = vector.broadcast %add3A_61 : i32 to vector<16xi32>
        %add3A_76 = arith.addi %get3A_74, %add3A_75 : vector<16xi32>
        %swap3A_77 = arith.constant 1 : i32
        %swap3A_78 = arith.index_cast %swap3A_77 : i32 to index
        %swap3A_79 = arith.index_cast %scan3A_57 : i32 to index
        %swap3A_80 = arith.constant 16 : index
        %swap3A_81 = tpu.vector_load %arg6[%swap3A_78, %swap3A_79, %swap3A_80] {strides = array<i32>} : memref<3x16x256xi32, #tpu.memory_space<vmem>>, vector<16xi32>,
        tpu.vector_store %arg6[%swap3A_78, %swap3A_79, %swap3A_80], %add3A_76 {strides = array<i32>} : memref<3x16x256xi32, #tpu.memory_space<vmem>>, vector<16xi32>,
        %get3A_82 = arith.constant 1 : i32
        %get3A_83 = arith.index_cast %get3A_82 : i32 to index
        %get3A_84 = arith.constant 32 : index
        %get3A_85 = tpu.vector_load %arg5[%get3A_83, %get3A_84] {strides = array<i32>} : memref<3x256xi32, #tpu.memory_space<vmem>>, vector<16xi32>,
        %add3A_86 = vector.broadcast %add3A_61 : i32 to vector<16xi32>
        %add3A_87 = arith.addi %get3A_85, %add3A_86 : vector<16xi32>
        %swap3A_88 = arith.constant 1 : i32
        %swap3A_89 = arith.index_cast %swap3A_88 : i32 to index
        %swap3A_90 = arith.index_cast %scan3A_57 : i32 to index
        %swap3A_91 = arith.constant 32 : index
        %swap3A_92 = tpu.vector_load %arg6[%swap3A_89, %swap3A_90, %swap3A_91] {strides = array<i32>} : memref<3x16x256xi32, #tpu.memory_space<vmem>>, vector<16xi32>,
        tpu.vector_store %arg6[%swap3A_89, %swap3A_90, %swap3A_91], %add3A_87 {strides = array<i32>} : memref<3x16x256xi32, #tpu.memory_space<vmem>>, vector<16xi32>,
        %get3A_93 = arith.constant 1 : i32
        %get3A_94 = arith.index_cast %get3A_93 : i32 to index
        %get3A_95 = arith.constant 48 : index
        %get3A_96 = tpu.vector_load %arg5[%get3A_94, %get3A_95] {strides = array<i32>} : memref<3x256xi32, #tpu.memory_space<vmem>>, vector<16xi32>,
        %add3A_97 = vector.broadcast %add3A_61 : i32 to vector<16xi32>
        %add3A_98 = arith.addi %get3A_96, %add3A_97 : vector<16xi32>
        %swap3A_99 = arith.constant 1 : i32
        %swap3A_100 = arith.index_cast %swap3A_99 : i32 to index
        %swap3A_101 = arith.index_cast %scan3A_57 : i32 to index
        %swap3A_102 = arith.constant 48 : index
        %swap3A_103 = tpu.vector_load %arg6[%swap3A_100, %swap3A_101, %swap3A_102] {strides = array<i32>} : memref<3x16x256xi32, #tpu.memory_space<vmem>>, vector<16xi32>,
        tpu.vector_store %arg6[%swap3A_100, %swap3A_101, %swap3A_102], %add3A_98 {strides = array<i32>} : memref<3x16x256xi32, #tpu.memory_space<vmem>>, vector<16xi32>,
        %get3A_104 = arith.constant 1 : i32
        %get3A_105 = arith.index_cast %get3A_104 : i32 to index
        %get3A_106 = arith.constant 64 : index
        %get3A_107 = tpu.vector_load %arg5[%get3A_105, %get3A_106] {strides = array<i32>} : memref<3x256xi32, #tpu.memory_space<vmem>>, vector<16xi32>,
        %add3A_108 = vector.broadcast %add3A_61 : i32 to vector<16xi32>
        %add3A_109 = arith.addi %get3A_107, %add3A_108 : vector<16xi32>
        %swap3A_110 = arith.constant 1 : i32
        %swap3A_111 = arith.index_cast %swap3A_110 : i32 to index
        %swap3A_112 = arith.index_cast %scan3A_57 : i32 to index
        %swap3A_113 = arith.constant 64 : index
        %swap3A_114 = tpu.vector_load %arg6[%swap3A_111, %swap3A_112, %swap3A_113] {strides = array<i32>} : memref<3x16x256xi32, #tpu.memory_space<vmem>>, vector<16xi32>,
        tpu.vector_store %arg6[%swap3A_111, %swap3A_112, %swap3A_113], %add3A_109 {strides = array<i32>} : memref<3x16x256xi32, #tpu.memory_space<vmem>>, vector<16xi32>,
        %get3A_115 = arith.constant 1 : i32
        %get3A_116 = arith.index_cast %get3A_115 : i32 to index
        %get3A_117 = arith.constant 80 : index
        %get3A_118 = tpu.vector_load %arg5[%get3A_116, %get3A_117] {strides = array<i32>} : memref<3x256xi32, #tpu.memory_space<vmem>>, vector<16xi32>,
        %add3A_119 = vector.broadcast %add3A_61 : i32 to vector<16xi32>
        %add3A_120 = arith.addi %get3A_118, %add3A_119 : vector<16xi32>
        %swap3A_121 = arith.constant 1 : i32
        %swap3A_122 = arith.index_cast %swap3A_121 : i32 to index
        %swap3A_123 = arith.index_cast %scan3A_57 : i32 to index
        %swap3A_124 = arith.constant 80 : index
        %swap3A_125 = tpu.vector_load %arg6[%swap3A_122, %swap3A_123, %swap3A_124] {strides = array<i32>} : memref<3x16x256xi32, #tpu.memory_space<vmem>>, vector<16xi32>,
        tpu.vector_store %arg6[%swap3A_122, %swap3A_123, %swap3A_124], %add3A_120 {strides = array<i32>} : memref<3x16x256xi32, #tpu.memory_space<vmem>>, vector<16xi32>,
        %get3A_126 = arith.constant 1 : i32
        %get3A_127 = arith.index_cast %get3A_126 : i32 to index
        %get3A_128 = arith.constant 96 : index
        %get3A_129 = tpu.vector_load %arg5[%get3A_127, %get3A_128] {strides = array<i32>} : memref<3x256xi32, #tpu.memory_space<vmem>>, vector<16xi32>,
        %add3A_130 = vector.broadcast %add3A_61 : i32 to vector<16xi32>
        %add3A_131 = arith.addi %get3A_129, %add3A_130 : vector<16xi32>
        %swap3A_132 = arith.constant 1 : i32
        %swap3A_133 = arith.index_cast %swap3A_132 : i32 to index
        %swap3A_134 = arith.index_cast %scan3A_57 : i32 to index
        %swap3A_135 = arith.constant 96 : index
        %swap3A_136 = tpu.vector_load %arg6[%swap3A_133, %swap3A_134, %swap3A_135] {strides = array<i32>} : memref<3x16x256xi32, #tpu.memory_space<vmem>>, vector<16xi32>,
        tpu.vector_store %arg6[%swap3A_133, %swap3A_134, %swap3A_135], %add3A_131 {strides = array<i32>} : memref<3x16x256xi32, #tpu.memory_space<vmem>>, vector<16xi32>,
        %get3A_137 = arith.constant 1 : i32
        %get3A_138 = arith.index_cast %get3A_137 : i32 to index
        %get3A_139 = arith.constant 112 : index
        %get3A_140 = tpu.vector_load %arg5[%get3A_138, %get3A_139] {strides = array<i32>} : memref<3x256xi32, #tpu.memory_space<vmem>>, vector<16xi32>,
        %add3A_141 = vector.broadcast %add3A_61 : i32 to vector<16xi32>
        %add3A_142 = arith.addi %get3A_140, %add3A_141 : vector<16xi32>
        %swap3A_143 = arith.constant 1 : i32
        %swap3A_144 = arith.index_cast %swap3A_143 : i32 to index
        %swap3A_145 = arith.index_cast %scan3A_57 : i32 to index
        %swap3A_146 = arith.constant 112 : index
        %swap3A_147 = tpu.vector_load %arg6[%swap3A_144, %swap3A_145, %swap3A_146] {strides = array<i32>} : memref<3x16x256xi32, #tpu.memory_space<vmem>>, vector<16xi32>,
        tpu.vector_store %arg6[%swap3A_144, %swap3A_145, %swap3A_146], %add3A_142 {strides = array<i32>} : memref<3x16x256xi32, #tpu.memory_space<vmem>>, vector<16xi32>,
        %get3A_148 = arith.constant 1 : i32
        %get3A_149 = arith.index_cast %get3A_148 : i32 to index
        %get3A_150 = arith.constant 128 : index
        %get3A_151 = tpu.vector_load %arg5[%get3A_149, %get3A_150] {strides = array<i32>} : memref<3x256xi32, #tpu.memory_space<vmem>>, vector<16xi32>,
        %add3A_152 = vector.broadcast %add3A_61 : i32 to vector<16xi32>
        %add3A_153 = arith.addi %get3A_151, %add3A_152 : vector<16xi32>
        %swap3A_154 = arith.constant 1 : i32
        %swap3A_155 = arith.index_cast %swap3A_154 : i32 to index
        %swap3A_156 = arith.index_cast %scan3A_57 : i32 to index
        %swap3A_157 = arith.constant 128 : index
        %swap3A_158 = tpu.vector_load %arg6[%swap3A_155, %swap3A_156, %swap3A_157] {strides = array<i32>} : memref<3x16x256xi32, #tpu.memory_space<vmem>>, vector<16xi32>,
        tpu.vector_store %arg6[%swap3A_155, %swap3A_156, %swap3A_157], %add3A_153 {strides = array<i32>} : memref<3x16x256xi32, #tpu.memory_space<vmem>>, vector<16xi32>,
        %get3A_159 = arith.constant 1 : i32
        %get3A_160 = arith.index_cast %get3A_159 : i32 to index
        %get3A_161 = arith.constant 144 : index
        %get3A_162 = tpu.vector_load %arg5[%get3A_160, %get3A_161] {strides = array<i32>} : memref<3x256xi32, #tpu.memory_space<vmem>>, vector<16xi32>,
        %add3A_163 = vector.broadcast %add3A_61 : i32 to vector<16xi32>
        %add3A_164 = arith.addi %get3A_162, %add3A_163 : vector<16xi32>
        %swap3A_165 = arith.constant 1 : i32
        %swap3A_166 = arith.index_cast %swap3A_165 : i32 to index
        %swap3A_167 = arith.index_cast %scan3A_57 : i32 to index
        %swap3A_168 = arith.constant 144 : index
        %swap3A_169 = tpu.vector_load %arg6[%swap3A_166, %swap3A_167, %swap3A_168] {strides = array<i32>} : memref<3x16x256xi32, #tpu.memory_space<vmem>>, vector<16xi32>,
        tpu.vector_store %arg6[%swap3A_166, %swap3A_167, %swap3A_168], %add3A_164 {strides = array<i32>} : memref<3x16x256xi32, #tpu.memory_space<vmem>>, vector<16xi32>,
        %get3A_170 = arith.constant 1 : i32
        %get3A_171 = arith.index_cast %get3A_170 : i32 to index
        %get3A_172 = arith.constant 160 : index
        %get3A_173 = tpu.vector_load %arg5[%get3A_171, %get3A_172] {strides = array<i32>} : memref<3x256xi32, #tpu.memory_space<vmem>>, vector<16xi32>,
        %add3A_174 = vector.broadcast %add3A_61 : i32 to vector<16xi32>
        %add3A_175 = arith.addi %get3A_173, %add3A_174 : vector<16xi32>
        %swap3A_176 = arith.constant 1 : i32
        %swap3A_177 = arith.index_cast %swap3A_176 : i32 to index
        %swap3A_178 = arith.index_cast %scan3A_57 : i32 to index
        %swap3A_179 = arith.constant 160 : index
        %swap3A_180 = tpu.vector_load %arg6[%swap3A_177, %swap3A_178, %swap3A_179] {strides = array<i32>} : memref<3x16x256xi32, #tpu.memory_space<vmem>>, vector<16xi32>,
        tpu.vector_store %arg6[%swap3A_177, %swap3A_178, %swap3A_179], %add3A_175 {strides = array<i32>} : memref<3x16x256xi32, #tpu.memory_space<vmem>>, vector<16xi32>,
        %get3A_181 = arith.constant 1 : i32
        %get3A_182 = arith.index_cast %get3A_181 : i32 to index
        %get3A_183 = arith.constant 176 : index
        %get3A_184 = tpu.vector_load %arg5[%get3A_182, %get3A_183] {strides = array<i32>} : memref<3x256xi32, #tpu.memory_space<vmem>>, vector<16xi32>,
        %add3A_185 = vector.broadcast %add3A_61 : i32 to vector<16xi32>
        %add3A_186 = arith.addi %get3A_184, %add3A_185 : vector<16xi32>
        %swap3A_187 = arith.constant 1 : i32
        %swap3A_188 = arith.index_cast %swap3A_187 : i32 to index
        %swap3A_189 = arith.index_cast %scan3A_57 : i32 to index
        %swap3A_190 = arith.constant 176 : index
        %swap3A_191 = tpu.vector_load %arg6[%swap3A_188, %swap3A_189, %swap3A_190] {strides = array<i32>} : memref<3x16x256xi32, #tpu.memory_space<vmem>>, vector<16xi32>,
        tpu.vector_store %arg6[%swap3A_188, %swap3A_189, %swap3A_190], %add3A_186 {strides = array<i32>} : memref<3x16x256xi32, #tpu.memory_space<vmem>>, vector<16xi32>,
        %get3A_192 = arith.constant 1 : i32
        %get3A_193 = arith.index_cast %get3A_192 : i32 to index
        %get3A_194 = arith.constant 192 : index
        %get3A_195 = tpu.vector_load %arg5[%get3A_193, %get3A_194] {strides = array<i32>} : memref<3x256xi32, #tpu.memory_space<vmem>>, vector<16xi32>,
        %add3A_196 = vector.broadcast %add3A_61 : i32 to vector<16xi32>
        %add3A_197 = arith.addi %get3A_195, %add3A_196 : vector<16xi32>
        %swap3A_198 = arith.constant 1 : i32
        %swap3A_199 = arith.index_cast %swap3A_198 : i32 to index
        %swap3A_200 = arith.index_cast %scan3A_57 : i32 to index
        %swap3A_201 = arith.constant 192 : index
        %swap3A_202 = tpu.vector_load %arg6[%swap3A_199, %swap3A_200, %swap3A_201] {strides = array<i32>} : memref<3x16x256xi32, #tpu.memory_space<vmem>>, vector<16xi32>,
        tpu.vector_store %arg6[%swap3A_199, %swap3A_200, %swap3A_201], %add3A_197 {strides = array<i32>} : memref<3x16x256xi32, #tpu.memory_space<vmem>>, vector<16xi32>,
        %get3A_203 = arith.constant 1 : i32
        %get3A_204 = arith.index_cast %get3A_203 : i32 to index
        %get3A_205 = arith.constant 208 : index
        %get3A_206 = tpu.vector_load %arg5[%get3A_204, %get3A_205] {strides = array<i32>} : memref<3x256xi32, #tpu.memory_space<vmem>>, vector<16xi32>,
        %add3A_207 = vector.broadcast %add3A_61 : i32 to vector<16xi32>
        %add3A_208 = arith.addi %get3A_206, %add3A_207 : vector<16xi32>
        %swap3A_209 = arith.constant 1 : i32
        %swap3A_210 = arith.index_cast %swap3A_209 : i32 to index
        %swap3A_211 = arith.index_cast %scan3A_57 : i32 to index
        %swap3A_212 = arith.constant 208 : index
        %swap3A_213 = tpu.vector_load %arg6[%swap3A_210, %swap3A_211, %swap3A_212] {strides = array<i32>} : memref<3x16x256xi32, #tpu.memory_space<vmem>>, vector<16xi32>,
        tpu.vector_store %arg6[%swap3A_210, %swap3A_211, %swap3A_212], %add3A_208 {strides = array<i32>} : memref<3x16x256xi32, #tpu.memory_space<vmem>>, vector<16xi32>,
        %get3A_214 = arith.constant 1 : i32
        %get3A_215 = arith.index_cast %get3A_214 : i32 to index
        %get3A_216 = arith.constant 224 : index
        %get3A_217 = tpu.vector_load %arg5[%get3A_215, %get3A_216] {strides = array<i32>} : memref<3x256xi32, #tpu.memory_space<vmem>>, vector<16xi32>,
        %add3A_218 = vector.broadcast %add3A_61 : i32 to vector<16xi32>
        %add3A_219 = arith.addi %get3A_217, %add3A_218 : vector<16xi32>
        %swap3A_220 = arith.constant 1 : i32
        %swap3A_221 = arith.index_cast %swap3A_220 : i32 to index
        %swap3A_222 = arith.index_cast %scan3A_57 : i32 to index
        %swap3A_223 = arith.constant 224 : index
        %swap3A_224 = tpu.vector_load %arg6[%swap3A_221, %swap3A_222, %swap3A_223] {strides = array<i32>} : memref<3x16x256xi32, #tpu.memory_space<vmem>>, vector<16xi32>,
        tpu.vector_store %arg6[%swap3A_221, %swap3A_222, %swap3A_223], %add3A_219 {strides = array<i32>} : memref<3x16x256xi32, #tpu.memory_space<vmem>>, vector<16xi32>,
        %get3A_225 = arith.constant 1 : i32
        %get3A_226 = arith.index_cast %get3A_225 : i32 to index
        %get3A_227 = arith.constant 240 : index
        %get3A_228 = tpu.vector_load %arg5[%get3A_226, %get3A_227] {strides = array<i32>} : memref<3x256xi32, #tpu.memory_space<vmem>>, vector<16xi32>,
        %add3A_229 = vector.broadcast %add3A_61 : i32 to vector<16xi32>
        %add3A_230 = arith.addi %get3A_228, %add3A_229 : vector<16xi32>
        %swap3A_231 = arith.constant 1 : i32
        %swap3A_232 = arith.index_cast %swap3A_231 : i32 to index
        %swap3A_233 = arith.index_cast %scan3A_57 : i32 to index
        %swap3A_234 = arith.constant 240 : index
        %swap3A_235 = tpu.vector_load %arg6[%swap3A_232, %swap3A_233, %swap3A_234] {strides = array<i32>} : memref<3x16x256xi32, #tpu.memory_space<vmem>>, vector<16xi32>,
        tpu.vector_store %arg6[%swap3A_232, %swap3A_233, %swap3A_234], %add3A_230 {strides = array<i32>} : memref<3x16x256xi32, #tpu.memory_space<vmem>>, vector<16xi32>,
        %dma_start3A = arith.constant 1 : i32
        %dma_start3A_236 = arith.constant 1 : i32
        %dma_start3A_237 = arith.constant 0 : i32
        %dma_start3A_238 = tpu.memref_slice %arg7[%dma_start3A_236, %scan3A_57, %dma_start3A_237] : memref<3x16x256xf32, #tpu.memory_space<vmem>> -> memref<1x1x256xf32, #tpu.memory_space<vmem>>
        %dma_start3A_239 = tpu.memref_squeeze %dma_start3A_238 : memref<1x1x256xf32, #tpu.memory_space<vmem>> -> memref<256xf32, #tpu.memory_space<vmem>>
        %dma_start3A_240 = arith.constant 0 : i32
        %dma_start3A_241 = tpu.memref_slice %arg6[%dma_start3A, %scan3A_57, %dma_start3A_240] : memref<3x16x256xi32, #tpu.memory_space<vmem>> -> memref<1x1x256xi32, #tpu.memory_space<vmem>>
        %dma_start3A_242 = tpu.memref_squeeze %dma_start3A_241 : memref<1x1x256xi32, #tpu.memory_space<vmem>> -> memref<256xi32, #tpu.memory_space<vmem>>
        %dma_start3A_243 = arith.constant 0 : i32
        %dma_start3A_244 = tpu.memref_slice %arg3[%dma_start3A_243] : memref<41600000xf32, #tpu.memory_space<hbm>> -> memref<41600000xf32, #tpu.memory_space<hbm>>
        tpu.enqueue_indirect_dma source(%dma_start3A_244 : memref<41600000xf32, #tpu.memory_space<hbm>>) target(%dma_start3A_239 : memref<256xf32, #tpu.memory_space<vmem>>) offsets(%dma_start3A_242 : memref<256xi32, #tpu.memory_space<vmem>>) semaphore(%arg9 : memref<!tpu.dma_semaphore, #tpu.memory_space<semaphore_mem>>)
      }
      %scan3A_26 = arith.constant 16 : i32
      %scan3A_27 = arith.constant 0 : i32
      %scan3A_28 = arith.constant 0 : i32
      %scan3A_29 = arith.constant 11 : i32
      %scan3A_30 = arith.addi %scan3A_28, %scan3A_29 : i32
      %scan3A_31 = arith.constant 1 : i32
      scf.for %scan3A_57 = %scan3A_28 to %scan3A_30 step %scan3A_31  : i32 {
        %add3A_58 = arith.constant 2 : i32
        %add3A_59 = arith.addi %scan3A_57, %add3A_58 : i32
        %add3A_60 = arith.constant 2 : i32
        %add3A_61 = arith.addi %scan3A_57, %add3A_60 : i32
        %jit3A = arith.constant 3 : i32
        %eq3A = arith.constant 0 : i32
        %eq3A_62 = arith.cmpi eq, %jit3A, %eq3A : i32
        %jit3A_63 = arith.constant 1 : i32
        %select_n3A = arith.select %eq3A_62, %jit3A_63, %jit3A : i32
        %rem3A = arith.remsi %add3A_61, %select_n3A : i32
        %ne3A = arith.constant 0 : i32
        %ne3A_64 = arith.cmpi ne, %rem3A, %ne3A : i32
        %lt3A = arith.constant 0 : i32
        %lt3A_65 = arith.cmpi slt, %rem3A, %lt3A : i32
        %lt3A_66 = arith.constant 0 : i32
        %lt3A_67 = arith.cmpi slt, %select_n3A, %lt3A_66 : i32
        %ne3A_68 = arith.xori %lt3A_65, %lt3A_67 : i1
        %and3A = arith.andi %ne3A_68, %ne3A_64 : i1
        %add3A_69 = arith.addi %rem3A, %select_n3A : i32
        %select_n3A_70 = arith.select %and3A, %add3A_69, %rem3A : i32
        "tpu.region"() ({
          %run_scoped3A_105 = tpu.sem_alloc : memref<!tpu.dma_semaphore, #tpu.memory_space<semaphore_mem>>
          %dma_start3A = arith.constant 0 : i32
          %dma_start3A_106 = tpu.memref_slice %arg5[%select_n3A_70, %dma_start3A] : memref<3x256xi32, #tpu.memory_space<vmem>> -> memref<1x256xi32, #tpu.memory_space<vmem>>
          %dma_start3A_107 = tpu.memref_squeeze %dma_start3A_106 : memref<1x256xi32, #tpu.memory_space<vmem>> -> memref<256xi32, #tpu.memory_space<vmem>>
          %dma_start3A_108 = tpu.memref_slice %arg2[%add3A_59, %add3A_11] : memref<13x16384xi32, #tpu.memory_space<hbm>> -> memref<1x256xi32, #tpu.memory_space<hbm>>
          %dma_start3A_109 = tpu.memref_squeeze %dma_start3A_108 : memref<1x256xi32, #tpu.memory_space<hbm>> -> memref<256xi32, #tpu.memory_space<hbm>>
          %dma_start3A_110 = arith.constant 0 : i32
          %dma_start3A_111 = tpu.memref_slice %arg5[%select_n3A_70, %dma_start3A_110] : memref<3x256xi32, #tpu.memory_space<vmem>> -> memref<1x256xi32, #tpu.memory_space<vmem>>
          %dma_start3A_112 = tpu.memref_squeeze %dma_start3A_111 : memref<1x256xi32, #tpu.memory_space<vmem>> -> memref<256xi32, #tpu.memory_space<vmem>>
          %dma_start3A_113 = tpu.memref_slice %arg2[%add3A_59, %add3A_11] : memref<13x16384xi32, #tpu.memory_space<hbm>> -> memref<1x256xi32, #tpu.memory_space<hbm>>
          %dma_start3A_114 = tpu.memref_squeeze %dma_start3A_113 : memref<1x256xi32, #tpu.memory_space<hbm>> -> memref<256xi32, #tpu.memory_space<hbm>>
          tpu.enqueue_dma source(%dma_start3A_114 : memref<256xi32, #tpu.memory_space<hbm>>) target(%dma_start3A_112 : memref<256xi32, #tpu.memory_space<vmem>>) target_semaphore(%run_scoped3A_105 : memref<!tpu.dma_semaphore, #tpu.memory_space<semaphore_mem>>)
          %dma_wait3A = arith.constant 0 : i32
          %dma_wait3A_115 = tpu.memref_slice %arg5[%select_n3A_70, %dma_wait3A] : memref<3x256xi32, #tpu.memory_space<vmem>> -> memref<1x256xi32, #tpu.memory_space<vmem>>
          %dma_wait3A_116 = tpu.memref_squeeze %dma_wait3A_115 : memref<1x256xi32, #tpu.memory_space<vmem>> -> memref<256xi32, #tpu.memory_space<vmem>>
          %dma_wait3A_117 = tpu.memref_slice %arg2[%add3A_59, %add3A_11] : memref<13x16384xi32, #tpu.memory_space<hbm>> -> memref<1x256xi32, #tpu.memory_space<hbm>>
          %dma_wait3A_118 = tpu.memref_squeeze %dma_wait3A_117 : memref<1x256xi32, #tpu.memory_space<hbm>> -> memref<256xi32, #tpu.memory_space<hbm>>
          %dma_wait3A_119 = arith.constant 0 : i32
          %dma_wait3A_120 = tpu.memref_slice %arg5[%select_n3A_70, %dma_wait3A_119] : memref<3x256xi32, #tpu.memory_space<vmem>> -> memref<1x256xi32, #tpu.memory_space<vmem>>
          %dma_wait3A_121 = tpu.memref_squeeze %dma_wait3A_120 : memref<1x256xi32, #tpu.memory_space<vmem>> -> memref<256xi32, #tpu.memory_space<vmem>>
          %dma_wait3A_122 = tpu.memref_slice %arg2[%add3A_59, %add3A_11] : memref<13x16384xi32, #tpu.memory_space<hbm>> -> memref<1x256xi32, #tpu.memory_space<hbm>>
          %dma_wait3A_123 = tpu.memref_squeeze %dma_wait3A_122 : memref<1x256xi32, #tpu.memory_space<hbm>> -> memref<256xi32, #tpu.memory_space<hbm>>
          tpu.wait_dma2 semaphore(%run_scoped3A_105 : memref<!tpu.dma_semaphore, #tpu.memory_space<semaphore_mem>>) src(%dma_wait3A_123 : memref<256xi32, #tpu.memory_space<hbm>>) dst(%dma_wait3A_121 : memref<256xi32, #tpu.memory_space<vmem>>)
          tpu.yield
        }) : () -> ()
        %scan3A_71 = arith.constant 0 : i32
        %scan3A_72 = arith.constant 0 : i32
        %scan3A_73 = arith.constant 16 : i32
        %scan3A_74 = arith.addi %scan3A_72, %scan3A_73 : i32
        %scan3A_75 = arith.constant 1 : i32
        scf.for %scan3A_105 = %scan3A_72 to %scan3A_74 step %scan3A_75  : i32 {
          %add3A_106 = arith.constant 13 : i32
          %add3A_107 = arith.addi %add3A_106, %add3A_59 : i32
          %mul3A_108 = arith.constant 1600000 : i32
          %mul3A_109 = arith.muli %add3A_107, %mul3A_108 : i32
          %mul3A_110 = arith.constant 100000 : i32
          %mul3A_111 = arith.muli %scan3A_105, %mul3A_110 : i32
          %add3A_112 = arith.addi %mul3A_109, %mul3A_111 : i32
          %get3A = arith.index_cast %select_n3A_70 : i32 to index
          %get3A_113 = arith.constant 0 : index
          %get3A_114 = tpu.vector_load %arg5[%get3A, %get3A_113] {strides = array<i32>} : memref<3x256xi32, #tpu.memory_space<vmem>>, vector<16xi32>,
          %add3A_115 = vector.broadcast %add3A_112 : i32 to vector<16xi32>
          %add3A_116 = arith.addi %get3A_114, %add3A_115 : vector<16xi32>
          %swap3A = arith.index_cast %select_n3A_70 : i32 to index
          %swap3A_117 = arith.index_cast %scan3A_105 : i32 to index
          %swap3A_118 = arith.constant 0 : index
          %swap3A_119 = tpu.vector_load %arg6[%swap3A, %swap3A_117, %swap3A_118] {strides = array<i32>} : memref<3x16x256xi32, #tpu.memory_space<vmem>>, vector<16xi32>,
          tpu.vector_store %arg6[%swap3A, %swap3A_117, %swap3A_118], %add3A_116 {strides = array<i32>} : memref<3x16x256xi32, #tpu.memory_space<vmem>>, vector<16xi32>,
          %get3A_120 = arith.index_cast %select_n3A_70 : i32 to index
          %get3A_121 = arith.constant 16 : index
          %get3A_122 = tpu.vector_load %arg5[%get3A_120, %get3A_121] {strides = array<i32>} : memref<3x256xi32, #tpu.memory_space<vmem>>, vector<16xi32>,
          %add3A_123 = vector.broadcast %add3A_112 : i32 to vector<16xi32>
          %add3A_124 = arith.addi %get3A_122, %add3A_123 : vector<16xi32>
          %swap3A_125 = arith.index_cast %select_n3A_70 : i32 to index
          %swap3A_126 = arith.index_cast %scan3A_105 : i32 to index
          %swap3A_127 = arith.constant 16 : index
          %swap3A_128 = tpu.vector_load %arg6[%swap3A_125, %swap3A_126, %swap3A_127] {strides = array<i32>} : memref<3x16x256xi32, #tpu.memory_space<vmem>>, vector<16xi32>,
          tpu.vector_store %arg6[%swap3A_125, %swap3A_126, %swap3A_127], %add3A_124 {strides = array<i32>} : memref<3x16x256xi32, #tpu.memory_space<vmem>>, vector<16xi32>,
          %get3A_129 = arith.index_cast %select_n3A_70 : i32 to index
          %get3A_130 = arith.constant 32 : index
          %get3A_131 = tpu.vector_load %arg5[%get3A_129, %get3A_130] {strides = array<i32>} : memref<3x256xi32, #tpu.memory_space<vmem>>, vector<16xi32>,
          %add3A_132 = vector.broadcast %add3A_112 : i32 to vector<16xi32>
          %add3A_133 = arith.addi %get3A_131, %add3A_132 : vector<16xi32>
          %swap3A_134 = arith.index_cast %select_n3A_70 : i32 to index
          %swap3A_135 = arith.index_cast %scan3A_105 : i32 to index
          %swap3A_136 = arith.constant 32 : index
          %swap3A_137 = tpu.vector_load %arg6[%swap3A_134, %swap3A_135, %swap3A_136] {strides = array<i32>} : memref<3x16x256xi32, #tpu.memory_space<vmem>>, vector<16xi32>,
          tpu.vector_store %arg6[%swap3A_134, %swap3A_135, %swap3A_136], %add3A_133 {strides = array<i32>} : memref<3x16x256xi32, #tpu.memory_space<vmem>>, vector<16xi32>,
          %get3A_138 = arith.index_cast %select_n3A_70 : i32 to index
          %get3A_139 = arith.constant 48 : index
          %get3A_140 = tpu.vector_load %arg5[%get3A_138, %get3A_139] {strides = array<i32>} : memref<3x256xi32, #tpu.memory_space<vmem>>, vector<16xi32>,
          %add3A_141 = vector.broadcast %add3A_112 : i32 to vector<16xi32>
          %add3A_142 = arith.addi %get3A_140, %add3A_141 : vector<16xi32>
          %swap3A_143 = arith.index_cast %select_n3A_70 : i32 to index
          %swap3A_144 = arith.index_cast %scan3A_105 : i32 to index
          %swap3A_145 = arith.constant 48 : index
          %swap3A_146 = tpu.vector_load %arg6[%swap3A_143, %swap3A_144, %swap3A_145] {strides = array<i32>} : memref<3x16x256xi32, #tpu.memory_space<vmem>>, vector<16xi32>,
          tpu.vector_store %arg6[%swap3A_143, %swap3A_144, %swap3A_145], %add3A_142 {strides = array<i32>} : memref<3x16x256xi32, #tpu.memory_space<vmem>>, vector<16xi32>,
          %get3A_147 = arith.index_cast %select_n3A_70 : i32 to index
          %get3A_148 = arith.constant 64 : index
          %get3A_149 = tpu.vector_load %arg5[%get3A_147, %get3A_148] {strides = array<i32>} : memref<3x256xi32, #tpu.memory_space<vmem>>, vector<16xi32>,
          %add3A_150 = vector.broadcast %add3A_112 : i32 to vector<16xi32>
          %add3A_151 = arith.addi %get3A_149, %add3A_150 : vector<16xi32>
          %swap3A_152 = arith.index_cast %select_n3A_70 : i32 to index
          %swap3A_153 = arith.index_cast %scan3A_105 : i32 to index
          %swap3A_154 = arith.constant 64 : index
          %swap3A_155 = tpu.vector_load %arg6[%swap3A_152, %swap3A_153, %swap3A_154] {strides = array<i32>} : memref<3x16x256xi32, #tpu.memory_space<vmem>>, vector<16xi32>,
          tpu.vector_store %arg6[%swap3A_152, %swap3A_153, %swap3A_154], %add3A_151 {strides = array<i32>} : memref<3x16x256xi32, #tpu.memory_space<vmem>>, vector<16xi32>,
          %get3A_156 = arith.index_cast %select_n3A_70 : i32 to index
          %get3A_157 = arith.constant 80 : index
          %get3A_158 = tpu.vector_load %arg5[%get3A_156, %get3A_157] {strides = array<i32>} : memref<3x256xi32, #tpu.memory_space<vmem>>, vector<16xi32>,
          %add3A_159 = vector.broadcast %add3A_112 : i32 to vector<16xi32>
          %add3A_160 = arith.addi %get3A_158, %add3A_159 : vector<16xi32>
          %swap3A_161 = arith.index_cast %select_n3A_70 : i32 to index
          %swap3A_162 = arith.index_cast %scan3A_105 : i32 to index
          %swap3A_163 = arith.constant 80 : index
          %swap3A_164 = tpu.vector_load %arg6[%swap3A_161, %swap3A_162, %swap3A_163] {strides = array<i32>} : memref<3x16x256xi32, #tpu.memory_space<vmem>>, vector<16xi32>,
          tpu.vector_store %arg6[%swap3A_161, %swap3A_162, %swap3A_163], %add3A_160 {strides = array<i32>} : memref<3x16x256xi32, #tpu.memory_space<vmem>>, vector<16xi32>,
          %get3A_165 = arith.index_cast %select_n3A_70 : i32 to index
          %get3A_166 = arith.constant 96 : index
          %get3A_167 = tpu.vector_load %arg5[%get3A_165, %get3A_166] {strides = array<i32>} : memref<3x256xi32, #tpu.memory_space<vmem>>, vector<16xi32>,
          %add3A_168 = vector.broadcast %add3A_112 : i32 to vector<16xi32>
          %add3A_169 = arith.addi %get3A_167, %add3A_168 : vector<16xi32>
          %swap3A_170 = arith.index_cast %select_n3A_70 : i32 to index
          %swap3A_171 = arith.index_cast %scan3A_105 : i32 to index
          %swap3A_172 = arith.constant 96 : index
          %swap3A_173 = tpu.vector_load %arg6[%swap3A_170, %swap3A_171, %swap3A_172] {strides = array<i32>} : memref<3x16x256xi32, #tpu.memory_space<vmem>>, vector<16xi32>,
          tpu.vector_store %arg6[%swap3A_170, %swap3A_171, %swap3A_172], %add3A_169 {strides = array<i32>} : memref<3x16x256xi32, #tpu.memory_space<vmem>>, vector<16xi32>,
          %get3A_174 = arith.index_cast %select_n3A_70 : i32 to index
          %get3A_175 = arith.constant 112 : index
          %get3A_176 = tpu.vector_load %arg5[%get3A_174, %get3A_175] {strides = array<i32>} : memref<3x256xi32, #tpu.memory_space<vmem>>, vector<16xi32>,
          %add3A_177 = vector.broadcast %add3A_112 : i32 to vector<16xi32>
          %add3A_178 = arith.addi %get3A_176, %add3A_177 : vector<16xi32>
          %swap3A_179 = arith.index_cast %select_n3A_70 : i32 to index
          %swap3A_180 = arith.index_cast %scan3A_105 : i32 to index
          %swap3A_181 = arith.constant 112 : index
          %swap3A_182 = tpu.vector_load %arg6[%swap3A_179, %swap3A_180, %swap3A_181] {strides = array<i32>} : memref<3x16x256xi32, #tpu.memory_space<vmem>>, vector<16xi32>,
          tpu.vector_store %arg6[%swap3A_179, %swap3A_180, %swap3A_181], %add3A_178 {strides = array<i32>} : memref<3x16x256xi32, #tpu.memory_space<vmem>>, vector<16xi32>,
          %get3A_183 = arith.index_cast %select_n3A_70 : i32 to index
          %get3A_184 = arith.constant 128 : index
          %get3A_185 = tpu.vector_load %arg5[%get3A_183, %get3A_184] {strides = array<i32>} : memref<3x256xi32, #tpu.memory_space<vmem>>, vector<16xi32>,
          %add3A_186 = vector.broadcast %add3A_112 : i32 to vector<16xi32>
          %add3A_187 = arith.addi %get3A_185, %add3A_186 : vector<16xi32>
          %swap3A_188 = arith.index_cast %select_n3A_70 : i32 to index
          %swap3A_189 = arith.index_cast %scan3A_105 : i32 to index
          %swap3A_190 = arith.constant 128 : index
          %swap3A_191 = tpu.vector_load %arg6[%swap3A_188, %swap3A_189, %swap3A_190] {strides = array<i32>} : memref<3x16x256xi32, #tpu.memory_space<vmem>>, vector<16xi32>,
          tpu.vector_store %arg6[%swap3A_188, %swap3A_189, %swap3A_190], %add3A_187 {strides = array<i32>} : memref<3x16x256xi32, #tpu.memory_space<vmem>>, vector<16xi32>,
          %get3A_192 = arith.index_cast %select_n3A_70 : i32 to index
          %get3A_193 = arith.constant 144 : index
          %get3A_194 = tpu.vector_load %arg5[%get3A_192, %get3A_193] {strides = array<i32>} : memref<3x256xi32, #tpu.memory_space<vmem>>, vector<16xi32>,
          %add3A_195 = vector.broadcast %add3A_112 : i32 to vector<16xi32>
          %add3A_196 = arith.addi %get3A_194, %add3A_195 : vector<16xi32>
          %swap3A_197 = arith.index_cast %select_n3A_70 : i32 to index
          %swap3A_198 = arith.index_cast %scan3A_105 : i32 to index
          %swap3A_199 = arith.constant 144 : index
          %swap3A_200 = tpu.vector_load %arg6[%swap3A_197, %swap3A_198, %swap3A_199] {strides = array<i32>} : memref<3x16x256xi32, #tpu.memory_space<vmem>>, vector<16xi32>,
          tpu.vector_store %arg6[%swap3A_197, %swap3A_198, %swap3A_199], %add3A_196 {strides = array<i32>} : memref<3x16x256xi32, #tpu.memory_space<vmem>>, vector<16xi32>,
          %get3A_201 = arith.index_cast %select_n3A_70 : i32 to index
          %get3A_202 = arith.constant 160 : index
          %get3A_203 = tpu.vector_load %arg5[%get3A_201, %get3A_202] {strides = array<i32>} : memref<3x256xi32, #tpu.memory_space<vmem>>, vector<16xi32>,
          %add3A_204 = vector.broadcast %add3A_112 : i32 to vector<16xi32>
          %add3A_205 = arith.addi %get3A_203, %add3A_204 : vector<16xi32>
          %swap3A_206 = arith.index_cast %select_n3A_70 : i32 to index
          %swap3A_207 = arith.index_cast %scan3A_105 : i32 to index
          %swap3A_208 = arith.constant 160 : index
          %swap3A_209 = tpu.vector_load %arg6[%swap3A_206, %swap3A_207, %swap3A_208] {strides = array<i32>} : memref<3x16x256xi32, #tpu.memory_space<vmem>>, vector<16xi32>,
          tpu.vector_store %arg6[%swap3A_206, %swap3A_207, %swap3A_208], %add3A_205 {strides = array<i32>} : memref<3x16x256xi32, #tpu.memory_space<vmem>>, vector<16xi32>,
          %get3A_210 = arith.index_cast %select_n3A_70 : i32 to index
          %get3A_211 = arith.constant 176 : index
          %get3A_212 = tpu.vector_load %arg5[%get3A_210, %get3A_211] {strides = array<i32>} : memref<3x256xi32, #tpu.memory_space<vmem>>, vector<16xi32>,
          %add3A_213 = vector.broadcast %add3A_112 : i32 to vector<16xi32>
          %add3A_214 = arith.addi %get3A_212, %add3A_213 : vector<16xi32>
          %swap3A_215 = arith.index_cast %select_n3A_70 : i32 to index
          %swap3A_216 = arith.index_cast %scan3A_105 : i32 to index
          %swap3A_217 = arith.constant 176 : index
          %swap3A_218 = tpu.vector_load %arg6[%swap3A_215, %swap3A_216, %swap3A_217] {strides = array<i32>} : memref<3x16x256xi32, #tpu.memory_space<vmem>>, vector<16xi32>,
          tpu.vector_store %arg6[%swap3A_215, %swap3A_216, %swap3A_217], %add3A_214 {strides = array<i32>} : memref<3x16x256xi32, #tpu.memory_space<vmem>>, vector<16xi32>,
          %get3A_219 = arith.index_cast %select_n3A_70 : i32 to index
          %get3A_220 = arith.constant 192 : index
          %get3A_221 = tpu.vector_load %arg5[%get3A_219, %get3A_220] {strides = array<i32>} : memref<3x256xi32, #tpu.memory_space<vmem>>, vector<16xi32>,
          %add3A_222 = vector.broadcast %add3A_112 : i32 to vector<16xi32>
          %add3A_223 = arith.addi %get3A_221, %add3A_222 : vector<16xi32>
          %swap3A_224 = arith.index_cast %select_n3A_70 : i32 to index
          %swap3A_225 = arith.index_cast %scan3A_105 : i32 to index
          %swap3A_226 = arith.constant 192 : index
          %swap3A_227 = tpu.vector_load %arg6[%swap3A_224, %swap3A_225, %swap3A_226] {strides = array<i32>} : memref<3x16x256xi32, #tpu.memory_space<vmem>>, vector<16xi32>,
          tpu.vector_store %arg6[%swap3A_224, %swap3A_225, %swap3A_226], %add3A_223 {strides = array<i32>} : memref<3x16x256xi32, #tpu.memory_space<vmem>>, vector<16xi32>,
          %get3A_228 = arith.index_cast %select_n3A_70 : i32 to index
          %get3A_229 = arith.constant 208 : index
          %get3A_230 = tpu.vector_load %arg5[%get3A_228, %get3A_229] {strides = array<i32>} : memref<3x256xi32, #tpu.memory_space<vmem>>, vector<16xi32>,
          %add3A_231 = vector.broadcast %add3A_112 : i32 to vector<16xi32>
          %add3A_232 = arith.addi %get3A_230, %add3A_231 : vector<16xi32>
          %swap3A_233 = arith.index_cast %select_n3A_70 : i32 to index
          %swap3A_234 = arith.index_cast %scan3A_105 : i32 to index
          %swap3A_235 = arith.constant 208 : index
          %swap3A_236 = tpu.vector_load %arg6[%swap3A_233, %swap3A_234, %swap3A_235] {strides = array<i32>} : memref<3x16x256xi32, #tpu.memory_space<vmem>>, vector<16xi32>,
          tpu.vector_store %arg6[%swap3A_233, %swap3A_234, %swap3A_235], %add3A_232 {strides = array<i32>} : memref<3x16x256xi32, #tpu.memory_space<vmem>>, vector<16xi32>,
          %get3A_237 = arith.index_cast %select_n3A_70 : i32 to index
          %get3A_238 = arith.constant 224 : index
          %get3A_239 = tpu.vector_load %arg5[%get3A_237, %get3A_238] {strides = array<i32>} : memref<3x256xi32, #tpu.memory_space<vmem>>, vector<16xi32>,
          %add3A_240 = vector.broadcast %add3A_112 : i32 to vector<16xi32>
          %add3A_241 = arith.addi %get3A_239, %add3A_240 : vector<16xi32>
          %swap3A_242 = arith.index_cast %select_n3A_70 : i32 to index
          %swap3A_243 = arith.index_cast %scan3A_105 : i32 to index
          %swap3A_244 = arith.constant 224 : index
          %swap3A_245 = tpu.vector_load %arg6[%swap3A_242, %swap3A_243, %swap3A_244] {strides = array<i32>} : memref<3x16x256xi32, #tpu.memory_space<vmem>>, vector<16xi32>,
          tpu.vector_store %arg6[%swap3A_242, %swap3A_243, %swap3A_244], %add3A_241 {strides = array<i32>} : memref<3x16x256xi32, #tpu.memory_space<vmem>>, vector<16xi32>,
          %get3A_246 = arith.index_cast %select_n3A_70 : i32 to index
          %get3A_247 = arith.constant 240 : index
          %get3A_248 = tpu.vector_load %arg5[%get3A_246, %get3A_247] {strides = array<i32>} : memref<3x256xi32, #tpu.memory_space<vmem>>, vector<16xi32>,
          %add3A_249 = vector.broadcast %add3A_112 : i32 to vector<16xi32>
          %add3A_250 = arith.addi %get3A_248, %add3A_249 : vector<16xi32>
          %swap3A_251 = arith.index_cast %select_n3A_70 : i32 to index
          %swap3A_252 = arith.index_cast %scan3A_105 : i32 to index
          %swap3A_253 = arith.constant 240 : index
          %swap3A_254 = tpu.vector_load %arg6[%swap3A_251, %swap3A_252, %swap3A_253] {strides = array<i32>} : memref<3x16x256xi32, #tpu.memory_space<vmem>>, vector<16xi32>,
          tpu.vector_store %arg6[%swap3A_251, %swap3A_252, %swap3A_253], %add3A_250 {strides = array<i32>} : memref<3x16x256xi32, #tpu.memory_space<vmem>>, vector<16xi32>,
          %dma_start3A = arith.constant 0 : i32
          %dma_start3A_255 = tpu.memref_slice %arg7[%select_n3A_70, %scan3A_105, %dma_start3A] : memref<3x16x256xf32, #tpu.memory_space<vmem>> -> memref<1x1x256xf32, #tpu.memory_space<vmem>>
          %dma_start3A_256 = tpu.memref_squeeze %dma_start3A_255 : memref<1x1x256xf32, #tpu.memory_space<vmem>> -> memref<256xf32, #tpu.memory_space<vmem>>
          %dma_start3A_257 = arith.constant 0 : i32
          %dma_start3A_258 = tpu.memref_slice %arg6[%select_n3A_70, %scan3A_105, %dma_start3A_257] : memref<3x16x256xi32, #tpu.memory_space<vmem>> -> memref<1x1x256xi32, #tpu.memory_space<vmem>>
          %dma_start3A_259 = tpu.memref_squeeze %dma_start3A_258 : memref<1x1x256xi32, #tpu.memory_space<vmem>> -> memref<256xi32, #tpu.memory_space<vmem>>
          %dma_start3A_260 = arith.constant 0 : i32
          %dma_start3A_261 = tpu.memref_slice %arg3[%dma_start3A_260] : memref<41600000xf32, #tpu.memory_space<hbm>> -> memref<41600000xf32, #tpu.memory_space<hbm>>
          tpu.enqueue_indirect_dma source(%dma_start3A_261 : memref<41600000xf32, #tpu.memory_space<hbm>>) target(%dma_start3A_256 : memref<256xf32, #tpu.memory_space<vmem>>) offsets(%dma_start3A_259 : memref<256xi32, #tpu.memory_space<vmem>>) semaphore(%arg9 : memref<!tpu.dma_semaphore, #tpu.memory_space<semaphore_mem>>)
        }
        %scan3A_76 = arith.constant 16 : i32
        %jit3A_77 = arith.constant 3 : i32
        %eq3A_78 = arith.constant 0 : i32
        %eq3A_79 = arith.cmpi eq, %jit3A_77, %eq3A_78 : i32
        %jit3A_80 = arith.constant 1 : i32
        %select_n3A_81 = arith.select %eq3A_79, %jit3A_80, %jit3A_77 : i32
        %rem3A_82 = arith.remsi %scan3A_57, %select_n3A_81 : i32
        %ne3A_83 = arith.constant 0 : i32
        %ne3A_84 = arith.cmpi ne, %rem3A_82, %ne3A_83 : i32
        %lt3A_85 = arith.constant 0 : i32
        %lt3A_86 = arith.cmpi slt, %rem3A_82, %lt3A_85 : i32
        %lt3A_87 = arith.constant 0 : i32
        %lt3A_88 = arith.cmpi slt, %select_n3A_81, %lt3A_87 : i32
        %ne3A_89 = arith.xori %lt3A_86, %lt3A_88 : i1
        %and3A_90 = arith.andi %ne3A_89, %ne3A_84 : i1
        %add3A_91 = arith.addi %rem3A_82, %select_n3A_81 : i32
        %select_n3A_92 = arith.select %and3A_90, %add3A_91, %rem3A_82 : i32
        %scan3A_93 = arith.constant 0 : i32
        %scan3A_94 = arith.constant 0 : i32
        %scan3A_95 = arith.constant 16 : i32
        %scan3A_96 = arith.addi %scan3A_94, %scan3A_95 : i32
        %scan3A_97 = arith.constant 1 : i32
        scf.for %scan3A_105 = %scan3A_94 to %scan3A_96 step %scan3A_97  : i32 {
          %dma_wait3A = arith.constant 0 : i32
          %dma_wait3A_106 = tpu.memref_slice %arg7[%select_n3A_92, %scan3A_105, %dma_wait3A] : memref<3x16x256xf32, #tpu.memory_space<vmem>> -> memref<1x1x256xf32, #tpu.memory_space<vmem>>
          %dma_wait3A_107 = tpu.memref_squeeze %dma_wait3A_106 : memref<1x1x256xf32, #tpu.memory_space<vmem>> -> memref<256xf32, #tpu.memory_space<vmem>>
          %dma_wait3A_108 = arith.constant 0 : i32
          %dma_wait3A_109 = tpu.memref_slice %arg6[%select_n3A_92, %scan3A_105, %dma_wait3A_108] : memref<3x16x256xi32, #tpu.memory_space<vmem>> -> memref<1x1x256xi32, #tpu.memory_space<vmem>>
          %dma_wait3A_110 = tpu.memref_squeeze %dma_wait3A_109 : memref<1x1x256xi32, #tpu.memory_space<vmem>> -> memref<256xi32, #tpu.memory_space<vmem>>
          %dma_wait3A_111 = arith.constant 0 : i32
          %dma_wait3A_112 = tpu.memref_slice %arg3[%dma_wait3A_111] : memref<41600000xf32, #tpu.memory_space<hbm>> -> memref<41600000xf32, #tpu.memory_space<hbm>>
          tpu.wait_indirect_dma semaphore(%arg9 : memref<!tpu.dma_semaphore, #tpu.memory_space<semaphore_mem>>) src(%dma_wait3A_112 : memref<41600000xf32, #tpu.memory_space<hbm>>) dst(%dma_wait3A_107 : memref<256xf32, #tpu.memory_space<vmem>>)
        }
        %scan3A_98 = arith.constant 16 : i32
        %scan3A_99 = arith.constant 0 : i32
        %scan3A_100 = arith.constant 0 : i32
        %scan3A_101 = arith.constant 16 : i32
        %scan3A_102 = arith.addi %scan3A_100, %scan3A_101 : i32
        %scan3A_103 = arith.constant 1 : i32
        scf.for %scan3A_105 = %scan3A_100 to %scan3A_102 step %scan3A_103  : i32 {
          %mul3A_106 = arith.constant 16 : i32
          %mul3A_107 = arith.muli %scan3A_57, %mul3A_106 : i32
          %broadcast_in_dim3A = vector.broadcast %mul3A_107 : i32 to vector<16xi32>
          %add3A_108 = vector.broadcast %scan3A_105 : i32 to vector<16xi32>
          %add3A_109 = arith.addi %broadcast_in_dim3A, %add3A_108 : vector<16xi32>
          %get3A = arith.index_cast %select_n3A_92 : i32 to index
          %get3A_110 = arith.index_cast %scan3A_105 : i32 to index
          %get3A_111 = arith.constant 0 : index
          %get3A_112 = tpu.vector_load %arg7[%get3A, %get3A_110, %get3A_111] {strides = array<i32>} : memref<3x16x256xf32, #tpu.memory_space<vmem>>, vector<16xf32>,
          %add3A_113 = arith.constant 0 : i32
          %add3A_114 = vector.broadcast %add3A_113 : i32 to vector<16xi32>
          %add3A_115 = arith.addi %add3A_114, %iota3A : vector<16xi32>
          tpu.vector_store_idx %arg8[%add3A_115, %add3A_109], %get3A_112 : memref<256x208xf32, #tpu.memory_space<vmem>>[vector<16xi32>, vector<16xi32>], vector<16xf32>,
          %get3A_116 = arith.index_cast %select_n3A_92 : i32 to index
          %get3A_117 = arith.index_cast %scan3A_105 : i32 to index
          %get3A_118 = arith.constant 16 : index
          %get3A_119 = tpu.vector_load %arg7[%get3A_116, %get3A_117, %get3A_118] {strides = array<i32>} : memref<3x16x256xf32, #tpu.memory_space<vmem>>, vector<16xf32>,
          %add3A_120 = arith.constant 16 : i32
          %add3A_121 = vector.broadcast %add3A_120 : i32 to vector<16xi32>
          %add3A_122 = arith.addi %add3A_121, %iota3A : vector<16xi32>
          tpu.vector_store_idx %arg8[%add3A_122, %add3A_109], %get3A_119 : memref<256x208xf32, #tpu.memory_space<vmem>>[vector<16xi32>, vector<16xi32>], vector<16xf32>,
          %get3A_123 = arith.index_cast %select_n3A_92 : i32 to index
          %get3A_124 = arith.index_cast %scan3A_105 : i32 to index
          %get3A_125 = arith.constant 32 : index
          %get3A_126 = tpu.vector_load %arg7[%get3A_123, %get3A_124, %get3A_125] {strides = array<i32>} : memref<3x16x256xf32, #tpu.memory_space<vmem>>, vector<16xf32>,
          %add3A_127 = arith.constant 32 : i32
          %add3A_128 = vector.broadcast %add3A_127 : i32 to vector<16xi32>
          %add3A_129 = arith.addi %add3A_128, %iota3A : vector<16xi32>
          tpu.vector_store_idx %arg8[%add3A_129, %add3A_109], %get3A_126 : memref<256x208xf32, #tpu.memory_space<vmem>>[vector<16xi32>, vector<16xi32>], vector<16xf32>,
          %get3A_130 = arith.index_cast %select_n3A_92 : i32 to index
          %get3A_131 = arith.index_cast %scan3A_105 : i32 to index
          %get3A_132 = arith.constant 48 : index
          %get3A_133 = tpu.vector_load %arg7[%get3A_130, %get3A_131, %get3A_132] {strides = array<i32>} : memref<3x16x256xf32, #tpu.memory_space<vmem>>, vector<16xf32>,
          %add3A_134 = arith.constant 48 : i32
          %add3A_135 = vector.broadcast %add3A_134 : i32 to vector<16xi32>
          %add3A_136 = arith.addi %add3A_135, %iota3A : vector<16xi32>
          tpu.vector_store_idx %arg8[%add3A_136, %add3A_109], %get3A_133 : memref<256x208xf32, #tpu.memory_space<vmem>>[vector<16xi32>, vector<16xi32>], vector<16xf32>,
          %get3A_137 = arith.index_cast %select_n3A_92 : i32 to index
          %get3A_138 = arith.index_cast %scan3A_105 : i32 to index
          %get3A_139 = arith.constant 64 : index
          %get3A_140 = tpu.vector_load %arg7[%get3A_137, %get3A_138, %get3A_139] {strides = array<i32>} : memref<3x16x256xf32, #tpu.memory_space<vmem>>, vector<16xf32>,
          %add3A_141 = arith.constant 64 : i32
          %add3A_142 = vector.broadcast %add3A_141 : i32 to vector<16xi32>
          %add3A_143 = arith.addi %add3A_142, %iota3A : vector<16xi32>
          tpu.vector_store_idx %arg8[%add3A_143, %add3A_109], %get3A_140 : memref<256x208xf32, #tpu.memory_space<vmem>>[vector<16xi32>, vector<16xi32>], vector<16xf32>,
          %get3A_144 = arith.index_cast %select_n3A_92 : i32 to index
          %get3A_145 = arith.index_cast %scan3A_105 : i32 to index
          %get3A_146 = arith.constant 80 : index
          %get3A_147 = tpu.vector_load %arg7[%get3A_144, %get3A_145, %get3A_146] {strides = array<i32>} : memref<3x16x256xf32, #tpu.memory_space<vmem>>, vector<16xf32>,
          %add3A_148 = arith.constant 80 : i32
          %add3A_149 = vector.broadcast %add3A_148 : i32 to vector<16xi32>
          %add3A_150 = arith.addi %add3A_149, %iota3A : vector<16xi32>
          tpu.vector_store_idx %arg8[%add3A_150, %add3A_109], %get3A_147 : memref<256x208xf32, #tpu.memory_space<vmem>>[vector<16xi32>, vector<16xi32>], vector<16xf32>,
          %get3A_151 = arith.index_cast %select_n3A_92 : i32 to index
          %get3A_152 = arith.index_cast %scan3A_105 : i32 to index
          %get3A_153 = arith.constant 96 : index
          %get3A_154 = tpu.vector_load %arg7[%get3A_151, %get3A_152, %get3A_153] {strides = array<i32>} : memref<3x16x256xf32, #tpu.memory_space<vmem>>, vector<16xf32>,
          %add3A_155 = arith.constant 96 : i32
          %add3A_156 = vector.broadcast %add3A_155 : i32 to vector<16xi32>
          %add3A_157 = arith.addi %add3A_156, %iota3A : vector<16xi32>
          tpu.vector_store_idx %arg8[%add3A_157, %add3A_109], %get3A_154 : memref<256x208xf32, #tpu.memory_space<vmem>>[vector<16xi32>, vector<16xi32>], vector<16xf32>,
          %get3A_158 = arith.index_cast %select_n3A_92 : i32 to index
          %get3A_159 = arith.index_cast %scan3A_105 : i32 to index
          %get3A_160 = arith.constant 112 : index
          %get3A_161 = tpu.vector_load %arg7[%get3A_158, %get3A_159, %get3A_160] {strides = array<i32>} : memref<3x16x256xf32, #tpu.memory_space<vmem>>, vector<16xf32>,
          %add3A_162 = arith.constant 112 : i32
          %add3A_163 = vector.broadcast %add3A_162 : i32 to vector<16xi32>
          %add3A_164 = arith.addi %add3A_163, %iota3A : vector<16xi32>
          tpu.vector_store_idx %arg8[%add3A_164, %add3A_109], %get3A_161 : memref<256x208xf32, #tpu.memory_space<vmem>>[vector<16xi32>, vector<16xi32>], vector<16xf32>,
          %get3A_165 = arith.index_cast %select_n3A_92 : i32 to index
          %get3A_166 = arith.index_cast %scan3A_105 : i32 to index
          %get3A_167 = arith.constant 128 : index
          %get3A_168 = tpu.vector_load %arg7[%get3A_165, %get3A_166, %get3A_167] {strides = array<i32>} : memref<3x16x256xf32, #tpu.memory_space<vmem>>, vector<16xf32>,
          %add3A_169 = arith.constant 128 : i32
          %add3A_170 = vector.broadcast %add3A_169 : i32 to vector<16xi32>
          %add3A_171 = arith.addi %add3A_170, %iota3A : vector<16xi32>
          tpu.vector_store_idx %arg8[%add3A_171, %add3A_109], %get3A_168 : memref<256x208xf32, #tpu.memory_space<vmem>>[vector<16xi32>, vector<16xi32>], vector<16xf32>,
          %get3A_172 = arith.index_cast %select_n3A_92 : i32 to index
          %get3A_173 = arith.index_cast %scan3A_105 : i32 to index
          %get3A_174 = arith.constant 144 : index
          %get3A_175 = tpu.vector_load %arg7[%get3A_172, %get3A_173, %get3A_174] {strides = array<i32>} : memref<3x16x256xf32, #tpu.memory_space<vmem>>, vector<16xf32>,
          %add3A_176 = arith.constant 144 : i32
          %add3A_177 = vector.broadcast %add3A_176 : i32 to vector<16xi32>
          %add3A_178 = arith.addi %add3A_177, %iota3A : vector<16xi32>
          tpu.vector_store_idx %arg8[%add3A_178, %add3A_109], %get3A_175 : memref<256x208xf32, #tpu.memory_space<vmem>>[vector<16xi32>, vector<16xi32>], vector<16xf32>,
          %get3A_179 = arith.index_cast %select_n3A_92 : i32 to index
          %get3A_180 = arith.index_cast %scan3A_105 : i32 to index
          %get3A_181 = arith.constant 160 : index
          %get3A_182 = tpu.vector_load %arg7[%get3A_179, %get3A_180, %get3A_181] {strides = array<i32>} : memref<3x16x256xf32, #tpu.memory_space<vmem>>, vector<16xf32>,
          %add3A_183 = arith.constant 160 : i32
          %add3A_184 = vector.broadcast %add3A_183 : i32 to vector<16xi32>
          %add3A_185 = arith.addi %add3A_184, %iota3A : vector<16xi32>
          tpu.vector_store_idx %arg8[%add3A_185, %add3A_109], %get3A_182 : memref<256x208xf32, #tpu.memory_space<vmem>>[vector<16xi32>, vector<16xi32>], vector<16xf32>,
          %get3A_186 = arith.index_cast %select_n3A_92 : i32 to index
          %get3A_187 = arith.index_cast %scan3A_105 : i32 to index
          %get3A_188 = arith.constant 176 : index
          %get3A_189 = tpu.vector_load %arg7[%get3A_186, %get3A_187, %get3A_188] {strides = array<i32>} : memref<3x16x256xf32, #tpu.memory_space<vmem>>, vector<16xf32>,
          %add3A_190 = arith.constant 176 : i32
          %add3A_191 = vector.broadcast %add3A_190 : i32 to vector<16xi32>
          %add3A_192 = arith.addi %add3A_191, %iota3A : vector<16xi32>
          tpu.vector_store_idx %arg8[%add3A_192, %add3A_109], %get3A_189 : memref<256x208xf32, #tpu.memory_space<vmem>>[vector<16xi32>, vector<16xi32>], vector<16xf32>,
          %get3A_193 = arith.index_cast %select_n3A_92 : i32 to index
          %get3A_194 = arith.index_cast %scan3A_105 : i32 to index
          %get3A_195 = arith.constant 192 : index
          %get3A_196 = tpu.vector_load %arg7[%get3A_193, %get3A_194, %get3A_195] {strides = array<i32>} : memref<3x16x256xf32, #tpu.memory_space<vmem>>, vector<16xf32>,
          %add3A_197 = arith.constant 192 : i32
          %add3A_198 = vector.broadcast %add3A_197 : i32 to vector<16xi32>
          %add3A_199 = arith.addi %add3A_198, %iota3A : vector<16xi32>
          tpu.vector_store_idx %arg8[%add3A_199, %add3A_109], %get3A_196 : memref<256x208xf32, #tpu.memory_space<vmem>>[vector<16xi32>, vector<16xi32>], vector<16xf32>,
          %get3A_200 = arith.index_cast %select_n3A_92 : i32 to index
          %get3A_201 = arith.index_cast %scan3A_105 : i32 to index
          %get3A_202 = arith.constant 208 : index
          %get3A_203 = tpu.vector_load %arg7[%get3A_200, %get3A_201, %get3A_202] {strides = array<i32>} : memref<3x16x256xf32, #tpu.memory_space<vmem>>, vector<16xf32>,
          %add3A_204 = arith.constant 208 : i32
          %add3A_205 = vector.broadcast %add3A_204 : i32 to vector<16xi32>
          %add3A_206 = arith.addi %add3A_205, %iota3A : vector<16xi32>
          tpu.vector_store_idx %arg8[%add3A_206, %add3A_109], %get3A_203 : memref<256x208xf32, #tpu.memory_space<vmem>>[vector<16xi32>, vector<16xi32>], vector<16xf32>,
          %get3A_207 = arith.index_cast %select_n3A_92 : i32 to index
          %get3A_208 = arith.index_cast %scan3A_105 : i32 to index
          %get3A_209 = arith.constant 224 : index
          %get3A_210 = tpu.vector_load %arg7[%get3A_207, %get3A_208, %get3A_209] {strides = array<i32>} : memref<3x16x256xf32, #tpu.memory_space<vmem>>, vector<16xf32>,
          %add3A_211 = arith.constant 224 : i32
          %add3A_212 = vector.broadcast %add3A_211 : i32 to vector<16xi32>
          %add3A_213 = arith.addi %add3A_212, %iota3A : vector<16xi32>
          tpu.vector_store_idx %arg8[%add3A_213, %add3A_109], %get3A_210 : memref<256x208xf32, #tpu.memory_space<vmem>>[vector<16xi32>, vector<16xi32>], vector<16xf32>,
          %get3A_214 = arith.index_cast %select_n3A_92 : i32 to index
          %get3A_215 = arith.index_cast %scan3A_105 : i32 to index
          %get3A_216 = arith.constant 240 : index
          %get3A_217 = tpu.vector_load %arg7[%get3A_214, %get3A_215, %get3A_216] {strides = array<i32>} : memref<3x16x256xf32, #tpu.memory_space<vmem>>, vector<16xf32>,
          %add3A_218 = arith.constant 240 : i32
          %add3A_219 = vector.broadcast %add3A_218 : i32 to vector<16xi32>
          %add3A_220 = arith.addi %add3A_219, %iota3A : vector<16xi32>
          tpu.vector_store_idx %arg8[%add3A_220, %add3A_109], %get3A_217 : memref<256x208xf32, #tpu.memory_space<vmem>>[vector<16xi32>, vector<16xi32>], vector<16xf32>,
        }
        %scan3A_104 = arith.constant 16 : i32
      }
      %scan3A_32 = arith.constant 11 : i32
      %scan3A_33 = arith.constant 0 : i32
      %scan3A_34 = arith.constant 0 : i32
      %scan3A_35 = arith.constant 16 : i32
      %scan3A_36 = arith.addi %scan3A_34, %scan3A_35 : i32
      %scan3A_37 = arith.constant 1 : i32
      scf.for %scan3A_57 = %scan3A_34 to %scan3A_36 step %scan3A_37  : i32 {
        %dma_wait3A = arith.constant 2 : i32
        %dma_wait3A_58 = arith.constant 2 : i32
        %dma_wait3A_59 = arith.constant 0 : i32
        %dma_wait3A_60 = tpu.memref_slice %arg7[%dma_wait3A_58, %scan3A_57, %dma_wait3A_59] : memref<3x16x256xf32, #tpu.memory_space<vmem>> -> memref<1x1x256xf32, #tpu.memory_space<vmem>>
        %dma_wait3A_61 = tpu.memref_squeeze %dma_wait3A_60 : memref<1x1x256xf32, #tpu.memory_space<vmem>> -> memref<256xf32, #tpu.memory_space<vmem>>
        %dma_wait3A_62 = arith.constant 0 : i32
        %dma_wait3A_63 = tpu.memref_slice %arg6[%dma_wait3A, %scan3A_57, %dma_wait3A_62] : memref<3x16x256xi32, #tpu.memory_space<vmem>> -> memref<1x1x256xi32, #tpu.memory_space<vmem>>
        %dma_wait3A_64 = tpu.memref_squeeze %dma_wait3A_63 : memref<1x1x256xi32, #tpu.memory_space<vmem>> -> memref<256xi32, #tpu.memory_space<vmem>>
        %dma_wait3A_65 = arith.constant 0 : i32
        %dma_wait3A_66 = tpu.memref_slice %arg3[%dma_wait3A_65] : memref<41600000xf32, #tpu.memory_space<hbm>> -> memref<41600000xf32, #tpu.memory_space<hbm>>
        tpu.wait_indirect_dma semaphore(%arg9 : memref<!tpu.dma_semaphore, #tpu.memory_space<semaphore_mem>>) src(%dma_wait3A_66 : memref<41600000xf32, #tpu.memory_space<hbm>>) dst(%dma_wait3A_61 : memref<256xf32, #tpu.memory_space<vmem>>)
      }
      %scan3A_38 = arith.constant 16 : i32
      %scan3A_39 = arith.constant 0 : i32
      %scan3A_40 = arith.constant 0 : i32
      %scan3A_41 = arith.constant 16 : i32
      %scan3A_42 = arith.addi %scan3A_40, %scan3A_41 : i32
      %scan3A_43 = arith.constant 1 : i32
      scf.for %scan3A_57 = %scan3A_40 to %scan3A_42 step %scan3A_43  : i32 {
        %broadcast_in_dim3A = arith.constant 176 : i32
        %broadcast_in_dim3A_58 = vector.broadcast %broadcast_in_dim3A : i32 to vector<16xi32>
        %add3A_59 = vector.broadcast %scan3A_57 : i32 to vector<16xi32>
        %add3A_60 = arith.addi %broadcast_in_dim3A_58, %add3A_59 : vector<16xi32>
        %get3A = arith.constant 2 : i32
        %get3A_61 = arith.index_cast %get3A : i32 to index
        %get3A_62 = arith.index_cast %scan3A_57 : i32 to index
        %get3A_63 = arith.constant 0 : index
        %get3A_64 = tpu.vector_load %arg7[%get3A_61, %get3A_62, %get3A_63] {strides = array<i32>} : memref<3x16x256xf32, #tpu.memory_space<vmem>>, vector<16xf32>,
        %add3A_65 = arith.constant 0 : i32
        %add3A_66 = vector.broadcast %add3A_65 : i32 to vector<16xi32>
        %add3A_67 = arith.addi %add3A_66, %iota3A : vector<16xi32>
        tpu.vector_store_idx %arg8[%add3A_67, %add3A_60], %get3A_64 : memref<256x208xf32, #tpu.memory_space<vmem>>[vector<16xi32>, vector<16xi32>], vector<16xf32>,
        %get3A_68 = arith.constant 2 : i32
        %get3A_69 = arith.index_cast %get3A_68 : i32 to index
        %get3A_70 = arith.index_cast %scan3A_57 : i32 to index
        %get3A_71 = arith.constant 16 : index
        %get3A_72 = tpu.vector_load %arg7[%get3A_69, %get3A_70, %get3A_71] {strides = array<i32>} : memref<3x16x256xf32, #tpu.memory_space<vmem>>, vector<16xf32>,
        %add3A_73 = arith.constant 16 : i32
        %add3A_74 = vector.broadcast %add3A_73 : i32 to vector<16xi32>
        %add3A_75 = arith.addi %add3A_74, %iota3A : vector<16xi32>
        tpu.vector_store_idx %arg8[%add3A_75, %add3A_60], %get3A_72 : memref<256x208xf32, #tpu.memory_space<vmem>>[vector<16xi32>, vector<16xi32>], vector<16xf32>,
        %get3A_76 = arith.constant 2 : i32
        %get3A_77 = arith.index_cast %get3A_76 : i32 to index
        %get3A_78 = arith.index_cast %scan3A_57 : i32 to index
        %get3A_79 = arith.constant 32 : index
        %get3A_80 = tpu.vector_load %arg7[%get3A_77, %get3A_78, %get3A_79] {strides = array<i32>} : memref<3x16x256xf32, #tpu.memory_space<vmem>>, vector<16xf32>,
        %add3A_81 = arith.constant 32 : i32
        %add3A_82 = vector.broadcast %add3A_81 : i32 to vector<16xi32>
        %add3A_83 = arith.addi %add3A_82, %iota3A : vector<16xi32>
        tpu.vector_store_idx %arg8[%add3A_83, %add3A_60], %get3A_80 : memref<256x208xf32, #tpu.memory_space<vmem>>[vector<16xi32>, vector<16xi32>], vector<16xf32>,
        %get3A_84 = arith.constant 2 : i32
        %get3A_85 = arith.index_cast %get3A_84 : i32 to index
        %get3A_86 = arith.index_cast %scan3A_57 : i32 to index
        %get3A_87 = arith.constant 48 : index
        %get3A_88 = tpu.vector_load %arg7[%get3A_85, %get3A_86, %get3A_87] {strides = array<i32>} : memref<3x16x256xf32, #tpu.memory_space<vmem>>, vector<16xf32>,
        %add3A_89 = arith.constant 48 : i32
        %add3A_90 = vector.broadcast %add3A_89 : i32 to vector<16xi32>
        %add3A_91 = arith.addi %add3A_90, %iota3A : vector<16xi32>
        tpu.vector_store_idx %arg8[%add3A_91, %add3A_60], %get3A_88 : memref<256x208xf32, #tpu.memory_space<vmem>>[vector<16xi32>, vector<16xi32>], vector<16xf32>,
        %get3A_92 = arith.constant 2 : i32
        %get3A_93 = arith.index_cast %get3A_92 : i32 to index
        %get3A_94 = arith.index_cast %scan3A_57 : i32 to index
        %get3A_95 = arith.constant 64 : index
        %get3A_96 = tpu.vector_load %arg7[%get3A_93, %get3A_94, %get3A_95] {strides = array<i32>} : memref<3x16x256xf32, #tpu.memory_space<vmem>>, vector<16xf32>,
        %add3A_97 = arith.constant 64 : i32
        %add3A_98 = vector.broadcast %add3A_97 : i32 to vector<16xi32>
        %add3A_99 = arith.addi %add3A_98, %iota3A : vector<16xi32>
        tpu.vector_store_idx %arg8[%add3A_99, %add3A_60], %get3A_96 : memref<256x208xf32, #tpu.memory_space<vmem>>[vector<16xi32>, vector<16xi32>], vector<16xf32>,
        %get3A_100 = arith.constant 2 : i32
        %get3A_101 = arith.index_cast %get3A_100 : i32 to index
        %get3A_102 = arith.index_cast %scan3A_57 : i32 to index
        %get3A_103 = arith.constant 80 : index
        %get3A_104 = tpu.vector_load %arg7[%get3A_101, %get3A_102, %get3A_103] {strides = array<i32>} : memref<3x16x256xf32, #tpu.memory_space<vmem>>, vector<16xf32>,
        %add3A_105 = arith.constant 80 : i32
        %add3A_106 = vector.broadcast %add3A_105 : i32 to vector<16xi32>
        %add3A_107 = arith.addi %add3A_106, %iota3A : vector<16xi32>
        tpu.vector_store_idx %arg8[%add3A_107, %add3A_60], %get3A_104 : memref<256x208xf32, #tpu.memory_space<vmem>>[vector<16xi32>, vector<16xi32>], vector<16xf32>,
        %get3A_108 = arith.constant 2 : i32
        %get3A_109 = arith.index_cast %get3A_108 : i32 to index
        %get3A_110 = arith.index_cast %scan3A_57 : i32 to index
        %get3A_111 = arith.constant 96 : index
        %get3A_112 = tpu.vector_load %arg7[%get3A_109, %get3A_110, %get3A_111] {strides = array<i32>} : memref<3x16x256xf32, #tpu.memory_space<vmem>>, vector<16xf32>,
        %add3A_113 = arith.constant 96 : i32
        %add3A_114 = vector.broadcast %add3A_113 : i32 to vector<16xi32>
        %add3A_115 = arith.addi %add3A_114, %iota3A : vector<16xi32>
        tpu.vector_store_idx %arg8[%add3A_115, %add3A_60], %get3A_112 : memref<256x208xf32, #tpu.memory_space<vmem>>[vector<16xi32>, vector<16xi32>], vector<16xf32>,
        %get3A_116 = arith.constant 2 : i32
        %get3A_117 = arith.index_cast %get3A_116 : i32 to index
        %get3A_118 = arith.index_cast %scan3A_57 : i32 to index
        %get3A_119 = arith.constant 112 : index
        %get3A_120 = tpu.vector_load %arg7[%get3A_117, %get3A_118, %get3A_119] {strides = array<i32>} : memref<3x16x256xf32, #tpu.memory_space<vmem>>, vector<16xf32>,
        %add3A_121 = arith.constant 112 : i32
        %add3A_122 = vector.broadcast %add3A_121 : i32 to vector<16xi32>
        %add3A_123 = arith.addi %add3A_122, %iota3A : vector<16xi32>
        tpu.vector_store_idx %arg8[%add3A_123, %add3A_60], %get3A_120 : memref<256x208xf32, #tpu.memory_space<vmem>>[vector<16xi32>, vector<16xi32>], vector<16xf32>,
        %get3A_124 = arith.constant 2 : i32
        %get3A_125 = arith.index_cast %get3A_124 : i32 to index
        %get3A_126 = arith.index_cast %scan3A_57 : i32 to index
        %get3A_127 = arith.constant 128 : index
        %get3A_128 = tpu.vector_load %arg7[%get3A_125, %get3A_126, %get3A_127] {strides = array<i32>} : memref<3x16x256xf32, #tpu.memory_space<vmem>>, vector<16xf32>,
        %add3A_129 = arith.constant 128 : i32
        %add3A_130 = vector.broadcast %add3A_129 : i32 to vector<16xi32>
        %add3A_131 = arith.addi %add3A_130, %iota3A : vector<16xi32>
        tpu.vector_store_idx %arg8[%add3A_131, %add3A_60], %get3A_128 : memref<256x208xf32, #tpu.memory_space<vmem>>[vector<16xi32>, vector<16xi32>], vector<16xf32>,
        %get3A_132 = arith.constant 2 : i32
        %get3A_133 = arith.index_cast %get3A_132 : i32 to index
        %get3A_134 = arith.index_cast %scan3A_57 : i32 to index
        %get3A_135 = arith.constant 144 : index
        %get3A_136 = tpu.vector_load %arg7[%get3A_133, %get3A_134, %get3A_135] {strides = array<i32>} : memref<3x16x256xf32, #tpu.memory_space<vmem>>, vector<16xf32>,
        %add3A_137 = arith.constant 144 : i32
        %add3A_138 = vector.broadcast %add3A_137 : i32 to vector<16xi32>
        %add3A_139 = arith.addi %add3A_138, %iota3A : vector<16xi32>
        tpu.vector_store_idx %arg8[%add3A_139, %add3A_60], %get3A_136 : memref<256x208xf32, #tpu.memory_space<vmem>>[vector<16xi32>, vector<16xi32>], vector<16xf32>,
        %get3A_140 = arith.constant 2 : i32
        %get3A_141 = arith.index_cast %get3A_140 : i32 to index
        %get3A_142 = arith.index_cast %scan3A_57 : i32 to index
        %get3A_143 = arith.constant 160 : index
        %get3A_144 = tpu.vector_load %arg7[%get3A_141, %get3A_142, %get3A_143] {strides = array<i32>} : memref<3x16x256xf32, #tpu.memory_space<vmem>>, vector<16xf32>,
        %add3A_145 = arith.constant 160 : i32
        %add3A_146 = vector.broadcast %add3A_145 : i32 to vector<16xi32>
        %add3A_147 = arith.addi %add3A_146, %iota3A : vector<16xi32>
        tpu.vector_store_idx %arg8[%add3A_147, %add3A_60], %get3A_144 : memref<256x208xf32, #tpu.memory_space<vmem>>[vector<16xi32>, vector<16xi32>], vector<16xf32>,
        %get3A_148 = arith.constant 2 : i32
        %get3A_149 = arith.index_cast %get3A_148 : i32 to index
        %get3A_150 = arith.index_cast %scan3A_57 : i32 to index
        %get3A_151 = arith.constant 176 : index
        %get3A_152 = tpu.vector_load %arg7[%get3A_149, %get3A_150, %get3A_151] {strides = array<i32>} : memref<3x16x256xf32, #tpu.memory_space<vmem>>, vector<16xf32>,
        %add3A_153 = arith.constant 176 : i32
        %add3A_154 = vector.broadcast %add3A_153 : i32 to vector<16xi32>
        %add3A_155 = arith.addi %add3A_154, %iota3A : vector<16xi32>
        tpu.vector_store_idx %arg8[%add3A_155, %add3A_60], %get3A_152 : memref<256x208xf32, #tpu.memory_space<vmem>>[vector<16xi32>, vector<16xi32>], vector<16xf32>,
        %get3A_156 = arith.constant 2 : i32
        %get3A_157 = arith.index_cast %get3A_156 : i32 to index
        %get3A_158 = arith.index_cast %scan3A_57 : i32 to index
        %get3A_159 = arith.constant 192 : index
        %get3A_160 = tpu.vector_load %arg7[%get3A_157, %get3A_158, %get3A_159] {strides = array<i32>} : memref<3x16x256xf32, #tpu.memory_space<vmem>>, vector<16xf32>,
        %add3A_161 = arith.constant 192 : i32
        %add3A_162 = vector.broadcast %add3A_161 : i32 to vector<16xi32>
        %add3A_163 = arith.addi %add3A_162, %iota3A : vector<16xi32>
        tpu.vector_store_idx %arg8[%add3A_163, %add3A_60], %get3A_160 : memref<256x208xf32, #tpu.memory_space<vmem>>[vector<16xi32>, vector<16xi32>], vector<16xf32>,
        %get3A_164 = arith.constant 2 : i32
        %get3A_165 = arith.index_cast %get3A_164 : i32 to index
        %get3A_166 = arith.index_cast %scan3A_57 : i32 to index
        %get3A_167 = arith.constant 208 : index
        %get3A_168 = tpu.vector_load %arg7[%get3A_165, %get3A_166, %get3A_167] {strides = array<i32>} : memref<3x16x256xf32, #tpu.memory_space<vmem>>, vector<16xf32>,
        %add3A_169 = arith.constant 208 : i32
        %add3A_170 = vector.broadcast %add3A_169 : i32 to vector<16xi32>
        %add3A_171 = arith.addi %add3A_170, %iota3A : vector<16xi32>
        tpu.vector_store_idx %arg8[%add3A_171, %add3A_60], %get3A_168 : memref<256x208xf32, #tpu.memory_space<vmem>>[vector<16xi32>, vector<16xi32>], vector<16xf32>,
        %get3A_172 = arith.constant 2 : i32
        %get3A_173 = arith.index_cast %get3A_172 : i32 to index
        %get3A_174 = arith.index_cast %scan3A_57 : i32 to index
        %get3A_175 = arith.constant 224 : index
        %get3A_176 = tpu.vector_load %arg7[%get3A_173, %get3A_174, %get3A_175] {strides = array<i32>} : memref<3x16x256xf32, #tpu.memory_space<vmem>>, vector<16xf32>,
        %add3A_177 = arith.constant 224 : i32
        %add3A_178 = vector.broadcast %add3A_177 : i32 to vector<16xi32>
        %add3A_179 = arith.addi %add3A_178, %iota3A : vector<16xi32>
        tpu.vector_store_idx %arg8[%add3A_179, %add3A_60], %get3A_176 : memref<256x208xf32, #tpu.memory_space<vmem>>[vector<16xi32>, vector<16xi32>], vector<16xf32>,
        %get3A_180 = arith.constant 2 : i32
        %get3A_181 = arith.index_cast %get3A_180 : i32 to index
        %get3A_182 = arith.index_cast %scan3A_57 : i32 to index
        %get3A_183 = arith.constant 240 : index
        %get3A_184 = tpu.vector_load %arg7[%get3A_181, %get3A_182, %get3A_183] {strides = array<i32>} : memref<3x16x256xf32, #tpu.memory_space<vmem>>, vector<16xf32>,
        %add3A_185 = arith.constant 240 : i32
        %add3A_186 = vector.broadcast %add3A_185 : i32 to vector<16xi32>
        %add3A_187 = arith.addi %add3A_186, %iota3A : vector<16xi32>
        tpu.vector_store_idx %arg8[%add3A_187, %add3A_60], %get3A_184 : memref<256x208xf32, #tpu.memory_space<vmem>>[vector<16xi32>, vector<16xi32>], vector<16xf32>,
      }
      %scan3A_44 = arith.constant 16 : i32
      %scan3A_45 = arith.constant 0 : i32
      %scan3A_46 = arith.constant 0 : i32
      %scan3A_47 = arith.constant 16 : i32
      %scan3A_48 = arith.addi %scan3A_46, %scan3A_47 : i32
      %scan3A_49 = arith.constant 1 : i32
      scf.for %scan3A_57 = %scan3A_46 to %scan3A_48 step %scan3A_49  : i32 {
        %dma_wait3A = arith.constant 0 : i32
        %dma_wait3A_58 = arith.constant 0 : i32
        %dma_wait3A_59 = arith.constant 0 : i32
        %dma_wait3A_60 = tpu.memref_slice %arg7[%dma_wait3A_58, %scan3A_57, %dma_wait3A_59] : memref<3x16x256xf32, #tpu.memory_space<vmem>> -> memref<1x1x256xf32, #tpu.memory_space<vmem>>
        %dma_wait3A_61 = tpu.memref_squeeze %dma_wait3A_60 : memref<1x1x256xf32, #tpu.memory_space<vmem>> -> memref<256xf32, #tpu.memory_space<vmem>>
        %dma_wait3A_62 = arith.constant 0 : i32
        %dma_wait3A_63 = tpu.memref_slice %arg6[%dma_wait3A, %scan3A_57, %dma_wait3A_62] : memref<3x16x256xi32, #tpu.memory_space<vmem>> -> memref<1x1x256xi32, #tpu.memory_space<vmem>>
        %dma_wait3A_64 = tpu.memref_squeeze %dma_wait3A_63 : memref<1x1x256xi32, #tpu.memory_space<vmem>> -> memref<256xi32, #tpu.memory_space<vmem>>
        %dma_wait3A_65 = arith.constant 0 : i32
        %dma_wait3A_66 = tpu.memref_slice %arg3[%dma_wait3A_65] : memref<41600000xf32, #tpu.memory_space<hbm>> -> memref<41600000xf32, #tpu.memory_space<hbm>>
        tpu.wait_indirect_dma semaphore(%arg9 : memref<!tpu.dma_semaphore, #tpu.memory_space<semaphore_mem>>) src(%dma_wait3A_66 : memref<41600000xf32, #tpu.memory_space<hbm>>) dst(%dma_wait3A_61 : memref<256xf32, #tpu.memory_space<vmem>>)
      }
      %scan3A_50 = arith.constant 16 : i32
      %scan3A_51 = arith.constant 0 : i32
      %scan3A_52 = arith.constant 0 : i32
      %scan3A_53 = arith.constant 16 : i32
      %scan3A_54 = arith.addi %scan3A_52, %scan3A_53 : i32
      %scan3A_55 = arith.constant 1 : i32
      scf.for %scan3A_57 = %scan3A_52 to %scan3A_54 step %scan3A_55  : i32 {
        %broadcast_in_dim3A = arith.constant 192 : i32
        %broadcast_in_dim3A_58 = vector.broadcast %broadcast_in_dim3A : i32 to vector<16xi32>
        %add3A_59 = vector.broadcast %scan3A_57 : i32 to vector<16xi32>
        %add3A_60 = arith.addi %broadcast_in_dim3A_58, %add3A_59 : vector<16xi32>
        %get3A = arith.constant 0 : i32
        %get3A_61 = arith.index_cast %get3A : i32 to index
        %get3A_62 = arith.index_cast %scan3A_57 : i32 to index
        %get3A_63 = arith.constant 0 : index
        %get3A_64 = tpu.vector_load %arg7[%get3A_61, %get3A_62, %get3A_63] {strides = array<i32>} : memref<3x16x256xf32, #tpu.memory_space<vmem>>, vector<16xf32>,
        %add3A_65 = arith.constant 0 : i32
        %add3A_66 = vector.broadcast %add3A_65 : i32 to vector<16xi32>
        %add3A_67 = arith.addi %add3A_66, %iota3A : vector<16xi32>
        tpu.vector_store_idx %arg8[%add3A_67, %add3A_60], %get3A_64 : memref<256x208xf32, #tpu.memory_space<vmem>>[vector<16xi32>, vector<16xi32>], vector<16xf32>,
        %get3A_68 = arith.constant 0 : i32
        %get3A_69 = arith.index_cast %get3A_68 : i32 to index
        %get3A_70 = arith.index_cast %scan3A_57 : i32 to index
        %get3A_71 = arith.constant 16 : index
        %get3A_72 = tpu.vector_load %arg7[%get3A_69, %get3A_70, %get3A_71] {strides = array<i32>} : memref<3x16x256xf32, #tpu.memory_space<vmem>>, vector<16xf32>,
        %add3A_73 = arith.constant 16 : i32
        %add3A_74 = vector.broadcast %add3A_73 : i32 to vector<16xi32>
        %add3A_75 = arith.addi %add3A_74, %iota3A : vector<16xi32>
        tpu.vector_store_idx %arg8[%add3A_75, %add3A_60], %get3A_72 : memref<256x208xf32, #tpu.memory_space<vmem>>[vector<16xi32>, vector<16xi32>], vector<16xf32>,
        %get3A_76 = arith.constant 0 : i32
        %get3A_77 = arith.index_cast %get3A_76 : i32 to index
        %get3A_78 = arith.index_cast %scan3A_57 : i32 to index
        %get3A_79 = arith.constant 32 : index
        %get3A_80 = tpu.vector_load %arg7[%get3A_77, %get3A_78, %get3A_79] {strides = array<i32>} : memref<3x16x256xf32, #tpu.memory_space<vmem>>, vector<16xf32>,
        %add3A_81 = arith.constant 32 : i32
        %add3A_82 = vector.broadcast %add3A_81 : i32 to vector<16xi32>
        %add3A_83 = arith.addi %add3A_82, %iota3A : vector<16xi32>
        tpu.vector_store_idx %arg8[%add3A_83, %add3A_60], %get3A_80 : memref<256x208xf32, #tpu.memory_space<vmem>>[vector<16xi32>, vector<16xi32>], vector<16xf32>,
        %get3A_84 = arith.constant 0 : i32
        %get3A_85 = arith.index_cast %get3A_84 : i32 to index
        %get3A_86 = arith.index_cast %scan3A_57 : i32 to index
        %get3A_87 = arith.constant 48 : index
        %get3A_88 = tpu.vector_load %arg7[%get3A_85, %get3A_86, %get3A_87] {strides = array<i32>} : memref<3x16x256xf32, #tpu.memory_space<vmem>>, vector<16xf32>,
        %add3A_89 = arith.constant 48 : i32
        %add3A_90 = vector.broadcast %add3A_89 : i32 to vector<16xi32>
        %add3A_91 = arith.addi %add3A_90, %iota3A : vector<16xi32>
        tpu.vector_store_idx %arg8[%add3A_91, %add3A_60], %get3A_88 : memref<256x208xf32, #tpu.memory_space<vmem>>[vector<16xi32>, vector<16xi32>], vector<16xf32>,
        %get3A_92 = arith.constant 0 : i32
        %get3A_93 = arith.index_cast %get3A_92 : i32 to index
        %get3A_94 = arith.index_cast %scan3A_57 : i32 to index
        %get3A_95 = arith.constant 64 : index
        %get3A_96 = tpu.vector_load %arg7[%get3A_93, %get3A_94, %get3A_95] {strides = array<i32>} : memref<3x16x256xf32, #tpu.memory_space<vmem>>, vector<16xf32>,
        %add3A_97 = arith.constant 64 : i32
        %add3A_98 = vector.broadcast %add3A_97 : i32 to vector<16xi32>
        %add3A_99 = arith.addi %add3A_98, %iota3A : vector<16xi32>
        tpu.vector_store_idx %arg8[%add3A_99, %add3A_60], %get3A_96 : memref<256x208xf32, #tpu.memory_space<vmem>>[vector<16xi32>, vector<16xi32>], vector<16xf32>,
        %get3A_100 = arith.constant 0 : i32
        %get3A_101 = arith.index_cast %get3A_100 : i32 to index
        %get3A_102 = arith.index_cast %scan3A_57 : i32 to index
        %get3A_103 = arith.constant 80 : index
        %get3A_104 = tpu.vector_load %arg7[%get3A_101, %get3A_102, %get3A_103] {strides = array<i32>} : memref<3x16x256xf32, #tpu.memory_space<vmem>>, vector<16xf32>,
        %add3A_105 = arith.constant 80 : i32
        %add3A_106 = vector.broadcast %add3A_105 : i32 to vector<16xi32>
        %add3A_107 = arith.addi %add3A_106, %iota3A : vector<16xi32>
        tpu.vector_store_idx %arg8[%add3A_107, %add3A_60], %get3A_104 : memref<256x208xf32, #tpu.memory_space<vmem>>[vector<16xi32>, vector<16xi32>], vector<16xf32>,
        %get3A_108 = arith.constant 0 : i32
        %get3A_109 = arith.index_cast %get3A_108 : i32 to index
        %get3A_110 = arith.index_cast %scan3A_57 : i32 to index
        %get3A_111 = arith.constant 96 : index
        %get3A_112 = tpu.vector_load %arg7[%get3A_109, %get3A_110, %get3A_111] {strides = array<i32>} : memref<3x16x256xf32, #tpu.memory_space<vmem>>, vector<16xf32>,
        %add3A_113 = arith.constant 96 : i32
        %add3A_114 = vector.broadcast %add3A_113 : i32 to vector<16xi32>
        %add3A_115 = arith.addi %add3A_114, %iota3A : vector<16xi32>
        tpu.vector_store_idx %arg8[%add3A_115, %add3A_60], %get3A_112 : memref<256x208xf32, #tpu.memory_space<vmem>>[vector<16xi32>, vector<16xi32>], vector<16xf32>,
        %get3A_116 = arith.constant 0 : i32
        %get3A_117 = arith.index_cast %get3A_116 : i32 to index
        %get3A_118 = arith.index_cast %scan3A_57 : i32 to index
        %get3A_119 = arith.constant 112 : index
        %get3A_120 = tpu.vector_load %arg7[%get3A_117, %get3A_118, %get3A_119] {strides = array<i32>} : memref<3x16x256xf32, #tpu.memory_space<vmem>>, vector<16xf32>,
        %add3A_121 = arith.constant 112 : i32
        %add3A_122 = vector.broadcast %add3A_121 : i32 to vector<16xi32>
        %add3A_123 = arith.addi %add3A_122, %iota3A : vector<16xi32>
        tpu.vector_store_idx %arg8[%add3A_123, %add3A_60], %get3A_120 : memref<256x208xf32, #tpu.memory_space<vmem>>[vector<16xi32>, vector<16xi32>], vector<16xf32>,
        %get3A_124 = arith.constant 0 : i32
        %get3A_125 = arith.index_cast %get3A_124 : i32 to index
        %get3A_126 = arith.index_cast %scan3A_57 : i32 to index
        %get3A_127 = arith.constant 128 : index
        %get3A_128 = tpu.vector_load %arg7[%get3A_125, %get3A_126, %get3A_127] {strides = array<i32>} : memref<3x16x256xf32, #tpu.memory_space<vmem>>, vector<16xf32>,
        %add3A_129 = arith.constant 128 : i32
        %add3A_130 = vector.broadcast %add3A_129 : i32 to vector<16xi32>
        %add3A_131 = arith.addi %add3A_130, %iota3A : vector<16xi32>
        tpu.vector_store_idx %arg8[%add3A_131, %add3A_60], %get3A_128 : memref<256x208xf32, #tpu.memory_space<vmem>>[vector<16xi32>, vector<16xi32>], vector<16xf32>,
        %get3A_132 = arith.constant 0 : i32
        %get3A_133 = arith.index_cast %get3A_132 : i32 to index
        %get3A_134 = arith.index_cast %scan3A_57 : i32 to index
        %get3A_135 = arith.constant 144 : index
        %get3A_136 = tpu.vector_load %arg7[%get3A_133, %get3A_134, %get3A_135] {strides = array<i32>} : memref<3x16x256xf32, #tpu.memory_space<vmem>>, vector<16xf32>,
        %add3A_137 = arith.constant 144 : i32
        %add3A_138 = vector.broadcast %add3A_137 : i32 to vector<16xi32>
        %add3A_139 = arith.addi %add3A_138, %iota3A : vector<16xi32>
        tpu.vector_store_idx %arg8[%add3A_139, %add3A_60], %get3A_136 : memref<256x208xf32, #tpu.memory_space<vmem>>[vector<16xi32>, vector<16xi32>], vector<16xf32>,
        %get3A_140 = arith.constant 0 : i32
        %get3A_141 = arith.index_cast %get3A_140 : i32 to index
        %get3A_142 = arith.index_cast %scan3A_57 : i32 to index
        %get3A_143 = arith.constant 160 : index
        %get3A_144 = tpu.vector_load %arg7[%get3A_141, %get3A_142, %get3A_143] {strides = array<i32>} : memref<3x16x256xf32, #tpu.memory_space<vmem>>, vector<16xf32>,
        %add3A_145 = arith.constant 160 : i32
        %add3A_146 = vector.broadcast %add3A_145 : i32 to vector<16xi32>
        %add3A_147 = arith.addi %add3A_146, %iota3A : vector<16xi32>
        tpu.vector_store_idx %arg8[%add3A_147, %add3A_60], %get3A_144 : memref<256x208xf32, #tpu.memory_space<vmem>>[vector<16xi32>, vector<16xi32>], vector<16xf32>,
        %get3A_148 = arith.constant 0 : i32
        %get3A_149 = arith.index_cast %get3A_148 : i32 to index
        %get3A_150 = arith.index_cast %scan3A_57 : i32 to index
        %get3A_151 = arith.constant 176 : index
        %get3A_152 = tpu.vector_load %arg7[%get3A_149, %get3A_150, %get3A_151] {strides = array<i32>} : memref<3x16x256xf32, #tpu.memory_space<vmem>>, vector<16xf32>,
        %add3A_153 = arith.constant 176 : i32
        %add3A_154 = vector.broadcast %add3A_153 : i32 to vector<16xi32>
        %add3A_155 = arith.addi %add3A_154, %iota3A : vector<16xi32>
        tpu.vector_store_idx %arg8[%add3A_155, %add3A_60], %get3A_152 : memref<256x208xf32, #tpu.memory_space<vmem>>[vector<16xi32>, vector<16xi32>], vector<16xf32>,
        %get3A_156 = arith.constant 0 : i32
        %get3A_157 = arith.index_cast %get3A_156 : i32 to index
        %get3A_158 = arith.index_cast %scan3A_57 : i32 to index
        %get3A_159 = arith.constant 192 : index
        %get3A_160 = tpu.vector_load %arg7[%get3A_157, %get3A_158, %get3A_159] {strides = array<i32>} : memref<3x16x256xf32, #tpu.memory_space<vmem>>, vector<16xf32>,
        %add3A_161 = arith.constant 192 : i32
        %add3A_162 = vector.broadcast %add3A_161 : i32 to vector<16xi32>
        %add3A_163 = arith.addi %add3A_162, %iota3A : vector<16xi32>
        tpu.vector_store_idx %arg8[%add3A_163, %add3A_60], %get3A_160 : memref<256x208xf32, #tpu.memory_space<vmem>>[vector<16xi32>, vector<16xi32>], vector<16xf32>,
        %get3A_164 = arith.constant 0 : i32
        %get3A_165 = arith.index_cast %get3A_164 : i32 to index
        %get3A_166 = arith.index_cast %scan3A_57 : i32 to index
        %get3A_167 = arith.constant 208 : index
        %get3A_168 = tpu.vector_load %arg7[%get3A_165, %get3A_166, %get3A_167] {strides = array<i32>} : memref<3x16x256xf32, #tpu.memory_space<vmem>>, vector<16xf32>,
        %add3A_169 = arith.constant 208 : i32
        %add3A_170 = vector.broadcast %add3A_169 : i32 to vector<16xi32>
        %add3A_171 = arith.addi %add3A_170, %iota3A : vector<16xi32>
        tpu.vector_store_idx %arg8[%add3A_171, %add3A_60], %get3A_168 : memref<256x208xf32, #tpu.memory_space<vmem>>[vector<16xi32>, vector<16xi32>], vector<16xf32>,
        %get3A_172 = arith.constant 0 : i32
        %get3A_173 = arith.index_cast %get3A_172 : i32 to index
        %get3A_174 = arith.index_cast %scan3A_57 : i32 to index
        %get3A_175 = arith.constant 224 : index
        %get3A_176 = tpu.vector_load %arg7[%get3A_173, %get3A_174, %get3A_175] {strides = array<i32>} : memref<3x16x256xf32, #tpu.memory_space<vmem>>, vector<16xf32>,
        %add3A_177 = arith.constant 224 : i32
        %add3A_178 = vector.broadcast %add3A_177 : i32 to vector<16xi32>
        %add3A_179 = arith.addi %add3A_178, %iota3A : vector<16xi32>
        tpu.vector_store_idx %arg8[%add3A_179, %add3A_60], %get3A_176 : memref<256x208xf32, #tpu.memory_space<vmem>>[vector<16xi32>, vector<16xi32>], vector<16xf32>,
        %get3A_180 = arith.constant 0 : i32
        %get3A_181 = arith.index_cast %get3A_180 : i32 to index
        %get3A_182 = arith.index_cast %scan3A_57 : i32 to index
        %get3A_183 = arith.constant 240 : index
        %get3A_184 = tpu.vector_load %arg7[%get3A_181, %get3A_182, %get3A_183] {strides = array<i32>} : memref<3x16x256xf32, #tpu.memory_space<vmem>>, vector<16xf32>,
        %add3A_185 = arith.constant 240 : i32
        %add3A_186 = vector.broadcast %add3A_185 : i32 to vector<16xi32>
        %add3A_187 = arith.addi %add3A_186, %iota3A : vector<16xi32>
        tpu.vector_store_idx %arg8[%add3A_187, %add3A_60], %get3A_184 : memref<256x208xf32, #tpu.memory_space<vmem>>[vector<16xi32>, vector<16xi32>], vector<16xf32>,
      }
      %scan3A_56 = arith.constant 16 : i32
      "tpu.region"() ({
        %run_scoped3A_57 = tpu.sem_alloc : memref<!tpu.dma_semaphore, #tpu.memory_space<semaphore_mem>>
        %dma_start3A = arith.constant 0 : i32
        %dma_start3A_58 = tpu.memref_slice %arg4[%add3A_11, %dma_start3A] : memref<16384x208xf32, #tpu.memory_space<hbm>> -> memref<256x208xf32, #tpu.memory_space<hbm>>
        %dma_start3A_59 = arith.constant 0 : i32
        %dma_start3A_60 = tpu.memref_slice %arg4[%add3A_11, %dma_start3A_59] : memref<16384x208xf32, #tpu.memory_space<hbm>> -> memref<256x208xf32, #tpu.memory_space<hbm>>
        tpu.enqueue_dma source(%arg8 : memref<256x208xf32, #tpu.memory_space<vmem>>) target(%dma_start3A_60 : memref<256x208xf32, #tpu.memory_space<hbm>>) target_semaphore(%run_scoped3A_57 : memref<!tpu.dma_semaphore, #tpu.memory_space<semaphore_mem>>)
        %dma_wait3A = arith.constant 0 : i32
        %dma_wait3A_61 = tpu.memref_slice %arg4[%add3A_11, %dma_wait3A] : memref<16384x208xf32, #tpu.memory_space<hbm>> -> memref<256x208xf32, #tpu.memory_space<hbm>>
        %dma_wait3A_62 = arith.constant 0 : i32
        %dma_wait3A_63 = tpu.memref_slice %arg4[%add3A_11, %dma_wait3A_62] : memref<16384x208xf32, #tpu.memory_space<hbm>> -> memref<256x208xf32, #tpu.memory_space<hbm>>
        tpu.wait_dma2 semaphore(%run_scoped3A_57 : memref<!tpu.dma_semaphore, #tpu.memory_space<semaphore_mem>>) src(%arg8 : memref<256x208xf32, #tpu.memory_space<vmem>>) dst(%dma_wait3A_63 : memref<256x208xf32, #tpu.memory_space<hbm>>)
        tpu.yield
      }) : () -> ()
    }
    %scan3A_5 = arith.constant 2 : i32
    return
  }
}

#map = affine_map<(d0, d1) -> (0, 0)>
#map1 = affine_map<(d0, d1) -> (0)>
module attributes {stable_mosaic.version = 14 : i64} {
  func.func @gather_kernel(%arg0: i32, %arg1: i32, %arg2: memref<13x16384xi32, #tpu.memory_space<hbm>>, %arg3: memref<41600000xf32, #tpu.memory_space<hbm>>, %arg4: memref<16384x208xf32, #tpu.memory_space<hbm>>, %arg5: memref<3x256xi32, #tpu.memory_space<vmem>>, %arg6: memref<3x16x256xi32, #tpu.memory_space<vmem>>, %arg7: memref<3x16x256xf32, #tpu.memory_space<vmem>>, %arg8: memref<256x208xf32, #tpu.memory_space<vmem>>, %arg9: memref<!tpu.dma_semaphore, #tpu.memory_space<semaphore_mem>>) attributes {dimension_semantics = [#tpu.dimension_semantics<core_parallel>, #tpu.dimension_semantics<subcore_parallel>], iteration_bounds = array<i64: 2, 16>, scalar_prefetch = 0 : i64, scratch_operands = 5 : i64, tpu.core_type = #tpu.core_type<sc_vector_subcore>, window_params = [{transform_indices = #map}, {transform_indices = #map1}, {transform_indices = #map}]} {
    %mul3A = arith.constant 2 : i32
    %mul3A_0 = arith.muli %arg1, %mul3A : i32
    %add3A = arith.addi %mul3A_0, %arg0 : i32
    %iota3A = tpu.iota {dimensions = array<i32: 0>} : vector<16xi32>
    %scan3A = arith.constant 0 : i32
    %scan3A_1 = arith.constant 0 : i32
    %scan3A_2 = arith.constant 2 : i32
    %scan3A_3 = arith.addi %scan3A_1, %scan3A_2 : i32
    %scan3A_4 = arith.constant 1 : i32
    scf.for %scan3A_6 = %scan3A_1 to %scan3A_3 step %scan3A_4  : i32 {
      %mul3A_7 = arith.constant 512 : i32
      %mul3A_8 = arith.muli %add3A, %mul3A_7 : i32
      %mul3A_9 = arith.constant 256 : i32
      %mul3A_10 = arith.muli %scan3A_6, %mul3A_9 : i32
      %add3A_11 = arith.addi %mul3A_8, %mul3A_10 : i32
      %run_scoped3A = arith.constant 0 : i32
      %run_scoped3A_12 = arith.constant 0 : i32
      "tpu.region"() ({
        %run_scoped3A_57 = tpu.sem_alloc : memref<!tpu.dma_semaphore, #tpu.memory_space<semaphore_mem>>
        %dma_start3A = arith.constant 0 : i32
        %dma_start3A_58 = tpu.memref_slice %arg5[%run_scoped3A_12, %dma_start3A] : memref<3x256xi32, #tpu.memory_space<vmem>> -> memref<1x256xi32, #tpu.memory_space<vmem>>
        %dma_start3A_59 = tpu.memref_squeeze %dma_start3A_58 : memref<1x256xi32, #tpu.memory_space<vmem>> -> memref<256xi32, #tpu.memory_space<vmem>>
        %dma_start3A_60 = tpu.memref_slice %arg2[%run_scoped3A, %add3A_11] : memref<13x16384xi32, #tpu.memory_space<hbm>> -> memref<1x256xi32, #tpu.memory_space<hbm>>
        %dma_start3A_61 = tpu.memref_squeeze %dma_start3A_60 : memref<1x256xi32, #tpu.memory_space<hbm>> -> memref<256xi32, #tpu.memory_space<hbm>>
        %dma_start3A_62 = arith.constant 0 : i32
        %dma_start3A_63 = tpu.memref_slice %arg5[%run_scoped3A_12, %dma_start3A_62] : memref<3x256xi32, #tpu.memory_space<vmem>> -> memref<1x256xi32, #tpu.memory_space<vmem>>
        %dma_start3A_64 = tpu.memref_squeeze %dma_start3A_63 : memref<1x256xi32, #tpu.memory_space<vmem>> -> memref<256xi32, #tpu.memory_space<vmem>>
        %dma_start3A_65 = tpu.memref_slice %arg2[%run_scoped3A, %add3A_11] : memref<13x16384xi32, #tpu.memory_space<hbm>> -> memref<1x256xi32, #tpu.memory_space<hbm>>
        %dma_start3A_66 = tpu.memref_squeeze %dma_start3A_65 : memref<1x256xi32, #tpu.memory_space<hbm>> -> memref<256xi32, #tpu.memory_space<hbm>>
        tpu.enqueue_dma source(%dma_start3A_66 : memref<256xi32, #tpu.memory_space<hbm>>) target(%dma_start3A_64 : memref<256xi32, #tpu.memory_space<vmem>>) target_semaphore(%run_scoped3A_57 : memref<!tpu.dma_semaphore, #tpu.memory_space<semaphore_mem>>)
        %dma_wait3A = arith.constant 0 : i32
        %dma_wait3A_67 = tpu.memref_slice %arg5[%run_scoped3A_12, %dma_wait3A] : memref<3x256xi32, #tpu.memory_space<vmem>> -> memref<1x256xi32, #tpu.memory_space<vmem>>
        %dma_wait3A_68 = tpu.memref_squeeze %dma_wait3A_67 : memref<1x256xi32, #tpu.memory_space<vmem>> -> memref<256xi32, #tpu.memory_space<vmem>>
        %dma_wait3A_69 = tpu.memref_slice %arg2[%run_scoped3A, %add3A_11] : memref<13x16384xi32, #tpu.memory_space<hbm>> -> memref<1x256xi32, #tpu.memory_space<hbm>>
        %dma_wait3A_70 = tpu.memref_squeeze %dma_wait3A_69 : memref<1x256xi32, #tpu.memory_space<hbm>> -> memref<256xi32, #tpu.memory_space<hbm>>
        %dma_wait3A_71 = arith.constant 0 : i32
        %dma_wait3A_72 = tpu.memref_slice %arg5[%run_scoped3A_12, %dma_wait3A_71] : memref<3x256xi32, #tpu.memory_space<vmem>> -> memref<1x256xi32, #tpu.memory_space<vmem>>
        %dma_wait3A_73 = tpu.memref_squeeze %dma_wait3A_72 : memref<1x256xi32, #tpu.memory_space<vmem>> -> memref<256xi32, #tpu.memory_space<vmem>>
        %dma_wait3A_74 = tpu.memref_slice %arg2[%run_scoped3A, %add3A_11] : memref<13x16384xi32, #tpu.memory_space<hbm>> -> memref<1x256xi32, #tpu.memory_space<hbm>>
        %dma_wait3A_75 = tpu.memref_squeeze %dma_wait3A_74 : memref<1x256xi32, #tpu.memory_space<hbm>> -> memref<256xi32, #tpu.memory_space<hbm>>
        tpu.wait_dma2 semaphore(%run_scoped3A_57 : memref<!tpu.dma_semaphore, #tpu.memory_space<semaphore_mem>>) src(%dma_wait3A_75 : memref<256xi32, #tpu.memory_space<hbm>>) dst(%dma_wait3A_73 : memref<256xi32, #tpu.memory_space<vmem>>)
        tpu.yield
      }) : () -> ()
      %scan3A_13 = arith.constant 0 : i32
      %scan3A_14 = arith.constant 0 : i32
      %scan3A_15 = arith.constant 16 : i32
      %scan3A_16 = arith.addi %scan3A_14, %scan3A_15 : i32
      %scan3A_17 = arith.constant 1 : i32
      scf.for %scan3A_57 = %scan3A_14 to %scan3A_16 step %scan3A_17  : i32 {
        %mul3A_58 = arith.constant 100000 : i32
        %mul3A_59 = arith.muli %scan3A_57, %mul3A_58 : i32
        %add3A_60 = arith.constant 0 : i32
        %add3A_61 = arith.addi %add3A_60, %mul3A_59 : i32
        %get3A = arith.constant 0 : i32
        %get3A_62 = arith.index_cast %get3A : i32 to index
        %get3A_63 = arith.constant 0 : index
        %get3A_64 = tpu.vector_load %arg5[%get3A_62, %get3A_63] {strides = array<i32>} : memref<3x256xi32, #tpu.memory_space<vmem>>, vector<16xi32>,
        %add3A_65 = vector.broadcast %add3A_61 : i32 to vector<16xi32>
        %add3A_66 = arith.addi %get3A_64, %add3A_65 : vector<16xi32>
        %swap3A = arith.constant 0 : i32
        %swap3A_67 = arith.index_cast %swap3A : i32 to index
        %swap3A_68 = arith.index_cast %scan3A_57 : i32 to index
        %swap3A_69 = arith.constant 0 : index
        %swap3A_70 = tpu.vector_load %arg6[%swap3A_67, %swap3A_68, %swap3A_69] {strides = array<i32>} : memref<3x16x256xi32, #tpu.memory_space<vmem>>, vector<16xi32>,
        tpu.vector_store %arg6[%swap3A_67, %swap3A_68, %swap3A_69], %add3A_66 {strides = array<i32>} : memref<3x16x256xi32, #tpu.memory_space<vmem>>, vector<16xi32>,
        %get3A_71 = arith.constant 0 : i32
        %get3A_72 = arith.index_cast %get3A_71 : i32 to index
        %get3A_73 = arith.constant 16 : index
        %get3A_74 = tpu.vector_load %arg5[%get3A_72, %get3A_73] {strides = array<i32>} : memref<3x256xi32, #tpu.memory_space<vmem>>, vector<16xi32>,
        %add3A_75 = vector.broadcast %add3A_61 : i32 to vector<16xi32>
        %add3A_76 = arith.addi %get3A_74, %add3A_75 : vector<16xi32>
        %swap3A_77 = arith.constant 0 : i32
        %swap3A_78 = arith.index_cast %swap3A_77 : i32 to index
        %swap3A_79 = arith.index_cast %scan3A_57 : i32 to index
        %swap3A_80 = arith.constant 16 : index
        %swap3A_81 = tpu.vector_load %arg6[%swap3A_78, %swap3A_79, %swap3A_80] {strides = array<i32>} : memref<3x16x256xi32, #tpu.memory_space<vmem>>, vector<16xi32>,
        tpu.vector_store %arg6[%swap3A_78, %swap3A_79, %swap3A_80], %add3A_76 {strides = array<i32>} : memref<3x16x256xi32, #tpu.memory_space<vmem>>, vector<16xi32>,
        %get3A_82 = arith.constant 0 : i32
        %get3A_83 = arith.index_cast %get3A_82 : i32 to index
        %get3A_84 = arith.constant 32 : index
        %get3A_85 = tpu.vector_load %arg5[%get3A_83, %get3A_84] {strides = array<i32>} : memref<3x256xi32, #tpu.memory_space<vmem>>, vector<16xi32>,
        %add3A_86 = vector.broadcast %add3A_61 : i32 to vector<16xi32>
        %add3A_87 = arith.addi %get3A_85, %add3A_86 : vector<16xi32>
        %swap3A_88 = arith.constant 0 : i32
        %swap3A_89 = arith.index_cast %swap3A_88 : i32 to index
        %swap3A_90 = arith.index_cast %scan3A_57 : i32 to index
        %swap3A_91 = arith.constant 32 : index
        %swap3A_92 = tpu.vector_load %arg6[%swap3A_89, %swap3A_90, %swap3A_91] {strides = array<i32>} : memref<3x16x256xi32, #tpu.memory_space<vmem>>, vector<16xi32>,
        tpu.vector_store %arg6[%swap3A_89, %swap3A_90, %swap3A_91], %add3A_87 {strides = array<i32>} : memref<3x16x256xi32, #tpu.memory_space<vmem>>, vector<16xi32>,
        %get3A_93 = arith.constant 0 : i32
        %get3A_94 = arith.index_cast %get3A_93 : i32 to index
        %get3A_95 = arith.constant 48 : index
        %get3A_96 = tpu.vector_load %arg5[%get3A_94, %get3A_95] {strides = array<i32>} : memref<3x256xi32, #tpu.memory_space<vmem>>, vector<16xi32>,
        %add3A_97 = vector.broadcast %add3A_61 : i32 to vector<16xi32>
        %add3A_98 = arith.addi %get3A_96, %add3A_97 : vector<16xi32>
        %swap3A_99 = arith.constant 0 : i32
        %swap3A_100 = arith.index_cast %swap3A_99 : i32 to index
        %swap3A_101 = arith.index_cast %scan3A_57 : i32 to index
        %swap3A_102 = arith.constant 48 : index
        %swap3A_103 = tpu.vector_load %arg6[%swap3A_100, %swap3A_101, %swap3A_102] {strides = array<i32>} : memref<3x16x256xi32, #tpu.memory_space<vmem>>, vector<16xi32>,
        tpu.vector_store %arg6[%swap3A_100, %swap3A_101, %swap3A_102], %add3A_98 {strides = array<i32>} : memref<3x16x256xi32, #tpu.memory_space<vmem>>, vector<16xi32>,
        %get3A_104 = arith.constant 0 : i32
        %get3A_105 = arith.index_cast %get3A_104 : i32 to index
        %get3A_106 = arith.constant 64 : index
        %get3A_107 = tpu.vector_load %arg5[%get3A_105, %get3A_106] {strides = array<i32>} : memref<3x256xi32, #tpu.memory_space<vmem>>, vector<16xi32>,
        %add3A_108 = vector.broadcast %add3A_61 : i32 to vector<16xi32>
        %add3A_109 = arith.addi %get3A_107, %add3A_108 : vector<16xi32>
        %swap3A_110 = arith.constant 0 : i32
        %swap3A_111 = arith.index_cast %swap3A_110 : i32 to index
        %swap3A_112 = arith.index_cast %scan3A_57 : i32 to index
        %swap3A_113 = arith.constant 64 : index
        %swap3A_114 = tpu.vector_load %arg6[%swap3A_111, %swap3A_112, %swap3A_113] {strides = array<i32>} : memref<3x16x256xi32, #tpu.memory_space<vmem>>, vector<16xi32>,
        tpu.vector_store %arg6[%swap3A_111, %swap3A_112, %swap3A_113], %add3A_109 {strides = array<i32>} : memref<3x16x256xi32, #tpu.memory_space<vmem>>, vector<16xi32>,
        %get3A_115 = arith.constant 0 : i32
        %get3A_116 = arith.index_cast %get3A_115 : i32 to index
        %get3A_117 = arith.constant 80 : index
        %get3A_118 = tpu.vector_load %arg5[%get3A_116, %get3A_117] {strides = array<i32>} : memref<3x256xi32, #tpu.memory_space<vmem>>, vector<16xi32>,
        %add3A_119 = vector.broadcast %add3A_61 : i32 to vector<16xi32>
        %add3A_120 = arith.addi %get3A_118, %add3A_119 : vector<16xi32>
        %swap3A_121 = arith.constant 0 : i32
        %swap3A_122 = arith.index_cast %swap3A_121 : i32 to index
        %swap3A_123 = arith.index_cast %scan3A_57 : i32 to index
        %swap3A_124 = arith.constant 80 : index
        %swap3A_125 = tpu.vector_load %arg6[%swap3A_122, %swap3A_123, %swap3A_124] {strides = array<i32>} : memref<3x16x256xi32, #tpu.memory_space<vmem>>, vector<16xi32>,
        tpu.vector_store %arg6[%swap3A_122, %swap3A_123, %swap3A_124], %add3A_120 {strides = array<i32>} : memref<3x16x256xi32, #tpu.memory_space<vmem>>, vector<16xi32>,
        %get3A_126 = arith.constant 0 : i32
        %get3A_127 = arith.index_cast %get3A_126 : i32 to index
        %get3A_128 = arith.constant 96 : index
        %get3A_129 = tpu.vector_load %arg5[%get3A_127, %get3A_128] {strides = array<i32>} : memref<3x256xi32, #tpu.memory_space<vmem>>, vector<16xi32>,
        %add3A_130 = vector.broadcast %add3A_61 : i32 to vector<16xi32>
        %add3A_131 = arith.addi %get3A_129, %add3A_130 : vector<16xi32>
        %swap3A_132 = arith.constant 0 : i32
        %swap3A_133 = arith.index_cast %swap3A_132 : i32 to index
        %swap3A_134 = arith.index_cast %scan3A_57 : i32 to index
        %swap3A_135 = arith.constant 96 : index
        %swap3A_136 = tpu.vector_load %arg6[%swap3A_133, %swap3A_134, %swap3A_135] {strides = array<i32>} : memref<3x16x256xi32, #tpu.memory_space<vmem>>, vector<16xi32>,
        tpu.vector_store %arg6[%swap3A_133, %swap3A_134, %swap3A_135], %add3A_131 {strides = array<i32>} : memref<3x16x256xi32, #tpu.memory_space<vmem>>, vector<16xi32>,
        %get3A_137 = arith.constant 0 : i32
        %get3A_138 = arith.index_cast %get3A_137 : i32 to index
        %get3A_139 = arith.constant 112 : index
        %get3A_140 = tpu.vector_load %arg5[%get3A_138, %get3A_139] {strides = array<i32>} : memref<3x256xi32, #tpu.memory_space<vmem>>, vector<16xi32>,
        %add3A_141 = vector.broadcast %add3A_61 : i32 to vector<16xi32>
        %add3A_142 = arith.addi %get3A_140, %add3A_141 : vector<16xi32>
        %swap3A_143 = arith.constant 0 : i32
        %swap3A_144 = arith.index_cast %swap3A_143 : i32 to index
        %swap3A_145 = arith.index_cast %scan3A_57 : i32 to index
        %swap3A_146 = arith.constant 112 : index
        %swap3A_147 = tpu.vector_load %arg6[%swap3A_144, %swap3A_145, %swap3A_146] {strides = array<i32>} : memref<3x16x256xi32, #tpu.memory_space<vmem>>, vector<16xi32>,
        tpu.vector_store %arg6[%swap3A_144, %swap3A_145, %swap3A_146], %add3A_142 {strides = array<i32>} : memref<3x16x256xi32, #tpu.memory_space<vmem>>, vector<16xi32>,
        %get3A_148 = arith.constant 0 : i32
        %get3A_149 = arith.index_cast %get3A_148 : i32 to index
        %get3A_150 = arith.constant 128 : index
        %get3A_151 = tpu.vector_load %arg5[%get3A_149, %get3A_150] {strides = array<i32>} : memref<3x256xi32, #tpu.memory_space<vmem>>, vector<16xi32>,
        %add3A_152 = vector.broadcast %add3A_61 : i32 to vector<16xi32>
        %add3A_153 = arith.addi %get3A_151, %add3A_152 : vector<16xi32>
        %swap3A_154 = arith.constant 0 : i32
        %swap3A_155 = arith.index_cast %swap3A_154 : i32 to index
        %swap3A_156 = arith.index_cast %scan3A_57 : i32 to index
        %swap3A_157 = arith.constant 128 : index
        %swap3A_158 = tpu.vector_load %arg6[%swap3A_155, %swap3A_156, %swap3A_157] {strides = array<i32>} : memref<3x16x256xi32, #tpu.memory_space<vmem>>, vector<16xi32>,
        tpu.vector_store %arg6[%swap3A_155, %swap3A_156, %swap3A_157], %add3A_153 {strides = array<i32>} : memref<3x16x256xi32, #tpu.memory_space<vmem>>, vector<16xi32>,
        %get3A_159 = arith.constant 0 : i32
        %get3A_160 = arith.index_cast %get3A_159 : i32 to index
        %get3A_161 = arith.constant 144 : index
        %get3A_162 = tpu.vector_load %arg5[%get3A_160, %get3A_161] {strides = array<i32>} : memref<3x256xi32, #tpu.memory_space<vmem>>, vector<16xi32>,
        %add3A_163 = vector.broadcast %add3A_61 : i32 to vector<16xi32>
        %add3A_164 = arith.addi %get3A_162, %add3A_163 : vector<16xi32>
        %swap3A_165 = arith.constant 0 : i32
        %swap3A_166 = arith.index_cast %swap3A_165 : i32 to index
        %swap3A_167 = arith.index_cast %scan3A_57 : i32 to index
        %swap3A_168 = arith.constant 144 : index
        %swap3A_169 = tpu.vector_load %arg6[%swap3A_166, %swap3A_167, %swap3A_168] {strides = array<i32>} : memref<3x16x256xi32, #tpu.memory_space<vmem>>, vector<16xi32>,
        tpu.vector_store %arg6[%swap3A_166, %swap3A_167, %swap3A_168], %add3A_164 {strides = array<i32>} : memref<3x16x256xi32, #tpu.memory_space<vmem>>, vector<16xi32>,
        %get3A_170 = arith.constant 0 : i32
        %get3A_171 = arith.index_cast %get3A_170 : i32 to index
        %get3A_172 = arith.constant 160 : index
        %get3A_173 = tpu.vector_load %arg5[%get3A_171, %get3A_172] {strides = array<i32>} : memref<3x256xi32, #tpu.memory_space<vmem>>, vector<16xi32>,
        %add3A_174 = vector.broadcast %add3A_61 : i32 to vector<16xi32>
        %add3A_175 = arith.addi %get3A_173, %add3A_174 : vector<16xi32>
        %swap3A_176 = arith.constant 0 : i32
        %swap3A_177 = arith.index_cast %swap3A_176 : i32 to index
        %swap3A_178 = arith.index_cast %scan3A_57 : i32 to index
        %swap3A_179 = arith.constant 160 : index
        %swap3A_180 = tpu.vector_load %arg6[%swap3A_177, %swap3A_178, %swap3A_179] {strides = array<i32>} : memref<3x16x256xi32, #tpu.memory_space<vmem>>, vector<16xi32>,
        tpu.vector_store %arg6[%swap3A_177, %swap3A_178, %swap3A_179], %add3A_175 {strides = array<i32>} : memref<3x16x256xi32, #tpu.memory_space<vmem>>, vector<16xi32>,
        %get3A_181 = arith.constant 0 : i32
        %get3A_182 = arith.index_cast %get3A_181 : i32 to index
        %get3A_183 = arith.constant 176 : index
        %get3A_184 = tpu.vector_load %arg5[%get3A_182, %get3A_183] {strides = array<i32>} : memref<3x256xi32, #tpu.memory_space<vmem>>, vector<16xi32>,
        %add3A_185 = vector.broadcast %add3A_61 : i32 to vector<16xi32>
        %add3A_186 = arith.addi %get3A_184, %add3A_185 : vector<16xi32>
        %swap3A_187 = arith.constant 0 : i32
        %swap3A_188 = arith.index_cast %swap3A_187 : i32 to index
        %swap3A_189 = arith.index_cast %scan3A_57 : i32 to index
        %swap3A_190 = arith.constant 176 : index
        %swap3A_191 = tpu.vector_load %arg6[%swap3A_188, %swap3A_189, %swap3A_190] {strides = array<i32>} : memref<3x16x256xi32, #tpu.memory_space<vmem>>, vector<16xi32>,
        tpu.vector_store %arg6[%swap3A_188, %swap3A_189, %swap3A_190], %add3A_186 {strides = array<i32>} : memref<3x16x256xi32, #tpu.memory_space<vmem>>, vector<16xi32>,
        %get3A_192 = arith.constant 0 : i32
        %get3A_193 = arith.index_cast %get3A_192 : i32 to index
        %get3A_194 = arith.constant 192 : index
        %get3A_195 = tpu.vector_load %arg5[%get3A_193, %get3A_194] {strides = array<i32>} : memref<3x256xi32, #tpu.memory_space<vmem>>, vector<16xi32>,
        %add3A_196 = vector.broadcast %add3A_61 : i32 to vector<16xi32>
        %add3A_197 = arith.addi %get3A_195, %add3A_196 : vector<16xi32>
        %swap3A_198 = arith.constant 0 : i32
        %swap3A_199 = arith.index_cast %swap3A_198 : i32 to index
        %swap3A_200 = arith.index_cast %scan3A_57 : i32 to index
        %swap3A_201 = arith.constant 192 : index
        %swap3A_202 = tpu.vector_load %arg6[%swap3A_199, %swap3A_200, %swap3A_201] {strides = array<i32>} : memref<3x16x256xi32, #tpu.memory_space<vmem>>, vector<16xi32>,
        tpu.vector_store %arg6[%swap3A_199, %swap3A_200, %swap3A_201], %add3A_197 {strides = array<i32>} : memref<3x16x256xi32, #tpu.memory_space<vmem>>, vector<16xi32>,
        %get3A_203 = arith.constant 0 : i32
        %get3A_204 = arith.index_cast %get3A_203 : i32 to index
        %get3A_205 = arith.constant 208 : index
        %get3A_206 = tpu.vector_load %arg5[%get3A_204, %get3A_205] {strides = array<i32>} : memref<3x256xi32, #tpu.memory_space<vmem>>, vector<16xi32>,
        %add3A_207 = vector.broadcast %add3A_61 : i32 to vector<16xi32>
        %add3A_208 = arith.addi %get3A_206, %add3A_207 : vector<16xi32>
        %swap3A_209 = arith.constant 0 : i32
        %swap3A_210 = arith.index_cast %swap3A_209 : i32 to index
        %swap3A_211 = arith.index_cast %scan3A_57 : i32 to index
        %swap3A_212 = arith.constant 208 : index
        %swap3A_213 = tpu.vector_load %arg6[%swap3A_210, %swap3A_211, %swap3A_212] {strides = array<i32>} : memref<3x16x256xi32, #tpu.memory_space<vmem>>, vector<16xi32>,
        tpu.vector_store %arg6[%swap3A_210, %swap3A_211, %swap3A_212], %add3A_208 {strides = array<i32>} : memref<3x16x256xi32, #tpu.memory_space<vmem>>, vector<16xi32>,
        %get3A_214 = arith.constant 0 : i32
        %get3A_215 = arith.index_cast %get3A_214 : i32 to index
        %get3A_216 = arith.constant 224 : index
        %get3A_217 = tpu.vector_load %arg5[%get3A_215, %get3A_216] {strides = array<i32>} : memref<3x256xi32, #tpu.memory_space<vmem>>, vector<16xi32>,
        %add3A_218 = vector.broadcast %add3A_61 : i32 to vector<16xi32>
        %add3A_219 = arith.addi %get3A_217, %add3A_218 : vector<16xi32>
        %swap3A_220 = arith.constant 0 : i32
        %swap3A_221 = arith.index_cast %swap3A_220 : i32 to index
        %swap3A_222 = arith.index_cast %scan3A_57 : i32 to index
        %swap3A_223 = arith.constant 224 : index
        %swap3A_224 = tpu.vector_load %arg6[%swap3A_221, %swap3A_222, %swap3A_223] {strides = array<i32>} : memref<3x16x256xi32, #tpu.memory_space<vmem>>, vector<16xi32>,
        tpu.vector_store %arg6[%swap3A_221, %swap3A_222, %swap3A_223], %add3A_219 {strides = array<i32>} : memref<3x16x256xi32, #tpu.memory_space<vmem>>, vector<16xi32>,
        %get3A_225 = arith.constant 0 : i32
        %get3A_226 = arith.index_cast %get3A_225 : i32 to index
        %get3A_227 = arith.constant 240 : index
        %get3A_228 = tpu.vector_load %arg5[%get3A_226, %get3A_227] {strides = array<i32>} : memref<3x256xi32, #tpu.memory_space<vmem>>, vector<16xi32>,
        %add3A_229 = vector.broadcast %add3A_61 : i32 to vector<16xi32>
        %add3A_230 = arith.addi %get3A_228, %add3A_229 : vector<16xi32>
        %swap3A_231 = arith.constant 0 : i32
        %swap3A_232 = arith.index_cast %swap3A_231 : i32 to index
        %swap3A_233 = arith.index_cast %scan3A_57 : i32 to index
        %swap3A_234 = arith.constant 240 : index
        %swap3A_235 = tpu.vector_load %arg6[%swap3A_232, %swap3A_233, %swap3A_234] {strides = array<i32>} : memref<3x16x256xi32, #tpu.memory_space<vmem>>, vector<16xi32>,
        tpu.vector_store %arg6[%swap3A_232, %swap3A_233, %swap3A_234], %add3A_230 {strides = array<i32>} : memref<3x16x256xi32, #tpu.memory_space<vmem>>, vector<16xi32>,
        %dma_start3A = arith.constant 0 : i32
        %dma_start3A_236 = arith.constant 0 : i32
        %dma_start3A_237 = arith.constant 0 : i32
        %dma_start3A_238 = tpu.memref_slice %arg7[%dma_start3A_236, %scan3A_57, %dma_start3A_237] : memref<3x16x256xf32, #tpu.memory_space<vmem>> -> memref<1x1x256xf32, #tpu.memory_space<vmem>>
        %dma_start3A_239 = tpu.memref_squeeze %dma_start3A_238 : memref<1x1x256xf32, #tpu.memory_space<vmem>> -> memref<256xf32, #tpu.memory_space<vmem>>
        %dma_start3A_240 = arith.constant 0 : i32
        %dma_start3A_241 = tpu.memref_slice %arg6[%dma_start3A, %scan3A_57, %dma_start3A_240] : memref<3x16x256xi32, #tpu.memory_space<vmem>> -> memref<1x1x256xi32, #tpu.memory_space<vmem>>
        %dma_start3A_242 = tpu.memref_squeeze %dma_start3A_241 : memref<1x1x256xi32, #tpu.memory_space<vmem>> -> memref<256xi32, #tpu.memory_space<vmem>>
        %dma_start3A_243 = arith.constant 0 : i32
        %dma_start3A_244 = tpu.memref_slice %arg3[%dma_start3A_243] : memref<41600000xf32, #tpu.memory_space<hbm>> -> memref<41600000xf32, #tpu.memory_space<hbm>>
        tpu.enqueue_indirect_dma source(%dma_start3A_244 : memref<41600000xf32, #tpu.memory_space<hbm>>) target(%dma_start3A_239 : memref<256xf32, #tpu.memory_space<vmem>>) offsets(%dma_start3A_242 : memref<256xi32, #tpu.memory_space<vmem>>) semaphore(%arg9 : memref<!tpu.dma_semaphore, #tpu.memory_space<semaphore_mem>>)
      }
      %scan3A_18 = arith.constant 16 : i32
      %run_scoped3A_19 = arith.constant 1 : i32
      %run_scoped3A_20 = arith.constant 1 : i32
      "tpu.region"() ({
        %run_scoped3A_57 = tpu.sem_alloc : memref<!tpu.dma_semaphore, #tpu.memory_space<semaphore_mem>>
        %dma_start3A = arith.constant 0 : i32
        %dma_start3A_58 = tpu.memref_slice %arg5[%run_scoped3A_20, %dma_start3A] : memref<3x256xi32, #tpu.memory_space<vmem>> -> memref<1x256xi32, #tpu.memory_space<vmem>>
        %dma_start3A_59 = tpu.memref_squeeze %dma_start3A_58 : memref<1x256xi32, #tpu.memory_space<vmem>> -> memref<256xi32, #tpu.memory_space<vmem>>
        %dma_start3A_60 = tpu.memref_slice %arg2[%run_scoped3A_19, %add3A_11] : memref<13x16384xi32, #tpu.memory_space<hbm>> -> memref<1x256xi32, #tpu.memory_space<hbm>>
        %dma_start3A_61 = tpu.memref_squeeze %dma_start3A_60 : memref<1x256xi32, #tpu.memory_space<hbm>> -> memref<256xi32, #tpu.memory_space<hbm>>
        %dma_start3A_62 = arith.constant 0 : i32
        %dma_start3A_63 = tpu.memref_slice %arg5[%run_scoped3A_20, %dma_start3A_62] : memref<3x256xi32, #tpu.memory_space<vmem>> -> memref<1x256xi32, #tpu.memory_space<vmem>>
        %dma_start3A_64 = tpu.memref_squeeze %dma_start3A_63 : memref<1x256xi32, #tpu.memory_space<vmem>> -> memref<256xi32, #tpu.memory_space<vmem>>
        %dma_start3A_65 = tpu.memref_slice %arg2[%run_scoped3A_19, %add3A_11] : memref<13x16384xi32, #tpu.memory_space<hbm>> -> memref<1x256xi32, #tpu.memory_space<hbm>>
        %dma_start3A_66 = tpu.memref_squeeze %dma_start3A_65 : memref<1x256xi32, #tpu.memory_space<hbm>> -> memref<256xi32, #tpu.memory_space<hbm>>
        tpu.enqueue_dma source(%dma_start3A_66 : memref<256xi32, #tpu.memory_space<hbm>>) target(%dma_start3A_64 : memref<256xi32, #tpu.memory_space<vmem>>) target_semaphore(%run_scoped3A_57 : memref<!tpu.dma_semaphore, #tpu.memory_space<semaphore_mem>>)
        %dma_wait3A = arith.constant 0 : i32
        %dma_wait3A_67 = tpu.memref_slice %arg5[%run_scoped3A_20, %dma_wait3A] : memref<3x256xi32, #tpu.memory_space<vmem>> -> memref<1x256xi32, #tpu.memory_space<vmem>>
        %dma_wait3A_68 = tpu.memref_squeeze %dma_wait3A_67 : memref<1x256xi32, #tpu.memory_space<vmem>> -> memref<256xi32, #tpu.memory_space<vmem>>
        %dma_wait3A_69 = tpu.memref_slice %arg2[%run_scoped3A_19, %add3A_11] : memref<13x16384xi32, #tpu.memory_space<hbm>> -> memref<1x256xi32, #tpu.memory_space<hbm>>
        %dma_wait3A_70 = tpu.memref_squeeze %dma_wait3A_69 : memref<1x256xi32, #tpu.memory_space<hbm>> -> memref<256xi32, #tpu.memory_space<hbm>>
        %dma_wait3A_71 = arith.constant 0 : i32
        %dma_wait3A_72 = tpu.memref_slice %arg5[%run_scoped3A_20, %dma_wait3A_71] : memref<3x256xi32, #tpu.memory_space<vmem>> -> memref<1x256xi32, #tpu.memory_space<vmem>>
        %dma_wait3A_73 = tpu.memref_squeeze %dma_wait3A_72 : memref<1x256xi32, #tpu.memory_space<vmem>> -> memref<256xi32, #tpu.memory_space<vmem>>
        %dma_wait3A_74 = tpu.memref_slice %arg2[%run_scoped3A_19, %add3A_11] : memref<13x16384xi32, #tpu.memory_space<hbm>> -> memref<1x256xi32, #tpu.memory_space<hbm>>
        %dma_wait3A_75 = tpu.memref_squeeze %dma_wait3A_74 : memref<1x256xi32, #tpu.memory_space<hbm>> -> memref<256xi32, #tpu.memory_space<hbm>>
        tpu.wait_dma2 semaphore(%run_scoped3A_57 : memref<!tpu.dma_semaphore, #tpu.memory_space<semaphore_mem>>) src(%dma_wait3A_75 : memref<256xi32, #tpu.memory_space<hbm>>) dst(%dma_wait3A_73 : memref<256xi32, #tpu.memory_space<vmem>>)
        tpu.yield
      }) : () -> ()
      %scan3A_21 = arith.constant 0 : i32
      %scan3A_22 = arith.constant 0 : i32
      %scan3A_23 = arith.constant 16 : i32
      %scan3A_24 = arith.addi %scan3A_22, %scan3A_23 : i32
      %scan3A_25 = arith.constant 1 : i32
      scf.for %scan3A_57 = %scan3A_22 to %scan3A_24 step %scan3A_25  : i32 {
        %mul3A_58 = arith.constant 100000 : i32
        %mul3A_59 = arith.muli %scan3A_57, %mul3A_58 : i32
        %add3A_60 = arith.constant 1600000 : i32
        %add3A_61 = arith.addi %add3A_60, %mul3A_59 : i32
        %get3A = arith.constant 1 : i32
        %get3A_62 = arith.index_cast %get3A : i32 to index
        %get3A_63 = arith.constant 0 : index
        %get3A_64 = tpu.vector_load %arg5[%get3A_62, %get3A_63] {strides = array<i32>} : memref<3x256xi32, #tpu.memory_space<vmem>>, vector<16xi32>,
        %add3A_65 = vector.broadcast %add3A_61 : i32 to vector<16xi32>
        %add3A_66 = arith.addi %get3A_64, %add3A_65 : vector<16xi32>
        %swap3A = arith.constant 1 : i32
        %swap3A_67 = arith.index_cast %swap3A : i32 to index
        %swap3A_68 = arith.index_cast %scan3A_57 : i32 to index
        %swap3A_69 = arith.constant 0 : index
        %swap3A_70 = tpu.vector_load %arg6[%swap3A_67, %swap3A_68, %swap3A_69] {strides = array<i32>} : memref<3x16x256xi32, #tpu.memory_space<vmem>>, vector<16xi32>,
        tpu.vector_store %arg6[%swap3A_67, %swap3A_68, %swap3A_69], %add3A_66 {strides = array<i32>} : memref<3x16x256xi32, #tpu.memory_space<vmem>>, vector<16xi32>,
        %get3A_71 = arith.constant 1 : i32
        %get3A_72 = arith.index_cast %get3A_71 : i32 to index
        %get3A_73 = arith.constant 16 : index
        %get3A_74 = tpu.vector_load %arg5[%get3A_72, %get3A_73] {strides = array<i32>} : memref<3x256xi32, #tpu.memory_space<vmem>>, vector<16xi32>,
        %add3A_75 = vector.broadcast %add3A_61 : i32 to vector<16xi32>
        %add3A_76 = arith.addi %get3A_74, %add3A_75 : vector<16xi32>
        %swap3A_77 = arith.constant 1 : i32
        %swap3A_78 = arith.index_cast %swap3A_77 : i32 to index
        %swap3A_79 = arith.index_cast %scan3A_57 : i32 to index
        %swap3A_80 = arith.constant 16 : index
        %swap3A_81 = tpu.vector_load %arg6[%swap3A_78, %swap3A_79, %swap3A_80] {strides = array<i32>} : memref<3x16x256xi32, #tpu.memory_space<vmem>>, vector<16xi32>,
        tpu.vector_store %arg6[%swap3A_78, %swap3A_79, %swap3A_80], %add3A_76 {strides = array<i32>} : memref<3x16x256xi32, #tpu.memory_space<vmem>>, vector<16xi32>,
        %get3A_82 = arith.constant 1 : i32
        %get3A_83 = arith.index_cast %get3A_82 : i32 to index
        %get3A_84 = arith.constant 32 : index
        %get3A_85 = tpu.vector_load %arg5[%get3A_83, %get3A_84] {strides = array<i32>} : memref<3x256xi32, #tpu.memory_space<vmem>>, vector<16xi32>,
        %add3A_86 = vector.broadcast %add3A_61 : i32 to vector<16xi32>
        %add3A_87 = arith.addi %get3A_85, %add3A_86 : vector<16xi32>
        %swap3A_88 = arith.constant 1 : i32
        %swap3A_89 = arith.index_cast %swap3A_88 : i32 to index
        %swap3A_90 = arith.index_cast %scan3A_57 : i32 to index
        %swap3A_91 = arith.constant 32 : index
        %swap3A_92 = tpu.vector_load %arg6[%swap3A_89, %swap3A_90, %swap3A_91] {strides = array<i32>} : memref<3x16x256xi32, #tpu.memory_space<vmem>>, vector<16xi32>,
        tpu.vector_store %arg6[%swap3A_89, %swap3A_90, %swap3A_91], %add3A_87 {strides = array<i32>} : memref<3x16x256xi32, #tpu.memory_space<vmem>>, vector<16xi32>,
        %get3A_93 = arith.constant 1 : i32
        %get3A_94 = arith.index_cast %get3A_93 : i32 to index
        %get3A_95 = arith.constant 48 : index
        %get3A_96 = tpu.vector_load %arg5[%get3A_94, %get3A_95] {strides = array<i32>} : memref<3x256xi32, #tpu.memory_space<vmem>>, vector<16xi32>,
        %add3A_97 = vector.broadcast %add3A_61 : i32 to vector<16xi32>
        %add3A_98 = arith.addi %get3A_96, %add3A_97 : vector<16xi32>
        %swap3A_99 = arith.constant 1 : i32
        %swap3A_100 = arith.index_cast %swap3A_99 : i32 to index
        %swap3A_101 = arith.index_cast %scan3A_57 : i32 to index
        %swap3A_102 = arith.constant 48 : index
        %swap3A_103 = tpu.vector_load %arg6[%swap3A_100, %swap3A_101, %swap3A_102] {strides = array<i32>} : memref<3x16x256xi32, #tpu.memory_space<vmem>>, vector<16xi32>,
        tpu.vector_store %arg6[%swap3A_100, %swap3A_101, %swap3A_102], %add3A_98 {strides = array<i32>} : memref<3x16x256xi32, #tpu.memory_space<vmem>>, vector<16xi32>,
        %get3A_104 = arith.constant 1 : i32
        %get3A_105 = arith.index_cast %get3A_104 : i32 to index
        %get3A_106 = arith.constant 64 : index
        %get3A_107 = tpu.vector_load %arg5[%get3A_105, %get3A_106] {strides = array<i32>} : memref<3x256xi32, #tpu.memory_space<vmem>>, vector<16xi32>,
        %add3A_108 = vector.broadcast %add3A_61 : i32 to vector<16xi32>
        %add3A_109 = arith.addi %get3A_107, %add3A_108 : vector<16xi32>
        %swap3A_110 = arith.constant 1 : i32
        %swap3A_111 = arith.index_cast %swap3A_110 : i32 to index
        %swap3A_112 = arith.index_cast %scan3A_57 : i32 to index
        %swap3A_113 = arith.constant 64 : index
        %swap3A_114 = tpu.vector_load %arg6[%swap3A_111, %swap3A_112, %swap3A_113] {strides = array<i32>} : memref<3x16x256xi32, #tpu.memory_space<vmem>>, vector<16xi32>,
        tpu.vector_store %arg6[%swap3A_111, %swap3A_112, %swap3A_113], %add3A_109 {strides = array<i32>} : memref<3x16x256xi32, #tpu.memory_space<vmem>>, vector<16xi32>,
        %get3A_115 = arith.constant 1 : i32
        %get3A_116 = arith.index_cast %get3A_115 : i32 to index
        %get3A_117 = arith.constant 80 : index
        %get3A_118 = tpu.vector_load %arg5[%get3A_116, %get3A_117] {strides = array<i32>} : memref<3x256xi32, #tpu.memory_space<vmem>>, vector<16xi32>,
        %add3A_119 = vector.broadcast %add3A_61 : i32 to vector<16xi32>
        %add3A_120 = arith.addi %get3A_118, %add3A_119 : vector<16xi32>
        %swap3A_121 = arith.constant 1 : i32
        %swap3A_122 = arith.index_cast %swap3A_121 : i32 to index
        %swap3A_123 = arith.index_cast %scan3A_57 : i32 to index
        %swap3A_124 = arith.constant 80 : index
        %swap3A_125 = tpu.vector_load %arg6[%swap3A_122, %swap3A_123, %swap3A_124] {strides = array<i32>} : memref<3x16x256xi32, #tpu.memory_space<vmem>>, vector<16xi32>,
        tpu.vector_store %arg6[%swap3A_122, %swap3A_123, %swap3A_124], %add3A_120 {strides = array<i32>} : memref<3x16x256xi32, #tpu.memory_space<vmem>>, vector<16xi32>,
        %get3A_126 = arith.constant 1 : i32
        %get3A_127 = arith.index_cast %get3A_126 : i32 to index
        %get3A_128 = arith.constant 96 : index
        %get3A_129 = tpu.vector_load %arg5[%get3A_127, %get3A_128] {strides = array<i32>} : memref<3x256xi32, #tpu.memory_space<vmem>>, vector<16xi32>,
        %add3A_130 = vector.broadcast %add3A_61 : i32 to vector<16xi32>
        %add3A_131 = arith.addi %get3A_129, %add3A_130 : vector<16xi32>
        %swap3A_132 = arith.constant 1 : i32
        %swap3A_133 = arith.index_cast %swap3A_132 : i32 to index
        %swap3A_134 = arith.index_cast %scan3A_57 : i32 to index
        %swap3A_135 = arith.constant 96 : index
        %swap3A_136 = tpu.vector_load %arg6[%swap3A_133, %swap3A_134, %swap3A_135] {strides = array<i32>} : memref<3x16x256xi32, #tpu.memory_space<vmem>>, vector<16xi32>,
        tpu.vector_store %arg6[%swap3A_133, %swap3A_134, %swap3A_135], %add3A_131 {strides = array<i32>} : memref<3x16x256xi32, #tpu.memory_space<vmem>>, vector<16xi32>,
        %get3A_137 = arith.constant 1 : i32
        %get3A_138 = arith.index_cast %get3A_137 : i32 to index
        %get3A_139 = arith.constant 112 : index
        %get3A_140 = tpu.vector_load %arg5[%get3A_138, %get3A_139] {strides = array<i32>} : memref<3x256xi32, #tpu.memory_space<vmem>>, vector<16xi32>,
        %add3A_141 = vector.broadcast %add3A_61 : i32 to vector<16xi32>
        %add3A_142 = arith.addi %get3A_140, %add3A_141 : vector<16xi32>
        %swap3A_143 = arith.constant 1 : i32
        %swap3A_144 = arith.index_cast %swap3A_143 : i32 to index
        %swap3A_145 = arith.index_cast %scan3A_57 : i32 to index
        %swap3A_146 = arith.constant 112 : index
        %swap3A_147 = tpu.vector_load %arg6[%swap3A_144, %swap3A_145, %swap3A_146] {strides = array<i32>} : memref<3x16x256xi32, #tpu.memory_space<vmem>>, vector<16xi32>,
        tpu.vector_store %arg6[%swap3A_144, %swap3A_145, %swap3A_146], %add3A_142 {strides = array<i32>} : memref<3x16x256xi32, #tpu.memory_space<vmem>>, vector<16xi32>,
        %get3A_148 = arith.constant 1 : i32
        %get3A_149 = arith.index_cast %get3A_148 : i32 to index
        %get3A_150 = arith.constant 128 : index
        %get3A_151 = tpu.vector_load %arg5[%get3A_149, %get3A_150] {strides = array<i32>} : memref<3x256xi32, #tpu.memory_space<vmem>>, vector<16xi32>,
        %add3A_152 = vector.broadcast %add3A_61 : i32 to vector<16xi32>
        %add3A_153 = arith.addi %get3A_151, %add3A_152 : vector<16xi32>
        %swap3A_154 = arith.constant 1 : i32
        %swap3A_155 = arith.index_cast %swap3A_154 : i32 to index
        %swap3A_156 = arith.index_cast %scan3A_57 : i32 to index
        %swap3A_157 = arith.constant 128 : index
        %swap3A_158 = tpu.vector_load %arg6[%swap3A_155, %swap3A_156, %swap3A_157] {strides = array<i32>} : memref<3x16x256xi32, #tpu.memory_space<vmem>>, vector<16xi32>,
        tpu.vector_store %arg6[%swap3A_155, %swap3A_156, %swap3A_157], %add3A_153 {strides = array<i32>} : memref<3x16x256xi32, #tpu.memory_space<vmem>>, vector<16xi32>,
        %get3A_159 = arith.constant 1 : i32
        %get3A_160 = arith.index_cast %get3A_159 : i32 to index
        %get3A_161 = arith.constant 144 : index
        %get3A_162 = tpu.vector_load %arg5[%get3A_160, %get3A_161] {strides = array<i32>} : memref<3x256xi32, #tpu.memory_space<vmem>>, vector<16xi32>,
        %add3A_163 = vector.broadcast %add3A_61 : i32 to vector<16xi32>
        %add3A_164 = arith.addi %get3A_162, %add3A_163 : vector<16xi32>
        %swap3A_165 = arith.constant 1 : i32
        %swap3A_166 = arith.index_cast %swap3A_165 : i32 to index
        %swap3A_167 = arith.index_cast %scan3A_57 : i32 to index
        %swap3A_168 = arith.constant 144 : index
        %swap3A_169 = tpu.vector_load %arg6[%swap3A_166, %swap3A_167, %swap3A_168] {strides = array<i32>} : memref<3x16x256xi32, #tpu.memory_space<vmem>>, vector<16xi32>,
        tpu.vector_store %arg6[%swap3A_166, %swap3A_167, %swap3A_168], %add3A_164 {strides = array<i32>} : memref<3x16x256xi32, #tpu.memory_space<vmem>>, vector<16xi32>,
        %get3A_170 = arith.constant 1 : i32
        %get3A_171 = arith.index_cast %get3A_170 : i32 to index
        %get3A_172 = arith.constant 160 : index
        %get3A_173 = tpu.vector_load %arg5[%get3A_171, %get3A_172] {strides = array<i32>} : memref<3x256xi32, #tpu.memory_space<vmem>>, vector<16xi32>,
        %add3A_174 = vector.broadcast %add3A_61 : i32 to vector<16xi32>
        %add3A_175 = arith.addi %get3A_173, %add3A_174 : vector<16xi32>
        %swap3A_176 = arith.constant 1 : i32
        %swap3A_177 = arith.index_cast %swap3A_176 : i32 to index
        %swap3A_178 = arith.index_cast %scan3A_57 : i32 to index
        %swap3A_179 = arith.constant 160 : index
        %swap3A_180 = tpu.vector_load %arg6[%swap3A_177, %swap3A_178, %swap3A_179] {strides = array<i32>} : memref<3x16x256xi32, #tpu.memory_space<vmem>>, vector<16xi32>,
        tpu.vector_store %arg6[%swap3A_177, %swap3A_178, %swap3A_179], %add3A_175 {strides = array<i32>} : memref<3x16x256xi32, #tpu.memory_space<vmem>>, vector<16xi32>,
        %get3A_181 = arith.constant 1 : i32
        %get3A_182 = arith.index_cast %get3A_181 : i32 to index
        %get3A_183 = arith.constant 176 : index
        %get3A_184 = tpu.vector_load %arg5[%get3A_182, %get3A_183] {strides = array<i32>} : memref<3x256xi32, #tpu.memory_space<vmem>>, vector<16xi32>,
        %add3A_185 = vector.broadcast %add3A_61 : i32 to vector<16xi32>
        %add3A_186 = arith.addi %get3A_184, %add3A_185 : vector<16xi32>
        %swap3A_187 = arith.constant 1 : i32
        %swap3A_188 = arith.index_cast %swap3A_187 : i32 to index
        %swap3A_189 = arith.index_cast %scan3A_57 : i32 to index
        %swap3A_190 = arith.constant 176 : index
        %swap3A_191 = tpu.vector_load %arg6[%swap3A_188, %swap3A_189, %swap3A_190] {strides = array<i32>} : memref<3x16x256xi32, #tpu.memory_space<vmem>>, vector<16xi32>,
        tpu.vector_store %arg6[%swap3A_188, %swap3A_189, %swap3A_190], %add3A_186 {strides = array<i32>} : memref<3x16x256xi32, #tpu.memory_space<vmem>>, vector<16xi32>,
        %get3A_192 = arith.constant 1 : i32
        %get3A_193 = arith.index_cast %get3A_192 : i32 to index
        %get3A_194 = arith.constant 192 : index
        %get3A_195 = tpu.vector_load %arg5[%get3A_193, %get3A_194] {strides = array<i32>} : memref<3x256xi32, #tpu.memory_space<vmem>>, vector<16xi32>,
        %add3A_196 = vector.broadcast %add3A_61 : i32 to vector<16xi32>
        %add3A_197 = arith.addi %get3A_195, %add3A_196 : vector<16xi32>
        %swap3A_198 = arith.constant 1 : i32
        %swap3A_199 = arith.index_cast %swap3A_198 : i32 to index
        %swap3A_200 = arith.index_cast %scan3A_57 : i32 to index
        %swap3A_201 = arith.constant 192 : index
        %swap3A_202 = tpu.vector_load %arg6[%swap3A_199, %swap3A_200, %swap3A_201] {strides = array<i32>} : memref<3x16x256xi32, #tpu.memory_space<vmem>>, vector<16xi32>,
        tpu.vector_store %arg6[%swap3A_199, %swap3A_200, %swap3A_201], %add3A_197 {strides = array<i32>} : memref<3x16x256xi32, #tpu.memory_space<vmem>>, vector<16xi32>,
        %get3A_203 = arith.constant 1 : i32
        %get3A_204 = arith.index_cast %get3A_203 : i32 to index
        %get3A_205 = arith.constant 208 : index
        %get3A_206 = tpu.vector_load %arg5[%get3A_204, %get3A_205] {strides = array<i32>} : memref<3x256xi32, #tpu.memory_space<vmem>>, vector<16xi32>,
        %add3A_207 = vector.broadcast %add3A_61 : i32 to vector<16xi32>
        %add3A_208 = arith.addi %get3A_206, %add3A_207 : vector<16xi32>
        %swap3A_209 = arith.constant 1 : i32
        %swap3A_210 = arith.index_cast %swap3A_209 : i32 to index
        %swap3A_211 = arith.index_cast %scan3A_57 : i32 to index
        %swap3A_212 = arith.constant 208 : index
        %swap3A_213 = tpu.vector_load %arg6[%swap3A_210, %swap3A_211, %swap3A_212] {strides = array<i32>} : memref<3x16x256xi32, #tpu.memory_space<vmem>>, vector<16xi32>,
        tpu.vector_store %arg6[%swap3A_210, %swap3A_211, %swap3A_212], %add3A_208 {strides = array<i32>} : memref<3x16x256xi32, #tpu.memory_space<vmem>>, vector<16xi32>,
        %get3A_214 = arith.constant 1 : i32
        %get3A_215 = arith.index_cast %get3A_214 : i32 to index
        %get3A_216 = arith.constant 224 : index
        %get3A_217 = tpu.vector_load %arg5[%get3A_215, %get3A_216] {strides = array<i32>} : memref<3x256xi32, #tpu.memory_space<vmem>>, vector<16xi32>,
        %add3A_218 = vector.broadcast %add3A_61 : i32 to vector<16xi32>
        %add3A_219 = arith.addi %get3A_217, %add3A_218 : vector<16xi32>
        %swap3A_220 = arith.constant 1 : i32
        %swap3A_221 = arith.index_cast %swap3A_220 : i32 to index
        %swap3A_222 = arith.index_cast %scan3A_57 : i32 to index
        %swap3A_223 = arith.constant 224 : index
        %swap3A_224 = tpu.vector_load %arg6[%swap3A_221, %swap3A_222, %swap3A_223] {strides = array<i32>} : memref<3x16x256xi32, #tpu.memory_space<vmem>>, vector<16xi32>,
        tpu.vector_store %arg6[%swap3A_221, %swap3A_222, %swap3A_223], %add3A_219 {strides = array<i32>} : memref<3x16x256xi32, #tpu.memory_space<vmem>>, vector<16xi32>,
        %get3A_225 = arith.constant 1 : i32
        %get3A_226 = arith.index_cast %get3A_225 : i32 to index
        %get3A_227 = arith.constant 240 : index
        %get3A_228 = tpu.vector_load %arg5[%get3A_226, %get3A_227] {strides = array<i32>} : memref<3x256xi32, #tpu.memory_space<vmem>>, vector<16xi32>,
        %add3A_229 = vector.broadcast %add3A_61 : i32 to vector<16xi32>
        %add3A_230 = arith.addi %get3A_228, %add3A_229 : vector<16xi32>
        %swap3A_231 = arith.constant 1 : i32
        %swap3A_232 = arith.index_cast %swap3A_231 : i32 to index
        %swap3A_233 = arith.index_cast %scan3A_57 : i32 to index
        %swap3A_234 = arith.constant 240 : index
        %swap3A_235 = tpu.vector_load %arg6[%swap3A_232, %swap3A_233, %swap3A_234] {strides = array<i32>} : memref<3x16x256xi32, #tpu.memory_space<vmem>>, vector<16xi32>,
        tpu.vector_store %arg6[%swap3A_232, %swap3A_233, %swap3A_234], %add3A_230 {strides = array<i32>} : memref<3x16x256xi32, #tpu.memory_space<vmem>>, vector<16xi32>,
        %dma_start3A = arith.constant 1 : i32
        %dma_start3A_236 = arith.constant 1 : i32
        %dma_start3A_237 = arith.constant 0 : i32
        %dma_start3A_238 = tpu.memref_slice %arg7[%dma_start3A_236, %scan3A_57, %dma_start3A_237] : memref<3x16x256xf32, #tpu.memory_space<vmem>> -> memref<1x1x256xf32, #tpu.memory_space<vmem>>
        %dma_start3A_239 = tpu.memref_squeeze %dma_start3A_238 : memref<1x1x256xf32, #tpu.memory_space<vmem>> -> memref<256xf32, #tpu.memory_space<vmem>>
        %dma_start3A_240 = arith.constant 0 : i32
        %dma_start3A_241 = tpu.memref_slice %arg6[%dma_start3A, %scan3A_57, %dma_start3A_240] : memref<3x16x256xi32, #tpu.memory_space<vmem>> -> memref<1x1x256xi32, #tpu.memory_space<vmem>>
        %dma_start3A_242 = tpu.memref_squeeze %dma_start3A_241 : memref<1x1x256xi32, #tpu.memory_space<vmem>> -> memref<256xi32, #tpu.memory_space<vmem>>
        %dma_start3A_243 = arith.constant 0 : i32
        %dma_start3A_244 = tpu.memref_slice %arg3[%dma_start3A_243] : memref<41600000xf32, #tpu.memory_space<hbm>> -> memref<41600000xf32, #tpu.memory_space<hbm>>
        tpu.enqueue_indirect_dma source(%dma_start3A_244 : memref<41600000xf32, #tpu.memory_space<hbm>>) target(%dma_start3A_239 : memref<256xf32, #tpu.memory_space<vmem>>) offsets(%dma_start3A_242 : memref<256xi32, #tpu.memory_space<vmem>>) semaphore(%arg9 : memref<!tpu.dma_semaphore, #tpu.memory_space<semaphore_mem>>)
      }
      %scan3A_26 = arith.constant 16 : i32
      %scan3A_27 = arith.constant 0 : i32
      %scan3A_28 = arith.constant 0 : i32
      %scan3A_29 = arith.constant 11 : i32
      %scan3A_30 = arith.addi %scan3A_28, %scan3A_29 : i32
      %scan3A_31 = arith.constant 1 : i32
      scf.for %scan3A_57 = %scan3A_28 to %scan3A_30 step %scan3A_31  : i32 {
        %add3A_58 = arith.constant 2 : i32
        %add3A_59 = arith.addi %scan3A_57, %add3A_58 : i32
        %add3A_60 = arith.constant 2 : i32
        %add3A_61 = arith.addi %scan3A_57, %add3A_60 : i32
        %jit3A = arith.constant 3 : i32
        %eq3A = arith.constant 0 : i32
        %eq3A_62 = arith.cmpi eq, %jit3A, %eq3A : i32
        %jit3A_63 = arith.constant 1 : i32
        %select_n3A = arith.select %eq3A_62, %jit3A_63, %jit3A : i32
        %rem3A = arith.remsi %add3A_61, %select_n3A : i32
        %ne3A = arith.constant 0 : i32
        %ne3A_64 = arith.cmpi ne, %rem3A, %ne3A : i32
        %lt3A = arith.constant 0 : i32
        %lt3A_65 = arith.cmpi slt, %rem3A, %lt3A : i32
        %lt3A_66 = arith.constant 0 : i32
        %lt3A_67 = arith.cmpi slt, %select_n3A, %lt3A_66 : i32
        %ne3A_68 = arith.xori %lt3A_65, %lt3A_67 : i1
        %and3A = arith.andi %ne3A_68, %ne3A_64 : i1
        %add3A_69 = arith.addi %rem3A, %select_n3A : i32
        %select_n3A_70 = arith.select %and3A, %add3A_69, %rem3A : i32
        "tpu.region"() ({
          %run_scoped3A_105 = tpu.sem_alloc : memref<!tpu.dma_semaphore, #tpu.memory_space<semaphore_mem>>
          %dma_start3A = arith.constant 0 : i32
          %dma_start3A_106 = tpu.memref_slice %arg5[%select_n3A_70, %dma_start3A] : memref<3x256xi32, #tpu.memory_space<vmem>> -> memref<1x256xi32, #tpu.memory_space<vmem>>
          %dma_start3A_107 = tpu.memref_squeeze %dma_start3A_106 : memref<1x256xi32, #tpu.memory_space<vmem>> -> memref<256xi32, #tpu.memory_space<vmem>>
          %dma_start3A_108 = tpu.memref_slice %arg2[%add3A_59, %add3A_11] : memref<13x16384xi32, #tpu.memory_space<hbm>> -> memref<1x256xi32, #tpu.memory_space<hbm>>
          %dma_start3A_109 = tpu.memref_squeeze %dma_start3A_108 : memref<1x256xi32, #tpu.memory_space<hbm>> -> memref<256xi32, #tpu.memory_space<hbm>>
          %dma_start3A_110 = arith.constant 0 : i32
          %dma_start3A_111 = tpu.memref_slice %arg5[%select_n3A_70, %dma_start3A_110] : memref<3x256xi32, #tpu.memory_space<vmem>> -> memref<1x256xi32, #tpu.memory_space<vmem>>
          %dma_start3A_112 = tpu.memref_squeeze %dma_start3A_111 : memref<1x256xi32, #tpu.memory_space<vmem>> -> memref<256xi32, #tpu.memory_space<vmem>>
          %dma_start3A_113 = tpu.memref_slice %arg2[%add3A_59, %add3A_11] : memref<13x16384xi32, #tpu.memory_space<hbm>> -> memref<1x256xi32, #tpu.memory_space<hbm>>
          %dma_start3A_114 = tpu.memref_squeeze %dma_start3A_113 : memref<1x256xi32, #tpu.memory_space<hbm>> -> memref<256xi32, #tpu.memory_space<hbm>>
          tpu.enqueue_dma source(%dma_start3A_114 : memref<256xi32, #tpu.memory_space<hbm>>) target(%dma_start3A_112 : memref<256xi32, #tpu.memory_space<vmem>>) target_semaphore(%run_scoped3A_105 : memref<!tpu.dma_semaphore, #tpu.memory_space<semaphore_mem>>)
          %dma_wait3A = arith.constant 0 : i32
          %dma_wait3A_115 = tpu.memref_slice %arg5[%select_n3A_70, %dma_wait3A] : memref<3x256xi32, #tpu.memory_space<vmem>> -> memref<1x256xi32, #tpu.memory_space<vmem>>
          %dma_wait3A_116 = tpu.memref_squeeze %dma_wait3A_115 : memref<1x256xi32, #tpu.memory_space<vmem>> -> memref<256xi32, #tpu.memory_space<vmem>>
          %dma_wait3A_117 = tpu.memref_slice %arg2[%add3A_59, %add3A_11] : memref<13x16384xi32, #tpu.memory_space<hbm>> -> memref<1x256xi32, #tpu.memory_space<hbm>>
          %dma_wait3A_118 = tpu.memref_squeeze %dma_wait3A_117 : memref<1x256xi32, #tpu.memory_space<hbm>> -> memref<256xi32, #tpu.memory_space<hbm>>
          %dma_wait3A_119 = arith.constant 0 : i32
          %dma_wait3A_120 = tpu.memref_slice %arg5[%select_n3A_70, %dma_wait3A_119] : memref<3x256xi32, #tpu.memory_space<vmem>> -> memref<1x256xi32, #tpu.memory_space<vmem>>
          %dma_wait3A_121 = tpu.memref_squeeze %dma_wait3A_120 : memref<1x256xi32, #tpu.memory_space<vmem>> -> memref<256xi32, #tpu.memory_space<vmem>>
          %dma_wait3A_122 = tpu.memref_slice %arg2[%add3A_59, %add3A_11] : memref<13x16384xi32, #tpu.memory_space<hbm>> -> memref<1x256xi32, #tpu.memory_space<hbm>>
          %dma_wait3A_123 = tpu.memref_squeeze %dma_wait3A_122 : memref<1x256xi32, #tpu.memory_space<hbm>> -> memref<256xi32, #tpu.memory_space<hbm>>
          tpu.wait_dma2 semaphore(%run_scoped3A_105 : memref<!tpu.dma_semaphore, #tpu.memory_space<semaphore_mem>>) src(%dma_wait3A_123 : memref<256xi32, #tpu.memory_space<hbm>>) dst(%dma_wait3A_121 : memref<256xi32, #tpu.memory_space<vmem>>)
          tpu.yield
        }) : () -> ()
        %scan3A_71 = arith.constant 0 : i32
        %scan3A_72 = arith.constant 0 : i32
        %scan3A_73 = arith.constant 16 : i32
        %scan3A_74 = arith.addi %scan3A_72, %scan3A_73 : i32
        %scan3A_75 = arith.constant 1 : i32
        scf.for %scan3A_105 = %scan3A_72 to %scan3A_74 step %scan3A_75  : i32 {
          %add3A_106 = arith.constant 0 : i32
          %add3A_107 = arith.addi %add3A_106, %add3A_59 : i32
          %mul3A_108 = arith.constant 1600000 : i32
          %mul3A_109 = arith.muli %add3A_107, %mul3A_108 : i32
          %mul3A_110 = arith.constant 100000 : i32
          %mul3A_111 = arith.muli %scan3A_105, %mul3A_110 : i32
          %add3A_112 = arith.addi %mul3A_109, %mul3A_111 : i32
          %get3A = arith.index_cast %select_n3A_70 : i32 to index
          %get3A_113 = arith.constant 0 : index
          %get3A_114 = tpu.vector_load %arg5[%get3A, %get3A_113] {strides = array<i32>} : memref<3x256xi32, #tpu.memory_space<vmem>>, vector<16xi32>,
          %add3A_115 = vector.broadcast %add3A_112 : i32 to vector<16xi32>
          %add3A_116 = arith.addi %get3A_114, %add3A_115 : vector<16xi32>
          %swap3A = arith.index_cast %select_n3A_70 : i32 to index
          %swap3A_117 = arith.index_cast %scan3A_105 : i32 to index
          %swap3A_118 = arith.constant 0 : index
          %swap3A_119 = tpu.vector_load %arg6[%swap3A, %swap3A_117, %swap3A_118] {strides = array<i32>} : memref<3x16x256xi32, #tpu.memory_space<vmem>>, vector<16xi32>,
          tpu.vector_store %arg6[%swap3A, %swap3A_117, %swap3A_118], %add3A_116 {strides = array<i32>} : memref<3x16x256xi32, #tpu.memory_space<vmem>>, vector<16xi32>,
          %get3A_120 = arith.index_cast %select_n3A_70 : i32 to index
          %get3A_121 = arith.constant 16 : index
          %get3A_122 = tpu.vector_load %arg5[%get3A_120, %get3A_121] {strides = array<i32>} : memref<3x256xi32, #tpu.memory_space<vmem>>, vector<16xi32>,
          %add3A_123 = vector.broadcast %add3A_112 : i32 to vector<16xi32>
          %add3A_124 = arith.addi %get3A_122, %add3A_123 : vector<16xi32>
          %swap3A_125 = arith.index_cast %select_n3A_70 : i32 to index
          %swap3A_126 = arith.index_cast %scan3A_105 : i32 to index
          %swap3A_127 = arith.constant 16 : index
          %swap3A_128 = tpu.vector_load %arg6[%swap3A_125, %swap3A_126, %swap3A_127] {strides = array<i32>} : memref<3x16x256xi32, #tpu.memory_space<vmem>>, vector<16xi32>,
          tpu.vector_store %arg6[%swap3A_125, %swap3A_126, %swap3A_127], %add3A_124 {strides = array<i32>} : memref<3x16x256xi32, #tpu.memory_space<vmem>>, vector<16xi32>,
          %get3A_129 = arith.index_cast %select_n3A_70 : i32 to index
          %get3A_130 = arith.constant 32 : index
          %get3A_131 = tpu.vector_load %arg5[%get3A_129, %get3A_130] {strides = array<i32>} : memref<3x256xi32, #tpu.memory_space<vmem>>, vector<16xi32>,
          %add3A_132 = vector.broadcast %add3A_112 : i32 to vector<16xi32>
          %add3A_133 = arith.addi %get3A_131, %add3A_132 : vector<16xi32>
          %swap3A_134 = arith.index_cast %select_n3A_70 : i32 to index
          %swap3A_135 = arith.index_cast %scan3A_105 : i32 to index
          %swap3A_136 = arith.constant 32 : index
          %swap3A_137 = tpu.vector_load %arg6[%swap3A_134, %swap3A_135, %swap3A_136] {strides = array<i32>} : memref<3x16x256xi32, #tpu.memory_space<vmem>>, vector<16xi32>,
          tpu.vector_store %arg6[%swap3A_134, %swap3A_135, %swap3A_136], %add3A_133 {strides = array<i32>} : memref<3x16x256xi32, #tpu.memory_space<vmem>>, vector<16xi32>,
          %get3A_138 = arith.index_cast %select_n3A_70 : i32 to index
          %get3A_139 = arith.constant 48 : index
          %get3A_140 = tpu.vector_load %arg5[%get3A_138, %get3A_139] {strides = array<i32>} : memref<3x256xi32, #tpu.memory_space<vmem>>, vector<16xi32>,
          %add3A_141 = vector.broadcast %add3A_112 : i32 to vector<16xi32>
          %add3A_142 = arith.addi %get3A_140, %add3A_141 : vector<16xi32>
          %swap3A_143 = arith.index_cast %select_n3A_70 : i32 to index
          %swap3A_144 = arith.index_cast %scan3A_105 : i32 to index
          %swap3A_145 = arith.constant 48 : index
          %swap3A_146 = tpu.vector_load %arg6[%swap3A_143, %swap3A_144, %swap3A_145] {strides = array<i32>} : memref<3x16x256xi32, #tpu.memory_space<vmem>>, vector<16xi32>,
          tpu.vector_store %arg6[%swap3A_143, %swap3A_144, %swap3A_145], %add3A_142 {strides = array<i32>} : memref<3x16x256xi32, #tpu.memory_space<vmem>>, vector<16xi32>,
          %get3A_147 = arith.index_cast %select_n3A_70 : i32 to index
          %get3A_148 = arith.constant 64 : index
          %get3A_149 = tpu.vector_load %arg5[%get3A_147, %get3A_148] {strides = array<i32>} : memref<3x256xi32, #tpu.memory_space<vmem>>, vector<16xi32>,
          %add3A_150 = vector.broadcast %add3A_112 : i32 to vector<16xi32>
          %add3A_151 = arith.addi %get3A_149, %add3A_150 : vector<16xi32>
          %swap3A_152 = arith.index_cast %select_n3A_70 : i32 to index
          %swap3A_153 = arith.index_cast %scan3A_105 : i32 to index
          %swap3A_154 = arith.constant 64 : index
          %swap3A_155 = tpu.vector_load %arg6[%swap3A_152, %swap3A_153, %swap3A_154] {strides = array<i32>} : memref<3x16x256xi32, #tpu.memory_space<vmem>>, vector<16xi32>,
          tpu.vector_store %arg6[%swap3A_152, %swap3A_153, %swap3A_154], %add3A_151 {strides = array<i32>} : memref<3x16x256xi32, #tpu.memory_space<vmem>>, vector<16xi32>,
          %get3A_156 = arith.index_cast %select_n3A_70 : i32 to index
          %get3A_157 = arith.constant 80 : index
          %get3A_158 = tpu.vector_load %arg5[%get3A_156, %get3A_157] {strides = array<i32>} : memref<3x256xi32, #tpu.memory_space<vmem>>, vector<16xi32>,
          %add3A_159 = vector.broadcast %add3A_112 : i32 to vector<16xi32>
          %add3A_160 = arith.addi %get3A_158, %add3A_159 : vector<16xi32>
          %swap3A_161 = arith.index_cast %select_n3A_70 : i32 to index
          %swap3A_162 = arith.index_cast %scan3A_105 : i32 to index
          %swap3A_163 = arith.constant 80 : index
          %swap3A_164 = tpu.vector_load %arg6[%swap3A_161, %swap3A_162, %swap3A_163] {strides = array<i32>} : memref<3x16x256xi32, #tpu.memory_space<vmem>>, vector<16xi32>,
          tpu.vector_store %arg6[%swap3A_161, %swap3A_162, %swap3A_163], %add3A_160 {strides = array<i32>} : memref<3x16x256xi32, #tpu.memory_space<vmem>>, vector<16xi32>,
          %get3A_165 = arith.index_cast %select_n3A_70 : i32 to index
          %get3A_166 = arith.constant 96 : index
          %get3A_167 = tpu.vector_load %arg5[%get3A_165, %get3A_166] {strides = array<i32>} : memref<3x256xi32, #tpu.memory_space<vmem>>, vector<16xi32>,
          %add3A_168 = vector.broadcast %add3A_112 : i32 to vector<16xi32>
          %add3A_169 = arith.addi %get3A_167, %add3A_168 : vector<16xi32>
          %swap3A_170 = arith.index_cast %select_n3A_70 : i32 to index
          %swap3A_171 = arith.index_cast %scan3A_105 : i32 to index
          %swap3A_172 = arith.constant 96 : index
          %swap3A_173 = tpu.vector_load %arg6[%swap3A_170, %swap3A_171, %swap3A_172] {strides = array<i32>} : memref<3x16x256xi32, #tpu.memory_space<vmem>>, vector<16xi32>,
          tpu.vector_store %arg6[%swap3A_170, %swap3A_171, %swap3A_172], %add3A_169 {strides = array<i32>} : memref<3x16x256xi32, #tpu.memory_space<vmem>>, vector<16xi32>,
          %get3A_174 = arith.index_cast %select_n3A_70 : i32 to index
          %get3A_175 = arith.constant 112 : index
          %get3A_176 = tpu.vector_load %arg5[%get3A_174, %get3A_175] {strides = array<i32>} : memref<3x256xi32, #tpu.memory_space<vmem>>, vector<16xi32>,
          %add3A_177 = vector.broadcast %add3A_112 : i32 to vector<16xi32>
          %add3A_178 = arith.addi %get3A_176, %add3A_177 : vector<16xi32>
          %swap3A_179 = arith.index_cast %select_n3A_70 : i32 to index
          %swap3A_180 = arith.index_cast %scan3A_105 : i32 to index
          %swap3A_181 = arith.constant 112 : index
          %swap3A_182 = tpu.vector_load %arg6[%swap3A_179, %swap3A_180, %swap3A_181] {strides = array<i32>} : memref<3x16x256xi32, #tpu.memory_space<vmem>>, vector<16xi32>,
          tpu.vector_store %arg6[%swap3A_179, %swap3A_180, %swap3A_181], %add3A_178 {strides = array<i32>} : memref<3x16x256xi32, #tpu.memory_space<vmem>>, vector<16xi32>,
          %get3A_183 = arith.index_cast %select_n3A_70 : i32 to index
          %get3A_184 = arith.constant 128 : index
          %get3A_185 = tpu.vector_load %arg5[%get3A_183, %get3A_184] {strides = array<i32>} : memref<3x256xi32, #tpu.memory_space<vmem>>, vector<16xi32>,
          %add3A_186 = vector.broadcast %add3A_112 : i32 to vector<16xi32>
          %add3A_187 = arith.addi %get3A_185, %add3A_186 : vector<16xi32>
          %swap3A_188 = arith.index_cast %select_n3A_70 : i32 to index
          %swap3A_189 = arith.index_cast %scan3A_105 : i32 to index
          %swap3A_190 = arith.constant 128 : index
          %swap3A_191 = tpu.vector_load %arg6[%swap3A_188, %swap3A_189, %swap3A_190] {strides = array<i32>} : memref<3x16x256xi32, #tpu.memory_space<vmem>>, vector<16xi32>,
          tpu.vector_store %arg6[%swap3A_188, %swap3A_189, %swap3A_190], %add3A_187 {strides = array<i32>} : memref<3x16x256xi32, #tpu.memory_space<vmem>>, vector<16xi32>,
          %get3A_192 = arith.index_cast %select_n3A_70 : i32 to index
          %get3A_193 = arith.constant 144 : index
          %get3A_194 = tpu.vector_load %arg5[%get3A_192, %get3A_193] {strides = array<i32>} : memref<3x256xi32, #tpu.memory_space<vmem>>, vector<16xi32>,
          %add3A_195 = vector.broadcast %add3A_112 : i32 to vector<16xi32>
          %add3A_196 = arith.addi %get3A_194, %add3A_195 : vector<16xi32>
          %swap3A_197 = arith.index_cast %select_n3A_70 : i32 to index
          %swap3A_198 = arith.index_cast %scan3A_105 : i32 to index
          %swap3A_199 = arith.constant 144 : index
          %swap3A_200 = tpu.vector_load %arg6[%swap3A_197, %swap3A_198, %swap3A_199] {strides = array<i32>} : memref<3x16x256xi32, #tpu.memory_space<vmem>>, vector<16xi32>,
          tpu.vector_store %arg6[%swap3A_197, %swap3A_198, %swap3A_199], %add3A_196 {strides = array<i32>} : memref<3x16x256xi32, #tpu.memory_space<vmem>>, vector<16xi32>,
          %get3A_201 = arith.index_cast %select_n3A_70 : i32 to index
          %get3A_202 = arith.constant 160 : index
          %get3A_203 = tpu.vector_load %arg5[%get3A_201, %get3A_202] {strides = array<i32>} : memref<3x256xi32, #tpu.memory_space<vmem>>, vector<16xi32>,
          %add3A_204 = vector.broadcast %add3A_112 : i32 to vector<16xi32>
          %add3A_205 = arith.addi %get3A_203, %add3A_204 : vector<16xi32>
          %swap3A_206 = arith.index_cast %select_n3A_70 : i32 to index
          %swap3A_207 = arith.index_cast %scan3A_105 : i32 to index
          %swap3A_208 = arith.constant 160 : index
          %swap3A_209 = tpu.vector_load %arg6[%swap3A_206, %swap3A_207, %swap3A_208] {strides = array<i32>} : memref<3x16x256xi32, #tpu.memory_space<vmem>>, vector<16xi32>,
          tpu.vector_store %arg6[%swap3A_206, %swap3A_207, %swap3A_208], %add3A_205 {strides = array<i32>} : memref<3x16x256xi32, #tpu.memory_space<vmem>>, vector<16xi32>,
          %get3A_210 = arith.index_cast %select_n3A_70 : i32 to index
          %get3A_211 = arith.constant 176 : index
          %get3A_212 = tpu.vector_load %arg5[%get3A_210, %get3A_211] {strides = array<i32>} : memref<3x256xi32, #tpu.memory_space<vmem>>, vector<16xi32>,
          %add3A_213 = vector.broadcast %add3A_112 : i32 to vector<16xi32>
          %add3A_214 = arith.addi %get3A_212, %add3A_213 : vector<16xi32>
          %swap3A_215 = arith.index_cast %select_n3A_70 : i32 to index
          %swap3A_216 = arith.index_cast %scan3A_105 : i32 to index
          %swap3A_217 = arith.constant 176 : index
          %swap3A_218 = tpu.vector_load %arg6[%swap3A_215, %swap3A_216, %swap3A_217] {strides = array<i32>} : memref<3x16x256xi32, #tpu.memory_space<vmem>>, vector<16xi32>,
          tpu.vector_store %arg6[%swap3A_215, %swap3A_216, %swap3A_217], %add3A_214 {strides = array<i32>} : memref<3x16x256xi32, #tpu.memory_space<vmem>>, vector<16xi32>,
          %get3A_219 = arith.index_cast %select_n3A_70 : i32 to index
          %get3A_220 = arith.constant 192 : index
          %get3A_221 = tpu.vector_load %arg5[%get3A_219, %get3A_220] {strides = array<i32>} : memref<3x256xi32, #tpu.memory_space<vmem>>, vector<16xi32>,
          %add3A_222 = vector.broadcast %add3A_112 : i32 to vector<16xi32>
          %add3A_223 = arith.addi %get3A_221, %add3A_222 : vector<16xi32>
          %swap3A_224 = arith.index_cast %select_n3A_70 : i32 to index
          %swap3A_225 = arith.index_cast %scan3A_105 : i32 to index
          %swap3A_226 = arith.constant 192 : index
          %swap3A_227 = tpu.vector_load %arg6[%swap3A_224, %swap3A_225, %swap3A_226] {strides = array<i32>} : memref<3x16x256xi32, #tpu.memory_space<vmem>>, vector<16xi32>,
          tpu.vector_store %arg6[%swap3A_224, %swap3A_225, %swap3A_226], %add3A_223 {strides = array<i32>} : memref<3x16x256xi32, #tpu.memory_space<vmem>>, vector<16xi32>,
          %get3A_228 = arith.index_cast %select_n3A_70 : i32 to index
          %get3A_229 = arith.constant 208 : index
          %get3A_230 = tpu.vector_load %arg5[%get3A_228, %get3A_229] {strides = array<i32>} : memref<3x256xi32, #tpu.memory_space<vmem>>, vector<16xi32>,
          %add3A_231 = vector.broadcast %add3A_112 : i32 to vector<16xi32>
          %add3A_232 = arith.addi %get3A_230, %add3A_231 : vector<16xi32>
          %swap3A_233 = arith.index_cast %select_n3A_70 : i32 to index
          %swap3A_234 = arith.index_cast %scan3A_105 : i32 to index
          %swap3A_235 = arith.constant 208 : index
          %swap3A_236 = tpu.vector_load %arg6[%swap3A_233, %swap3A_234, %swap3A_235] {strides = array<i32>} : memref<3x16x256xi32, #tpu.memory_space<vmem>>, vector<16xi32>,
          tpu.vector_store %arg6[%swap3A_233, %swap3A_234, %swap3A_235], %add3A_232 {strides = array<i32>} : memref<3x16x256xi32, #tpu.memory_space<vmem>>, vector<16xi32>,
          %get3A_237 = arith.index_cast %select_n3A_70 : i32 to index
          %get3A_238 = arith.constant 224 : index
          %get3A_239 = tpu.vector_load %arg5[%get3A_237, %get3A_238] {strides = array<i32>} : memref<3x256xi32, #tpu.memory_space<vmem>>, vector<16xi32>,
          %add3A_240 = vector.broadcast %add3A_112 : i32 to vector<16xi32>
          %add3A_241 = arith.addi %get3A_239, %add3A_240 : vector<16xi32>
          %swap3A_242 = arith.index_cast %select_n3A_70 : i32 to index
          %swap3A_243 = arith.index_cast %scan3A_105 : i32 to index
          %swap3A_244 = arith.constant 224 : index
          %swap3A_245 = tpu.vector_load %arg6[%swap3A_242, %swap3A_243, %swap3A_244] {strides = array<i32>} : memref<3x16x256xi32, #tpu.memory_space<vmem>>, vector<16xi32>,
          tpu.vector_store %arg6[%swap3A_242, %swap3A_243, %swap3A_244], %add3A_241 {strides = array<i32>} : memref<3x16x256xi32, #tpu.memory_space<vmem>>, vector<16xi32>,
          %get3A_246 = arith.index_cast %select_n3A_70 : i32 to index
          %get3A_247 = arith.constant 240 : index
          %get3A_248 = tpu.vector_load %arg5[%get3A_246, %get3A_247] {strides = array<i32>} : memref<3x256xi32, #tpu.memory_space<vmem>>, vector<16xi32>,
          %add3A_249 = vector.broadcast %add3A_112 : i32 to vector<16xi32>
          %add3A_250 = arith.addi %get3A_248, %add3A_249 : vector<16xi32>
          %swap3A_251 = arith.index_cast %select_n3A_70 : i32 to index
          %swap3A_252 = arith.index_cast %scan3A_105 : i32 to index
          %swap3A_253 = arith.constant 240 : index
          %swap3A_254 = tpu.vector_load %arg6[%swap3A_251, %swap3A_252, %swap3A_253] {strides = array<i32>} : memref<3x16x256xi32, #tpu.memory_space<vmem>>, vector<16xi32>,
          tpu.vector_store %arg6[%swap3A_251, %swap3A_252, %swap3A_253], %add3A_250 {strides = array<i32>} : memref<3x16x256xi32, #tpu.memory_space<vmem>>, vector<16xi32>,
          %dma_start3A = arith.constant 0 : i32
          %dma_start3A_255 = tpu.memref_slice %arg7[%select_n3A_70, %scan3A_105, %dma_start3A] : memref<3x16x256xf32, #tpu.memory_space<vmem>> -> memref<1x1x256xf32, #tpu.memory_space<vmem>>
          %dma_start3A_256 = tpu.memref_squeeze %dma_start3A_255 : memref<1x1x256xf32, #tpu.memory_space<vmem>> -> memref<256xf32, #tpu.memory_space<vmem>>
          %dma_start3A_257 = arith.constant 0 : i32
          %dma_start3A_258 = tpu.memref_slice %arg6[%select_n3A_70, %scan3A_105, %dma_start3A_257] : memref<3x16x256xi32, #tpu.memory_space<vmem>> -> memref<1x1x256xi32, #tpu.memory_space<vmem>>
          %dma_start3A_259 = tpu.memref_squeeze %dma_start3A_258 : memref<1x1x256xi32, #tpu.memory_space<vmem>> -> memref<256xi32, #tpu.memory_space<vmem>>
          %dma_start3A_260 = arith.constant 0 : i32
          %dma_start3A_261 = tpu.memref_slice %arg3[%dma_start3A_260] : memref<41600000xf32, #tpu.memory_space<hbm>> -> memref<41600000xf32, #tpu.memory_space<hbm>>
          tpu.enqueue_indirect_dma source(%dma_start3A_261 : memref<41600000xf32, #tpu.memory_space<hbm>>) target(%dma_start3A_256 : memref<256xf32, #tpu.memory_space<vmem>>) offsets(%dma_start3A_259 : memref<256xi32, #tpu.memory_space<vmem>>) semaphore(%arg9 : memref<!tpu.dma_semaphore, #tpu.memory_space<semaphore_mem>>)
        }
        %scan3A_76 = arith.constant 16 : i32
        %jit3A_77 = arith.constant 3 : i32
        %eq3A_78 = arith.constant 0 : i32
        %eq3A_79 = arith.cmpi eq, %jit3A_77, %eq3A_78 : i32
        %jit3A_80 = arith.constant 1 : i32
        %select_n3A_81 = arith.select %eq3A_79, %jit3A_80, %jit3A_77 : i32
        %rem3A_82 = arith.remsi %scan3A_57, %select_n3A_81 : i32
        %ne3A_83 = arith.constant 0 : i32
        %ne3A_84 = arith.cmpi ne, %rem3A_82, %ne3A_83 : i32
        %lt3A_85 = arith.constant 0 : i32
        %lt3A_86 = arith.cmpi slt, %rem3A_82, %lt3A_85 : i32
        %lt3A_87 = arith.constant 0 : i32
        %lt3A_88 = arith.cmpi slt, %select_n3A_81, %lt3A_87 : i32
        %ne3A_89 = arith.xori %lt3A_86, %lt3A_88 : i1
        %and3A_90 = arith.andi %ne3A_89, %ne3A_84 : i1
        %add3A_91 = arith.addi %rem3A_82, %select_n3A_81 : i32
        %select_n3A_92 = arith.select %and3A_90, %add3A_91, %rem3A_82 : i32
        %scan3A_93 = arith.constant 0 : i32
        %scan3A_94 = arith.constant 0 : i32
        %scan3A_95 = arith.constant 16 : i32
        %scan3A_96 = arith.addi %scan3A_94, %scan3A_95 : i32
        %scan3A_97 = arith.constant 1 : i32
        scf.for %scan3A_105 = %scan3A_94 to %scan3A_96 step %scan3A_97  : i32 {
          %dma_wait3A = arith.constant 0 : i32
          %dma_wait3A_106 = tpu.memref_slice %arg7[%select_n3A_92, %scan3A_105, %dma_wait3A] : memref<3x16x256xf32, #tpu.memory_space<vmem>> -> memref<1x1x256xf32, #tpu.memory_space<vmem>>
          %dma_wait3A_107 = tpu.memref_squeeze %dma_wait3A_106 : memref<1x1x256xf32, #tpu.memory_space<vmem>> -> memref<256xf32, #tpu.memory_space<vmem>>
          %dma_wait3A_108 = arith.constant 0 : i32
          %dma_wait3A_109 = tpu.memref_slice %arg6[%select_n3A_92, %scan3A_105, %dma_wait3A_108] : memref<3x16x256xi32, #tpu.memory_space<vmem>> -> memref<1x1x256xi32, #tpu.memory_space<vmem>>
          %dma_wait3A_110 = tpu.memref_squeeze %dma_wait3A_109 : memref<1x1x256xi32, #tpu.memory_space<vmem>> -> memref<256xi32, #tpu.memory_space<vmem>>
          %dma_wait3A_111 = arith.constant 0 : i32
          %dma_wait3A_112 = tpu.memref_slice %arg3[%dma_wait3A_111] : memref<41600000xf32, #tpu.memory_space<hbm>> -> memref<41600000xf32, #tpu.memory_space<hbm>>
          tpu.wait_indirect_dma semaphore(%arg9 : memref<!tpu.dma_semaphore, #tpu.memory_space<semaphore_mem>>) src(%dma_wait3A_112 : memref<41600000xf32, #tpu.memory_space<hbm>>) dst(%dma_wait3A_107 : memref<256xf32, #tpu.memory_space<vmem>>)
        }
        %scan3A_98 = arith.constant 16 : i32
        %scan3A_99 = arith.constant 0 : i32
        %scan3A_100 = arith.constant 0 : i32
        %scan3A_101 = arith.constant 16 : i32
        %scan3A_102 = arith.addi %scan3A_100, %scan3A_101 : i32
        %scan3A_103 = arith.constant 1 : i32
        scf.for %scan3A_105 = %scan3A_100 to %scan3A_102 step %scan3A_103  : i32 {
          %mul3A_106 = arith.constant 16 : i32
          %mul3A_107 = arith.muli %scan3A_57, %mul3A_106 : i32
          %broadcast_in_dim3A = vector.broadcast %mul3A_107 : i32 to vector<16xi32>
          %add3A_108 = vector.broadcast %scan3A_105 : i32 to vector<16xi32>
          %add3A_109 = arith.addi %broadcast_in_dim3A, %add3A_108 : vector<16xi32>
          %get3A = arith.index_cast %select_n3A_92 : i32 to index
          %get3A_110 = arith.index_cast %scan3A_105 : i32 to index
          %get3A_111 = arith.constant 0 : index
          %get3A_112 = tpu.vector_load %arg7[%get3A, %get3A_110, %get3A_111] {strides = array<i32>} : memref<3x16x256xf32, #tpu.memory_space<vmem>>, vector<16xf32>,
          %add3A_113 = arith.constant 0 : i32
          %add3A_114 = vector.broadcast %add3A_113 : i32 to vector<16xi32>
          %add3A_115 = arith.addi %add3A_114, %iota3A : vector<16xi32>
          tpu.vector_store_idx %arg8[%add3A_115, %add3A_109], %get3A_112 : memref<256x208xf32, #tpu.memory_space<vmem>>[vector<16xi32>, vector<16xi32>], vector<16xf32>,
          %get3A_116 = arith.index_cast %select_n3A_92 : i32 to index
          %get3A_117 = arith.index_cast %scan3A_105 : i32 to index
          %get3A_118 = arith.constant 16 : index
          %get3A_119 = tpu.vector_load %arg7[%get3A_116, %get3A_117, %get3A_118] {strides = array<i32>} : memref<3x16x256xf32, #tpu.memory_space<vmem>>, vector<16xf32>,
          %add3A_120 = arith.constant 16 : i32
          %add3A_121 = vector.broadcast %add3A_120 : i32 to vector<16xi32>
          %add3A_122 = arith.addi %add3A_121, %iota3A : vector<16xi32>
          tpu.vector_store_idx %arg8[%add3A_122, %add3A_109], %get3A_119 : memref<256x208xf32, #tpu.memory_space<vmem>>[vector<16xi32>, vector<16xi32>], vector<16xf32>,
          %get3A_123 = arith.index_cast %select_n3A_92 : i32 to index
          %get3A_124 = arith.index_cast %scan3A_105 : i32 to index
          %get3A_125 = arith.constant 32 : index
          %get3A_126 = tpu.vector_load %arg7[%get3A_123, %get3A_124, %get3A_125] {strides = array<i32>} : memref<3x16x256xf32, #tpu.memory_space<vmem>>, vector<16xf32>,
          %add3A_127 = arith.constant 32 : i32
          %add3A_128 = vector.broadcast %add3A_127 : i32 to vector<16xi32>
          %add3A_129 = arith.addi %add3A_128, %iota3A : vector<16xi32>
          tpu.vector_store_idx %arg8[%add3A_129, %add3A_109], %get3A_126 : memref<256x208xf32, #tpu.memory_space<vmem>>[vector<16xi32>, vector<16xi32>], vector<16xf32>,
          %get3A_130 = arith.index_cast %select_n3A_92 : i32 to index
          %get3A_131 = arith.index_cast %scan3A_105 : i32 to index
          %get3A_132 = arith.constant 48 : index
          %get3A_133 = tpu.vector_load %arg7[%get3A_130, %get3A_131, %get3A_132] {strides = array<i32>} : memref<3x16x256xf32, #tpu.memory_space<vmem>>, vector<16xf32>,
          %add3A_134 = arith.constant 48 : i32
          %add3A_135 = vector.broadcast %add3A_134 : i32 to vector<16xi32>
          %add3A_136 = arith.addi %add3A_135, %iota3A : vector<16xi32>
          tpu.vector_store_idx %arg8[%add3A_136, %add3A_109], %get3A_133 : memref<256x208xf32, #tpu.memory_space<vmem>>[vector<16xi32>, vector<16xi32>], vector<16xf32>,
          %get3A_137 = arith.index_cast %select_n3A_92 : i32 to index
          %get3A_138 = arith.index_cast %scan3A_105 : i32 to index
          %get3A_139 = arith.constant 64 : index
          %get3A_140 = tpu.vector_load %arg7[%get3A_137, %get3A_138, %get3A_139] {strides = array<i32>} : memref<3x16x256xf32, #tpu.memory_space<vmem>>, vector<16xf32>,
          %add3A_141 = arith.constant 64 : i32
          %add3A_142 = vector.broadcast %add3A_141 : i32 to vector<16xi32>
          %add3A_143 = arith.addi %add3A_142, %iota3A : vector<16xi32>
          tpu.vector_store_idx %arg8[%add3A_143, %add3A_109], %get3A_140 : memref<256x208xf32, #tpu.memory_space<vmem>>[vector<16xi32>, vector<16xi32>], vector<16xf32>,
          %get3A_144 = arith.index_cast %select_n3A_92 : i32 to index
          %get3A_145 = arith.index_cast %scan3A_105 : i32 to index
          %get3A_146 = arith.constant 80 : index
          %get3A_147 = tpu.vector_load %arg7[%get3A_144, %get3A_145, %get3A_146] {strides = array<i32>} : memref<3x16x256xf32, #tpu.memory_space<vmem>>, vector<16xf32>,
          %add3A_148 = arith.constant 80 : i32
          %add3A_149 = vector.broadcast %add3A_148 : i32 to vector<16xi32>
          %add3A_150 = arith.addi %add3A_149, %iota3A : vector<16xi32>
          tpu.vector_store_idx %arg8[%add3A_150, %add3A_109], %get3A_147 : memref<256x208xf32, #tpu.memory_space<vmem>>[vector<16xi32>, vector<16xi32>], vector<16xf32>,
          %get3A_151 = arith.index_cast %select_n3A_92 : i32 to index
          %get3A_152 = arith.index_cast %scan3A_105 : i32 to index
          %get3A_153 = arith.constant 96 : index
          %get3A_154 = tpu.vector_load %arg7[%get3A_151, %get3A_152, %get3A_153] {strides = array<i32>} : memref<3x16x256xf32, #tpu.memory_space<vmem>>, vector<16xf32>,
          %add3A_155 = arith.constant 96 : i32
          %add3A_156 = vector.broadcast %add3A_155 : i32 to vector<16xi32>
          %add3A_157 = arith.addi %add3A_156, %iota3A : vector<16xi32>
          tpu.vector_store_idx %arg8[%add3A_157, %add3A_109], %get3A_154 : memref<256x208xf32, #tpu.memory_space<vmem>>[vector<16xi32>, vector<16xi32>], vector<16xf32>,
          %get3A_158 = arith.index_cast %select_n3A_92 : i32 to index
          %get3A_159 = arith.index_cast %scan3A_105 : i32 to index
          %get3A_160 = arith.constant 112 : index
          %get3A_161 = tpu.vector_load %arg7[%get3A_158, %get3A_159, %get3A_160] {strides = array<i32>} : memref<3x16x256xf32, #tpu.memory_space<vmem>>, vector<16xf32>,
          %add3A_162 = arith.constant 112 : i32
          %add3A_163 = vector.broadcast %add3A_162 : i32 to vector<16xi32>
          %add3A_164 = arith.addi %add3A_163, %iota3A : vector<16xi32>
          tpu.vector_store_idx %arg8[%add3A_164, %add3A_109], %get3A_161 : memref<256x208xf32, #tpu.memory_space<vmem>>[vector<16xi32>, vector<16xi32>], vector<16xf32>,
          %get3A_165 = arith.index_cast %select_n3A_92 : i32 to index
          %get3A_166 = arith.index_cast %scan3A_105 : i32 to index
          %get3A_167 = arith.constant 128 : index
          %get3A_168 = tpu.vector_load %arg7[%get3A_165, %get3A_166, %get3A_167] {strides = array<i32>} : memref<3x16x256xf32, #tpu.memory_space<vmem>>, vector<16xf32>,
          %add3A_169 = arith.constant 128 : i32
          %add3A_170 = vector.broadcast %add3A_169 : i32 to vector<16xi32>
          %add3A_171 = arith.addi %add3A_170, %iota3A : vector<16xi32>
          tpu.vector_store_idx %arg8[%add3A_171, %add3A_109], %get3A_168 : memref<256x208xf32, #tpu.memory_space<vmem>>[vector<16xi32>, vector<16xi32>], vector<16xf32>,
          %get3A_172 = arith.index_cast %select_n3A_92 : i32 to index
          %get3A_173 = arith.index_cast %scan3A_105 : i32 to index
          %get3A_174 = arith.constant 144 : index
          %get3A_175 = tpu.vector_load %arg7[%get3A_172, %get3A_173, %get3A_174] {strides = array<i32>} : memref<3x16x256xf32, #tpu.memory_space<vmem>>, vector<16xf32>,
          %add3A_176 = arith.constant 144 : i32
          %add3A_177 = vector.broadcast %add3A_176 : i32 to vector<16xi32>
          %add3A_178 = arith.addi %add3A_177, %iota3A : vector<16xi32>
          tpu.vector_store_idx %arg8[%add3A_178, %add3A_109], %get3A_175 : memref<256x208xf32, #tpu.memory_space<vmem>>[vector<16xi32>, vector<16xi32>], vector<16xf32>,
          %get3A_179 = arith.index_cast %select_n3A_92 : i32 to index
          %get3A_180 = arith.index_cast %scan3A_105 : i32 to index
          %get3A_181 = arith.constant 160 : index
          %get3A_182 = tpu.vector_load %arg7[%get3A_179, %get3A_180, %get3A_181] {strides = array<i32>} : memref<3x16x256xf32, #tpu.memory_space<vmem>>, vector<16xf32>,
          %add3A_183 = arith.constant 160 : i32
          %add3A_184 = vector.broadcast %add3A_183 : i32 to vector<16xi32>
          %add3A_185 = arith.addi %add3A_184, %iota3A : vector<16xi32>
          tpu.vector_store_idx %arg8[%add3A_185, %add3A_109], %get3A_182 : memref<256x208xf32, #tpu.memory_space<vmem>>[vector<16xi32>, vector<16xi32>], vector<16xf32>,
          %get3A_186 = arith.index_cast %select_n3A_92 : i32 to index
          %get3A_187 = arith.index_cast %scan3A_105 : i32 to index
          %get3A_188 = arith.constant 176 : index
          %get3A_189 = tpu.vector_load %arg7[%get3A_186, %get3A_187, %get3A_188] {strides = array<i32>} : memref<3x16x256xf32, #tpu.memory_space<vmem>>, vector<16xf32>,
          %add3A_190 = arith.constant 176 : i32
          %add3A_191 = vector.broadcast %add3A_190 : i32 to vector<16xi32>
          %add3A_192 = arith.addi %add3A_191, %iota3A : vector<16xi32>
          tpu.vector_store_idx %arg8[%add3A_192, %add3A_109], %get3A_189 : memref<256x208xf32, #tpu.memory_space<vmem>>[vector<16xi32>, vector<16xi32>], vector<16xf32>,
          %get3A_193 = arith.index_cast %select_n3A_92 : i32 to index
          %get3A_194 = arith.index_cast %scan3A_105 : i32 to index
          %get3A_195 = arith.constant 192 : index
          %get3A_196 = tpu.vector_load %arg7[%get3A_193, %get3A_194, %get3A_195] {strides = array<i32>} : memref<3x16x256xf32, #tpu.memory_space<vmem>>, vector<16xf32>,
          %add3A_197 = arith.constant 192 : i32
          %add3A_198 = vector.broadcast %add3A_197 : i32 to vector<16xi32>
          %add3A_199 = arith.addi %add3A_198, %iota3A : vector<16xi32>
          tpu.vector_store_idx %arg8[%add3A_199, %add3A_109], %get3A_196 : memref<256x208xf32, #tpu.memory_space<vmem>>[vector<16xi32>, vector<16xi32>], vector<16xf32>,
          %get3A_200 = arith.index_cast %select_n3A_92 : i32 to index
          %get3A_201 = arith.index_cast %scan3A_105 : i32 to index
          %get3A_202 = arith.constant 208 : index
          %get3A_203 = tpu.vector_load %arg7[%get3A_200, %get3A_201, %get3A_202] {strides = array<i32>} : memref<3x16x256xf32, #tpu.memory_space<vmem>>, vector<16xf32>,
          %add3A_204 = arith.constant 208 : i32
          %add3A_205 = vector.broadcast %add3A_204 : i32 to vector<16xi32>
          %add3A_206 = arith.addi %add3A_205, %iota3A : vector<16xi32>
          tpu.vector_store_idx %arg8[%add3A_206, %add3A_109], %get3A_203 : memref<256x208xf32, #tpu.memory_space<vmem>>[vector<16xi32>, vector<16xi32>], vector<16xf32>,
          %get3A_207 = arith.index_cast %select_n3A_92 : i32 to index
          %get3A_208 = arith.index_cast %scan3A_105 : i32 to index
          %get3A_209 = arith.constant 224 : index
          %get3A_210 = tpu.vector_load %arg7[%get3A_207, %get3A_208, %get3A_209] {strides = array<i32>} : memref<3x16x256xf32, #tpu.memory_space<vmem>>, vector<16xf32>,
          %add3A_211 = arith.constant 224 : i32
          %add3A_212 = vector.broadcast %add3A_211 : i32 to vector<16xi32>
          %add3A_213 = arith.addi %add3A_212, %iota3A : vector<16xi32>
          tpu.vector_store_idx %arg8[%add3A_213, %add3A_109], %get3A_210 : memref<256x208xf32, #tpu.memory_space<vmem>>[vector<16xi32>, vector<16xi32>], vector<16xf32>,
          %get3A_214 = arith.index_cast %select_n3A_92 : i32 to index
          %get3A_215 = arith.index_cast %scan3A_105 : i32 to index
          %get3A_216 = arith.constant 240 : index
          %get3A_217 = tpu.vector_load %arg7[%get3A_214, %get3A_215, %get3A_216] {strides = array<i32>} : memref<3x16x256xf32, #tpu.memory_space<vmem>>, vector<16xf32>,
          %add3A_218 = arith.constant 240 : i32
          %add3A_219 = vector.broadcast %add3A_218 : i32 to vector<16xi32>
          %add3A_220 = arith.addi %add3A_219, %iota3A : vector<16xi32>
          tpu.vector_store_idx %arg8[%add3A_220, %add3A_109], %get3A_217 : memref<256x208xf32, #tpu.memory_space<vmem>>[vector<16xi32>, vector<16xi32>], vector<16xf32>,
        }
        %scan3A_104 = arith.constant 16 : i32
      }
      %scan3A_32 = arith.constant 11 : i32
      %scan3A_33 = arith.constant 0 : i32
      %scan3A_34 = arith.constant 0 : i32
      %scan3A_35 = arith.constant 16 : i32
      %scan3A_36 = arith.addi %scan3A_34, %scan3A_35 : i32
      %scan3A_37 = arith.constant 1 : i32
      scf.for %scan3A_57 = %scan3A_34 to %scan3A_36 step %scan3A_37  : i32 {
        %dma_wait3A = arith.constant 2 : i32
        %dma_wait3A_58 = arith.constant 2 : i32
        %dma_wait3A_59 = arith.constant 0 : i32
        %dma_wait3A_60 = tpu.memref_slice %arg7[%dma_wait3A_58, %scan3A_57, %dma_wait3A_59] : memref<3x16x256xf32, #tpu.memory_space<vmem>> -> memref<1x1x256xf32, #tpu.memory_space<vmem>>
        %dma_wait3A_61 = tpu.memref_squeeze %dma_wait3A_60 : memref<1x1x256xf32, #tpu.memory_space<vmem>> -> memref<256xf32, #tpu.memory_space<vmem>>
        %dma_wait3A_62 = arith.constant 0 : i32
        %dma_wait3A_63 = tpu.memref_slice %arg6[%dma_wait3A, %scan3A_57, %dma_wait3A_62] : memref<3x16x256xi32, #tpu.memory_space<vmem>> -> memref<1x1x256xi32, #tpu.memory_space<vmem>>
        %dma_wait3A_64 = tpu.memref_squeeze %dma_wait3A_63 : memref<1x1x256xi32, #tpu.memory_space<vmem>> -> memref<256xi32, #tpu.memory_space<vmem>>
        %dma_wait3A_65 = arith.constant 0 : i32
        %dma_wait3A_66 = tpu.memref_slice %arg3[%dma_wait3A_65] : memref<41600000xf32, #tpu.memory_space<hbm>> -> memref<41600000xf32, #tpu.memory_space<hbm>>
        tpu.wait_indirect_dma semaphore(%arg9 : memref<!tpu.dma_semaphore, #tpu.memory_space<semaphore_mem>>) src(%dma_wait3A_66 : memref<41600000xf32, #tpu.memory_space<hbm>>) dst(%dma_wait3A_61 : memref<256xf32, #tpu.memory_space<vmem>>)
      }
      %scan3A_38 = arith.constant 16 : i32
      %scan3A_39 = arith.constant 0 : i32
      %scan3A_40 = arith.constant 0 : i32
      %scan3A_41 = arith.constant 16 : i32
      %scan3A_42 = arith.addi %scan3A_40, %scan3A_41 : i32
      %scan3A_43 = arith.constant 1 : i32
      scf.for %scan3A_57 = %scan3A_40 to %scan3A_42 step %scan3A_43  : i32 {
        %broadcast_in_dim3A = arith.constant 176 : i32
        %broadcast_in_dim3A_58 = vector.broadcast %broadcast_in_dim3A : i32 to vector<16xi32>
        %add3A_59 = vector.broadcast %scan3A_57 : i32 to vector<16xi32>
        %add3A_60 = arith.addi %broadcast_in_dim3A_58, %add3A_59 : vector<16xi32>
        %get3A = arith.constant 2 : i32
        %get3A_61 = arith.index_cast %get3A : i32 to index
        %get3A_62 = arith.index_cast %scan3A_57 : i32 to index
        %get3A_63 = arith.constant 0 : index
        %get3A_64 = tpu.vector_load %arg7[%get3A_61, %get3A_62, %get3A_63] {strides = array<i32>} : memref<3x16x256xf32, #tpu.memory_space<vmem>>, vector<16xf32>,
        %add3A_65 = arith.constant 0 : i32
        %add3A_66 = vector.broadcast %add3A_65 : i32 to vector<16xi32>
        %add3A_67 = arith.addi %add3A_66, %iota3A : vector<16xi32>
        tpu.vector_store_idx %arg8[%add3A_67, %add3A_60], %get3A_64 : memref<256x208xf32, #tpu.memory_space<vmem>>[vector<16xi32>, vector<16xi32>], vector<16xf32>,
        %get3A_68 = arith.constant 2 : i32
        %get3A_69 = arith.index_cast %get3A_68 : i32 to index
        %get3A_70 = arith.index_cast %scan3A_57 : i32 to index
        %get3A_71 = arith.constant 16 : index
        %get3A_72 = tpu.vector_load %arg7[%get3A_69, %get3A_70, %get3A_71] {strides = array<i32>} : memref<3x16x256xf32, #tpu.memory_space<vmem>>, vector<16xf32>,
        %add3A_73 = arith.constant 16 : i32
        %add3A_74 = vector.broadcast %add3A_73 : i32 to vector<16xi32>
        %add3A_75 = arith.addi %add3A_74, %iota3A : vector<16xi32>
        tpu.vector_store_idx %arg8[%add3A_75, %add3A_60], %get3A_72 : memref<256x208xf32, #tpu.memory_space<vmem>>[vector<16xi32>, vector<16xi32>], vector<16xf32>,
        %get3A_76 = arith.constant 2 : i32
        %get3A_77 = arith.index_cast %get3A_76 : i32 to index
        %get3A_78 = arith.index_cast %scan3A_57 : i32 to index
        %get3A_79 = arith.constant 32 : index
        %get3A_80 = tpu.vector_load %arg7[%get3A_77, %get3A_78, %get3A_79] {strides = array<i32>} : memref<3x16x256xf32, #tpu.memory_space<vmem>>, vector<16xf32>,
        %add3A_81 = arith.constant 32 : i32
        %add3A_82 = vector.broadcast %add3A_81 : i32 to vector<16xi32>
        %add3A_83 = arith.addi %add3A_82, %iota3A : vector<16xi32>
        tpu.vector_store_idx %arg8[%add3A_83, %add3A_60], %get3A_80 : memref<256x208xf32, #tpu.memory_space<vmem>>[vector<16xi32>, vector<16xi32>], vector<16xf32>,
        %get3A_84 = arith.constant 2 : i32
        %get3A_85 = arith.index_cast %get3A_84 : i32 to index
        %get3A_86 = arith.index_cast %scan3A_57 : i32 to index
        %get3A_87 = arith.constant 48 : index
        %get3A_88 = tpu.vector_load %arg7[%get3A_85, %get3A_86, %get3A_87] {strides = array<i32>} : memref<3x16x256xf32, #tpu.memory_space<vmem>>, vector<16xf32>,
        %add3A_89 = arith.constant 48 : i32
        %add3A_90 = vector.broadcast %add3A_89 : i32 to vector<16xi32>
        %add3A_91 = arith.addi %add3A_90, %iota3A : vector<16xi32>
        tpu.vector_store_idx %arg8[%add3A_91, %add3A_60], %get3A_88 : memref<256x208xf32, #tpu.memory_space<vmem>>[vector<16xi32>, vector<16xi32>], vector<16xf32>,
        %get3A_92 = arith.constant 2 : i32
        %get3A_93 = arith.index_cast %get3A_92 : i32 to index
        %get3A_94 = arith.index_cast %scan3A_57 : i32 to index
        %get3A_95 = arith.constant 64 : index
        %get3A_96 = tpu.vector_load %arg7[%get3A_93, %get3A_94, %get3A_95] {strides = array<i32>} : memref<3x16x256xf32, #tpu.memory_space<vmem>>, vector<16xf32>,
        %add3A_97 = arith.constant 64 : i32
        %add3A_98 = vector.broadcast %add3A_97 : i32 to vector<16xi32>
        %add3A_99 = arith.addi %add3A_98, %iota3A : vector<16xi32>
        tpu.vector_store_idx %arg8[%add3A_99, %add3A_60], %get3A_96 : memref<256x208xf32, #tpu.memory_space<vmem>>[vector<16xi32>, vector<16xi32>], vector<16xf32>,
        %get3A_100 = arith.constant 2 : i32
        %get3A_101 = arith.index_cast %get3A_100 : i32 to index
        %get3A_102 = arith.index_cast %scan3A_57 : i32 to index
        %get3A_103 = arith.constant 80 : index
        %get3A_104 = tpu.vector_load %arg7[%get3A_101, %get3A_102, %get3A_103] {strides = array<i32>} : memref<3x16x256xf32, #tpu.memory_space<vmem>>, vector<16xf32>,
        %add3A_105 = arith.constant 80 : i32
        %add3A_106 = vector.broadcast %add3A_105 : i32 to vector<16xi32>
        %add3A_107 = arith.addi %add3A_106, %iota3A : vector<16xi32>
        tpu.vector_store_idx %arg8[%add3A_107, %add3A_60], %get3A_104 : memref<256x208xf32, #tpu.memory_space<vmem>>[vector<16xi32>, vector<16xi32>], vector<16xf32>,
        %get3A_108 = arith.constant 2 : i32
        %get3A_109 = arith.index_cast %get3A_108 : i32 to index
        %get3A_110 = arith.index_cast %scan3A_57 : i32 to index
        %get3A_111 = arith.constant 96 : index
        %get3A_112 = tpu.vector_load %arg7[%get3A_109, %get3A_110, %get3A_111] {strides = array<i32>} : memref<3x16x256xf32, #tpu.memory_space<vmem>>, vector<16xf32>,
        %add3A_113 = arith.constant 96 : i32
        %add3A_114 = vector.broadcast %add3A_113 : i32 to vector<16xi32>
        %add3A_115 = arith.addi %add3A_114, %iota3A : vector<16xi32>
        tpu.vector_store_idx %arg8[%add3A_115, %add3A_60], %get3A_112 : memref<256x208xf32, #tpu.memory_space<vmem>>[vector<16xi32>, vector<16xi32>], vector<16xf32>,
        %get3A_116 = arith.constant 2 : i32
        %get3A_117 = arith.index_cast %get3A_116 : i32 to index
        %get3A_118 = arith.index_cast %scan3A_57 : i32 to index
        %get3A_119 = arith.constant 112 : index
        %get3A_120 = tpu.vector_load %arg7[%get3A_117, %get3A_118, %get3A_119] {strides = array<i32>} : memref<3x16x256xf32, #tpu.memory_space<vmem>>, vector<16xf32>,
        %add3A_121 = arith.constant 112 : i32
        %add3A_122 = vector.broadcast %add3A_121 : i32 to vector<16xi32>
        %add3A_123 = arith.addi %add3A_122, %iota3A : vector<16xi32>
        tpu.vector_store_idx %arg8[%add3A_123, %add3A_60], %get3A_120 : memref<256x208xf32, #tpu.memory_space<vmem>>[vector<16xi32>, vector<16xi32>], vector<16xf32>,
        %get3A_124 = arith.constant 2 : i32
        %get3A_125 = arith.index_cast %get3A_124 : i32 to index
        %get3A_126 = arith.index_cast %scan3A_57 : i32 to index
        %get3A_127 = arith.constant 128 : index
        %get3A_128 = tpu.vector_load %arg7[%get3A_125, %get3A_126, %get3A_127] {strides = array<i32>} : memref<3x16x256xf32, #tpu.memory_space<vmem>>, vector<16xf32>,
        %add3A_129 = arith.constant 128 : i32
        %add3A_130 = vector.broadcast %add3A_129 : i32 to vector<16xi32>
        %add3A_131 = arith.addi %add3A_130, %iota3A : vector<16xi32>
        tpu.vector_store_idx %arg8[%add3A_131, %add3A_60], %get3A_128 : memref<256x208xf32, #tpu.memory_space<vmem>>[vector<16xi32>, vector<16xi32>], vector<16xf32>,
        %get3A_132 = arith.constant 2 : i32
        %get3A_133 = arith.index_cast %get3A_132 : i32 to index
        %get3A_134 = arith.index_cast %scan3A_57 : i32 to index
        %get3A_135 = arith.constant 144 : index
        %get3A_136 = tpu.vector_load %arg7[%get3A_133, %get3A_134, %get3A_135] {strides = array<i32>} : memref<3x16x256xf32, #tpu.memory_space<vmem>>, vector<16xf32>,
        %add3A_137 = arith.constant 144 : i32
        %add3A_138 = vector.broadcast %add3A_137 : i32 to vector<16xi32>
        %add3A_139 = arith.addi %add3A_138, %iota3A : vector<16xi32>
        tpu.vector_store_idx %arg8[%add3A_139, %add3A_60], %get3A_136 : memref<256x208xf32, #tpu.memory_space<vmem>>[vector<16xi32>, vector<16xi32>], vector<16xf32>,
        %get3A_140 = arith.constant 2 : i32
        %get3A_141 = arith.index_cast %get3A_140 : i32 to index
        %get3A_142 = arith.index_cast %scan3A_57 : i32 to index
        %get3A_143 = arith.constant 160 : index
        %get3A_144 = tpu.vector_load %arg7[%get3A_141, %get3A_142, %get3A_143] {strides = array<i32>} : memref<3x16x256xf32, #tpu.memory_space<vmem>>, vector<16xf32>,
        %add3A_145 = arith.constant 160 : i32
        %add3A_146 = vector.broadcast %add3A_145 : i32 to vector<16xi32>
        %add3A_147 = arith.addi %add3A_146, %iota3A : vector<16xi32>
        tpu.vector_store_idx %arg8[%add3A_147, %add3A_60], %get3A_144 : memref<256x208xf32, #tpu.memory_space<vmem>>[vector<16xi32>, vector<16xi32>], vector<16xf32>,
        %get3A_148 = arith.constant 2 : i32
        %get3A_149 = arith.index_cast %get3A_148 : i32 to index
        %get3A_150 = arith.index_cast %scan3A_57 : i32 to index
        %get3A_151 = arith.constant 176 : index
        %get3A_152 = tpu.vector_load %arg7[%get3A_149, %get3A_150, %get3A_151] {strides = array<i32>} : memref<3x16x256xf32, #tpu.memory_space<vmem>>, vector<16xf32>,
        %add3A_153 = arith.constant 176 : i32
        %add3A_154 = vector.broadcast %add3A_153 : i32 to vector<16xi32>
        %add3A_155 = arith.addi %add3A_154, %iota3A : vector<16xi32>
        tpu.vector_store_idx %arg8[%add3A_155, %add3A_60], %get3A_152 : memref<256x208xf32, #tpu.memory_space<vmem>>[vector<16xi32>, vector<16xi32>], vector<16xf32>,
        %get3A_156 = arith.constant 2 : i32
        %get3A_157 = arith.index_cast %get3A_156 : i32 to index
        %get3A_158 = arith.index_cast %scan3A_57 : i32 to index
        %get3A_159 = arith.constant 192 : index
        %get3A_160 = tpu.vector_load %arg7[%get3A_157, %get3A_158, %get3A_159] {strides = array<i32>} : memref<3x16x256xf32, #tpu.memory_space<vmem>>, vector<16xf32>,
        %add3A_161 = arith.constant 192 : i32
        %add3A_162 = vector.broadcast %add3A_161 : i32 to vector<16xi32>
        %add3A_163 = arith.addi %add3A_162, %iota3A : vector<16xi32>
        tpu.vector_store_idx %arg8[%add3A_163, %add3A_60], %get3A_160 : memref<256x208xf32, #tpu.memory_space<vmem>>[vector<16xi32>, vector<16xi32>], vector<16xf32>,
        %get3A_164 = arith.constant 2 : i32
        %get3A_165 = arith.index_cast %get3A_164 : i32 to index
        %get3A_166 = arith.index_cast %scan3A_57 : i32 to index
        %get3A_167 = arith.constant 208 : index
        %get3A_168 = tpu.vector_load %arg7[%get3A_165, %get3A_166, %get3A_167] {strides = array<i32>} : memref<3x16x256xf32, #tpu.memory_space<vmem>>, vector<16xf32>,
        %add3A_169 = arith.constant 208 : i32
        %add3A_170 = vector.broadcast %add3A_169 : i32 to vector<16xi32>
        %add3A_171 = arith.addi %add3A_170, %iota3A : vector<16xi32>
        tpu.vector_store_idx %arg8[%add3A_171, %add3A_60], %get3A_168 : memref<256x208xf32, #tpu.memory_space<vmem>>[vector<16xi32>, vector<16xi32>], vector<16xf32>,
        %get3A_172 = arith.constant 2 : i32
        %get3A_173 = arith.index_cast %get3A_172 : i32 to index
        %get3A_174 = arith.index_cast %scan3A_57 : i32 to index
        %get3A_175 = arith.constant 224 : index
        %get3A_176 = tpu.vector_load %arg7[%get3A_173, %get3A_174, %get3A_175] {strides = array<i32>} : memref<3x16x256xf32, #tpu.memory_space<vmem>>, vector<16xf32>,
        %add3A_177 = arith.constant 224 : i32
        %add3A_178 = vector.broadcast %add3A_177 : i32 to vector<16xi32>
        %add3A_179 = arith.addi %add3A_178, %iota3A : vector<16xi32>
        tpu.vector_store_idx %arg8[%add3A_179, %add3A_60], %get3A_176 : memref<256x208xf32, #tpu.memory_space<vmem>>[vector<16xi32>, vector<16xi32>], vector<16xf32>,
        %get3A_180 = arith.constant 2 : i32
        %get3A_181 = arith.index_cast %get3A_180 : i32 to index
        %get3A_182 = arith.index_cast %scan3A_57 : i32 to index
        %get3A_183 = arith.constant 240 : index
        %get3A_184 = tpu.vector_load %arg7[%get3A_181, %get3A_182, %get3A_183] {strides = array<i32>} : memref<3x16x256xf32, #tpu.memory_space<vmem>>, vector<16xf32>,
        %add3A_185 = arith.constant 240 : i32
        %add3A_186 = vector.broadcast %add3A_185 : i32 to vector<16xi32>
        %add3A_187 = arith.addi %add3A_186, %iota3A : vector<16xi32>
        tpu.vector_store_idx %arg8[%add3A_187, %add3A_60], %get3A_184 : memref<256x208xf32, #tpu.memory_space<vmem>>[vector<16xi32>, vector<16xi32>], vector<16xf32>,
      }
      %scan3A_44 = arith.constant 16 : i32
      %scan3A_45 = arith.constant 0 : i32
      %scan3A_46 = arith.constant 0 : i32
      %scan3A_47 = arith.constant 16 : i32
      %scan3A_48 = arith.addi %scan3A_46, %scan3A_47 : i32
      %scan3A_49 = arith.constant 1 : i32
      scf.for %scan3A_57 = %scan3A_46 to %scan3A_48 step %scan3A_49  : i32 {
        %dma_wait3A = arith.constant 0 : i32
        %dma_wait3A_58 = arith.constant 0 : i32
        %dma_wait3A_59 = arith.constant 0 : i32
        %dma_wait3A_60 = tpu.memref_slice %arg7[%dma_wait3A_58, %scan3A_57, %dma_wait3A_59] : memref<3x16x256xf32, #tpu.memory_space<vmem>> -> memref<1x1x256xf32, #tpu.memory_space<vmem>>
        %dma_wait3A_61 = tpu.memref_squeeze %dma_wait3A_60 : memref<1x1x256xf32, #tpu.memory_space<vmem>> -> memref<256xf32, #tpu.memory_space<vmem>>
        %dma_wait3A_62 = arith.constant 0 : i32
        %dma_wait3A_63 = tpu.memref_slice %arg6[%dma_wait3A, %scan3A_57, %dma_wait3A_62] : memref<3x16x256xi32, #tpu.memory_space<vmem>> -> memref<1x1x256xi32, #tpu.memory_space<vmem>>
        %dma_wait3A_64 = tpu.memref_squeeze %dma_wait3A_63 : memref<1x1x256xi32, #tpu.memory_space<vmem>> -> memref<256xi32, #tpu.memory_space<vmem>>
        %dma_wait3A_65 = arith.constant 0 : i32
        %dma_wait3A_66 = tpu.memref_slice %arg3[%dma_wait3A_65] : memref<41600000xf32, #tpu.memory_space<hbm>> -> memref<41600000xf32, #tpu.memory_space<hbm>>
        tpu.wait_indirect_dma semaphore(%arg9 : memref<!tpu.dma_semaphore, #tpu.memory_space<semaphore_mem>>) src(%dma_wait3A_66 : memref<41600000xf32, #tpu.memory_space<hbm>>) dst(%dma_wait3A_61 : memref<256xf32, #tpu.memory_space<vmem>>)
      }
      %scan3A_50 = arith.constant 16 : i32
      %scan3A_51 = arith.constant 0 : i32
      %scan3A_52 = arith.constant 0 : i32
      %scan3A_53 = arith.constant 16 : i32
      %scan3A_54 = arith.addi %scan3A_52, %scan3A_53 : i32
      %scan3A_55 = arith.constant 1 : i32
      scf.for %scan3A_57 = %scan3A_52 to %scan3A_54 step %scan3A_55  : i32 {
        %broadcast_in_dim3A = arith.constant 192 : i32
        %broadcast_in_dim3A_58 = vector.broadcast %broadcast_in_dim3A : i32 to vector<16xi32>
        %add3A_59 = vector.broadcast %scan3A_57 : i32 to vector<16xi32>
        %add3A_60 = arith.addi %broadcast_in_dim3A_58, %add3A_59 : vector<16xi32>
        %get3A = arith.constant 0 : i32
        %get3A_61 = arith.index_cast %get3A : i32 to index
        %get3A_62 = arith.index_cast %scan3A_57 : i32 to index
        %get3A_63 = arith.constant 0 : index
        %get3A_64 = tpu.vector_load %arg7[%get3A_61, %get3A_62, %get3A_63] {strides = array<i32>} : memref<3x16x256xf32, #tpu.memory_space<vmem>>, vector<16xf32>,
        %add3A_65 = arith.constant 0 : i32
        %add3A_66 = vector.broadcast %add3A_65 : i32 to vector<16xi32>
        %add3A_67 = arith.addi %add3A_66, %iota3A : vector<16xi32>
        tpu.vector_store_idx %arg8[%add3A_67, %add3A_60], %get3A_64 : memref<256x208xf32, #tpu.memory_space<vmem>>[vector<16xi32>, vector<16xi32>], vector<16xf32>,
        %get3A_68 = arith.constant 0 : i32
        %get3A_69 = arith.index_cast %get3A_68 : i32 to index
        %get3A_70 = arith.index_cast %scan3A_57 : i32 to index
        %get3A_71 = arith.constant 16 : index
        %get3A_72 = tpu.vector_load %arg7[%get3A_69, %get3A_70, %get3A_71] {strides = array<i32>} : memref<3x16x256xf32, #tpu.memory_space<vmem>>, vector<16xf32>,
        %add3A_73 = arith.constant 16 : i32
        %add3A_74 = vector.broadcast %add3A_73 : i32 to vector<16xi32>
        %add3A_75 = arith.addi %add3A_74, %iota3A : vector<16xi32>
        tpu.vector_store_idx %arg8[%add3A_75, %add3A_60], %get3A_72 : memref<256x208xf32, #tpu.memory_space<vmem>>[vector<16xi32>, vector<16xi32>], vector<16xf32>,
        %get3A_76 = arith.constant 0 : i32
        %get3A_77 = arith.index_cast %get3A_76 : i32 to index
        %get3A_78 = arith.index_cast %scan3A_57 : i32 to index
        %get3A_79 = arith.constant 32 : index
        %get3A_80 = tpu.vector_load %arg7[%get3A_77, %get3A_78, %get3A_79] {strides = array<i32>} : memref<3x16x256xf32, #tpu.memory_space<vmem>>, vector<16xf32>,
        %add3A_81 = arith.constant 32 : i32
        %add3A_82 = vector.broadcast %add3A_81 : i32 to vector<16xi32>
        %add3A_83 = arith.addi %add3A_82, %iota3A : vector<16xi32>
        tpu.vector_store_idx %arg8[%add3A_83, %add3A_60], %get3A_80 : memref<256x208xf32, #tpu.memory_space<vmem>>[vector<16xi32>, vector<16xi32>], vector<16xf32>,
        %get3A_84 = arith.constant 0 : i32
        %get3A_85 = arith.index_cast %get3A_84 : i32 to index
        %get3A_86 = arith.index_cast %scan3A_57 : i32 to index
        %get3A_87 = arith.constant 48 : index
        %get3A_88 = tpu.vector_load %arg7[%get3A_85, %get3A_86, %get3A_87] {strides = array<i32>} : memref<3x16x256xf32, #tpu.memory_space<vmem>>, vector<16xf32>,
        %add3A_89 = arith.constant 48 : i32
        %add3A_90 = vector.broadcast %add3A_89 : i32 to vector<16xi32>
        %add3A_91 = arith.addi %add3A_90, %iota3A : vector<16xi32>
        tpu.vector_store_idx %arg8[%add3A_91, %add3A_60], %get3A_88 : memref<256x208xf32, #tpu.memory_space<vmem>>[vector<16xi32>, vector<16xi32>], vector<16xf32>,
        %get3A_92 = arith.constant 0 : i32
        %get3A_93 = arith.index_cast %get3A_92 : i32 to index
        %get3A_94 = arith.index_cast %scan3A_57 : i32 to index
        %get3A_95 = arith.constant 64 : index
        %get3A_96 = tpu.vector_load %arg7[%get3A_93, %get3A_94, %get3A_95] {strides = array<i32>} : memref<3x16x256xf32, #tpu.memory_space<vmem>>, vector<16xf32>,
        %add3A_97 = arith.constant 64 : i32
        %add3A_98 = vector.broadcast %add3A_97 : i32 to vector<16xi32>
        %add3A_99 = arith.addi %add3A_98, %iota3A : vector<16xi32>
        tpu.vector_store_idx %arg8[%add3A_99, %add3A_60], %get3A_96 : memref<256x208xf32, #tpu.memory_space<vmem>>[vector<16xi32>, vector<16xi32>], vector<16xf32>,
        %get3A_100 = arith.constant 0 : i32
        %get3A_101 = arith.index_cast %get3A_100 : i32 to index
        %get3A_102 = arith.index_cast %scan3A_57 : i32 to index
        %get3A_103 = arith.constant 80 : index
        %get3A_104 = tpu.vector_load %arg7[%get3A_101, %get3A_102, %get3A_103] {strides = array<i32>} : memref<3x16x256xf32, #tpu.memory_space<vmem>>, vector<16xf32>,
        %add3A_105 = arith.constant 80 : i32
        %add3A_106 = vector.broadcast %add3A_105 : i32 to vector<16xi32>
        %add3A_107 = arith.addi %add3A_106, %iota3A : vector<16xi32>
        tpu.vector_store_idx %arg8[%add3A_107, %add3A_60], %get3A_104 : memref<256x208xf32, #tpu.memory_space<vmem>>[vector<16xi32>, vector<16xi32>], vector<16xf32>,
        %get3A_108 = arith.constant 0 : i32
        %get3A_109 = arith.index_cast %get3A_108 : i32 to index
        %get3A_110 = arith.index_cast %scan3A_57 : i32 to index
        %get3A_111 = arith.constant 96 : index
        %get3A_112 = tpu.vector_load %arg7[%get3A_109, %get3A_110, %get3A_111] {strides = array<i32>} : memref<3x16x256xf32, #tpu.memory_space<vmem>>, vector<16xf32>,
        %add3A_113 = arith.constant 96 : i32
        %add3A_114 = vector.broadcast %add3A_113 : i32 to vector<16xi32>
        %add3A_115 = arith.addi %add3A_114, %iota3A : vector<16xi32>
        tpu.vector_store_idx %arg8[%add3A_115, %add3A_60], %get3A_112 : memref<256x208xf32, #tpu.memory_space<vmem>>[vector<16xi32>, vector<16xi32>], vector<16xf32>,
        %get3A_116 = arith.constant 0 : i32
        %get3A_117 = arith.index_cast %get3A_116 : i32 to index
        %get3A_118 = arith.index_cast %scan3A_57 : i32 to index
        %get3A_119 = arith.constant 112 : index
        %get3A_120 = tpu.vector_load %arg7[%get3A_117, %get3A_118, %get3A_119] {strides = array<i32>} : memref<3x16x256xf32, #tpu.memory_space<vmem>>, vector<16xf32>,
        %add3A_121 = arith.constant 112 : i32
        %add3A_122 = vector.broadcast %add3A_121 : i32 to vector<16xi32>
        %add3A_123 = arith.addi %add3A_122, %iota3A : vector<16xi32>
        tpu.vector_store_idx %arg8[%add3A_123, %add3A_60], %get3A_120 : memref<256x208xf32, #tpu.memory_space<vmem>>[vector<16xi32>, vector<16xi32>], vector<16xf32>,
        %get3A_124 = arith.constant 0 : i32
        %get3A_125 = arith.index_cast %get3A_124 : i32 to index
        %get3A_126 = arith.index_cast %scan3A_57 : i32 to index
        %get3A_127 = arith.constant 128 : index
        %get3A_128 = tpu.vector_load %arg7[%get3A_125, %get3A_126, %get3A_127] {strides = array<i32>} : memref<3x16x256xf32, #tpu.memory_space<vmem>>, vector<16xf32>,
        %add3A_129 = arith.constant 128 : i32
        %add3A_130 = vector.broadcast %add3A_129 : i32 to vector<16xi32>
        %add3A_131 = arith.addi %add3A_130, %iota3A : vector<16xi32>
        tpu.vector_store_idx %arg8[%add3A_131, %add3A_60], %get3A_128 : memref<256x208xf32, #tpu.memory_space<vmem>>[vector<16xi32>, vector<16xi32>], vector<16xf32>,
        %get3A_132 = arith.constant 0 : i32
        %get3A_133 = arith.index_cast %get3A_132 : i32 to index
        %get3A_134 = arith.index_cast %scan3A_57 : i32 to index
        %get3A_135 = arith.constant 144 : index
        %get3A_136 = tpu.vector_load %arg7[%get3A_133, %get3A_134, %get3A_135] {strides = array<i32>} : memref<3x16x256xf32, #tpu.memory_space<vmem>>, vector<16xf32>,
        %add3A_137 = arith.constant 144 : i32
        %add3A_138 = vector.broadcast %add3A_137 : i32 to vector<16xi32>
        %add3A_139 = arith.addi %add3A_138, %iota3A : vector<16xi32>
        tpu.vector_store_idx %arg8[%add3A_139, %add3A_60], %get3A_136 : memref<256x208xf32, #tpu.memory_space<vmem>>[vector<16xi32>, vector<16xi32>], vector<16xf32>,
        %get3A_140 = arith.constant 0 : i32
        %get3A_141 = arith.index_cast %get3A_140 : i32 to index
        %get3A_142 = arith.index_cast %scan3A_57 : i32 to index
        %get3A_143 = arith.constant 160 : index
        %get3A_144 = tpu.vector_load %arg7[%get3A_141, %get3A_142, %get3A_143] {strides = array<i32>} : memref<3x16x256xf32, #tpu.memory_space<vmem>>, vector<16xf32>,
        %add3A_145 = arith.constant 160 : i32
        %add3A_146 = vector.broadcast %add3A_145 : i32 to vector<16xi32>
        %add3A_147 = arith.addi %add3A_146, %iota3A : vector<16xi32>
        tpu.vector_store_idx %arg8[%add3A_147, %add3A_60], %get3A_144 : memref<256x208xf32, #tpu.memory_space<vmem>>[vector<16xi32>, vector<16xi32>], vector<16xf32>,
        %get3A_148 = arith.constant 0 : i32
        %get3A_149 = arith.index_cast %get3A_148 : i32 to index
        %get3A_150 = arith.index_cast %scan3A_57 : i32 to index
        %get3A_151 = arith.constant 176 : index
        %get3A_152 = tpu.vector_load %arg7[%get3A_149, %get3A_150, %get3A_151] {strides = array<i32>} : memref<3x16x256xf32, #tpu.memory_space<vmem>>, vector<16xf32>,
        %add3A_153 = arith.constant 176 : i32
        %add3A_154 = vector.broadcast %add3A_153 : i32 to vector<16xi32>
        %add3A_155 = arith.addi %add3A_154, %iota3A : vector<16xi32>
        tpu.vector_store_idx %arg8[%add3A_155, %add3A_60], %get3A_152 : memref<256x208xf32, #tpu.memory_space<vmem>>[vector<16xi32>, vector<16xi32>], vector<16xf32>,
        %get3A_156 = arith.constant 0 : i32
        %get3A_157 = arith.index_cast %get3A_156 : i32 to index
        %get3A_158 = arith.index_cast %scan3A_57 : i32 to index
        %get3A_159 = arith.constant 192 : index
        %get3A_160 = tpu.vector_load %arg7[%get3A_157, %get3A_158, %get3A_159] {strides = array<i32>} : memref<3x16x256xf32, #tpu.memory_space<vmem>>, vector<16xf32>,
        %add3A_161 = arith.constant 192 : i32
        %add3A_162 = vector.broadcast %add3A_161 : i32 to vector<16xi32>
        %add3A_163 = arith.addi %add3A_162, %iota3A : vector<16xi32>
        tpu.vector_store_idx %arg8[%add3A_163, %add3A_60], %get3A_160 : memref<256x208xf32, #tpu.memory_space<vmem>>[vector<16xi32>, vector<16xi32>], vector<16xf32>,
        %get3A_164 = arith.constant 0 : i32
        %get3A_165 = arith.index_cast %get3A_164 : i32 to index
        %get3A_166 = arith.index_cast %scan3A_57 : i32 to index
        %get3A_167 = arith.constant 208 : index
        %get3A_168 = tpu.vector_load %arg7[%get3A_165, %get3A_166, %get3A_167] {strides = array<i32>} : memref<3x16x256xf32, #tpu.memory_space<vmem>>, vector<16xf32>,
        %add3A_169 = arith.constant 208 : i32
        %add3A_170 = vector.broadcast %add3A_169 : i32 to vector<16xi32>
        %add3A_171 = arith.addi %add3A_170, %iota3A : vector<16xi32>
        tpu.vector_store_idx %arg8[%add3A_171, %add3A_60], %get3A_168 : memref<256x208xf32, #tpu.memory_space<vmem>>[vector<16xi32>, vector<16xi32>], vector<16xf32>,
        %get3A_172 = arith.constant 0 : i32
        %get3A_173 = arith.index_cast %get3A_172 : i32 to index
        %get3A_174 = arith.index_cast %scan3A_57 : i32 to index
        %get3A_175 = arith.constant 224 : index
        %get3A_176 = tpu.vector_load %arg7[%get3A_173, %get3A_174, %get3A_175] {strides = array<i32>} : memref<3x16x256xf32, #tpu.memory_space<vmem>>, vector<16xf32>,
        %add3A_177 = arith.constant 224 : i32
        %add3A_178 = vector.broadcast %add3A_177 : i32 to vector<16xi32>
        %add3A_179 = arith.addi %add3A_178, %iota3A : vector<16xi32>
        tpu.vector_store_idx %arg8[%add3A_179, %add3A_60], %get3A_176 : memref<256x208xf32, #tpu.memory_space<vmem>>[vector<16xi32>, vector<16xi32>], vector<16xf32>,
        %get3A_180 = arith.constant 0 : i32
        %get3A_181 = arith.index_cast %get3A_180 : i32 to index
        %get3A_182 = arith.index_cast %scan3A_57 : i32 to index
        %get3A_183 = arith.constant 240 : index
        %get3A_184 = tpu.vector_load %arg7[%get3A_181, %get3A_182, %get3A_183] {strides = array<i32>} : memref<3x16x256xf32, #tpu.memory_space<vmem>>, vector<16xf32>,
        %add3A_185 = arith.constant 240 : i32
        %add3A_186 = vector.broadcast %add3A_185 : i32 to vector<16xi32>
        %add3A_187 = arith.addi %add3A_186, %iota3A : vector<16xi32>
        tpu.vector_store_idx %arg8[%add3A_187, %add3A_60], %get3A_184 : memref<256x208xf32, #tpu.memory_space<vmem>>[vector<16xi32>, vector<16xi32>], vector<16xf32>,
      }
      %scan3A_56 = arith.constant 16 : i32
      "tpu.region"() ({
        %run_scoped3A_57 = tpu.sem_alloc : memref<!tpu.dma_semaphore, #tpu.memory_space<semaphore_mem>>
        %dma_start3A = arith.constant 0 : i32
        %dma_start3A_58 = tpu.memref_slice %arg4[%add3A_11, %dma_start3A] : memref<16384x208xf32, #tpu.memory_space<hbm>> -> memref<256x208xf32, #tpu.memory_space<hbm>>
        %dma_start3A_59 = arith.constant 0 : i32
        %dma_start3A_60 = tpu.memref_slice %arg4[%add3A_11, %dma_start3A_59] : memref<16384x208xf32, #tpu.memory_space<hbm>> -> memref<256x208xf32, #tpu.memory_space<hbm>>
        tpu.enqueue_dma source(%arg8 : memref<256x208xf32, #tpu.memory_space<vmem>>) target(%dma_start3A_60 : memref<256x208xf32, #tpu.memory_space<hbm>>) target_semaphore(%run_scoped3A_57 : memref<!tpu.dma_semaphore, #tpu.memory_space<semaphore_mem>>)
        %dma_wait3A = arith.constant 0 : i32
        %dma_wait3A_61 = tpu.memref_slice %arg4[%add3A_11, %dma_wait3A] : memref<16384x208xf32, #tpu.memory_space<hbm>> -> memref<256x208xf32, #tpu.memory_space<hbm>>
        %dma_wait3A_62 = arith.constant 0 : i32
        %dma_wait3A_63 = tpu.memref_slice %arg4[%add3A_11, %dma_wait3A_62] : memref<16384x208xf32, #tpu.memory_space<hbm>> -> memref<256x208xf32, #tpu.memory_space<hbm>>
        tpu.wait_dma2 semaphore(%run_scoped3A_57 : memref<!tpu.dma_semaphore, #tpu.memory_space<semaphore_mem>>) src(%arg8 : memref<256x208xf32, #tpu.memory_space<vmem>>) dst(%dma_wait3A_63 : memref<256x208xf32, #tpu.memory_space<hbm>>)
        tpu.yield
      }) : () -> ()
    }
    %scan3A_5 = arith.constant 2 : i32
    return
  }
}

module attributes {stable_mosaic.version = 14 : i64} {
  func.func @_mlp_body(%arg0: i32, %arg1: memref<1024x208xf32, #tpu.memory_space<vmem>>, %arg2: memref<1024x208xf32, #tpu.memory_space<vmem>>, %arg3: memref<208x512xf32, #tpu.memory_space<vmem>>, %arg4: memref<208x512xf32, #tpu.memory_space<vmem>>, %arg5: memref<1x512xf32, #tpu.memory_space<vmem>>, %arg6: memref<512x256xf32, #tpu.memory_space<vmem>>, %arg7: memref<1x256xf32, #tpu.memory_space<vmem>>, %arg8: memref<256x1xf32, #tpu.memory_space<vmem>>, %arg9: memref<1x1xf32, #tpu.memory_space<vmem>>, %arg10: memref<1024x1xf32, #tpu.memory_space<vmem>>) attributes {dimension_semantics = [#tpu.dimension_semantics<arbitrary>], iteration_bounds = array<i64: 16>, scalar_prefetch = 0 : i64, scratch_operands = 0 : i64, tpu.core_type = #tpu.core_type<tc>, window_params = [{transform_indices = @transform_0, window_bounds = array<i64: 1024, 208>}, {transform_indices = @transform_1, window_bounds = array<i64: 1024, 208>}, {pipeline_mode = #tpu.pipeline_mode<synchronous>, transform_indices = @transform_2, window_bounds = array<i64: 208, 512>}, {pipeline_mode = #tpu.pipeline_mode<synchronous>, transform_indices = @transform_3, window_bounds = array<i64: 208, 512>}, {pipeline_mode = #tpu.pipeline_mode<synchronous>, transform_indices = @transform_4, window_bounds = array<i64: 1, 512>}, {pipeline_mode = #tpu.pipeline_mode<synchronous>, transform_indices = @transform_5, window_bounds = array<i64: 512, 256>}, {pipeline_mode = #tpu.pipeline_mode<synchronous>, transform_indices = @transform_6, window_bounds = array<i64: 1, 256>}, {pipeline_mode = #tpu.pipeline_mode<synchronous>, transform_indices = @transform_7, window_bounds = array<i64: 256, 1>}, {pipeline_mode = #tpu.pipeline_mode<synchronous>, transform_indices = @transform_8, window_bounds = array<i64: 1, 1>}, {transform_indices = @transform_9, window_bounds = array<i64: 1024, 1>}]} {
    %get3A = arith.constant 0 : index
    %get3A_0 = arith.constant 0 : index
    %get3A_1 = vector.load %arg1[%get3A, %get3A_0] : memref<1024x208xf32, #tpu.memory_space<vmem>>, vector<1024x208xf32>
    %get3A_2 = arith.constant 0 : index
    %get3A_3 = arith.constant 0 : index
    %get3A_4 = vector.load %arg3[%get3A_2, %get3A_3] : memref<208x512xf32, #tpu.memory_space<vmem>>, vector<208x512xf32>
    %dot_general3A = arith.constant dense<0.000000e+00> : vector<1024x512xf32>
    %dot_general3A_5 = tpu.matmul %get3A_1, %get3A_4, %dot_general3A {dimension_numbers = #tpu.dot_dimension_numbers<[1], [0], [0], [1], [0, 0, 1, 1], [], []>, transpose_lhs_hint = false} : vector<1024x208xf32>, vector<208x512xf32>, vector<1024x512xf32> -> vector<1024x512xf32>
    %add3A = arith.constant 0.000000e+00 : f32
    %add3A_6 = vector.broadcast %add3A : f32 to vector<1024x512xf32>
    %add3A_7 = arith.addf %add3A_6, %dot_general3A_5 : vector<1024x512xf32>
    %get3A_8 = arith.constant 0 : index
    %get3A_9 = arith.constant 0 : index
    %get3A_10 = vector.load %arg2[%get3A_8, %get3A_9] : memref<1024x208xf32, #tpu.memory_space<vmem>>, vector<1024x208xf32>
    %get3A_11 = arith.constant 0 : index
    %get3A_12 = arith.constant 0 : index
    %get3A_13 = vector.load %arg4[%get3A_11, %get3A_12] : memref<208x512xf32, #tpu.memory_space<vmem>>, vector<208x512xf32>
    %dot_general3A_14 = arith.constant dense<0.000000e+00> : vector<1024x512xf32>
    %dot_general3A_15 = tpu.matmul %get3A_10, %get3A_13, %dot_general3A_14 {dimension_numbers = #tpu.dot_dimension_numbers<[1], [0], [0], [1], [0, 0, 1, 1], [], []>, transpose_lhs_hint = false} : vector<1024x208xf32>, vector<208x512xf32>, vector<1024x512xf32> -> vector<1024x512xf32>
    %add3A_16 = arith.addf %add3A_7, %dot_general3A_15 : vector<1024x512xf32>
    %get3A_17 = arith.constant 0 : index
    %get3A_18 = arith.constant 0 : index
    %get3A_19 = vector.load %arg5[%get3A_17, %get3A_18] : memref<1x512xf32, #tpu.memory_space<vmem>>, vector<1x512xf32>
    %add3A_20 = vector.broadcast %get3A_19 : vector<1x512xf32> to vector<1024x512xf32>
    %add3A_21 = arith.addf %add3A_16, %add3A_20 : vector<1024x512xf32>
    %max3A = arith.constant 0.000000e+00 : f32
    %max3A_22 = vector.broadcast %max3A : f32 to vector<1024x512xf32>
    %max3A_23 = arith.maximumf %add3A_21, %max3A_22 : vector<1024x512xf32>
    %get3A_24 = arith.constant 0 : index
    %get3A_25 = arith.constant 0 : index
    %get3A_26 = vector.load %arg6[%get3A_24, %get3A_25] : memref<512x256xf32, #tpu.memory_space<vmem>>, vector<512x256xf32>
    %dot_general3A_27 = arith.constant dense<0.000000e+00> : vector<1024x256xf32>
    %dot_general3A_28 = tpu.matmul %max3A_23, %get3A_26, %dot_general3A_27 {dimension_numbers = #tpu.dot_dimension_numbers<[1], [0], [0], [1], [0, 0, 1, 1], [], []>, transpose_lhs_hint = false} : vector<1024x512xf32>, vector<512x256xf32>, vector<1024x256xf32> -> vector<1024x256xf32>
    %get3A_29 = arith.constant 0 : index
    %get3A_30 = arith.constant 0 : index
    %get3A_31 = vector.load %arg7[%get3A_29, %get3A_30] : memref<1x256xf32, #tpu.memory_space<vmem>>, vector<1x256xf32>
    %add3A_32 = vector.broadcast %get3A_31 : vector<1x256xf32> to vector<1024x256xf32>
    %add3A_33 = arith.addf %dot_general3A_28, %add3A_32 : vector<1024x256xf32>
    %max3A_34 = arith.constant 0.000000e+00 : f32
    %max3A_35 = vector.broadcast %max3A_34 : f32 to vector<1024x256xf32>
    %max3A_36 = arith.maximumf %add3A_33, %max3A_35 : vector<1024x256xf32>
    %get3A_37 = arith.constant 0 : index
    %get3A_38 = arith.constant 0 : index
    %get3A_39 = vector.load %arg8[%get3A_37, %get3A_38] : memref<256x1xf32, #tpu.memory_space<vmem>>, vector<256x1xf32>
    %dot_general3A_40 = arith.constant dense<0.000000e+00> : vector<1024x1xf32>
    %dot_general3A_41 = tpu.matmul %max3A_36, %get3A_39, %dot_general3A_40 {dimension_numbers = #tpu.dot_dimension_numbers<[1], [0], [0], [1], [0, 0, 1, 1], [], []>, transpose_lhs_hint = false} : vector<1024x256xf32>, vector<256x1xf32>, vector<1024x1xf32> -> vector<1024x1xf32>
    %get3A_42 = arith.constant 0 : index
    %get3A_43 = arith.constant 0 : index
    %get3A_44 = vector.load %arg9[%get3A_42, %get3A_43] : memref<1x1xf32, #tpu.memory_space<vmem>>, vector<1x1xf32>
    %add3A_45 = vector.broadcast %get3A_44 : vector<1x1xf32> to vector<1024x1xf32>
    %add3A_46 = arith.addf %dot_general3A_41, %add3A_45 : vector<1024x1xf32>
    %swap3A = arith.constant 0 : index
    %swap3A_47 = arith.constant 0 : index
    %swap3A_48 = vector.load %arg10[%swap3A, %swap3A_47] : memref<1024x1xf32, #tpu.memory_space<vmem>>, vector<1024x1xf32>
    tpu.vector_store %arg10[%swap3A, %swap3A_47], %add3A_46 {strides = array<i32>} : memref<1024x1xf32, #tpu.memory_space<vmem>>, vector<1024x1xf32>,
    return
  }
  func.func @transform_0(%arg0: i32) -> (i32, i32) {
    %c0_i32 = arith.constant 0 : i32
    %c0_i32_0 = arith.constant 0 : i32
    return %arg0, %c0_i32 : i32, i32
  }
  func.func @transform_1(%arg0: i32) -> (i32, i32) {
    %c0_i32 = arith.constant 0 : i32
    %c0_i32_0 = arith.constant 0 : i32
    return %arg0, %c0_i32 : i32, i32
  }
  func.func @transform_2(%arg0: i32) -> (i32, i32) {
    %c0_i32 = arith.constant 0 : i32
    %c0_i32_0 = arith.constant 0 : i32
    %c0_i32_1 = arith.constant 0 : i32
    return %c0_i32, %c0_i32_0 : i32, i32
  }
  func.func @transform_3(%arg0: i32) -> (i32, i32) {
    %c0_i32 = arith.constant 0 : i32
    %c0_i32_0 = arith.constant 0 : i32
    %c0_i32_1 = arith.constant 0 : i32
    return %c0_i32, %c0_i32_0 : i32, i32
  }
  func.func @transform_4(%arg0: i32) -> (i32, i32) {
    %c0_i32 = arith.constant 0 : i32
    %c0_i32_0 = arith.constant 0 : i32
    %c0_i32_1 = arith.constant 0 : i32
    return %c0_i32, %c0_i32_0 : i32, i32
  }
  func.func @transform_5(%arg0: i32) -> (i32, i32) {
    %c0_i32 = arith.constant 0 : i32
    %c0_i32_0 = arith.constant 0 : i32
    %c0_i32_1 = arith.constant 0 : i32
    return %c0_i32, %c0_i32_0 : i32, i32
  }
  func.func @transform_6(%arg0: i32) -> (i32, i32) {
    %c0_i32 = arith.constant 0 : i32
    %c0_i32_0 = arith.constant 0 : i32
    %c0_i32_1 = arith.constant 0 : i32
    return %c0_i32, %c0_i32_0 : i32, i32
  }
  func.func @transform_7(%arg0: i32) -> (i32, i32) {
    %c0_i32 = arith.constant 0 : i32
    %c0_i32_0 = arith.constant 0 : i32
    %c0_i32_1 = arith.constant 0 : i32
    return %c0_i32, %c0_i32_0 : i32, i32
  }
  func.func @transform_8(%arg0: i32) -> (i32, i32) {
    %c0_i32 = arith.constant 0 : i32
    %c0_i32_0 = arith.constant 0 : i32
    %c0_i32_1 = arith.constant 0 : i32
    return %c0_i32, %c0_i32_0 : i32, i32
  }
  func.func @transform_9(%arg0: i32) -> (i32, i32) {
    %c0_i32 = arith.constant 0 : i32
    %c0_i32_0 = arith.constant 0 : i32
    return %arg0, %c0_i32 : i32, i32
  }
}

</mosaic_0001>

<sc_bundles>
// kernel: kernel.5.cloned.1.call-start
scs
__scs_entry_jumppad:
0x0: {  	(pc) =	sbr.rel $0x88, $3  }
0x1: {  	(tag) =	ssettag $0x0;
	lr =	simm.s32 $0x1  }
0x2: {  	[smem:$0x3F99] =	sst lr;
	_ =	strace $0xD0000000  }
0x3: {  	_ = 	snop  }
0x4: {  	_ = 	snop  }
0x5: {  	_ = 	snop  }
0x6: {  	_ = 	snop  }
0x7: {  	_ = 	snop  }
__scs_overlays_trampoline_lowered:
0x8: {  	[smem:$0x3FA8] =	sst s0  }
0x9: {  	[smem:$0x3FA9] =	sst s1  }
0xa: {  	[smem:$0x3FAA] =	sst s2  }
0xb: {  	[smem:$0x3FAB] =	sst s3  }
0xc: {  	[smem:$0x3FAC] =	sst s4  }
0xd: {  	[smem:$0x3FAD] =	sst s5  }
0xe: {  	[smem:$0x3FAE] =	sst s6  }
0xf: {  	[smem:$0x3FAF] =	sst s7  }
0x10: {  	[smem:$0x3FB0] =	sst s8  }
0x11: {  	[smem:$0x3FB1] =	sst s9;
	s0 =	simm.s32 @!p0 $0x0  }
0x12: {  	s1 =	sld [smem:$0x3F97];
	s0 =	simm.s32 @p0 $0x1  }
0x13: {  	[smem:$0x3FB2] =	sst s0;
	s0 =	simm.s32 @!p1 $0x0  }
0x14: {  	s2 =	sld [smem:$0x3F96];
	s0 =	simm.s32 @p1 $0x1  }
0x15: {  	[smem:$0x3FB3] =	sst s0;
	s0 =	simm.s32 @!p2 $0x0  }
0x16: {  	s3 =	sld [smem:$0x3FDB];
	s0 =	simm.s32 @p2 $0x1  }
0x17: {  	s4 =	simm.s32 $0x1BF5;
	[smem:$0x3FB5] =	sst s0  }
0x18: {  	s0 =	sld [smem:$0x3F98];
	_ =	swait.ge [sflag:s4], $0x0  }
0x19: {  	s7 =	sld [smem:$0x3F99]  }
0x1a: {  	s8 =	sadd.s32 $0xFFFFE003, lr  }
0x1b: {  	s9 =	sadd.s32 $0xFFFFFEF7, lr;
	s5 =	simm.s32 $0xFFFFFFFF;
	p2 =	slt.u32 s8, $0xFFFFF086  }
0x1c: {  	p1 =	slt.u32 s9, $0xF7A;
	s5 =	simm.s32 @!p2 $0x0  }
0x1d: {  	s5 =	simm.s32 @p1 $0x1;
	p0 =	seq.s32 s7, s2  }
0x1e: {  	s7 =	smul.u32 @!p0 $0xF7A, s2;
	p2 =	seq.s32 @!p0 s5, $0x0  }
0x1f: {  	s9 =	smul.u32 $0xF7A, s1;
	s8 =	simm.s32 @!p0 $0x1BF5;
	p2 =	por !p2, p0  }
0x20: {  	[sflag:s8] =	ssyncset.s32 @!p0 $0xFFFFF086;
	s6 =	sadd.s32 @!p0 s3, s7;
	s7 =	simm.s32 @!p0 $0x108  }
0x21: {  	s3 =	sadd.s32 s3, s9;
	s6 =	sadd.s32 @!p0 $0x88, s6;
	s7 =	simm.s32 @p2 $0x1082  }
0x22: {  	[simem:s7], [sflag:s8] =	dma.local @!p0 [hbm:s6], $0xF7A  }
0x23: {  	s9 =	sor.u32 $0xD0000000, s2;
	s6 =	simm.s32 $0x108;
	_ =	swait.ge @!p0 [sflag:s8], $0x0  }
0x24: {  	s3 =	sadd.s32 $0x88, s3;
	s6 =	simm.s32 @!p1 $0x1082;
	[sflag:s4] =	ssyncset.s32 $0xFFFFF086  }
0x25: {  	[simem:s6], [sflag:s4] =	dma.local [hbm:s3], $0xF7A  }
0x26: {  	[smem:$0x3F99] =	sst s1;
	(tag) =	ssettag s2;
	_ =	strace s9  }
0x27: {  	s1 =	sld [smem:$0x3FA9]  }
0x28: {  	s2 =	sld [smem:$0x3FAA]  }
0x29: {  	s4 =	sld [smem:$0x3FAC]  }
0x2a: {  	p0 =	seq.s32 s5, $0x0;
	s5 =	sld [smem:$0x3FAD]  }
0x2b: {  	s6 =	sld [smem:$0x3FAE]  }
0x2c: {  	s7 =	sld [smem:$0x3FAF]  }
0x2d: {  	s3 =	simm.s32 $0x108;
	s8 =	sld [smem:$0x3FB0]  }
0x2e: {  	s3 =	simm.s32 @!p0 $0x1082;
	s9 =	sld [smem:$0x3FB1]  }
0x2f: {  	lr =	sadd.s32 s0, s3;
	s0 =	sld [smem:$0x3FA8]  }
0x30: {  	s3 =	sld [smem:$0x3FAB]  }
0x31: {  	[smem:$0x3FB4] =	sst s10  }
0x32: {  	s10 =	sld [smem:$0x3FB2];
	_ =	sdelay $0x3  }
0x33: {  	p0 =	seq.s32 s10, $0x1;
	s10 =	sld [smem:$0x3FB4];
	_ =	sdelay $0x3  }
0x34: {  	[smem:$0x3FB4] =	sst s10  }
0x35: {  	s10 =	sld [smem:$0x3FB3];
	_ =	sdelay $0x3  }
0x36: {  	p1 =	seq.s32 s10, $0x1;
	s10 =	sld [smem:$0x3FB4];
	_ =	sdelay $0x3  }
0x37: {  	[smem:$0x3FB4] =	sst s10  }
0x38: {  	s10 =	sld [smem:$0x3FB5]  }
0x39: {  	_ = 	snop;
	(pc) =	sbr.ind lr, $3  }
0x3a: {  	_ = 	snop  }
0x3b: {  	_ = 	snop  }
0x3c: {  	p2 =	seq.s32 s10, $0x1;
	s10 =	sld [smem:$0x3FB4]  }
0x3d: {  	_ =	shalt  }
0x3e: {  	_ =	shalt  }
0x3f: {  	_ =	shalt  }
0x40: {  	_ =	shalt  }
0x41: {  	_ =	shalt  }
0x42: {  	_ =	shalt  }
0x43: {  	_ =	shalt  }
0x44: {  	_ =	shalt  }
0x45: {  	_ =	shalt  }
0x46: {  	_ =	shalt  }
0x47: {  	_ =	shalt  }
0x48: {  	_ =	shalt  }
0x49: {  	_ =	shalt  }
0x4a: {  	_ =	shalt  }
0x4b: {  	_ =	shalt  }
0x4c: {  	_ =	shalt  }
0x4d: {  	_ =	shalt  }
0x4e: {  	_ =	shalt  }
0x4f: {  	_ =	shalt  }
0x50: {  	_ =	shalt  }
0x51: {  	_ =	shalt  }
0x52: {  	_ =	shalt  }
0x53: {  	_ =	shalt  }
0x54: {  	_ =	shalt  }
0x55: {  	_ =	shalt  }
0x56: {  	_ =	shalt  }
0x57: {  	_ =	shalt  }
0x58: {  	_ =	shalt  }
0x59: {  	_ =	shalt  }
0x5a: {  	_ =	shalt  }
0x5b: {  	_ =	shalt  }
0x5c: {  	_ =	shalt  }
0x5d: {  	_ =	shalt  }
0x5e: {  	_ =	shalt  }
0x5f: {  	_ =	shalt  }
0x60: {  	_ =	shalt  }
0x61: {  	_ =	shalt  }
0x62: {  	_ =	shalt  }
0x63: {  	_ =	shalt  }
0x64: {  	_ =	shalt  }
0x65: {  	_ =	shalt  }
0x66: {  	_ =	shalt  }
0x67: {  	_ =	shalt  }
0x68: {  	_ =	shalt  }
0x69: {  	_ =	shalt  }
0x6a: {  	_ =	shalt  }
0x6b: {  	_ =	shalt  }
0x6c: {  	_ =	shalt  }
0x6d: {  	_ =	shalt  }
0x6e: {  	_ =	shalt  }
0x6f: {  	_ =	shalt  }
0x70: {  	_ =	shalt  }
0x71: {  	_ =	shalt  }
0x72: {  	_ =	shalt  }
0x73: {  	_ =	shalt  }
0x74: {  	_ =	shalt  }
0x75: {  	_ =	shalt  }
0x76: {  	_ =	shalt  }
0x77: {  	_ =	shalt  }
0x78: {  	_ =	shalt  }
0x79: {  	_ =	shalt  }
0x7a: {  	_ =	shalt  }
0x7b: {  	_ =	shalt  }
0x7c: {  	_ =	shalt  }
0x7d: {  	_ =	shalt  }
0x7e: {  	_ =	shalt  }
0x7f: {  	_ =	shalt  }
0x80: {  	_ =	shalt  }
0x81: {  	_ =	shalt  }
0x82: {  	_ =	shalt  }
0x83: {  	_ =	shalt  }
0x84: {  	_ =	shalt  }
0x85: {  	_ =	shalt  }
0x86: {  	_ =	shalt  }
0x87: {  	_ =	shalt  }
.Lfunc_end0:
.L_simem_size_0:
called_computation_lowered:
.L_overlay_start_0:
0x88: {  	s2 =	sld [smem:$0x3FD9]  }
0x89: {  	s3 =	sld [smem:$0x3FFE];
	_ =	sdelay $0x1  }
0x8a: {  	s1 =	srdreg.scid  }
0x8b: {  	s0 =	sand.u32 $0x1, s1  }
0x8c: {  	s17 =	sshll.u32 s0, $0xA;
	s2 =	sadd.s32 s3, s2  }
0x8d: {  	s2 =	sadd.s32 s2, s17  }
0x8e: {  	[smem:$0x3FC0] =	sst s2  }
0x8f: {  	_ = 	snop  }
0x90: {  	(tm) =	ssettm $0x1  }
0x91: {  	s18 =	sld [smem:$0x3FFB];
	_ =	sdelay $0x3  }
0x92: {  	_ =	strace s18  }
0x93: {  	s2 =	sld [smem:$0x3FFC];
	_ =	sdelay $0x3  }
0x94: {  	_ =	strace s2  }
0x95: {  	s2 =	sld [smem:$0x3FFD];
	_ =	sdelay $0x3  }
0x96: {  	_ =	strace s2  }
0x97: {  	_ =	strace $0x8FFFFFFF  }
0x98: {  	s19 =	sld [smem:$0x3FDB];
	_ =	sdelay $0x1  }
0x99: {  	s20 =	simm.s32 $_scs_section_size  }
0x9a: {  	s4 =	simm.s32 $_size__tile_overlayer_lowered;
	s5 =	simm.s32 $_tile_overlayer_lowered  }
0x9b: {  	s6 =	simm.s32 $0x1BFF;
	s21 =	sshll.u32 s5, $0x1;
	s3 =	sadd.s32 s20, s19  }
0x9c: {  	s22 =	simm.s32 $0x0;
	s4 =	sshll.u32 s4, $0x1;
	s5 =	sadd.s32 s21, s3  }
0x9d: {  	[timem:s22], [sflag:s6] =	dma.local [hbm:s5], s4  }
0x9e: {  	_ =	swait.ge [sflag:s6], s4  }
0x9f: {  	s4 =	ssub.s32 $0x0, s4;
	[sflag:s6] =	ssyncset.done $0x0  }
0xa0: {  	[sflag:s6] =	ssyncadd.s32 s4;
	_ =	sdelay $0x1  }
0xa1: {  	s23 =	simm.s32 $0x1B8B  }
0xa2: {  	_ =	swait.ge [sflag:s23], $0x1  }
0xa3: {  	[sflag:s23] =	ssyncset.done $0x0  }
0xa4: {  	[sflag:s23] =	ssyncadd.s32 $0xFFFFFFFF  }
0xa5: {  	s4 =	sld [smem:$0x0]  }
0xa6: {  	s5 =	sand.u32 $0xFFFFFFFE, s1  }
0xa7: {  	p0 =	sne.s32 s1, s5  }
0xa8: {  	s5 =	sshll.u32 @p0 s5, $0xE  }
0xa9: {  	s5 =	sadd.s32 @p0 $0x11B8D, s5;
	s6 =	sshll.u32 @p0 s4, $0x11  }
0xaa: {  	s5 =	sor.u32 @p0 s6, s5  }
0xab: {  	[sflag:s5] =	ssyncadd.remote.s32 @p0 $0x1;
	_ =	sdelay $0x1  }
0xac: {  	s5 =	simm.s32 @p0 $0x1B8D  }
0xad: {  	_ =	swait.eq @p0 [sflag:s5], $0x1  }
0xae: {  	[sflag:s5] =	ssyncadd.s32 @p0 $0xFFFFFFFF  }
0xaf: {  	s6 =	sshll.u32 @!p0 s1, $0xE  }
0xb0: {  	s6 =	sor.u32 @!p0 $0x4000, s6;
	s5 =	simm.s32 @!p0 $0x1B8D  }
0xb1: {  	s4 =	sshll.u32 @!p0 s4, $0x11;
	s6 =	sadd.s32 @!p0 $0x11B8D, s6;
	_ =	swait.eq @!p0 [sflag:s5], $0x1  }
0xb2: {  	s4 =	sor.u32 @!p0 s4, s6;
	[sflag:s5] =	ssyncadd.s32 @!p0 $0xFFFFFFFF  }
0xb3: {  	s25 =	simm.s32 $0x1B8E;
	s24 =	sld [smem:$0x3FFE];
	[sflag:s4] =	ssyncadd.remote.s32 @!p0 $0x1  }
0xb4: {  	s26 =	simm.s32 $execute0_lowered;
	[smem:$0x3FD2] =	sst s25  }
0xb5: {  	s5 =	sshll.u32 s26, $0x1;
	_ =	strace $0x80000049;
	[dreg:$0x1] =	wrdreg $0xFFFFFFFF  }
0xb6: {  	s28 =	simm.s32 $_size_execute0_lowered;
	s3 =	sadd.s32 s3, s5;
	[dreg:$0x0] =	wrdreg $0x0  }
0xb7: {  	s5 =	sshll.u32 s28, $0x1;
	[dreg:$0x2] =	wrdreg s3  }
0xb8: {  	[dreg:$0x3] =	wrdreg s5  }
0xb9: {  	[dreg:$0x4] =	wrdreg $0xC0  }
0xba: {  	_ =	task [dreg:s22], $0x5FFFF  }
0xbb: {  	[dreg:$0x1] =	wrdreg $0xFFFFFFFF  }
0xbc: {  	[dreg:$0x0] =	wrdreg $0x60  }
0xbd: {  	[dreg:$0x2] =	wrdreg s24  }
0xbe: {  	[dreg:$0x3] =	wrdreg $0x9  }
0xbf: {  	_ =	task.clear_ibuf [dreg:s22], $0x4FFFF;
	_ =	strace $0x90000049  }
0xc0: {  	s29 =	simm.s32 $0x9;
	_ =	strace $0x8000004B  }
0xc1: {  	_ =	swait.ge [sflag:s29], $0x1  }
0xc2: {  	[sflag:s29] =	ssyncadd.s32 $0xFFFFFFFF  }
0xc3: {  	_ =	strace $0x9000004B  }
0xc4: {  	_ =	sfence  }
0xc5: {  	s30 =	sld [smem:$0x0];
	_ =	sdelay $0x2  }
0xc6: {  	s31 =	sshll.u32 s1, $0xD;
	s1 =	sshrl.u32 s1, $0x2  }
0xc7: {  	s4 =	sand.u32 $0x4000, s31;
	s1 =	sadd.s32 s1, s30  }
0xc8: {  	s0 =	sor.u32 s4, s0;
	s1 =	sshll.u32 s1, $0x11  }
0xc9: {  	s0 =	sor.u32 s1, s0  }
0xca: {  	s0 =	sadd.s32 $0x8F2B, s0  }
0xcb: {  	[sflag:s0] =	ssyncadd.remote.s32 $0x1  }
0xcc: {  	_ =	sfence.sel $0xFFFF  }
0xcd: {  	[dreg:$0x0] =	wrdreg $0xFFFFFFFF;
	(pc) =	sbr.abs _section_cstart, $3  }
0xce: {  	[dreg:$0x1] =	wrdreg $0xFFFFFFFF  }
0xcf: {  	_ =	task.clear_ibuf [dreg:s22], $0x2FFFF;
	_ =	strace $0x9FFFFFFF  }
0xd0: {  	(tm) =	ssettm $0x7FFFFFFF  }
0xd1: {  	_ =	shalt  }
tec
execute0_lowered:
.L_overlay_start_1:
0x0: {  	(tag) =	ssettag $0x1  }
0x1: {  	s7 =	rddreg [dreg:$0x0]  }
0x2: {  	s0 =	rddreg [dreg:$0x1];
	s1 =	simm.s32 $0x0;
	v0 =	vlaneseq.u32  }
0x3: {  	s2 =	srdreg.scid;
	s11 =	simm.s32 $0x1;
	s12 =	simm.s32 $0x6300;
	v0 =	vmul.u32 $0xD0, v0  }
0x4: {  	s13 =	simm.s32 $0x0;
	[smem:$0x7FF] =	sst s1;
	s3 =	sadd.s32 $0x4F7400, s7  }
0x5: {  	s4 =	sadd.s32 $0x1A00, s7;
	s6 =	sand.u32 $0x1, s2;
	s5 =	sadd.s32 $0x56DC00, s7;
	v1 =	vadd.s32 $0xD00, v0;
	v2 =	vadd.s32 $0x1A00, v0;
	v3 =	vadd.s32 $0x2700, v0  }
0x6: {  	s2 =	stileid.u32;
	s7 =	sadd.s32 $0x4F7C00, s7;
	s8 =	ssub.s32 $0x2, s6;
	v4 =	vadd.s32 $0x3400, v0;
	v5 =	vadd.s32 $0x4100, v0;
	v6 =	vadd.s32 $0x4E00, v0  }
0x7: {  	s10 =	sshll.u32 s2, $0xA;
	s6 =	sshll.u32 s6, $0x9;
	s9 =	sshrl.u32 s8, $0x1;
	v7 =	vadd.s32 $0x5B00, v0;
	v8 =	vadd.s32 $0x6800, v0;
	v9 =	vadd.s32 $0x7500, v0  }
0x8: {  	_ =	strace $0x8000004A;
	s6 =	sor.u32 s6, s10;
	v10 =	vadd.s32 $0x8200, v0;
	v11 =	vadd.s32 $0x8F00, v0;
	v12 =	vadd.s32 $0x9C00, v0;
	s8 =	ssub.s32 s8, s9  }
0x9: {  	s10 =	simm.s32 $0x100;
	v13 =	vadd.s32 $0xA900, v0;
	v14 =	vadd.s32 $0xB600, v0;
	v15 =	vadd.s32 $0xC300, v0;
	s9 =	simm.s32 $0x2;
	s8 =	smax.u32 s8, $0x1  }
.LBB2_1:
0xa: {  	p1 =	por $0x1, $0x1;
	s14 =	simm.s32 $0x0  }
.LBB2_2:
0xb: {  	s14 =	sor.u32 s6, s14  }
0xc: {  	s15 =	sshrl.u32 s14, $0x3  }
0xd: {  	s17 =	simm.s32 $0x0;
	s16 =	sadd.s32 s3, s15  }
0xe: {  	[tilespmem:s17], [sflag:$0x2] =	stream.linear.gather [hbm4b:s16+s17], $0x100, $0x38;
	[tilespmem:$0x13300] =	vst v63  }
0xf: {  	_ =	swait.ge [sflag:s9], $0x100  }
0x10: {  	[sflag:s9] =	ssyncset.done $0x0  }
0x11: {  	[sflag:s9] =	ssyncadd.s32 $0xFFFFFF00  }
0x12: {  	v16 =	vld [tilespmem:$0x0];
	_ =	sdelay $0x4  }
0x13: {  	s16 =	simm.s32 $0x300;
	v16 =	vadd.s32 s17, v16  }
0x14: {  	[tilespmem:s16+$0x0] =	vst v16  }
0x15: {  	v16 =	vld [tilespmem:$0x10];
	_ =	sdelay $0x4  }
0x16: {  	v16 =	vadd.s32 s17, v16  }
0x17: {  	[tilespmem:s16+$0x10] =	vst v16  }
0x18: {  	v16 =	vld [tilespmem:$0x20];
	_ =	sdelay $0x4  }
0x19: {  	v16 =	vadd.s32 s17, v16  }
0x1a: {  	[tilespmem:s16+$0x20] =	vst v16  }
0x1b: {  	v16 =	vld [tilespmem:$0x30];
	_ =	sdelay $0x4  }
0x1c: {  	v16 =	vadd.s32 s17, v16  }
0x1d: {  	[tilespmem:s16+$0x30] =	vst v16  }
0x1e: {  	v16 =	vld [tilespmem:$0x40];
	_ =	sdelay $0x4  }
0x1f: {  	v16 =	vadd.s32 s17, v16  }
0x20: {  	[tilespmem:s16+$0x40] =	vst v16  }
0x21: {  	v16 =	vld [tilespmem:$0x50];
	_ =	sdelay $0x4  }
0x22: {  	v16 =	vadd.s32 s17, v16  }
0x23: {  	[tilespmem:s16+$0x50] =	vst v16  }
0x24: {  	v16 =	vld [tilespmem:$0x60];
	_ =	sdelay $0x4  }
0x25: {  	v16 =	vadd.s32 s17, v16  }
0x26: {  	[tilespmem:s16+$0x60] =	vst v16  }
0x27: {  	v16 =	vld [tilespmem:$0x70];
	_ =	sdelay $0x4  }
0x28: {  	v16 =	vadd.s32 s17, v16  }
0x29: {  	[tilespmem:s16+$0x70] =	vst v16  }
0x2a: {  	v16 =	vld [tilespmem:$0x80];
	_ =	sdelay $0x4  }
0x2b: {  	v16 =	vadd.s32 s17, v16  }
0x2c: {  	[tilespmem:s16+$0x80] =	vst v16  }
0x2d: {  	v16 =	vld [tilespmem:$0x90];
	_ =	sdelay $0x4  }
0x2e: {  	v16 =	vadd.s32 s17, v16  }
0x2f: {  	[tilespmem:s16+$0x90] =	vst v16  }
0x30: {  	v16 =	vld [tilespmem:$0xA0];
	_ =	sdelay $0x4  }
0x31: {  	v16 =	vadd.s32 s17, v16  }
0x32: {  	[tilespmem:s16+$0xA0] =	vst v16  }
0x33: {  	v16 =	vld [tilespmem:$0xB0];
	_ =	sdelay $0x4  }
0x34: {  	v16 =	vadd.s32 s17, v16  }
0x35: {  	[tilespmem:s16+$0xB0] =	vst v16  }
0x36: {  	v16 =	vld [tilespmem:$0xC0];
	_ =	sdelay $0x4  }
0x37: {  	v16 =	vadd.s32 s17, v16  }
0x38: {  	[tilespmem:s16+$0xC0] =	vst v16  }
0x39: {  	v16 =	vld [tilespmem:$0xD0];
	_ =	sdelay $0x4  }
0x3a: {  	v16 =	vadd.s32 s17, v16  }
0x3b: {  	[tilespmem:s16+$0xD0] =	vst v16  }
0x3c: {  	v16 =	vld [tilespmem:$0xE0];
	_ =	sdelay $0x4  }
0x3d: {  	v16 =	vadd.s32 s17, v16  }
0x3e: {  	[tilespmem:s16+$0xE0] =	vst v16  }
0x3f: {  	v16 =	vld [tilespmem:$0xF0];
	_ =	sdelay $0x4  }
0x40: {  	s19 =	simm.s32 $0x3300;
	p0 =	por p1, p1;
	v16 =	vadd.s32 s17, v16  }
0x41: {  	s18 =	simm.s32 $0x3400;
	s20 =	simm.s32 $0x400;
	s17 =	simm.s32 $0x186A0;
	[tilespmem:s16+$0xF0] =	vst v16  }
.LBB2_3:
0x42: {  	[tilespmem:s19], [sflag:$0x1] =	stream.indirect.gather [hbm4b:s4+s10], $0x1, s16, s10, $0xb8;
	[tilespmem:$0x13300] =	vst v63  }
0x43: {  	p1 =	sne.s32 s17, $0x16E360;
	s21 =	smov.u32 s17;
	s17 =	sadd.s32 $0x186A0, s17;
	v16 =	vld [tilespmem:$0x0]  }
0x44: {  	s19 =	smov.u32 s18;
	s16 =	smov.u32 s20;
	_ =	sdelay $0x3  }
0x45: {  	v16 =	vadd.s32 s21, v16  }
0x46: {  	[tilespmem:s20+$0x0] =	vst v16  }
0x47: {  	v16 =	vld [tilespmem:$0x10];
	_ =	sdelay $0x4  }
0x48: {  	v16 =	vadd.s32 s21, v16  }
0x49: {  	[tilespmem:s20+$0x10] =	vst v16  }
0x4a: {  	v16 =	vld [tilespmem:$0x20];
	_ =	sdelay $0x4  }
0x4b: {  	v16 =	vadd.s32 s21, v16  }
0x4c: {  	[tilespmem:s20+$0x20] =	vst v16  }
0x4d: {  	v16 =	vld [tilespmem:$0x30];
	_ =	sdelay $0x4  }
0x4e: {  	v16 =	vadd.s32 s21, v16  }
0x4f: {  	[tilespmem:s20+$0x30] =	vst v16  }
0x50: {  	v16 =	vld [tilespmem:$0x40];
	_ =	sdelay $0x4  }
0x51: {  	v16 =	vadd.s32 s21, v16  }
0x52: {  	[tilespmem:s20+$0x40] =	vst v16  }
0x53: {  	v16 =	vld [tilespmem:$0x50];
	_ =	sdelay $0x4  }
0x54: {  	v16 =	vadd.s32 s21, v16  }
0x55: {  	[tilespmem:s20+$0x50] =	vst v16  }
0x56: {  	v16 =	vld [tilespmem:$0x60];
	_ =	sdelay $0x4  }
0x57: {  	v16 =	vadd.s32 s21, v16  }
0x58: {  	[tilespmem:s20+$0x60] =	vst v16  }
0x59: {  	v16 =	vld [tilespmem:$0x70];
	_ =	sdelay $0x4  }
0x5a: {  	v16 =	vadd.s32 s21, v16  }
0x5b: {  	[tilespmem:s20+$0x70] =	vst v16  }
0x5c: {  	v16 =	vld [tilespmem:$0x80];
	_ =	sdelay $0x4  }
0x5d: {  	v16 =	vadd.s32 s21, v16  }
0x5e: {  	[tilespmem:s20+$0x80] =	vst v16  }
0x5f: {  	v16 =	vld [tilespmem:$0x90];
	_ =	sdelay $0x4  }
0x60: {  	v16 =	vadd.s32 s21, v16  }
0x61: {  	[tilespmem:s20+$0x90] =	vst v16  }
0x62: {  	v16 =	vld [tilespmem:$0xA0];
	_ =	sdelay $0x4  }
0x63: {  	v16 =	vadd.s32 s21, v16  }
0x64: {  	[tilespmem:s20+$0xA0] =	vst v16  }
0x65: {  	v16 =	vld [tilespmem:$0xB0];
	_ =	sdelay $0x4  }
0x66: {  	v16 =	vadd.s32 s21, v16  }
0x67: {  	[tilespmem:s20+$0xB0] =	vst v16  }
0x68: {  	v16 =	vld [tilespmem:$0xC0];
	_ =	sdelay $0x4  }
0x69: {  	v16 =	vadd.s32 s21, v16  }
0x6a: {  	[tilespmem:s20+$0xC0] =	vst v16  }
0x6b: {  	v16 =	vld [tilespmem:$0xD0];
	_ =	sdelay $0x4  }
0x6c: {  	v16 =	vadd.s32 s21, v16  }
0x6d: {  	[tilespmem:s20+$0xD0] =	vst v16  }
0x6e: {  	v16 =	vld [tilespmem:$0xE0];
	_ =	sdelay $0x4  }
0x6f: {  	v16 =	vadd.s32 s21, v16  }
0x70: {  	[tilespmem:s20+$0xE0] =	vst v16  }
0x71: {  	v16 =	vld [tilespmem:$0xF0];
	_ =	sdelay $0x1  }
.Ltmp0:
0x72: {  	(pc) =	sbr.rel @p1 .LBB2_3-.Ltmp0, $3  }
0x73: {  	_ =	sdelay $0x1  }
0x74: {  	v16 =	vadd.s32 s21, v16  }
0x75: {  	s18 =	sadd.s32 $0x100, s18;
	s20 =	sadd.s32 $0x100, s20;
	[tilespmem:s16+$0xF0] =	vst v16  }
0x76: {  	[tilespmem:s19], [sflag:$0x1] =	stream.indirect.gather [hbm4b:s4+s10], $0x1, s16, s10, $0xb8;
	[tilespmem:$0x13300] =	vst v63  }
0x77: {  	s15 =	sadd.s32 s15, s7  }
0x78: {  	[tilespmem:s10], [sflag:$0x2] =	stream.linear.gather [hbm4b:s15+s1], $0x100, $0x38;
	[tilespmem:$0x13300] =	vst v63  }
0x79: {  	_ =	swait.ge [sflag:s9], $0x100  }
0x7a: {  	[sflag:s9] =	ssyncset.done $0x0  }
0x7b: {  	[sflag:s9] =	ssyncadd.s32 $0xFFFFFF00  }
0x7c: {  	v16 =	vld [tilespmem:$0x100];
	_ =	sdelay $0x3  }
0x7d: {  	s31 =	simm.s32 $0x186A00  }
0x7e: {  	s15 =	simm.s32 $0x1300;
	v16 =	vadd.s32 s31, v16  }
0x7f: {  	[tilespmem:s15+$0x0] =	vst v16  }
0x80: {  	v16 =	vld [tilespmem:$0x110];
	_ =	sdelay $0x4  }
0x81: {  	v16 =	vadd.s32 s31, v16  }
0x82: {  	[tilespmem:s15+$0x10] =	vst v16  }
0x83: {  	v16 =	vld [tilespmem:$0x120];
	_ =	sdelay $0x4  }
0x84: {  	v16 =	vadd.s32 s31, v16  }
0x85: {  	[tilespmem:s15+$0x20] =	vst v16  }
0x86: {  	v16 =	vld [tilespmem:$0x130];
	_ =	sdelay $0x4  }
0x87: {  	v16 =	vadd.s32 s31, v16  }
0x88: {  	[tilespmem:s15+$0x30] =	vst v16  }
0x89: {  	v16 =	vld [tilespmem:$0x140];
	_ =	sdelay $0x4  }
0x8a: {  	v16 =	vadd.s32 s31, v16  }
0x8b: {  	[tilespmem:s15+$0x40] =	vst v16  }
0x8c: {  	v16 =	vld [tilespmem:$0x150];
	_ =	sdelay $0x4  }
0x8d: {  	v16 =	vadd.s32 s31, v16  }
0x8e: {  	[tilespmem:s15+$0x50] =	vst v16  }
0x8f: {  	v16 =	vld [tilespmem:$0x160];
	_ =	sdelay $0x4  }
0x90: {  	v16 =	vadd.s32 s31, v16  }
0x91: {  	[tilespmem:s15+$0x60] =	vst v16  }
0x92: {  	v16 =	vld [tilespmem:$0x170];
	_ =	sdelay $0x4  }
0x93: {  	v16 =	vadd.s32 s31, v16  }
0x94: {  	[tilespmem:s15+$0x70] =	vst v16  }
0x95: {  	v16 =	vld [tilespmem:$0x180];
	_ =	sdelay $0x4  }
0x96: {  	v16 =	vadd.s32 s31, v16  }
0x97: {  	[tilespmem:s15+$0x80] =	vst v16  }
0x98: {  	v16 =	vld [tilespmem:$0x190];
	_ =	sdelay $0x4  }
0x99: {  	v16 =	vadd.s32 s31, v16  }
0x9a: {  	[tilespmem:s15+$0x90] =	vst v16  }
0x9b: {  	v16 =	vld [tilespmem:$0x1A0];
	_ =	sdelay $0x4  }
0x9c: {  	v16 =	vadd.s32 s31, v16  }
0x9d: {  	[tilespmem:s15+$0xA0] =	vst v16  }
0x9e: {  	v16 =	vld [tilespmem:$0x1B0];
	_ =	sdelay $0x4  }
0x9f: {  	v16 =	vadd.s32 s31, v16  }
0xa0: {  	[tilespmem:s15+$0xB0] =	vst v16  }
0xa1: {  	v16 =	vld [tilespmem:$0x1C0];
	_ =	sdelay $0x4  }
0xa2: {  	v16 =	vadd.s32 s31, v16  }
0xa3: {  	[tilespmem:s15+$0xC0] =	vst v16  }
0xa4: {  	v16 =	vld [tilespmem:$0x1D0];
	_ =	sdelay $0x4  }
0xa5: {  	v16 =	vadd.s32 s31, v16  }
0xa6: {  	[tilespmem:s15+$0xD0] =	vst v16  }
0xa7: {  	v16 =	vld [tilespmem:$0x1E0];
	_ =	sdelay $0x4  }
0xa8: {  	v16 =	vadd.s32 s31, v16  }
0xa9: {  	[tilespmem:s15+$0xE0] =	vst v16  }
0xaa: {  	v16 =	vld [tilespmem:$0x1F0];
	_ =	sdelay $0x4  }
0xab: {  	s19 =	simm.s32 $0x4300;
	v16 =	vadd.s32 s31, v16  }
0xac: {  	s16 =	simm.s32 $0x19F0A0;
	s17 =	simm.s32 $0x1400;
	s18 =	simm.s32 $0x4400;
	[tilespmem:s15+$0xF0] =	vst v16  }
.LBB2_5:
0xad: {  	[tilespmem:s19], [sflag:$0x1] =	stream.indirect.gather [hbm4b:s4+s10], $0x1, s15, s10, $0xb8;
	[tilespmem:$0x13300] =	vst v63  }
0xae: {  	p1 =	sne.s32 s16, $0x2F4D60;
	s20 =	smov.u32 s16;
	s16 =	sadd.s32 $0x186A0, s16;
	v16 =	vld [tilespmem:$0x100]  }
0xaf: {  	s15 =	smov.u32 s17;
	s19 =	smov.u32 s18;
	_ =	sdelay $0x3  }
0xb0: {  	v16 =	vadd.s32 s20, v16  }
0xb1: {  	[tilespmem:s17+$0x0] =	vst v16  }
0xb2: {  	v16 =	vld [tilespmem:$0x110];
	_ =	sdelay $0x4  }
0xb3: {  	v16 =	vadd.s32 s20, v16  }
0xb4: {  	[tilespmem:s17+$0x10] =	vst v16  }
0xb5: {  	v16 =	vld [tilespmem:$0x120];
	_ =	sdelay $0x4  }
0xb6: {  	v16 =	vadd.s32 s20, v16  }
0xb7: {  	[tilespmem:s17+$0x20] =	vst v16  }
0xb8: {  	v16 =	vld [tilespmem:$0x130];
	_ =	sdelay $0x4  }
0xb9: {  	v16 =	vadd.s32 s20, v16  }
0xba: {  	[tilespmem:s17+$0x30] =	vst v16  }
0xbb: {  	v16 =	vld [tilespmem:$0x140];
	_ =	sdelay $0x4  }
0xbc: {  	v16 =	vadd.s32 s20, v16  }
0xbd: {  	[tilespmem:s17+$0x40] =	vst v16  }
0xbe: {  	v16 =	vld [tilespmem:$0x150];
	_ =	sdelay $0x4  }
0xbf: {  	v16 =	vadd.s32 s20, v16  }
0xc0: {  	[tilespmem:s17+$0x50] =	vst v16  }
0xc1: {  	v16 =	vld [tilespmem:$0x160];
	_ =	sdelay $0x4  }
0xc2: {  	v16 =	vadd.s32 s20, v16  }
0xc3: {  	[tilespmem:s17+$0x60] =	vst v16  }
0xc4: {  	v16 =	vld [tilespmem:$0x170];
	_ =	sdelay $0x4  }
0xc5: {  	v16 =	vadd.s32 s20, v16  }
0xc6: {  	[tilespmem:s17+$0x70] =	vst v16  }
0xc7: {  	v16 =	vld [tilespmem:$0x180];
	_ =	sdelay $0x4  }
0xc8: {  	v16 =	vadd.s32 s20, v16  }
0xc9: {  	[tilespmem:s17+$0x80] =	vst v16  }
0xca: {  	v16 =	vld [tilespmem:$0x190];
	_ =	sdelay $0x4  }
0xcb: {  	v16 =	vadd.s32 s20, v16  }
0xcc: {  	[tilespmem:s17+$0x90] =	vst v16  }
0xcd: {  	v16 =	vld [tilespmem:$0x1A0];
	_ =	sdelay $0x4  }
0xce: {  	v16 =	vadd.s32 s20, v16  }
0xcf: {  	[tilespmem:s17+$0xA0] =	vst v16  }
0xd0: {  	v16 =	vld [tilespmem:$0x1B0];
	_ =	sdelay $0x4  }
0xd1: {  	v16 =	vadd.s32 s20, v16  }
0xd2: {  	[tilespmem:s17+$0xB0] =	vst v16  }
0xd3: {  	v16 =	vld [tilespmem:$0x1C0];
	_ =	sdelay $0x4  }
0xd4: {  	v16 =	vadd.s32 s20, v16  }
0xd5: {  	[tilespmem:s17+$0xC0] =	vst v16  }
0xd6: {  	v16 =	vld [tilespmem:$0x1D0];
	_ =	sdelay $0x4  }
0xd7: {  	v16 =	vadd.s32 s20, v16  }
0xd8: {  	[tilespmem:s17+$0xD0] =	vst v16  }
0xd9: {  	v16 =	vld [tilespmem:$0x1E0];
	_ =	sdelay $0x4  }
0xda: {  	v16 =	vadd.s32 s20, v16  }
0xdb: {  	[tilespmem:s17+$0xE0] =	vst v16  }
0xdc: {  	v16 =	vld [tilespmem:$0x1F0];
	_ =	sdelay $0x1  }
.Ltmp1:
0xdd: {  	(pc) =	sbr.rel @p1 .LBB2_5-.Ltmp1, $3  }
0xde: {  	_ =	sdelay $0x1  }
0xdf: {  	v16 =	vadd.s32 s20, v16  }
0xe0: {  	s18 =	sadd.s32 $0x100, s18;
	s17 =	sadd.s32 $0x100, s17;
	[tilespmem:s15+$0xF0] =	vst v16  }
0xe1: {  	[tilespmem:s19], [sflag:$0x1] =	stream.indirect.gather [hbm4b:s4+s10], $0x1, s15, s10, $0xb8;
	[tilespmem:$0x13300] =	vst v63  }
0xe2: {  	s15 =	simm.s32 $0x0  }
0xe3: {  	s16 =	simm.s32 $0x5300;
	s17 =	simm.s32 $0x2;
	s18 =	simm.s32 $0x300  }
0xe4: {  	s19 =	simm.s32 $0x30D400;
	s20 =	simm.s32 $0x3300;
	s21 =	simm.s32 $0x0  }
.LBB2_7:
0xe5: {  	s22 =	sadd.s32 $0x2, s21  }
0xe6: {  	s23 =	smul.u32 $0xAB, s22;
	_ =	sdelay $0x1  }
0xe7: {  	s23 =	sshrl.u32 s23, $0x9  }
0xe8: {  	s23 =	sand.u32 $0x7F, s23  }
0xe9: {  	s23 =	smul.u32 $0x3, s23  }
0xea: {  	s24 =	sshll.u32 s22, $0xE  }
0xeb: {  	s25 =	smulhi.u32 $0xAAAAAAAB, s17;
	s26 =	sor.u32 s14, s24;
	s22 =	ssub.s32 s22, s23  }
0xec: {  	s23 =	sshrl.u32 s26, $0x3;
	s22 =	sand.u32 $0xFF, s22  }
0xed: {  	s31 =	sshrl.u32 s25, $0x1;
	s23 =	sadd.s32 s3, s23;
	s22 =	sshll.u32 s22, $0x8  }
0xee: {  	[tilespmem:s22], [sflag:$0x2] =	stream.linear.gather [hbm4b:s23+s15], $0x100, $0x38;
	[tilespmem:$0x13300] =	vst v63  }
0xef: {  	s25 =	smul.u32 $0xFFFF4000, s31;
	_ =	swait.ge [sflag:s9], $0x100  }
0xf0: {  	[sflag:s9] =	ssyncset.done $0x0  }
0xf1: {  	s26 =	sshra.s32 s25, $0x2;
	[sflag:s9] =	ssyncadd.s32 $0xFFFFFF00  }
0xf2: {  	s23 =	sadd.s32 s26, s18;
	v17 =	vld [tilespmem:s22+$0x0]  }
0xf3: {  	v16 =	vmov s23;
	_ =	sdelay $0x3  }
0xf4: {  	s28 =	simm.s32 $0x0;
	v17 =	vadd.s32 s19, v17  }
0xf5: {  	[tilespmem:v16+s28+$0x2000 ss:$0x1] =	vst.idx.msk $0xffff, v17  }
0xf6: {  	v17 =	vld [tilespmem:s22+$0x10];
	_ =	sdelay $0x4  }
0xf7: {  	v17 =	vadd.s32 s19, v17  }
0xf8: {  	[tilespmem:v16+s28+$0x2010 ss:$0x1] =	vst.idx.msk $0xffff, v17  }
0xf9: {  	v17 =	vld [tilespmem:s22+$0x20];
	_ =	sdelay $0x4  }
0xfa: {  	v17 =	vadd.s32 s19, v17  }
0xfb: {  	[tilespmem:v16+s28+$0x2020 ss:$0x1] =	vst.idx.msk $0xffff, v17  }
0xfc: {  	v17 =	vld [tilespmem:s22+$0x30];
	_ =	sdelay $0x4  }
0xfd: {  	v17 =	vadd.s32 s19, v17  }
0xfe: {  	[tilespmem:v16+s28+$0x2030 ss:$0x1] =	vst.idx.msk $0xffff, v17  }
0xff: {  	v17 =	vld [tilespmem:s22+$0x40];
	_ =	sdelay $0x4  }
0x100: {  	v17 =	vadd.s32 s19, v17  }
0x101: {  	[tilespmem:v16+s28+$0x2040 ss:$0x1] =	vst.idx.msk $0xffff, v17  }
0x102: {  	v17 =	vld [tilespmem:s22+$0x50];
	_ =	sdelay $0x4  }
0x103: {  	v17 =	vadd.s32 s19, v17  }
0x104: {  	[tilespmem:v16+s28+$0x2050 ss:$0x1] =	vst.idx.msk $0xffff, v17  }
0x105: {  	v17 =	vld [tilespmem:s22+$0x60];
	_ =	sdelay $0x4  }
0x106: {  	v17 =	vadd.s32 s19, v17  }
0x107: {  	[tilespmem:v16+s28+$0x2060 ss:$0x1] =	vst.idx.msk $0xffff, v17  }
0x108: {  	v17 =	vld [tilespmem:s22+$0x70];
	_ =	sdelay $0x4  }
0x109: {  	v17 =	vadd.s32 s19, v17  }
0x10a: {  	[tilespmem:v16+s28+$0x2070 ss:$0x1] =	vst.idx.msk $0xffff, v17  }
0x10b: {  	v17 =	vld [tilespmem:s22+$0x80];
	_ =	sdelay $0x4  }
0x10c: {  	v17 =	vadd.s32 s19, v17  }
0x10d: {  	[tilespmem:v16+s28+$0x2080 ss:$0x1] =	vst.idx.msk $0xffff, v17  }
0x10e: {  	v17 =	vld [tilespmem:s22+$0x90];
	_ =	sdelay $0x4  }
0x10f: {  	v17 =	vadd.s32 s19, v17  }
0x110: {  	[tilespmem:v16+s28+$0x2090 ss:$0x1] =	vst.idx.msk $0xffff, v17  }
0x111: {  	v17 =	vld [tilespmem:s22+$0xA0];
	_ =	sdelay $0x4  }
0x112: {  	v17 =	vadd.s32 s19, v17  }
0x113: {  	[tilespmem:v16+s28+$0x20A0 ss:$0x1] =	vst.idx.msk $0xffff, v17  }
0x114: {  	v17 =	vld [tilespmem:s22+$0xB0];
	_ =	sdelay $0x4  }
0x115: {  	v17 =	vadd.s32 s19, v17  }
0x116: {  	[tilespmem:v16+s28+$0x20B0 ss:$0x1] =	vst.idx.msk $0xffff, v17  }
0x117: {  	v17 =	vld [tilespmem:s22+$0xC0];
	_ =	sdelay $0x4  }
0x118: {  	v17 =	vadd.s32 s19, v17  }
0x119: {  	[tilespmem:v16+s28+$0x20C0 ss:$0x1] =	vst.idx.msk $0xffff, v17  }
0x11a: {  	v17 =	vld [tilespmem:s22+$0xD0];
	_ =	sdelay $0x4  }
0x11b: {  	v17 =	vadd.s32 s19, v17  }
0x11c: {  	[tilespmem:v16+s28+$0x20D0 ss:$0x1] =	vst.idx.msk $0xffff, v17  }
0x11d: {  	v17 =	vld [tilespmem:s22+$0xE0];
	_ =	sdelay $0x4  }
0x11e: {  	v17 =	vadd.s32 s19, v17  }
0x11f: {  	s31 =	smulhi.u32 $0xAAAAAAAB, s21;
	[tilespmem:v16+s28+$0x20E0 ss:$0x1] =	vst.idx.msk $0xffff, v17  }
0x120: {  	v17 =	vld [tilespmem:s22+$0xF0]  }
0x121: {  	s24 =	sshrl.u32 s31, $0x1  }
0x122: {  	s24 =	smul.u32 $0xFFFF4000, s24;
	_ =	sdelay $0x1  }
0x123: {  	s24 =	sshra.s32 s24, $0x2;
	s25 =	sadd.s32 s26, s16  }
0x124: {  	s24 =	sadd.s32 s24, s20;
	s26 =	simm.s32 $0x400;
	s29 =	sadd.s32 $0x0, s23;
	v17 =	vadd.s32 s19, v17  }
0x125: {  	s30 =	sadd.s32 $0x2000, s29;
	s29 =	sadd.s32 $0x0, s25;
	[tilespmem:v16+s28+$0x20F0 ss:$0x1] =	vst.idx.msk $0xffff, v17;
	s28 =	sadd.s32 $0x186A0, s19  }
.LBB2_8:
0x126: {  	[tilespmem:s29], [sflag:$0x1] =	stream.indirect.gather [hbm4b:s4+s10], $0x1, s30, s10, $0xb8;
	[tilespmem:$0x13300] =	vst v63  }
0x127: {  	p1 =	sne.s32 s26, $0x3C00;
	s29 =	smov.u32 s26;
	s26 =	sadd.s32 $0x400, s26;
	v17 =	vld [tilespmem:s22+$0x0]  }
0x128: {  	_ =	sdelay $0x3  }
0x129: {  	s29 =	sshra.s32 s29, $0x2;
	v17 =	vadd.s32 s28, v17  }
0x12a: {  	s30 =	sadd.s32 s29, s23;
	[tilespmem:v16+s29+$0x2000 ss:$0x1] =	vst.idx.msk $0xffff, v17  }
0x12b: {  	v17 =	vld [tilespmem:s22+$0x10];
	_ =	sdelay $0x4  }
0x12c: {  	v17 =	vadd.s32 s28, v17  }
0x12d: {  	[tilespmem:v16+s29+$0x2010 ss:$0x1] =	vst.idx.msk $0xffff, v17  }
0x12e: {  	v17 =	vld [tilespmem:s22+$0x20];
	_ =	sdelay $0x4  }
0x12f: {  	v17 =	vadd.s32 s28, v17  }
0x130: {  	[tilespmem:v16+s29+$0x2020 ss:$0x1] =	vst.idx.msk $0xffff, v17  }
0x131: {  	v17 =	vld [tilespmem:s22+$0x30];
	_ =	sdelay $0x4  }
0x132: {  	v17 =	vadd.s32 s28, v17  }
0x133: {  	[tilespmem:v16+s29+$0x2030 ss:$0x1] =	vst.idx.msk $0xffff, v17  }
0x134: {  	v17 =	vld [tilespmem:s22+$0x40];
	_ =	sdelay $0x4  }
0x135: {  	v17 =	vadd.s32 s28, v17  }
0x136: {  	[tilespmem:v16+s29+$0x2040 ss:$0x1] =	vst.idx.msk $0xffff, v17  }
0x137: {  	v17 =	vld [tilespmem:s22+$0x50];
	_ =	sdelay $0x4  }
0x138: {  	v17 =	vadd.s32 s28, v17  }
0x139: {  	[tilespmem:v16+s29+$0x2050 ss:$0x1] =	vst.idx.msk $0xffff, v17  }
0x13a: {  	v17 =	vld [tilespmem:s22+$0x60];
	_ =	sdelay $0x4  }
0x13b: {  	v17 =	vadd.s32 s28, v17  }
0x13c: {  	[tilespmem:v16+s29+$0x2060 ss:$0x1] =	vst.idx.msk $0xffff, v17  }
0x13d: {  	v17 =	vld [tilespmem:s22+$0x70];
	_ =	sdelay $0x4  }
0x13e: {  	v17 =	vadd.s32 s28, v17  }
0x13f: {  	[tilespmem:v16+s29+$0x2070 ss:$0x1] =	vst.idx.msk $0xffff, v17  }
0x140: {  	v17 =	vld [tilespmem:s22+$0x80];
	_ =	sdelay $0x4  }
0x141: {  	v17 =	vadd.s32 s28, v17  }
0x142: {  	[tilespmem:v16+s29+$0x2080 ss:$0x1] =	vst.idx.msk $0xffff, v17  }
0x143: {  	v17 =	vld [tilespmem:s22+$0x90];
	_ =	sdelay $0x4  }
0x144: {  	v17 =	vadd.s32 s28, v17  }
0x145: {  	[tilespmem:v16+s29+$0x2090 ss:$0x1] =	vst.idx.msk $0xffff, v17  }
0x146: {  	v17 =	vld [tilespmem:s22+$0xA0];
	_ =	sdelay $0x4  }
0x147: {  	v17 =	vadd.s32 s28, v17  }
0x148: {  	[tilespmem:v16+s29+$0x20A0 ss:$0x1] =	vst.idx.msk $0xffff, v17  }
0x149: {  	v17 =	vld [tilespmem:s22+$0xB0];
	_ =	sdelay $0x4  }
0x14a: {  	v17 =	vadd.s32 s28, v17  }
0x14b: {  	[tilespmem:v16+s29+$0x20B0 ss:$0x1] =	vst.idx.msk $0xffff, v17  }
0x14c: {  	v17 =	vld [tilespmem:s22+$0xC0];
	_ =	sdelay $0x4  }
0x14d: {  	v17 =	vadd.s32 s28, v17  }
0x14e: {  	[tilespmem:v16+s29+$0x20C0 ss:$0x1] =	vst.idx.msk $0xffff, v17  }
0x14f: {  	v17 =	vld [tilespmem:s22+$0xD0];
	_ =	sdelay $0x4  }
0x150: {  	v17 =	vadd.s32 s28, v17  }
0x151: {  	[tilespmem:v16+s29+$0x20D0 ss:$0x1] =	vst.idx.msk $0xffff, v17  }
0x152: {  	v17 =	vld [tilespmem:s22+$0xE0];
	_ =	sdelay $0x4  }
0x153: {  	v17 =	vadd.s32 s28, v17  }
0x154: {  	[tilespmem:v16+s29+$0x20E0 ss:$0x1] =	vst.idx.msk $0xffff, v17  }
0x155: {  	v17 =	vld [tilespmem:s22+$0xF0];
	_ =	sdelay $0x1  }
.Ltmp2:
0x156: {  	(pc) =	sbr.rel @p1 .LBB2_8-.Ltmp2, $3  }
0x157: {  	_ =	sdelay $0x1  }
0x158: {  	v17 =	vadd.s32 s28, v17  }
0x159: {  	s30 =	sadd.s32 $0x2000, s30;
	s28 =	sadd.s32 $0x186A0, s28;
	[tilespmem:v16+s29+$0x20F0 ss:$0x1] =	vst.idx.msk $0xffff, v17;
	s29 =	sadd.s32 s29, s25  }
0x15a: {  	[tilespmem:s29], [sflag:$0x1] =	stream.indirect.gather [hbm4b:s4+s10], $0x1, s30, s10, $0xb8;
	[tilespmem:$0x13300] =	vst v63  }
0x15b: {  	_ =	swait.ge [sflag:s11], $0x100  }
0x15c: {  	[sflag:s11] =	ssyncset.done $0x0  }
0x15d: {  	[sflag:s11] =	ssyncadd.s32 $0xFFFFFF00  }
0x15e: {  	_ =	swait.ge [sflag:s11], $0x100  }
0x15f: {  	[sflag:s11] =	ssyncset.done $0x0  }
0x160: {  	[sflag:s11] =	ssyncadd.s32 $0xFFFFFF00  }
0x161: {  	_ =	swait.ge [sflag:s11], $0x100  }
0x162: {  	[sflag:s11] =	ssyncset.done $0x0  }
0x163: {  	[sflag:s11] =	ssyncadd.s32 $0xFFFFFF00  }
0x164: {  	_ =	swait.ge [sflag:s11], $0x100  }
0x165: {  	[sflag:s11] =	ssyncset.done $0x0  }
0x166: {  	[sflag:s11] =	ssyncadd.s32 $0xFFFFFF00  }
0x167: {  	_ =	swait.ge [sflag:s11], $0x100  }
0x168: {  	[sflag:s11] =	ssyncset.done $0x0  }
0x169: {  	[sflag:s11] =	ssyncadd.s32 $0xFFFFFF00  }
0x16a: {  	_ =	swait.ge [sflag:s11], $0x100  }
0x16b: {  	[sflag:s11] =	ssyncset.done $0x0  }
0x16c: {  	[sflag:s11] =	ssyncadd.s32 $0xFFFFFF00  }
0x16d: {  	_ =	swait.ge [sflag:s11], $0x100  }
0x16e: {  	[sflag:s11] =	ssyncset.done $0x0  }
0x16f: {  	[sflag:s11] =	ssyncadd.s32 $0xFFFFFF00  }
0x170: {  	_ =	swait.ge [sflag:s11], $0x100  }
0x171: {  	[sflag:s11] =	ssyncset.done $0x0  }
0x172: {  	[sflag:s11] =	ssyncadd.s32 $0xFFFFFF00  }
0x173: {  	_ =	swait.ge [sflag:s11], $0x100  }
0x174: {  	[sflag:s11] =	ssyncset.done $0x0  }
0x175: {  	[sflag:s11] =	ssyncadd.s32 $0xFFFFFF00  }
0x176: {  	_ =	swait.ge [sflag:s11], $0x100  }
0x177: {  	[sflag:s11] =	ssyncset.done $0x0  }
0x178: {  	[sflag:s11] =	ssyncadd.s32 $0xFFFFFF00  }
0x179: {  	_ =	swait.ge [sflag:s11], $0x100  }
0x17a: {  	[sflag:s11] =	ssyncset.done $0x0  }
0x17b: {  	[sflag:s11] =	ssyncadd.s32 $0xFFFFFF00  }
0x17c: {  	_ =	swait.ge [sflag:s11], $0x100  }
0x17d: {  	[sflag:s11] =	ssyncset.done $0x0  }
0x17e: {  	[sflag:s11] =	ssyncadd.s32 $0xFFFFFF00  }
0x17f: {  	_ =	swait.ge [sflag:s11], $0x100  }
0x180: {  	[sflag:s11] =	ssyncset.done $0x0  }
0x181: {  	[sflag:s11] =	ssyncadd.s32 $0xFFFFFF00  }
0x182: {  	_ =	swait.ge [sflag:s11], $0x100  }
0x183: {  	[sflag:s11] =	ssyncset.done $0x0  }
0x184: {  	[sflag:s11] =	ssyncadd.s32 $0xFFFFFF00  }
0x185: {  	_ =	swait.ge [sflag:s11], $0x100  }
0x186: {  	v16 =	vmov s24;
	[sflag:s11] =	ssyncset.done $0x0  }
0x187: {  	s22 =	sshll.u32 s21, $0x4;
	[sflag:s11] =	ssyncadd.s32 $0xFFFFFF00  }
0x188: {  	s23 =	sadd.s32 $0x0, s22;
	_ =	swait.ge [sflag:s11], $0x100  }
0x189: {  	v17 =	vmov s23;
	[sflag:s11] =	ssyncset.done $0x0  }
0x18a: {  	s31 =	simm.s32 $0x0;
	v17 =	vand.u32 $0xFF, v17;
	[sflag:s11] =	ssyncadd.s32 $0xFFFFFF00  }
0x18b: {  	v19 =	vadd.s32 v0, v17;
	v18 =	vld.idx.msk [tilespmem:v16+s31+$0x0 ss:$0x1], $0xffff;
	_ =	sdelay $0x4  }
0x18c: {  	[tilespmem:v19+s12+$0x0] =	vst.idx.msk $0xffff, v18  }
0x18d: {  	v19 =	vadd.s32 v1, v17;
	v18 =	vld.idx.msk [tilespmem:v16+s31+$0x10 ss:$0x1], $0xffff;
	_ =	sdelay $0x4  }
0x18e: {  	[tilespmem:v19+s12+$0x0] =	vst.idx.msk $0xffff, v18  }
0x18f: {  	v19 =	vadd.s32 v2, v17;
	v18 =	vld.idx.msk [tilespmem:v16+s31+$0x20 ss:$0x1], $0xffff;
	_ =	sdelay $0x4  }
0x190: {  	[tilespmem:v19+s12+$0x0] =	vst.idx.msk $0xffff, v18  }
0x191: {  	v19 =	vadd.s32 v3, v17;
	v18 =	vld.idx.msk [tilespmem:v16+s31+$0x30 ss:$0x1], $0xffff;
	_ =	sdelay $0x4  }
0x192: {  	[tilespmem:v19+s12+$0x0] =	vst.idx.msk $0xffff, v18  }
0x193: {  	v19 =	vadd.s32 v4, v17;
	v18 =	vld.idx.msk [tilespmem:v16+s31+$0x40 ss:$0x1], $0xffff;
	_ =	sdelay $0x4  }
0x194: {  	[tilespmem:v19+s12+$0x0] =	vst.idx.msk $0xffff, v18  }
0x195: {  	v19 =	vadd.s32 v5, v17;
	v18 =	vld.idx.msk [tilespmem:v16+s31+$0x50 ss:$0x1], $0xffff;
	_ =	sdelay $0x4  }
0x196: {  	[tilespmem:v19+s12+$0x0] =	vst.idx.msk $0xffff, v18  }
0x197: {  	v19 =	vadd.s32 v6, v17;
	v18 =	vld.idx.msk [tilespmem:v16+s31+$0x60 ss:$0x1], $0xffff;
	_ =	sdelay $0x4  }
0x198: {  	[tilespmem:v19+s12+$0x0] =	vst.idx.msk $0xffff, v18  }
0x199: {  	v19 =	vadd.s32 v7, v17;
	v18 =	vld.idx.msk [tilespmem:v16+s31+$0x70 ss:$0x1], $0xffff;
	_ =	sdelay $0x4  }
0x19a: {  	[tilespmem:v19+s12+$0x0] =	vst.idx.msk $0xffff, v18  }
0x19b: {  	v19 =	vadd.s32 v8, v17;
	v18 =	vld.idx.msk [tilespmem:v16+s31+$0x80 ss:$0x1], $0xffff;
	_ =	sdelay $0x4  }
0x19c: {  	[tilespmem:v19+s12+$0x0] =	vst.idx.msk $0xffff, v18  }
0x19d: {  	v19 =	vadd.s32 v9, v17;
	v18 =	vld.idx.msk [tilespmem:v16+s31+$0x90 ss:$0x1], $0xffff;
	_ =	sdelay $0x4  }
0x19e: {  	[tilespmem:v19+s12+$0x0] =	vst.idx.msk $0xffff, v18  }
0x19f: {  	v19 =	vadd.s32 v10, v17;
	v18 =	vld.idx.msk [tilespmem:v16+s31+$0xA0 ss:$0x1], $0xffff;
	_ =	sdelay $0x4  }
0x1a0: {  	[tilespmem:v19+s12+$0x0] =	vst.idx.msk $0xffff, v18  }
0x1a1: {  	v19 =	vadd.s32 v11, v17;
	v18 =	vld.idx.msk [tilespmem:v16+s31+$0xB0 ss:$0x1], $0xffff;
	_ =	sdelay $0x4  }
0x1a2: {  	[tilespmem:v19+s12+$0x0] =	vst.idx.msk $0xffff, v18  }
0x1a3: {  	v19 =	vadd.s32 v12, v17;
	v18 =	vld.idx.msk [tilespmem:v16+s31+$0xC0 ss:$0x1], $0xffff;
	_ =	sdelay $0x4  }
0x1a4: {  	[tilespmem:v19+s12+$0x0] =	vst.idx.msk $0xffff, v18  }
0x1a5: {  	v19 =	vadd.s32 v13, v17;
	v18 =	vld.idx.msk [tilespmem:v16+s31+$0xD0 ss:$0x1], $0xffff;
	_ =	sdelay $0x4  }
0x1a6: {  	[tilespmem:v19+s12+$0x0] =	vst.idx.msk $0xffff, v18  }
0x1a7: {  	v19 =	vadd.s32 v14, v17;
	v18 =	vld.idx.msk [tilespmem:v16+s31+$0xE0 ss:$0x1], $0xffff;
	_ =	sdelay $0x4  }
0x1a8: {  	[tilespmem:v19+s12+$0x0] =	vst.idx.msk $0xffff, v18  }
0x1a9: {  	v17 =	vadd.s32 v15, v17;
	v18 =	vld.idx.msk [tilespmem:v16+s31+$0xF0 ss:$0x1], $0xffff;
	_ =	sdelay $0x2  }
0x1aa: {  	s24 =	simm.s32 $0x1  }
0x1ab: {  	s25 =	simm.s32 $0x800;
	s26 =	sadd.s32 $0x1, s22;
	s23 =	simm.s32 $0x400  }
.LBB2_10:
0x1ac: {  	p1 =	sne.s32 s25, $0x3C00;
	v19 =	vmov s26;
	s26 =	sshra.s32 s23, $0x2;
	[tilespmem:v17+s12+$0x0] =	vst.idx.msk $0xffff, v18;
	s23 =	smov.u32 s25  }
0x1ad: {  	v18 =	vld.idx.msk [tilespmem:v16+s26+$0x0 ss:$0x1], $0xffff;
	v17 =	vand.u32 $0xFF, v19  }
0x1ae: {  	v19 =	vadd.s32 v0, v17;
	_ =	sdelay $0x4  }
0x1af: {  	[tilespmem:v19+s12+$0x0] =	vst.idx.msk $0xffff, v18  }
0x1b0: {  	v18 =	vld.idx.msk [tilespmem:v16+s26+$0x10 ss:$0x1], $0xffff  }
0x1b1: {  	v19 =	vadd.s32 v1, v17;
	_ =	sdelay $0x4  }
0x1b2: {  	[tilespmem:v19+s12+$0x0] =	vst.idx.msk $0xffff, v18  }
0x1b3: {  	v18 =	vld.idx.msk [tilespmem:v16+s26+$0x20 ss:$0x1], $0xffff  }
0x1b4: {  	v19 =	vadd.s32 v2, v17;
	_ =	sdelay $0x4  }
0x1b5: {  	[tilespmem:v19+s12+$0x0] =	vst.idx.msk $0xffff, v18  }
0x1b6: {  	v18 =	vld.idx.msk [tilespmem:v16+s26+$0x30 ss:$0x1], $0xffff  }
0x1b7: {  	v19 =	vadd.s32 v3, v17;
	_ =	sdelay $0x4  }
0x1b8: {  	[tilespmem:v19+s12+$0x0] =	vst.idx.msk $0xffff, v18  }
0x1b9: {  	v18 =	vld.idx.msk [tilespmem:v16+s26+$0x40 ss:$0x1], $0xffff  }
0x1ba: {  	v19 =	vadd.s32 v4, v17;
	_ =	sdelay $0x4  }
0x1bb: {  	[tilespmem:v19+s12+$0x0] =	vst.idx.msk $0xffff, v18  }
0x1bc: {  	v18 =	vld.idx.msk [tilespmem:v16+s26+$0x50 ss:$0x1], $0xffff  }
0x1bd: {  	v19 =	vadd.s32 v5, v17;
	_ =	sdelay $0x4  }
0x1be: {  	[tilespmem:v19+s12+$0x0] =	vst.idx.msk $0xffff, v18  }
0x1bf: {  	v18 =	vld.idx.msk [tilespmem:v16+s26+$0x60 ss:$0x1], $0xffff  }
0x1c0: {  	v19 =	vadd.s32 v6, v17;
	_ =	sdelay $0x4  }
0x1c1: {  	[tilespmem:v19+s12+$0x0] =	vst.idx.msk $0xffff, v18  }
0x1c2: {  	v18 =	vld.idx.msk [tilespmem:v16+s26+$0x70 ss:$0x1], $0xffff  }
0x1c3: {  	v19 =	vadd.s32 v7, v17;
	_ =	sdelay $0x4  }
0x1c4: {  	[tilespmem:v19+s12+$0x0] =	vst.idx.msk $0xffff, v18  }
0x1c5: {  	v18 =	vld.idx.msk [tilespmem:v16+s26+$0x80 ss:$0x1], $0xffff  }
0x1c6: {  	v19 =	vadd.s32 v8, v17;
	_ =	sdelay $0x4  }
0x1c7: {  	[tilespmem:v19+s12+$0x0] =	vst.idx.msk $0xffff, v18  }
0x1c8: {  	v18 =	vld.idx.msk [tilespmem:v16+s26+$0x90 ss:$0x1], $0xffff  }
0x1c9: {  	v19 =	vadd.s32 v9, v17;
	_ =	sdelay $0x4  }
0x1ca: {  	[tilespmem:v19+s12+$0x0] =	vst.idx.msk $0xffff, v18  }
0x1cb: {  	v18 =	vld.idx.msk [tilespmem:v16+s26+$0xA0 ss:$0x1], $0xffff  }
0x1cc: {  	v19 =	vadd.s32 v10, v17;
	_ =	sdelay $0x4  }
0x1cd: {  	[tilespmem:v19+s12+$0x0] =	vst.idx.msk $0xffff, v18  }
0x1ce: {  	v18 =	vld.idx.msk [tilespmem:v16+s26+$0xB0 ss:$0x1], $0xffff  }
0x1cf: {  	v19 =	vadd.s32 v11, v17;
	_ =	sdelay $0x4  }
0x1d0: {  	[tilespmem:v19+s12+$0x0] =	vst.idx.msk $0xffff, v18  }
0x1d1: {  	v18 =	vld.idx.msk [tilespmem:v16+s26+$0xC0 ss:$0x1], $0xffff  }
0x1d2: {  	v19 =	vadd.s32 v12, v17;
	_ =	sdelay $0x4  }
0x1d3: {  	[tilespmem:v19+s12+$0x0] =	vst.idx.msk $0xffff, v18  }
0x1d4: {  	v18 =	vld.idx.msk [tilespmem:v16+s26+$0xD0 ss:$0x1], $0xffff  }
0x1d5: {  	v19 =	vadd.s32 v13, v17;
	_ =	sdelay $0x4  }
0x1d6: {  	[tilespmem:v19+s12+$0x0] =	vst.idx.msk $0xffff, v18  }
0x1d7: {  	v18 =	vld.idx.msk [tilespmem:v16+s26+$0xE0 ss:$0x1], $0xffff  }
0x1d8: {  	v19 =	vadd.s32 v14, v17;
	_ =	sdelay $0x4  }
0x1d9: {  	[tilespmem:v19+s12+$0x0] =	vst.idx.msk $0xffff, v18  }
0x1da: {  	v18 =	vld.idx.msk [tilespmem:v16+s26+$0xF0 ss:$0x1], $0xffff  }
.Ltmp3:
0x1db: {  	v17 =	vadd.s32 v15, v17;
	(pc) =	sbr.rel @p1 .LBB2_10-.Ltmp3, $3  }
0x1dc: {  	_ =	sdelay $0x1  }
0x1dd: {  	s24 =	sadd.s32 $0x1, s24  }
0x1de: {  	s25 =	sadd.s32 $0x400, s25;
	s26 =	sadd.s32 s22, s24  }
0x1df: {  	_ =	sdelay $0x2  }
0x1e0: {  	v19 =	vmov s26  }
0x1e1: {  	s22 =	sshra.s32 s23, $0x2;
	[tilespmem:v17+s12+$0x0] =	vst.idx.msk $0xffff, v18;
	v17 =	vand.u32 $0xFF, v19  }
0x1e2: {  	v18 =	vld.idx.msk [tilespmem:v16+s22+$0x0 ss:$0x1], $0xffff;
	v19 =	vadd.s32 v0, v17;
	_ =	sdelay $0x4  }
0x1e3: {  	[tilespmem:v19+s12+$0x0] =	vst.idx.msk $0xffff, v18  }
0x1e4: {  	v50 =	vadd.s32 v1, v17;
	v18 =	vld.idx.msk [tilespmem:v16+s22+$0x10 ss:$0x1], $0xffff;
	_ =	sdelay $0x4  }
0x1e5: {  	[tilespmem:v50+s12+$0x0] =	vst.idx.msk $0xffff, v18  }
0x1e6: {  	v51 =	vadd.s32 v2, v17;
	v18 =	vld.idx.msk [tilespmem:v16+s22+$0x20 ss:$0x1], $0xffff;
	_ =	sdelay $0x4  }
0x1e7: {  	[tilespmem:v51+s12+$0x0] =	vst.idx.msk $0xffff, v18  }
0x1e8: {  	v52 =	vadd.s32 v3, v17;
	v18 =	vld.idx.msk [tilespmem:v16+s22+$0x30 ss:$0x1], $0xffff;
	_ =	sdelay $0x4  }
0x1e9: {  	[tilespmem:v52+s12+$0x0] =	vst.idx.msk $0xffff, v18  }
0x1ea: {  	v53 =	vadd.s32 v4, v17;
	v18 =	vld.idx.msk [tilespmem:v16+s22+$0x40 ss:$0x1], $0xffff;
	_ =	sdelay $0x4  }
0x1eb: {  	[tilespmem:v53+s12+$0x0] =	vst.idx.msk $0xffff, v18  }
0x1ec: {  	v54 =	vadd.s32 v5, v17;
	v18 =	vld.idx.msk [tilespmem:v16+s22+$0x50 ss:$0x1], $0xffff;
	_ =	sdelay $0x4  }
0x1ed: {  	[tilespmem:v54+s12+$0x0] =	vst.idx.msk $0xffff, v18  }
0x1ee: {  	v55 =	vadd.s32 v6, v17;
	v18 =	vld.idx.msk [tilespmem:v16+s22+$0x60 ss:$0x1], $0xffff;
	_ =	sdelay $0x4  }
0x1ef: {  	[tilespmem:v55+s12+$0x0] =	vst.idx.msk $0xffff, v18  }
0x1f0: {  	v56 =	vadd.s32 v7, v17;
	v18 =	vld.idx.msk [tilespmem:v16+s22+$0x70 ss:$0x1], $0xffff;
	_ =	sdelay $0x4  }
0x1f1: {  	[tilespmem:v56+s12+$0x0] =	vst.idx.msk $0xffff, v18  }
0x1f2: {  	v57 =	vadd.s32 v8, v17;
	v18 =	vld.idx.msk [tilespmem:v16+s22+$0x80 ss:$0x1], $0xffff;
	_ =	sdelay $0x4  }
0x1f3: {  	[tilespmem:v57+s12+$0x0] =	vst.idx.msk $0xffff, v18  }
0x1f4: {  	v58 =	vadd.s32 v9, v17;
	v18 =	vld.idx.msk [tilespmem:v16+s22+$0x90 ss:$0x1], $0xffff;
	_ =	sdelay $0x4  }
0x1f5: {  	[tilespmem:v58+s12+$0x0] =	vst.idx.msk $0xffff, v18  }
0x1f6: {  	v59 =	vadd.s32 v10, v17;
	v18 =	vld.idx.msk [tilespmem:v16+s22+$0xA0 ss:$0x1], $0xffff;
	_ =	sdelay $0x4  }
0x1f7: {  	[tilespmem:v59+s12+$0x0] =	vst.idx.msk $0xffff, v18  }
0x1f8: {  	v60 =	vadd.s32 v11, v17;
	v18 =	vld.idx.msk [tilespmem:v16+s22+$0xB0 ss:$0x1], $0xffff;
	_ =	sdelay $0x4  }
0x1f9: {  	[tilespmem:v60+s12+$0x0] =	vst.idx.msk $0xffff, v18  }
0x1fa: {  	v61 =	vadd.s32 v12, v17;
	v18 =	vld.idx.msk [tilespmem:v16+s22+$0xC0 ss:$0x1], $0xffff;
	_ =	sdelay $0x4  }
0x1fb: {  	[tilespmem:v61+s12+$0x0] =	vst.idx.msk $0xffff, v18  }
0x1fc: {  	v62 =	vadd.s32 v13, v17;
	v18 =	vld.idx.msk [tilespmem:v16+s22+$0xD0 ss:$0x1], $0xffff;
	_ =	sdelay $0x4  }
0x1fd: {  	[tilespmem:v62+s12+$0x0] =	vst.idx.msk $0xffff, v18  }
0x1fe: {  	v63 =	vadd.s32 v14, v17;
	v18 =	vld.idx.msk [tilespmem:v16+s22+$0xE0 ss:$0x1], $0xffff;
	_ =	sdelay $0x4  }
0x1ff: {  	s21 =	sadd.s32 $0x1, s21;
	[tilespmem:v63+s12+$0x0] =	vst.idx.msk $0xffff, v18  }
0x200: {  	p1 =	sne.s32 s21, $0xB;
	v17 =	vadd.s32 v15, v17;
	v16 =	vld.idx.msk [tilespmem:v16+s22+$0xF0 ss:$0x1], $0xffff  }
.Ltmp4:
0x201: {  	_ = 	snop;
	(pc) =	sbr.rel @p1 .LBB2_7-.Ltmp4, $3  }
0x202: {  	_ =	sdelay $0x1  }
0x203: {  	s16 =	sadd.s32 $0x1000, s16;
	s17 =	sadd.s32 $0x1, s17  }
0x204: {  	s18 =	sadd.s32 $0x1000, s18;
	s19 =	sadd.s32 $0x186A00, s19;
	s20 =	sadd.s32 $0x1000, s20;
	[tilespmem:v17+s12+$0x0] =	vst.idx.msk $0xffff, v16  }
0x205: {  	_ =	swait.ge [sflag:s11], $0x100  }
0x206: {  	[sflag:s11] =	ssyncset.done $0x0  }
0x207: {  	[sflag:s11] =	ssyncadd.s32 $0xFFFFFF00  }
0x208: {  	_ =	swait.ge [sflag:s11], $0x100  }
0x209: {  	[sflag:s11] =	ssyncset.done $0x0  }
0x20a: {  	[sflag:s11] =	ssyncadd.s32 $0xFFFFFF00  }
0x20b: {  	_ =	swait.ge [sflag:s11], $0x100  }
0x20c: {  	[sflag:s11] =	ssyncset.done $0x0  }
0x20d: {  	[sflag:s11] =	ssyncadd.s32 $0xFFFFFF00  }
0x20e: {  	_ =	swait.ge [sflag:s11], $0x100  }
0x20f: {  	[sflag:s11] =	ssyncset.done $0x0  }
0x210: {  	[sflag:s11] =	ssyncadd.s32 $0xFFFFFF00  }
0x211: {  	_ =	swait.ge [sflag:s11], $0x100  }
0x212: {  	[sflag:s11] =	ssyncset.done $0x0  }
0x213: {  	[sflag:s11] =	ssyncadd.s32 $0xFFFFFF00  }
0x214: {  	_ =	swait.ge [sflag:s11], $0x100  }
0x215: {  	[sflag:s11] =	ssyncset.done $0x0  }
0x216: {  	[sflag:s11] =	ssyncadd.s32 $0xFFFFFF00  }
0x217: {  	_ =	swait.ge [sflag:s11], $0x100  }
0x218: {  	[sflag:s11] =	ssyncset.done $0x0  }
0x219: {  	[sflag:s11] =	ssyncadd.s32 $0xFFFFFF00  }
0x21a: {  	_ =	swait.ge [sflag:s11], $0x100  }
0x21b: {  	[sflag:s11] =	ssyncset.done $0x0  }
0x21c: {  	[sflag:s11] =	ssyncadd.s32 $0xFFFFFF00  }
0x21d: {  	_ =	swait.ge [sflag:s11], $0x100  }
0x21e: {  	[sflag:s11] =	ssyncset.done $0x0  }
0x21f: {  	[sflag:s11] =	ssyncadd.s32 $0xFFFFFF00  }
0x220: {  	_ =	swait.ge [sflag:s11], $0x100  }
0x221: {  	[sflag:s11] =	ssyncset.done $0x0  }
0x222: {  	[sflag:s11] =	ssyncadd.s32 $0xFFFFFF00  }
0x223: {  	_ =	swait.ge [sflag:s11], $0x100  }
0x224: {  	[sflag:s11] =	ssyncset.done $0x0  }
0x225: {  	[sflag:s11] =	ssyncadd.s32 $0xFFFFFF00  }
0x226: {  	_ =	swait.ge [sflag:s11], $0x100  }
0x227: {  	[sflag:s11] =	ssyncset.done $0x0  }
0x228: {  	[sflag:s11] =	ssyncadd.s32 $0xFFFFFF00  }
0x229: {  	_ =	swait.ge [sflag:s11], $0x100  }
0x22a: {  	[sflag:s11] =	ssyncset.done $0x0  }
0x22b: {  	[sflag:s11] =	ssyncadd.s32 $0xFFFFFF00  }
0x22c: {  	_ =	swait.ge [sflag:s11], $0x100  }
0x22d: {  	[sflag:s11] =	ssyncset.done $0x0  }
0x22e: {  	[sflag:s11] =	ssyncadd.s32 $0xFFFFFF00  }
0x22f: {  	s15 =	simm.s32 $0x0;
	_ =	swait.ge [sflag:s11], $0x100  }
0x230: {  	v16 =	vmov s15;
	[sflag:s11] =	ssyncset.done $0x0  }
0x231: {  	v16 =	vadd.s32 $0xB0, v16;
	[sflag:s11] =	ssyncadd.s32 $0xFFFFFF00  }
0x232: {  	v16 =	vand.u32 $0xBF, v16;
	_ =	swait.ge [sflag:s11], $0x100  }
0x233: {  	v16 =	vbroadcast v16, $0x0;
	[sflag:s11] =	ssyncset.done $0x0  }
0x234: {  	s15 =	simm.s32 $0x53F0;
	[sflag:s11] =	ssyncadd.s32 $0xFFFFFF00  }
0x235: {  	v18 =	vadd.s32 v0, v16;
	v17 =	vld [tilespmem:s15+$0xFFFFFF10];
	_ =	sdelay $0x4  }
0x236: {  	[tilespmem:v18+s12+$0x0] =	vst.idx.msk $0xffff, v17  }
0x237: {  	v18 =	vadd.s32 v1, v16;
	v17 =	vld [tilespmem:s15+$0xFFFFFF20];
	_ =	sdelay $0x4  }
0x238: {  	[tilespmem:v18+s12+$0x0] =	vst.idx.msk $0xffff, v17  }
0x239: {  	v18 =	vadd.s32 v2, v16;
	v17 =	vld [tilespmem:s15+$0xFFFFFF30];
	_ =	sdelay $0x4  }
0x23a: {  	[tilespmem:v18+s12+$0x0] =	vst.idx.msk $0xffff, v17  }
0x23b: {  	v18 =	vadd.s32 v3, v16;
	v17 =	vld [tilespmem:s15+$0xFFFFFF40];
	_ =	sdelay $0x4  }
0x23c: {  	[tilespmem:v18+s12+$0x0] =	vst.idx.msk $0xffff, v17  }
0x23d: {  	v18 =	vadd.s32 v4, v16;
	v17 =	vld [tilespmem:s15+$0xFFFFFF50];
	_ =	sdelay $0x4  }
0x23e: {  	[tilespmem:v18+s12+$0x0] =	vst.idx.msk $0xffff, v17  }
0x23f: {  	v18 =	vadd.s32 v5, v16;
	v17 =	vld [tilespmem:s15+$0xFFFFFF60];
	_ =	sdelay $0x4  }
0x240: {  	[tilespmem:v18+s12+$0x0] =	vst.idx.msk $0xffff, v17  }
0x241: {  	v18 =	vadd.s32 v6, v16;
	v17 =	vld [tilespmem:s15+$0xFFFFFF70];
	_ =	sdelay $0x4  }
0x242: {  	[tilespmem:v18+s12+$0x0] =	vst.idx.msk $0xffff, v17  }
0x243: {  	v18 =	vadd.s32 v7, v16;
	v17 =	vld [tilespmem:s15+$0xFFFFFF80];
	_ =	sdelay $0x4  }
0x244: {  	[tilespmem:v18+s12+$0x0] =	vst.idx.msk $0xffff, v17  }
0x245: {  	v18 =	vadd.s32 v8, v16;
	v17 =	vld [tilespmem:s15+$0xFFFFFF90];
	_ =	sdelay $0x4  }
0x246: {  	[tilespmem:v18+s12+$0x0] =	vst.idx.msk $0xffff, v17  }
0x247: {  	v18 =	vadd.s32 v9, v16;
	v17 =	vld [tilespmem:s15+$0xFFFFFFA0];
	_ =	sdelay $0x4  }
0x248: {  	[tilespmem:v18+s12+$0x0] =	vst.idx.msk $0xffff, v17  }
0x249: {  	v18 =	vadd.s32 v10, v16;
	v17 =	vld [tilespmem:s15+$0xFFFFFFB0];
	_ =	sdelay $0x4  }
0x24a: {  	[tilespmem:v18+s12+$0x0] =	vst.idx.msk $0xffff, v17  }
0x24b: {  	v18 =	vadd.s32 v11, v16;
	v17 =	vld [tilespmem:s15+$0xFFFFFFC0];
	_ =	sdelay $0x4  }
0x24c: {  	[tilespmem:v18+s12+$0x0] =	vst.idx.msk $0xffff, v17  }
0x24d: {  	v18 =	vadd.s32 v12, v16;
	v17 =	vld [tilespmem:s15+$0xFFFFFFD0];
	_ =	sdelay $0x4  }
0x24e: {  	[tilespmem:v18+s12+$0x0] =	vst.idx.msk $0xffff, v17  }
0x24f: {  	v18 =	vadd.s32 v13, v16;
	v17 =	vld [tilespmem:s15+$0xFFFFFFE0];
	_ =	sdelay $0x4  }
0x250: {  	[tilespmem:v18+s12+$0x0] =	vst.idx.msk $0xffff, v17  }
0x251: {  	v18 =	vadd.s32 v14, v16;
	v17 =	vld [tilespmem:s15+$0xFFFFFFF0];
	_ =	sdelay $0x4  }
0x252: {  	[tilespmem:v18+s12+$0x0] =	vst.idx.msk $0xffff, v17  }
0x253: {  	s16 =	simm.s32 $0x1;
	v18 =	vadd.s32 v15, v16;
	v17 =	vld [tilespmem:s15+$0x0]  }
0x254: {  	v16 =	vmov s16;
	s16 =	simm.s32 $0x2  }
.LBB2_13:
0x255: {  	p1 =	sne.s32 s16, $0xF;
	v16 =	vadd.s32 $0xB0, v16  }
0x256: {  	v16 =	vand.u32 $0xBF, v16  }
0x257: {  	v16 =	vbroadcast v16, $0x0  }
0x258: {  	s15 =	sadd.s32 $0x100, s15;
	[tilespmem:v18+s12+$0x0] =	vst.idx.msk $0xffff, v17  }
0x259: {  	v17 =	vld [tilespmem:s15+$0xFFFFFF10];
	v18 =	vadd.s32 v0, v16;
	_ =	sdelay $0x4  }
0x25a: {  	[tilespmem:v18+s12+$0x0] =	vst.idx.msk $0xffff, v17  }
0x25b: {  	v18 =	vadd.s32 v1, v16;
	v17 =	vld [tilespmem:s15+$0xFFFFFF20];
	_ =	sdelay $0x4  }
0x25c: {  	[tilespmem:v18+s12+$0x0] =	vst.idx.msk $0xffff, v17  }
0x25d: {  	v18 =	vadd.s32 v2, v16;
	v17 =	vld [tilespmem:s15+$0xFFFFFF30];
	_ =	sdelay $0x4  }
0x25e: {  	[tilespmem:v18+s12+$0x0] =	vst.idx.msk $0xffff, v17  }
0x25f: {  	v18 =	vadd.s32 v3, v16;
	v17 =	vld [tilespmem:s15+$0xFFFFFF40];
	_ =	sdelay $0x4  }
0x260: {  	[tilespmem:v18+s12+$0x0] =	vst.idx.msk $0xffff, v17  }
0x261: {  	v18 =	vadd.s32 v4, v16;
	v17 =	vld [tilespmem:s15+$0xFFFFFF50];
	_ =	sdelay $0x4  }
0x262: {  	[tilespmem:v18+s12+$0x0] =	vst.idx.msk $0xffff, v17  }
0x263: {  	v18 =	vadd.s32 v5, v16;
	v17 =	vld [tilespmem:s15+$0xFFFFFF60];
	_ =	sdelay $0x4  }
0x264: {  	[tilespmem:v18+s12+$0x0] =	vst.idx.msk $0xffff, v17  }
0x265: {  	v18 =	vadd.s32 v6, v16;
	v17 =	vld [tilespmem:s15+$0xFFFFFF70];
	_ =	sdelay $0x4  }
0x266: {  	[tilespmem:v18+s12+$0x0] =	vst.idx.msk $0xffff, v17  }
0x267: {  	v18 =	vadd.s32 v7, v16;
	v17 =	vld [tilespmem:s15+$0xFFFFFF80];
	_ =	sdelay $0x4  }
0x268: {  	[tilespmem:v18+s12+$0x0] =	vst.idx.msk $0xffff, v17  }
0x269: {  	v18 =	vadd.s32 v8, v16;
	v17 =	vld [tilespmem:s15+$0xFFFFFF90];
	_ =	sdelay $0x4  }
0x26a: {  	[tilespmem:v18+s12+$0x0] =	vst.idx.msk $0xffff, v17  }
0x26b: {  	v18 =	vadd.s32 v9, v16;
	v17 =	vld [tilespmem:s15+$0xFFFFFFA0];
	_ =	sdelay $0x4  }
0x26c: {  	[tilespmem:v18+s12+$0x0] =	vst.idx.msk $0xffff, v17  }
0x26d: {  	v18 =	vadd.s32 v10, v16;
	v17 =	vld [tilespmem:s15+$0xFFFFFFB0];
	_ =	sdelay $0x4  }
0x26e: {  	[tilespmem:v18+s12+$0x0] =	vst.idx.msk $0xffff, v17  }
0x26f: {  	v18 =	vadd.s32 v11, v16;
	v17 =	vld [tilespmem:s15+$0xFFFFFFC0];
	_ =	sdelay $0x4  }
0x270: {  	[tilespmem:v18+s12+$0x0] =	vst.idx.msk $0xffff, v17  }
0x271: {  	v18 =	vadd.s32 v12, v16;
	v17 =	vld [tilespmem:s15+$0xFFFFFFD0];
	_ =	sdelay $0x4  }
0x272: {  	[tilespmem:v18+s12+$0x0] =	vst.idx.msk $0xffff, v17  }
0x273: {  	v18 =	vadd.s32 v13, v16;
	v17 =	vld [tilespmem:s15+$0xFFFFFFE0];
	_ =	sdelay $0x4  }
0x274: {  	[tilespmem:v18+s12+$0x0] =	vst.idx.msk $0xffff, v17  }
0x275: {  	v18 =	vadd.s32 v14, v16;
	v17 =	vld [tilespmem:s15+$0xFFFFFFF0];
	_ =	sdelay $0x2  }
.Ltmp5:
0x276: {  	(pc) =	sbr.rel @p1 .LBB2_13-.Ltmp5, $4  }
0x277: {  	_ = 	snop  }
0x278: {  	[tilespmem:v18+s12+$0x0] =	vst.idx.msk $0xffff, v17  }
0x279: {  	v18 =	vadd.s32 v15, v16;
	v17 =	vld [tilespmem:s15+$0x0]  }
0x27a: {  	v16 =	vmov s16;
	s16 =	sadd.s32 $0x1, s16  }
0x27b: {  	_ = 	snop  }
0x27c: {  	v16 =	vadd.s32 $0xB0, v16  }
0x27d: {  	v16 =	vand.u32 $0xBF, v16  }
0x27e: {  	v16 =	vbroadcast v16, $0x0  }
0x27f: {  	s15 =	sadd.s32 $0x100, s15;
	[tilespmem:v18+s12+$0x0] =	vst.idx.msk $0xffff, v17  }
0x280: {  	v17 =	vld [tilespmem:s15+$0xFFFFFF10];
	v18 =	vadd.s32 v0, v16;
	_ =	sdelay $0x4  }
0x281: {  	[tilespmem:v18+s12+$0x0] =	vst.idx.msk $0xffff, v17  }
0x282: {  	v18 =	vadd.s32 v1, v16;
	v17 =	vld [tilespmem:s15+$0xFFFFFF20];
	_ =	sdelay $0x4  }
0x283: {  	[tilespmem:v18+s12+$0x0] =	vst.idx.msk $0xffff, v17  }
0x284: {  	v18 =	vadd.s32 v2, v16;
	v17 =	vld [tilespmem:s15+$0xFFFFFF30];
	_ =	sdelay $0x4  }
0x285: {  	[tilespmem:v18+s12+$0x0] =	vst.idx.msk $0xffff, v17  }
0x286: {  	v18 =	vadd.s32 v3, v16;
	v17 =	vld [tilespmem:s15+$0xFFFFFF40];
	_ =	sdelay $0x4  }
0x287: {  	[tilespmem:v18+s12+$0x0] =	vst.idx.msk $0xffff, v17  }
0x288: {  	v18 =	vadd.s32 v4, v16;
	v17 =	vld [tilespmem:s15+$0xFFFFFF50];
	_ =	sdelay $0x4  }
0x289: {  	[tilespmem:v18+s12+$0x0] =	vst.idx.msk $0xffff, v17  }
0x28a: {  	v18 =	vadd.s32 v5, v16;
	v17 =	vld [tilespmem:s15+$0xFFFFFF60];
	_ =	sdelay $0x4  }
0x28b: {  	[tilespmem:v18+s12+$0x0] =	vst.idx.msk $0xffff, v17  }
0x28c: {  	v18 =	vadd.s32 v6, v16;
	v17 =	vld [tilespmem:s15+$0xFFFFFF70];
	_ =	sdelay $0x4  }
0x28d: {  	[tilespmem:v18+s12+$0x0] =	vst.idx.msk $0xffff, v17  }
0x28e: {  	v18 =	vadd.s32 v7, v16;
	v17 =	vld [tilespmem:s15+$0xFFFFFF80];
	_ =	sdelay $0x4  }
0x28f: {  	[tilespmem:v18+s12+$0x0] =	vst.idx.msk $0xffff, v17  }
0x290: {  	v18 =	vadd.s32 v8, v16;
	v17 =	vld [tilespmem:s15+$0xFFFFFF90];
	_ =	sdelay $0x4  }
0x291: {  	[tilespmem:v18+s12+$0x0] =	vst.idx.msk $0xffff, v17  }
0x292: {  	v18 =	vadd.s32 v9, v16;
	v17 =	vld [tilespmem:s15+$0xFFFFFFA0];
	_ =	sdelay $0x4  }
0x293: {  	[tilespmem:v18+s12+$0x0] =	vst.idx.msk $0xffff, v17  }
0x294: {  	v18 =	vadd.s32 v10, v16;
	v17 =	vld [tilespmem:s15+$0xFFFFFFB0];
	_ =	sdelay $0x4  }
0x295: {  	[tilespmem:v18+s12+$0x0] =	vst.idx.msk $0xffff, v17  }
0x296: {  	v18 =	vadd.s32 v11, v16;
	v17 =	vld [tilespmem:s15+$0xFFFFFFC0];
	_ =	sdelay $0x4  }
0x297: {  	[tilespmem:v18+s12+$0x0] =	vst.idx.msk $0xffff, v17  }
0x298: {  	v18 =	vadd.s32 v12, v16;
	v17 =	vld [tilespmem:s15+$0xFFFFFFD0];
	_ =	sdelay $0x4  }
0x299: {  	[tilespmem:v18+s12+$0x0] =	vst.idx.msk $0xffff, v17  }
0x29a: {  	v18 =	vadd.s32 v13, v16;
	v17 =	vld [tilespmem:s15+$0xFFFFFFE0];
	_ =	sdelay $0x4  }
0x29b: {  	[tilespmem:v18+s12+$0x0] =	vst.idx.msk $0xffff, v17  }
0x29c: {  	v18 =	vadd.s32 v14, v16;
	v17 =	vld [tilespmem:s15+$0xFFFFFFF0];
	_ =	sdelay $0x4  }
0x29d: {  	[tilespmem:v18+s12+$0x0] =	vst.idx.msk $0xffff, v17  }
0x29e: {  	v16 =	vadd.s32 v15, v16;
	v17 =	vld [tilespmem:s15+$0x0];
	_ =	sdelay $0x4  }
0x29f: {  	[tilespmem:v16+s12+$0x0] =	vst.idx.msk $0xffff, v17  }
0x2a0: {  	_ =	swait.ge [sflag:s11], $0x100  }
0x2a1: {  	[sflag:s11] =	ssyncset.done $0x0  }
0x2a2: {  	[sflag:s11] =	ssyncadd.s32 $0xFFFFFF00  }
0x2a3: {  	_ =	swait.ge [sflag:s11], $0x100  }
0x2a4: {  	[sflag:s11] =	ssyncset.done $0x0  }
0x2a5: {  	[sflag:s11] =	ssyncadd.s32 $0xFFFFFF00  }
0x2a6: {  	_ =	swait.ge [sflag:s11], $0x100  }
0x2a7: {  	[sflag:s11] =	ssyncset.done $0x0  }
0x2a8: {  	[sflag:s11] =	ssyncadd.s32 $0xFFFFFF00  }
0x2a9: {  	_ =	swait.ge [sflag:s11], $0x100  }
0x2aa: {  	[sflag:s11] =	ssyncset.done $0x0  }
0x2ab: {  	[sflag:s11] =	ssyncadd.s32 $0xFFFFFF00  }
0x2ac: {  	_ =	swait.ge [sflag:s11], $0x100  }
0x2ad: {  	[sflag:s11] =	ssyncset.done $0x0  }
0x2ae: {  	[sflag:s11] =	ssyncadd.s32 $0xFFFFFF00  }
0x2af: {  	_ =	swait.ge [sflag:s11], $0x100  }
0x2b0: {  	[sflag:s11] =	ssyncset.done $0x0  }
0x2b1: {  	[sflag:s11] =	ssyncadd.s32 $0xFFFFFF00  }
0x2b2: {  	_ =	swait.ge [sflag:s11], $0x100  }
0x2b3: {  	[sflag:s11] =	ssyncset.done $0x0  }
0x2b4: {  	[sflag:s11] =	ssyncadd.s32 $0xFFFFFF00  }
0x2b5: {  	_ =	swait.ge [sflag:s11], $0x100  }
0x2b6: {  	[sflag:s11] =	ssyncset.done $0x0  }
0x2b7: {  	[sflag:s11] =	ssyncadd.s32 $0xFFFFFF00  }
0x2b8: {  	_ =	swait.ge [sflag:s11], $0x100  }
0x2b9: {  	[sflag:s11] =	ssyncset.done $0x0  }
0x2ba: {  	[sflag:s11] =	ssyncadd.s32 $0xFFFFFF00  }
0x2bb: {  	_ =	swait.ge [sflag:s11], $0x100  }
0x2bc: {  	[sflag:s11] =	ssyncset.done $0x0  }
0x2bd: {  	[sflag:s11] =	ssyncadd.s32 $0xFFFFFF00  }
0x2be: {  	_ =	swait.ge [sflag:s11], $0x100  }
0x2bf: {  	[sflag:s11] =	ssyncset.done $0x0  }
0x2c0: {  	[sflag:s11] =	ssyncadd.s32 $0xFFFFFF00  }
0x2c1: {  	_ =	swait.ge [sflag:s11], $0x100  }
0x2c2: {  	[sflag:s11] =	ssyncset.done $0x0  }
0x2c3: {  	[sflag:s11] =	ssyncadd.s32 $0xFFFFFF00  }
0x2c4: {  	_ =	swait.ge [sflag:s11], $0x100  }
0x2c5: {  	[sflag:s11] =	ssyncset.done $0x0  }
0x2c6: {  	[sflag:s11] =	ssyncadd.s32 $0xFFFFFF00  }
0x2c7: {  	_ =	swait.ge [sflag:s11], $0x100  }
0x2c8: {  	[sflag:s11] =	ssyncset.done $0x0  }
0x2c9: {  	[sflag:s11] =	ssyncadd.s32 $0xFFFFFF00  }
0x2ca: {  	s31 =	simm.s32 $0x0;
	_ =	swait.ge [sflag:s11], $0x100  }
0x2cb: {  	v16 =	vmov s31;
	[sflag:s11] =	ssyncset.done $0x0  }
0x2cc: {  	v16 =	vadd.s32 $0xC0, v16;
	[sflag:s11] =	ssyncadd.s32 $0xFFFFFF00  }
0x2cd: {  	v16 =	vand.u32 $0xCF, v16;
	_ =	swait.ge [sflag:s11], $0x100  }
0x2ce: {  	v16 =	vbroadcast v16, $0x0;
	[sflag:s11] =	ssyncset.done $0x0  }
0x2cf: {  	s15 =	simm.s32 $0x3380;
	[sflag:s11] =	ssyncadd.s32 $0xFFFFFF00  }
0x2d0: {  	v18 =	vadd.s32 v0, v16;
	v17 =	vld [tilespmem:s15+$0xFFFFFF80];
	_ =	sdelay $0x4  }
0x2d1: {  	[tilespmem:v18+s12+$0x0] =	vst.idx.msk $0xffff, v17  }
0x2d2: {  	v18 =	vadd.s32 v1, v16;
	v17 =	vld [tilespmem:s15+$0xFFFFFF90];
	_ =	sdelay $0x4  }
0x2d3: {  	[tilespmem:v18+s12+$0x0] =	vst.idx.msk $0xffff, v17  }
0x2d4: {  	v18 =	vadd.s32 v2, v16;
	v17 =	vld [tilespmem:s15+$0xFFFFFFA0];
	_ =	sdelay $0x4  }
0x2d5: {  	[tilespmem:v18+s12+$0x0] =	vst.idx.msk $0xffff, v17  }
0x2d6: {  	v18 =	vadd.s32 v3, v16;
	v17 =	vld [tilespmem:s15+$0xFFFFFFB0];
	_ =	sdelay $0x4  }
0x2d7: {  	[tilespmem:v18+s12+$0x0] =	vst.idx.msk $0xffff, v17  }
0x2d8: {  	v18 =	vadd.s32 v4, v16;
	v17 =	vld [tilespmem:s15+$0xFFFFFFC0];
	_ =	sdelay $0x4  }
0x2d9: {  	[tilespmem:v18+s12+$0x0] =	vst.idx.msk $0xffff, v17  }
0x2da: {  	v18 =	vadd.s32 v5, v16;
	v17 =	vld [tilespmem:s15+$0xFFFFFFD0];
	_ =	sdelay $0x4  }
0x2db: {  	[tilespmem:v18+s12+$0x0] =	vst.idx.msk $0xffff, v17  }
0x2dc: {  	v18 =	vadd.s32 v6, v16;
	v17 =	vld [tilespmem:s15+$0xFFFFFFE0];
	_ =	sdelay $0x4  }
0x2dd: {  	[tilespmem:v18+s12+$0x0] =	vst.idx.msk $0xffff, v17  }
0x2de: {  	v18 =	vadd.s32 v7, v16;
	v17 =	vld [tilespmem:s15+$0xFFFFFFF0];
	_ =	sdelay $0x4  }
0x2df: {  	[tilespmem:v18+s12+$0x0] =	vst.idx.msk $0xffff, v17  }
0x2e0: {  	v18 =	vadd.s32 v8, v16;
	v17 =	vld [tilespmem:s15+$0x0];
	_ =	sdelay $0x4  }
0x2e1: {  	[tilespmem:v18+s12+$0x0] =	vst.idx.msk $0xffff, v17  }
0x2e2: {  	v18 =	vadd.s32 v9, v16;
	v17 =	vld [tilespmem:s15+$0x10];
	_ =	sdelay $0x4  }
0x2e3: {  	[tilespmem:v18+s12+$0x0] =	vst.idx.msk $0xffff, v17  }
0x2e4: {  	v18 =	vadd.s32 v10, v16;
	v17 =	vld [tilespmem:s15+$0x20];
	_ =	sdelay $0x4  }
0x2e5: {  	[tilespmem:v18+s12+$0x0] =	vst.idx.msk $0xffff, v17  }
0x2e6: {  	v18 =	vadd.s32 v11, v16;
	v17 =	vld [tilespmem:s15+$0x30];
	_ =	sdelay $0x4  }
0x2e7: {  	[tilespmem:v18+s12+$0x0] =	vst.idx.msk $0xffff, v17  }
0x2e8: {  	v18 =	vadd.s32 v12, v16;
	v17 =	vld [tilespmem:s15+$0x40];
	_ =	sdelay $0x4  }
0x2e9: {  	[tilespmem:v18+s12+$0x0] =	vst.idx.msk $0xffff, v17  }
0x2ea: {  	v18 =	vadd.s32 v13, v16;
	v17 =	vld [tilespmem:s15+$0x50];
	_ =	sdelay $0x4  }
0x2eb: {  	[tilespmem:v18+s12+$0x0] =	vst.idx.msk $0xffff, v17  }
0x2ec: {  	v18 =	vadd.s32 v14, v16;
	v17 =	vld [tilespmem:s15+$0x60];
	_ =	sdelay $0x4  }
0x2ed: {  	[tilespmem:v18+s12+$0x0] =	vst.idx.msk $0xffff, v17  }
0x2ee: {  	s16 =	simm.s32 $0x1;
	v18 =	vadd.s32 v15, v16;
	v17 =	vld [tilespmem:s15+$0x70]  }
0x2ef: {  	v16 =	vmov s16;
	s16 =	simm.s32 $0x2  }
.LBB2_15:
0x2f0: {  	p1 =	sne.s32 s16, $0xF;
	v16 =	vadd.s32 $0xC0, v16  }
0x2f1: {  	v16 =	vand.u32 $0xCF, v16  }
0x2f2: {  	v16 =	vbroadcast v16, $0x0  }
0x2f3: {  	s15 =	sadd.s32 $0x100, s15;
	[tilespmem:v18+s12+$0x0] =	vst.idx.msk $0xffff, v17  }
0x2f4: {  	v17 =	vld [tilespmem:s15+$0xFFFFFF80];
	v18 =	vadd.s32 v0, v16;
	_ =	sdelay $0x4  }
0x2f5: {  	[tilespmem:v18+s12+$0x0] =	vst.idx.msk $0xffff, v17  }
0x2f6: {  	v18 =	vadd.s32 v1, v16;
	v17 =	vld [tilespmem:s15+$0xFFFFFF90];
	_ =	sdelay $0x4  }
0x2f7: {  	[tilespmem:v18+s12+$0x0] =	vst.idx.msk $0xffff, v17  }
0x2f8: {  	v18 =	vadd.s32 v2, v16;
	v17 =	vld [tilespmem:s15+$0xFFFFFFA0];
	_ =	sdelay $0x4  }
0x2f9: {  	[tilespmem:v18+s12+$0x0] =	vst.idx.msk $0xffff, v17  }
0x2fa: {  	v18 =	vadd.s32 v3, v16;
	v17 =	vld [tilespmem:s15+$0xFFFFFFB0];
	_ =	sdelay $0x4  }
0x2fb: {  	[tilespmem:v18+s12+$0x0] =	vst.idx.msk $0xffff, v17  }
0x2fc: {  	v18 =	vadd.s32 v4, v16;
	v17 =	vld [tilespmem:s15+$0xFFFFFFC0];
	_ =	sdelay $0x4  }
0x2fd: {  	[tilespmem:v18+s12+$0x0] =	vst.idx.msk $0xffff, v17  }
0x2fe: {  	v18 =	vadd.s32 v5, v16;
	v17 =	vld [tilespmem:s15+$0xFFFFFFD0];
	_ =	sdelay $0x4  }
0x2ff: {  	[tilespmem:v18+s12+$0x0] =	vst.idx.msk $0xffff, v17  }
0x300: {  	v18 =	vadd.s32 v6, v16;
	v17 =	vld [tilespmem:s15+$0xFFFFFFE0];
	_ =	sdelay $0x4  }
0x301: {  	[tilespmem:v18+s12+$0x0] =	vst.idx.msk $0xffff, v17  }
0x302: {  	v18 =	vadd.s32 v7, v16;
	v17 =	vld [tilespmem:s15+$0xFFFFFFF0];
	_ =	sdelay $0x4  }
0x303: {  	[tilespmem:v18+s12+$0x0] =	vst.idx.msk $0xffff, v17  }
0x304: {  	v18 =	vadd.s32 v8, v16;
	v17 =	vld [tilespmem:s15+$0x0];
	_ =	sdelay $0x4  }
0x305: {  	[tilespmem:v18+s12+$0x0] =	vst.idx.msk $0xffff, v17  }
0x306: {  	v18 =	vadd.s32 v9, v16;
	v17 =	vld [tilespmem:s15+$0x10];
	_ =	sdelay $0x4  }
0x307: {  	[tilespmem:v18+s12+$0x0] =	vst.idx.msk $0xffff, v17  }
0x308: {  	v18 =	vadd.s32 v10, v16;
	v17 =	vld [tilespmem:s15+$0x20];
	_ =	sdelay $0x4  }
0x309: {  	[tilespmem:v18+s12+$0x0] =	vst.idx.msk $0xffff, v17  }
0x30a: {  	v18 =	vadd.s32 v11, v16;
	v17 =	vld [tilespmem:s15+$0x30];
	_ =	sdelay $0x4  }
0x30b: {  	[tilespmem:v18+s12+$0x0] =	vst.idx.msk $0xffff, v17  }
0x30c: {  	v18 =	vadd.s32 v12, v16;
	v17 =	vld [tilespmem:s15+$0x40];
	_ =	sdelay $0x4  }
0x30d: {  	[tilespmem:v18+s12+$0x0] =	vst.idx.msk $0xffff, v17  }
0x30e: {  	v18 =	vadd.s32 v13, v16;
	v17 =	vld [tilespmem:s15+$0x50];
	_ =	sdelay $0x4  }
0x30f: {  	[tilespmem:v18+s12+$0x0] =	vst.idx.msk $0xffff, v17  }
0x310: {  	v18 =	vadd.s32 v14, v16;
	v17 =	vld [tilespmem:s15+$0x60];
	_ =	sdelay $0x2  }
.Ltmp6:
0x311: {  	(pc) =	sbr.rel @p1 .LBB2_15-.Ltmp6, $4  }
0x312: {  	_ = 	snop  }
0x313: {  	[tilespmem:v18+s12+$0x0] =	vst.idx.msk $0xffff, v17  }
0x314: {  	v18 =	vadd.s32 v15, v16;
	v17 =	vld [tilespmem:s15+$0x70]  }
0x315: {  	v16 =	vmov s16;
	s16 =	sadd.s32 $0x1, s16  }
0x316: {  	_ = 	snop  }
0x317: {  	v16 =	vadd.s32 $0xC0, v16  }
0x318: {  	v16 =	vand.u32 $0xCF, v16  }
0x319: {  	v16 =	vbroadcast v16, $0x0  }
0x31a: {  	s15 =	sadd.s32 $0x100, s15;
	[tilespmem:v18+s12+$0x0] =	vst.idx.msk $0xffff, v17  }
0x31b: {  	v17 =	vld [tilespmem:s15+$0xFFFFFF80];
	v49 =	vadd.s32 v0, v16;
	_ =	sdelay $0x4  }
0x31c: {  	[tilespmem:v49+s12+$0x0] =	vst.idx.msk $0xffff, v17  }
0x31d: {  	v50 =	vadd.s32 v1, v16;
	v17 =	vld [tilespmem:s15+$0xFFFFFF90];
	_ =	sdelay $0x4  }
0x31e: {  	[tilespmem:v50+s12+$0x0] =	vst.idx.msk $0xffff, v17  }
0x31f: {  	v51 =	vadd.s32 v2, v16;
	v17 =	vld [tilespmem:s15+$0xFFFFFFA0];
	_ =	sdelay $0x4  }
0x320: {  	[tilespmem:v51+s12+$0x0] =	vst.idx.msk $0xffff, v17  }
0x321: {  	v52 =	vadd.s32 v3, v16;
	v17 =	vld [tilespmem:s15+$0xFFFFFFB0];
	_ =	sdelay $0x4  }
0x322: {  	[tilespmem:v52+s12+$0x0] =	vst.idx.msk $0xffff, v17  }
0x323: {  	v53 =	vadd.s32 v4, v16;
	v17 =	vld [tilespmem:s15+$0xFFFFFFC0];
	_ =	sdelay $0x4  }
0x324: {  	[tilespmem:v53+s12+$0x0] =	vst.idx.msk $0xffff, v17  }
0x325: {  	v54 =	vadd.s32 v5, v16;
	v17 =	vld [tilespmem:s15+$0xFFFFFFD0];
	_ =	sdelay $0x4  }
0x326: {  	[tilespmem:v54+s12+$0x0] =	vst.idx.msk $0xffff, v17  }
0x327: {  	v55 =	vadd.s32 v6, v16;
	v17 =	vld [tilespmem:s15+$0xFFFFFFE0];
	_ =	sdelay $0x4  }
0x328: {  	[tilespmem:v55+s12+$0x0] =	vst.idx.msk $0xffff, v17  }
0x329: {  	v56 =	vadd.s32 v7, v16;
	v17 =	vld [tilespmem:s15+$0xFFFFFFF0];
	_ =	sdelay $0x4  }
0x32a: {  	[tilespmem:v56+s12+$0x0] =	vst.idx.msk $0xffff, v17  }
0x32b: {  	v57 =	vadd.s32 v8, v16;
	v17 =	vld [tilespmem:s15+$0x0];
	_ =	sdelay $0x4  }
0x32c: {  	[tilespmem:v57+s12+$0x0] =	vst.idx.msk $0xffff, v17  }
0x32d: {  	v58 =	vadd.s32 v9, v16;
	v17 =	vld [tilespmem:s15+$0x10];
	_ =	sdelay $0x4  }
0x32e: {  	[tilespmem:v58+s12+$0x0] =	vst.idx.msk $0xffff, v17  }
0x32f: {  	v59 =	vadd.s32 v10, v16;
	v17 =	vld [tilespmem:s15+$0x20];
	_ =	sdelay $0x4  }
0x330: {  	[tilespmem:v59+s12+$0x0] =	vst.idx.msk $0xffff, v17  }
0x331: {  	v60 =	vadd.s32 v11, v16;
	v17 =	vld [tilespmem:s15+$0x30];
	_ =	sdelay $0x4  }
0x332: {  	[tilespmem:v60+s12+$0x0] =	vst.idx.msk $0xffff, v17  }
0x333: {  	v61 =	vadd.s32 v12, v16;
	v17 =	vld [tilespmem:s15+$0x40];
	_ =	sdelay $0x4  }
0x334: {  	[tilespmem:v61+s12+$0x0] =	vst.idx.msk $0xffff, v17  }
0x335: {  	v62 =	vadd.s32 v13, v16;
	v17 =	vld [tilespmem:s15+$0x50];
	_ =	sdelay $0x4  }
0x336: {  	[tilespmem:v62+s12+$0x0] =	vst.idx.msk $0xffff, v17  }
0x337: {  	v63 =	vadd.s32 v14, v16;
	v17 =	vld [tilespmem:s15+$0x60];
	_ =	sdelay $0x4  }
0x338: {  	[tilespmem:v63+s12+$0x0] =	vst.idx.msk $0xffff, v17  }
0x339: {  	v16 =	vadd.s32 v15, v16;
	v17 =	vld [tilespmem:s15+$0x70];
	_ =	sdelay $0x2  }
0x33a: {  	s14 =	smul.u32 $0x1A, s14;
	_ =	sdelay $0x1  }
.Ltmp7:
0x33b: {  	s14 =	sadd.s32 s5, s14;
	[tilespmem:v16+s12+$0x0] =	vst.idx.msk $0xffff, v17;
	(pc) =	sbr.rel @p0 .LBB2_2-.Ltmp7, $4  }
0x33c: {  	[hbm4b:s14+s1] =	stream.linear.scatter [tilespmem:s12], [sflag:$0x2], $0xD000, $0x38;
	[tilespmem:$0x13300] =	vst v63  }
0x33d: {  	_ =	swait.ge [sflag:s9], $0xD000  }
0x33e: {  	[sflag:s9] =	ssyncset.done $0x0  }
0x33f: {  	p1 =	por $0x0, $0x0;
	s14 =	simm.s32 $0x100;
	[sflag:s9] =	ssyncadd.s32 $0xFFFF3000  }
0x340: {  	s13 =	sadd.s32 $0x1, s13  }
0x341: {  	p0 =	sne.s32 s13, s8  }
.Ltmp8:
0x342: {  	_ = 	snop;
	(pc) =	sbr.rel @p0 .LBB2_1-.Ltmp8, $1  }
0x343: {  	_ =	sdelay $0x3  }
0x344: {  	_ =	sfence.sel $0x180000  }
0x345: {  	[bflag:$0x0] =	sbarrier.arrive $0xFFFF  }
0x346: {  	p0 =	sne.s32 s2, $0x0;
	_ =	strace $0x9000004A  }
0x347: {  	s0 =	sadd.s32 @!p0 $0x100000, s0;
	[bflag:$0x2] =	sbarrier.arrive $0xFFFF  }
0x348: {  	[sflag:s0] =	ssyncadd.tile.s32 @!p0 $0x1;
	_ =	shalt  }
.Lfunc_end2:
_tile_overlayer_lowered:
.L_overlay_start_2:
0x349: {  	(tag) =	ssettag $0x2  }
0x34a: {  	s0 =	rddreg [dreg:$0x0];
	s2 =	stileid.u32  }
0x34b: {  	s1 =	rddreg [dreg:$0x1];
	p0 =	sne.s32 s2, $0x0  }
0x34c: {  	s3 =	rddreg [dreg:$0x2];
	[bflag:$0x3] =	sbarrier.arrive $0xFFFF;
	s2 =	simm.s32 @!p0 $0x1C02  }
0x34d: {  	[timem:s3], [sflag:s2] =	dma.local @!p0 [hbm:s0], s1  }
0x34e: {  	s0 =	simm.s32 @!p0 $0x2  }
0x34f: {  	_ =	swait.ge @!p0 [sflag:s0], s1  }
0x350: {  	s1 =	ssub.s32 @!p0 $0x0, s1;
	[sflag:s0] =	ssyncset.done @!p0 $0x0  }
0x351: {  	[sflag:s0] =	ssyncadd.s32 @!p0 s1  }
0x352: {  	[bflag:$0x3] =	sbarrier.arrive $0xFFFF  }
0x353: {  	_ =	shalt  }

// kernel: kernel.8.cloned.1.call-start
scs
__scs_entry_jumppad:
0x0: {  	(pc) =	sbr.rel $0x88, $3  }
0x1: {  	(tag) =	ssettag $0x0;
	lr =	simm.s32 $0x1  }
0x2: {  	[smem:$0x3F99] =	sst lr;
	_ =	strace $0xD0000000  }
0x3: {  	_ = 	snop  }
0x4: {  	_ = 	snop  }
0x5: {  	_ = 	snop  }
0x6: {  	_ = 	snop  }
0x7: {  	_ = 	snop  }
__scs_overlays_trampoline_lowered:
0x8: {  	[smem:$0x3FA8] =	sst s0  }
0x9: {  	[smem:$0x3FA9] =	sst s1  }
0xa: {  	[smem:$0x3FAA] =	sst s2  }
0xb: {  	[smem:$0x3FAB] =	sst s3  }
0xc: {  	[smem:$0x3FAC] =	sst s4  }
0xd: {  	[smem:$0x3FAD] =	sst s5  }
0xe: {  	[smem:$0x3FAE] =	sst s6  }
0xf: {  	[smem:$0x3FAF] =	sst s7  }
0x10: {  	[smem:$0x3FB0] =	sst s8  }
0x11: {  	[smem:$0x3FB1] =	sst s9;
	s0 =	simm.s32 @!p0 $0x0  }
0x12: {  	s1 =	sld [smem:$0x3F97];
	s0 =	simm.s32 @p0 $0x1  }
0x13: {  	[smem:$0x3FB2] =	sst s0;
	s0 =	simm.s32 @!p1 $0x0  }
0x14: {  	s2 =	sld [smem:$0x3F96];
	s0 =	simm.s32 @p1 $0x1  }
0x15: {  	[smem:$0x3FB3] =	sst s0;
	s0 =	simm.s32 @!p2 $0x0  }
0x16: {  	s3 =	sld [smem:$0x3FDB];
	s0 =	simm.s32 @p2 $0x1  }
0x17: {  	s4 =	simm.s32 $0x1BF5;
	[smem:$0x3FB5] =	sst s0  }
0x18: {  	s0 =	sld [smem:$0x3F98];
	_ =	swait.ge [sflag:s4], $0x0  }
0x19: {  	s7 =	sld [smem:$0x3F99]  }
0x1a: {  	s8 =	sadd.s32 $0xFFFFE003, lr  }
0x1b: {  	s9 =	sadd.s32 $0xFFFFFEF7, lr;
	s5 =	simm.s32 $0xFFFFFFFF;
	p2 =	slt.u32 s8, $0xFFFFF086  }
0x1c: {  	p1 =	slt.u32 s9, $0xF7A;
	s5 =	simm.s32 @!p2 $0x0  }
0x1d: {  	s5 =	simm.s32 @p1 $0x1;
	p0 =	seq.s32 s7, s2  }
0x1e: {  	s7 =	smul.u32 @!p0 $0xF7A, s2;
	p2 =	seq.s32 @!p0 s5, $0x0  }
0x1f: {  	s9 =	smul.u32 $0xF7A, s1;
	s8 =	simm.s32 @!p0 $0x1BF5;
	p2 =	por !p2, p0  }
0x20: {  	[sflag:s8] =	ssyncset.s32 @!p0 $0xFFFFF086;
	s6 =	sadd.s32 @!p0 s3, s7;
	s7 =	simm.s32 @!p0 $0x108  }
0x21: {  	s3 =	sadd.s32 s3, s9;
	s6 =	sadd.s32 @!p0 $0x88, s6;
	s7 =	simm.s32 @p2 $0x1082  }
0x22: {  	[simem:s7], [sflag:s8] =	dma.local @!p0 [hbm:s6], $0xF7A  }
0x23: {  	s9 =	sor.u32 $0xD0000000, s2;
	s6 =	simm.s32 $0x108;
	_ =	swait.ge @!p0 [sflag:s8], $0x0  }
0x24: {  	s3 =	sadd.s32 $0x88, s3;
	s6 =	simm.s32 @!p1 $0x1082;
	[sflag:s4] =	ssyncset.s32 $0xFFFFF086  }
0x25: {  	[simem:s6], [sflag:s4] =	dma.local [hbm:s3], $0xF7A  }
0x26: {  	[smem:$0x3F99] =	sst s1;
	(tag) =	ssettag s2;
	_ =	strace s9  }
0x27: {  	s1 =	sld [smem:$0x3FA9]  }
0x28: {  	s2 =	sld [smem:$0x3FAA]  }
0x29: {  	s4 =	sld [smem:$0x3FAC]  }
0x2a: {  	p0 =	seq.s32 s5, $0x0;
	s5 =	sld [smem:$0x3FAD]  }
0x2b: {  	s6 =	sld [smem:$0x3FAE]  }
0x2c: {  	s7 =	sld [smem:$0x3FAF]  }
0x2d: {  	s3 =	simm.s32 $0x108;
	s8 =	sld [smem:$0x3FB0]  }
0x2e: {  	s3 =	simm.s32 @!p0 $0x1082;
	s9 =	sld [smem:$0x3FB1]  }
0x2f: {  	lr =	sadd.s32 s0, s3;
	s0 =	sld [smem:$0x3FA8]  }
0x30: {  	s3 =	sld [smem:$0x3FAB]  }
0x31: {  	[smem:$0x3FB4] =	sst s10  }
0x32: {  	s10 =	sld [smem:$0x3FB2];
	_ =	sdelay $0x3  }
0x33: {  	p0 =	seq.s32 s10, $0x1;
	s10 =	sld [smem:$0x3FB4];
	_ =	sdelay $0x3  }
0x34: {  	[smem:$0x3FB4] =	sst s10  }
0x35: {  	s10 =	sld [smem:$0x3FB3];
	_ =	sdelay $0x3  }
0x36: {  	p1 =	seq.s32 s10, $0x1;
	s10 =	sld [smem:$0x3FB4];
	_ =	sdelay $0x3  }
0x37: {  	[smem:$0x3FB4] =	sst s10  }
0x38: {  	s10 =	sld [smem:$0x3FB5]  }
0x39: {  	_ = 	snop;
	(pc) =	sbr.ind lr, $3  }
0x3a: {  	_ = 	snop  }
0x3b: {  	_ = 	snop  }
0x3c: {  	p2 =	seq.s32 s10, $0x1;
	s10 =	sld [smem:$0x3FB4]  }
0x3d: {  	_ =	shalt  }
0x3e: {  	_ =	shalt  }
0x3f: {  	_ =	shalt  }
0x40: {  	_ =	shalt  }
0x41: {  	_ =	shalt  }
0x42: {  	_ =	shalt  }
0x43: {  	_ =	shalt  }
0x44: {  	_ =	shalt  }
0x45: {  	_ =	shalt  }
0x46: {  	_ =	shalt  }
0x47: {  	_ =	shalt  }
0x48: {  	_ =	shalt  }
0x49: {  	_ =	shalt  }
0x4a: {  	_ =	shalt  }
0x4b: {  	_ =	shalt  }
0x4c: {  	_ =	shalt  }
0x4d: {  	_ =	shalt  }
0x4e: {  	_ =	shalt  }
0x4f: {  	_ =	shalt  }
0x50: {  	_ =	shalt  }
0x51: {  	_ =	shalt  }
0x52: {  	_ =	shalt  }
0x53: {  	_ =	shalt  }
0x54: {  	_ =	shalt  }
0x55: {  	_ =	shalt  }
0x56: {  	_ =	shalt  }
0x57: {  	_ =	shalt  }
0x58: {  	_ =	shalt  }
0x59: {  	_ =	shalt  }
0x5a: {  	_ =	shalt  }
0x5b: {  	_ =	shalt  }
0x5c: {  	_ =	shalt  }
0x5d: {  	_ =	shalt  }
0x5e: {  	_ =	shalt  }
0x5f: {  	_ =	shalt  }
0x60: {  	_ =	shalt  }
0x61: {  	_ =	shalt  }
0x62: {  	_ =	shalt  }
0x63: {  	_ =	shalt  }
0x64: {  	_ =	shalt  }
0x65: {  	_ =	shalt  }
0x66: {  	_ =	shalt  }
0x67: {  	_ =	shalt  }
0x68: {  	_ =	shalt  }
0x69: {  	_ =	shalt  }
0x6a: {  	_ =	shalt  }
0x6b: {  	_ =	shalt  }
0x6c: {  	_ =	shalt  }
0x6d: {  	_ =	shalt  }
0x6e: {  	_ =	shalt  }
0x6f: {  	_ =	shalt  }
0x70: {  	_ =	shalt  }
0x71: {  	_ =	shalt  }
0x72: {  	_ =	shalt  }
0x73: {  	_ =	shalt  }
0x74: {  	_ =	shalt  }
0x75: {  	_ =	shalt  }
0x76: {  	_ =	shalt  }
0x77: {  	_ =	shalt  }
0x78: {  	_ =	shalt  }
0x79: {  	_ =	shalt  }
0x7a: {  	_ =	shalt  }
0x7b: {  	_ =	shalt  }
0x7c: {  	_ =	shalt  }
0x7d: {  	_ =	shalt  }
0x7e: {  	_ =	shalt  }
0x7f: {  	_ =	shalt  }
0x80: {  	_ =	shalt  }
0x81: {  	_ =	shalt  }
0x82: {  	_ =	shalt  }
0x83: {  	_ =	shalt  }
0x84: {  	_ =	shalt  }
0x85: {  	_ =	shalt  }
0x86: {  	_ =	shalt  }
0x87: {  	_ =	shalt  }
.Lfunc_end0:
.L_simem_size_0:
called_computation.1_lowered:
.L_overlay_start_0:
0x88: {  	s2 =	sld [smem:$0x3FD9]  }
0x89: {  	s3 =	sld [smem:$0x3FFE];
	_ =	sdelay $0x1  }
0x8a: {  	s1 =	srdreg.scid  }
0x8b: {  	s0 =	sand.u32 $0x1, s1  }
0x8c: {  	s16 =	sshll.u32 s0, $0xA;
	s2 =	sadd.s32 s3, s2  }
0x8d: {  	s2 =	sadd.s32 s2, s16  }
0x8e: {  	[smem:$0x3FC0] =	sst s2  }
0x8f: {  	_ = 	snop  }
0x90: {  	(tm) =	ssettm $0x1  }
0x91: {  	s17 =	sld [smem:$0x3FFB];
	_ =	sdelay $0x3  }
0x92: {  	_ =	strace s17  }
0x93: {  	s2 =	sld [smem:$0x3FFC];
	_ =	sdelay $0x3  }
0x94: {  	_ =	strace s2  }
0x95: {  	s2 =	sld [smem:$0x3FFD];
	_ =	sdelay $0x3  }
0x96: {  	_ =	strace s2  }
0x97: {  	_ =	strace $0x8FFFFFFF  }
0x98: {  	s18 =	sld [smem:$0x3FDB];
	_ =	sdelay $0x1  }
0x99: {  	s19 =	simm.s32 $_scs_section_size  }
0x9a: {  	s4 =	simm.s32 $_size__tile_overlayer_lowered;
	s5 =	simm.s32 $_tile_overlayer_lowered  }
0x9b: {  	s22 =	simm.s32 $0x1BFF;
	s21 =	sshll.u32 s5, $0x1;
	s2 =	sadd.s32 s19, s18  }
0x9c: {  	s6 =	simm.s32 $0x0;
	s20 =	sshll.u32 s4, $0x1;
	s4 =	sadd.s32 s21, s2  }
0x9d: {  	[timem:s6], [sflag:s22] =	dma.local [hbm:s4], s20  }
0x9e: {  	_ =	swait.ge [sflag:s22], s20  }
0x9f: {  	s3 =	ssub.s32 $0x0, s20;
	[sflag:s22] =	ssyncset.done $0x0  }
0xa0: {  	[sflag:s22] =	ssyncadd.s32 s3;
	_ =	sdelay $0x1  }
0xa1: {  	s23 =	simm.s32 $0x1B8B  }
0xa2: {  	_ =	swait.ge [sflag:s23], $0x1  }
0xa3: {  	[sflag:s23] =	ssyncset.done $0x0  }
0xa4: {  	s25 =	simm.s32 $0x1B8E;
	s24 =	sld [smem:$0x3FFE];
	[sflag:s23] =	ssyncadd.s32 $0xFFFFFFFF  }
0xa5: {  	s26 =	simm.s32 $execute0_lowered;
	[smem:$0x3FD2] =	sst s25  }
0xa6: {  	s4 =	sshll.u32 s26, $0x1;
	_ =	strace $0x80000046;
	[dreg:$0x1] =	wrdreg $0xFFFFFFFF  }
0xa7: {  	s28 =	simm.s32 $_size_execute0_lowered;
	s2 =	sadd.s32 s2, s4;
	[dreg:$0x0] =	wrdreg $0x0  }
0xa8: {  	s4 =	sshll.u32 s28, $0x1;
	[dreg:$0x2] =	wrdreg s2  }
0xa9: {  	[dreg:$0x3] =	wrdreg s4  }
0xaa: {  	[dreg:$0x4] =	wrdreg $0xC0  }
0xab: {  	_ =	task [dreg:s6], $0x5FFFF  }
0xac: {  	[dreg:$0x1] =	wrdreg $0xFFFFFFFF  }
0xad: {  	[dreg:$0x0] =	wrdreg $0x60  }
0xae: {  	[dreg:$0x2] =	wrdreg s24  }
0xaf: {  	[dreg:$0x3] =	wrdreg $0xA  }
0xb0: {  	_ =	task.clear_ibuf [dreg:s6], $0x4FFFF;
	_ =	strace $0x90000046  }
0xb1: {  	s29 =	simm.s32 $0xA;
	_ =	strace $0x80000048  }
0xb2: {  	_ =	swait.ge [sflag:s29], $0x1  }
0xb3: {  	[sflag:s29] =	ssyncadd.s32 $0xFFFFFFFF  }
0xb4: {  	_ =	strace $0x90000048  }
0xb5: {  	_ =	sfence  }
0xb6: {  	s30 =	sld [smem:$0x0];
	_ =	sdelay $0x2  }
0xb7: {  	s31 =	sshll.u32 s1, $0xD;
	s1 =	sshrl.u32 s1, $0x2  }
0xb8: {  	s3 =	sand.u32 $0x4000, s31;
	s1 =	sadd.s32 s1, s30  }
0xb9: {  	s0 =	sor.u32 s3, s0;
	s1 =	sshll.u32 s1, $0x11  }
0xba: {  	s0 =	sor.u32 s1, s0  }
0xbb: {  	s0 =	sadd.s32 $0x8F2B, s0  }
0xbc: {  	[sflag:s0] =	ssyncadd.remote.s32 $0x1  }
0xbd: {  	_ =	sfence.sel $0xFFFF  }
0xbe: {  	[dreg:$0x0] =	wrdreg $0xFFFFFFFF;
	(pc) =	sbr.abs _section_cstart, $3  }
0xbf: {  	[dreg:$0x1] =	wrdreg $0xFFFFFFFF  }
0xc0: {  	_ =	task.clear_ibuf [dreg:s6], $0x2FFFF;
	_ =	strace $0x9FFFFFFF  }
0xc1: {  	(tm) =	ssettm $0x7FFFFFFF  }
tec
execute0_lowered:
.L_overlay_start_1:
0x0: {  	(tag) =	ssettag $0x1  }
0x1: {  	s7 =	rddreg [dreg:$0x0]  }
0x2: {  	s0 =	rddreg [dreg:$0x1];
	s1 =	simm.s32 $0x0;
	v0 =	vlaneseq.u32  }
0x3: {  	s2 =	srdreg.scid;
	s11 =	simm.s32 $0x1;
	s12 =	simm.s32 $0x6300;
	v0 =	vmul.u32 $0xD0, v0  }
0x4: {  	s13 =	simm.s32 $0x0;
	[smem:$0x7FF] =	sst s1;
	s3 =	sadd.s32 $0x4FF400, s7  }
0x5: {  	s4 =	sadd.s32 $0x1A00, s7;
	s6 =	sand.u32 $0x1, s2;
	s5 =	sadd.s32 $0x505C00, s7;
	v1 =	vadd.s32 $0xD00, v0;
	v2 =	vadd.s32 $0x1A00, v0;
	v3 =	vadd.s32 $0x2700, v0  }
0x6: {  	s2 =	stileid.u32;
	s7 =	sadd.s32 $0x4FFC00, s7;
	s8 =	ssub.s32 $0x2, s6;
	v4 =	vadd.s32 $0x3400, v0;
	v5 =	vadd.s32 $0x4100, v0;
	v6 =	vadd.s32 $0x4E00, v0  }
0x7: {  	s10 =	sshll.u32 s2, $0xA;
	s6 =	sshll.u32 s6, $0x9;
	s9 =	sshrl.u32 s8, $0x1;
	v7 =	vadd.s32 $0x5B00, v0;
	v8 =	vadd.s32 $0x6800, v0;
	v9 =	vadd.s32 $0x7500, v0  }
0x8: {  	_ =	strace $0x80000047;
	s6 =	sor.u32 s6, s10;
	v10 =	vadd.s32 $0x8200, v0;
	v11 =	vadd.s32 $0x8F00, v0;
	v12 =	vadd.s32 $0x9C00, v0;
	s8 =	ssub.s32 s8, s9  }
0x9: {  	s10 =	simm.s32 $0x100;
	v13 =	vadd.s32 $0xA900, v0;
	v14 =	vadd.s32 $0xB600, v0;
	v15 =	vadd.s32 $0xC300, v0;
	s9 =	simm.s32 $0x2;
	s8 =	smax.u32 s8, $0x1  }
.LBB2_1:
0xa: {  	p1 =	por $0x1, $0x1;
	s14 =	simm.s32 $0x0  }
.LBB2_2:
0xb: {  	s14 =	sor.u32 s6, s14  }
0xc: {  	s15 =	sshrl.u32 s14, $0x3  }
0xd: {  	s16 =	sadd.s32 s3, s15  }
0xe: {  	[tilespmem:s1], [sflag:$0x2] =	stream.linear.gather [hbm4b:s16+s1], $0x100, $0x38;
	[tilespmem:$0x13300] =	vst v63  }
0xf: {  	_ =	swait.ge [sflag:s9], $0x100  }
0x10: {  	[sflag:s9] =	ssyncset.done $0x0  }
0x11: {  	[sflag:s9] =	ssyncadd.s32 $0xFFFFFF00  }
0x12: {  	v16 =	vld [tilespmem:$0x0];
	_ =	sdelay $0x3  }
0x13: {  	s17 =	simm.s32 $0x13D6200  }
0x14: {  	s16 =	simm.s32 $0x300;
	v16 =	vadd.s32 s17, v16  }
0x15: {  	[tilespmem:s16+$0x0] =	vst v16  }
0x16: {  	v16 =	vld [tilespmem:$0x10];
	_ =	sdelay $0x4  }
0x17: {  	v16 =	vadd.s32 s17, v16  }
0x18: {  	[tilespmem:s16+$0x10] =	vst v16  }
0x19: {  	v16 =	vld [tilespmem:$0x20];
	_ =	sdelay $0x4  }
0x1a: {  	v16 =	vadd.s32 s17, v16  }
0x1b: {  	[tilespmem:s16+$0x20] =	vst v16  }
0x1c: {  	v16 =	vld [tilespmem:$0x30];
	_ =	sdelay $0x4  }
0x1d: {  	v16 =	vadd.s32 s17, v16  }
0x1e: {  	[tilespmem:s16+$0x30] =	vst v16  }
0x1f: {  	v16 =	vld [tilespmem:$0x40];
	_ =	sdelay $0x4  }
0x20: {  	v16 =	vadd.s32 s17, v16  }
0x21: {  	[tilespmem:s16+$0x40] =	vst v16  }
0x22: {  	v16 =	vld [tilespmem:$0x50];
	_ =	sdelay $0x4  }
0x23: {  	v16 =	vadd.s32 s17, v16  }
0x24: {  	[tilespmem:s16+$0x50] =	vst v16  }
0x25: {  	v16 =	vld [tilespmem:$0x60];
	_ =	sdelay $0x4  }
0x26: {  	v16 =	vadd.s32 s17, v16  }
0x27: {  	[tilespmem:s16+$0x60] =	vst v16  }
0x28: {  	v16 =	vld [tilespmem:$0x70];
	_ =	sdelay $0x4  }
0x29: {  	v16 =	vadd.s32 s17, v16  }
0x2a: {  	[tilespmem:s16+$0x70] =	vst v16  }
0x2b: {  	v16 =	vld [tilespmem:$0x80];
	_ =	sdelay $0x4  }
0x2c: {  	v16 =	vadd.s32 s17, v16  }
0x2d: {  	[tilespmem:s16+$0x80] =	vst v16  }
0x2e: {  	v16 =	vld [tilespmem:$0x90];
	_ =	sdelay $0x4  }
0x2f: {  	v16 =	vadd.s32 s17, v16  }
0x30: {  	[tilespmem:s16+$0x90] =	vst v16  }
0x31: {  	v16 =	vld [tilespmem:$0xA0];
	_ =	sdelay $0x4  }
0x32: {  	v16 =	vadd.s32 s17, v16  }
0x33: {  	[tilespmem:s16+$0xA0] =	vst v16  }
0x34: {  	v16 =	vld [tilespmem:$0xB0];
	_ =	sdelay $0x4  }
0x35: {  	v16 =	vadd.s32 s17, v16  }
0x36: {  	[tilespmem:s16+$0xB0] =	vst v16  }
0x37: {  	v16 =	vld [tilespmem:$0xC0];
	_ =	sdelay $0x4  }
0x38: {  	v16 =	vadd.s32 s17, v16  }
0x39: {  	[tilespmem:s16+$0xC0] =	vst v16  }
0x3a: {  	v16 =	vld [tilespmem:$0xD0];
	_ =	sdelay $0x4  }
0x3b: {  	v16 =	vadd.s32 s17, v16  }
0x3c: {  	[tilespmem:s16+$0xD0] =	vst v16  }
0x3d: {  	v16 =	vld [tilespmem:$0xE0];
	_ =	sdelay $0x4  }
0x3e: {  	v16 =	vadd.s32 s17, v16  }
0x3f: {  	[tilespmem:s16+$0xE0] =	vst v16  }
0x40: {  	v16 =	vld [tilespmem:$0xF0];
	_ =	sdelay $0x4  }
0x41: {  	s19 =	simm.s32 $0x3300;
	p0 =	por p1, p1;
	v16 =	vadd.s32 s17, v16  }
0x42: {  	s18 =	simm.s32 $0x3400;
	s20 =	simm.s32 $0x400;
	s17 =	simm.s32 $0x13EE8A0;
	[tilespmem:s16+$0xF0] =	vst v16  }
.LBB2_3:
0x43: {  	[tilespmem:s19], [sflag:$0x1] =	stream.indirect.gather [hbm4b:s4+s10], $0x1, s16, s10, $0xb8;
	[tilespmem:$0x13300] =	vst v63  }
0x44: {  	p1 =	sne.s32 s17, $0x1544560;
	s21 =	smov.u32 s17;
	s17 =	sadd.s32 $0x186A0, s17;
	v16 =	vld [tilespmem:$0x0]  }
0x45: {  	s19 =	smov.u32 s18;
	s16 =	smov.u32 s20;
	_ =	sdelay $0x3  }
0x46: {  	v16 =	vadd.s32 s21, v16  }
0x47: {  	[tilespmem:s20+$0x0] =	vst v16  }
0x48: {  	v16 =	vld [tilespmem:$0x10];
	_ =	sdelay $0x4  }
0x49: {  	v16 =	vadd.s32 s21, v16  }
0x4a: {  	[tilespmem:s20+$0x10] =	vst v16  }
0x4b: {  	v16 =	vld [tilespmem:$0x20];
	_ =	sdelay $0x4  }
0x4c: {  	v16 =	vadd.s32 s21, v16  }
0x4d: {  	[tilespmem:s20+$0x20] =	vst v16  }
0x4e: {  	v16 =	vld [tilespmem:$0x30];
	_ =	sdelay $0x4  }
0x4f: {  	v16 =	vadd.s32 s21, v16  }
0x50: {  	[tilespmem:s20+$0x30] =	vst v16  }
0x51: {  	v16 =	vld [tilespmem:$0x40];
	_ =	sdelay $0x4  }
0x52: {  	v16 =	vadd.s32 s21, v16  }
0x53: {  	[tilespmem:s20+$0x40] =	vst v16  }
0x54: {  	v16 =	vld [tilespmem:$0x50];
	_ =	sdelay $0x4  }
0x55: {  	v16 =	vadd.s32 s21, v16  }
0x56: {  	[tilespmem:s20+$0x50] =	vst v16  }
0x57: {  	v16 =	vld [tilespmem:$0x60];
	_ =	sdelay $0x4  }
0x58: {  	v16 =	vadd.s32 s21, v16  }
0x59: {  	[tilespmem:s20+$0x60] =	vst v16  }
0x5a: {  	v16 =	vld [tilespmem:$0x70];
	_ =	sdelay $0x4  }
0x5b: {  	v16 =	vadd.s32 s21, v16  }
0x5c: {  	[tilespmem:s20+$0x70] =	vst v16  }
0x5d: {  	v16 =	vld [tilespmem:$0x80];
	_ =	sdelay $0x4  }
0x5e: {  	v16 =	vadd.s32 s21, v16  }
0x5f: {  	[tilespmem:s20+$0x80] =	vst v16  }
0x60: {  	v16 =	vld [tilespmem:$0x90];
	_ =	sdelay $0x4  }
0x61: {  	v16 =	vadd.s32 s21, v16  }
0x62: {  	[tilespmem:s20+$0x90] =	vst v16  }
0x63: {  	v16 =	vld [tilespmem:$0xA0];
	_ =	sdelay $0x4  }
0x64: {  	v16 =	vadd.s32 s21, v16  }
0x65: {  	[tilespmem:s20+$0xA0] =	vst v16  }
0x66: {  	v16 =	vld [tilespmem:$0xB0];
	_ =	sdelay $0x4  }
0x67: {  	v16 =	vadd.s32 s21, v16  }
0x68: {  	[tilespmem:s20+$0xB0] =	vst v16  }
0x69: {  	v16 =	vld [tilespmem:$0xC0];
	_ =	sdelay $0x4  }
0x6a: {  	v16 =	vadd.s32 s21, v16  }
0x6b: {  	[tilespmem:s20+$0xC0] =	vst v16  }
0x6c: {  	v16 =	vld [tilespmem:$0xD0];
	_ =	sdelay $0x4  }
0x6d: {  	v16 =	vadd.s32 s21, v16  }
0x6e: {  	[tilespmem:s20+$0xD0] =	vst v16  }
0x6f: {  	v16 =	vld [tilespmem:$0xE0];
	_ =	sdelay $0x4  }
0x70: {  	v16 =	vadd.s32 s21, v16  }
0x71: {  	[tilespmem:s20+$0xE0] =	vst v16  }
0x72: {  	v16 =	vld [tilespmem:$0xF0];
	_ =	sdelay $0x1  }
.Ltmp0:
0x73: {  	(pc) =	sbr.rel @p1 .LBB2_3-.Ltmp0, $3  }
0x74: {  	_ =	sdelay $0x1  }
0x75: {  	v16 =	vadd.s32 s21, v16  }
0x76: {  	s18 =	sadd.s32 $0x100, s18;
	s20 =	sadd.s32 $0x100, s20;
	[tilespmem:s16+$0xF0] =	vst v16  }
0x77: {  	[tilespmem:s19], [sflag:$0x1] =	stream.indirect.gather [hbm4b:s4+s10], $0x1, s16, s10, $0xb8;
	[tilespmem:$0x13300] =	vst v63  }
0x78: {  	s15 =	sadd.s32 s15, s7  }
0x79: {  	[tilespmem:s10], [sflag:$0x2] =	stream.linear.gather [hbm4b:s15+s1], $0x100, $0x38;
	[tilespmem:$0x13300] =	vst v63  }
0x7a: {  	_ =	swait.ge [sflag:s9], $0x100  }
0x7b: {  	[sflag:s9] =	ssyncset.done $0x0  }
0x7c: {  	[sflag:s9] =	ssyncadd.s32 $0xFFFFFF00  }
0x7d: {  	v16 =	vld [tilespmem:$0x100];
	_ =	sdelay $0x3  }
0x7e: {  	s31 =	simm.s32 $0x155CC00  }
0x7f: {  	s15 =	simm.s32 $0x1300;
	v16 =	vadd.s32 s31, v16  }
0x80: {  	[tilespmem:s15+$0x0] =	vst v16  }
0x81: {  	v16 =	vld [tilespmem:$0x110];
	_ =	sdelay $0x4  }
0x82: {  	v16 =	vadd.s32 s31, v16  }
0x83: {  	[tilespmem:s15+$0x10] =	vst v16  }
0x84: {  	v16 =	vld [tilespmem:$0x120];
	_ =	sdelay $0x4  }
0x85: {  	v16 =	vadd.s32 s31, v16  }
0x86: {  	[tilespmem:s15+$0x20] =	vst v16  }
0x87: {  	v16 =	vld [tilespmem:$0x130];
	_ =	sdelay $0x4  }
0x88: {  	v16 =	vadd.s32 s31, v16  }
0x89: {  	[tilespmem:s15+$0x30] =	vst v16  }
0x8a: {  	v16 =	vld [tilespmem:$0x140];
	_ =	sdelay $0x4  }
0x8b: {  	v16 =	vadd.s32 s31, v16  }
0x8c: {  	[tilespmem:s15+$0x40] =	vst v16  }
0x8d: {  	v16 =	vld [tilespmem:$0x150];
	_ =	sdelay $0x4  }
0x8e: {  	v16 =	vadd.s32 s31, v16  }
0x8f: {  	[tilespmem:s15+$0x50] =	vst v16  }
0x90: {  	v16 =	vld [tilespmem:$0x160];
	_ =	sdelay $0x4  }
0x91: {  	v16 =	vadd.s32 s31, v16  }
0x92: {  	[tilespmem:s15+$0x60] =	vst v16  }
0x93: {  	v16 =	vld [tilespmem:$0x170];
	_ =	sdelay $0x4  }
0x94: {  	v16 =	vadd.s32 s31, v16  }
0x95: {  	[tilespmem:s15+$0x70] =	vst v16  }
0x96: {  	v16 =	vld [tilespmem:$0x180];
	_ =	sdelay $0x4  }
0x97: {  	v16 =	vadd.s32 s31, v16  }
0x98: {  	[tilespmem:s15+$0x80] =	vst v16  }
0x99: {  	v16 =	vld [tilespmem:$0x190];
	_ =	sdelay $0x4  }
0x9a: {  	v16 =	vadd.s32 s31, v16  }
0x9b: {  	[tilespmem:s15+$0x90] =	vst v16  }
0x9c: {  	v16 =	vld [tilespmem:$0x1A0];
	_ =	sdelay $0x4  }
0x9d: {  	v16 =	vadd.s32 s31, v16  }
0x9e: {  	[tilespmem:s15+$0xA0] =	vst v16  }
0x9f: {  	v16 =	vld [tilespmem:$0x1B0];
	_ =	sdelay $0x4  }
0xa0: {  	v16 =	vadd.s32 s31, v16  }
0xa1: {  	[tilespmem:s15+$0xB0] =	vst v16  }
0xa2: {  	v16 =	vld [tilespmem:$0x1C0];
	_ =	sdelay $0x4  }
0xa3: {  	v16 =	vadd.s32 s31, v16  }
0xa4: {  	[tilespmem:s15+$0xC0] =	vst v16  }
0xa5: {  	v16 =	vld [tilespmem:$0x1D0];
	_ =	sdelay $0x4  }
0xa6: {  	v16 =	vadd.s32 s31, v16  }
0xa7: {  	[tilespmem:s15+$0xD0] =	vst v16  }
0xa8: {  	v16 =	vld [tilespmem:$0x1E0];
	_ =	sdelay $0x4  }
0xa9: {  	v16 =	vadd.s32 s31, v16  }
0xaa: {  	[tilespmem:s15+$0xE0] =	vst v16  }
0xab: {  	v16 =	vld [tilespmem:$0x1F0];
	_ =	sdelay $0x4  }
0xac: {  	s19 =	simm.s32 $0x4300;
	v16 =	vadd.s32 s31, v16  }
0xad: {  	s16 =	simm.s32 $0x15752A0;
	s17 =	simm.s32 $0x1400;
	s18 =	simm.s32 $0x4400;
	[tilespmem:s15+$0xF0] =	vst v16  }
.LBB2_5:
0xae: {  	[tilespmem:s19], [sflag:$0x1] =	stream.indirect.gather [hbm4b:s4+s10], $0x1, s15, s10, $0xb8;
	[tilespmem:$0x13300] =	vst v63  }
0xaf: {  	p1 =	sne.s32 s16, $0x16CAF60;
	s20 =	smov.u32 s16;
	s16 =	sadd.s32 $0x186A0, s16;
	v16 =	vld [tilespmem:$0x100]  }
0xb0: {  	s15 =	smov.u32 s17;
	s19 =	smov.u32 s18;
	_ =	sdelay $0x3  }
0xb1: {  	v16 =	vadd.s32 s20, v16  }
0xb2: {  	[tilespmem:s17+$0x0] =	vst v16  }
0xb3: {  	v16 =	vld [tilespmem:$0x110];
	_ =	sdelay $0x4  }
0xb4: {  	v16 =	vadd.s32 s20, v16  }
0xb5: {  	[tilespmem:s17+$0x10] =	vst v16  }
0xb6: {  	v16 =	vld [tilespmem:$0x120];
	_ =	sdelay $0x4  }
0xb7: {  	v16 =	vadd.s32 s20, v16  }
0xb8: {  	[tilespmem:s17+$0x20] =	vst v16  }
0xb9: {  	v16 =	vld [tilespmem:$0x130];
	_ =	sdelay $0x4  }
0xba: {  	v16 =	vadd.s32 s20, v16  }
0xbb: {  	[tilespmem:s17+$0x30] =	vst v16  }
0xbc: {  	v16 =	vld [tilespmem:$0x140];
	_ =	sdelay $0x4  }
0xbd: {  	v16 =	vadd.s32 s20, v16  }
0xbe: {  	[tilespmem:s17+$0x40] =	vst v16  }
0xbf: {  	v16 =	vld [tilespmem:$0x150];
	_ =	sdelay $0x4  }
0xc0: {  	v16 =	vadd.s32 s20, v16  }
0xc1: {  	[tilespmem:s17+$0x50] =	vst v16  }
0xc2: {  	v16 =	vld [tilespmem:$0x160];
	_ =	sdelay $0x4  }
0xc3: {  	v16 =	vadd.s32 s20, v16  }
0xc4: {  	[tilespmem:s17+$0x60] =	vst v16  }
0xc5: {  	v16 =	vld [tilespmem:$0x170];
	_ =	sdelay $0x4  }
0xc6: {  	v16 =	vadd.s32 s20, v16  }
0xc7: {  	[tilespmem:s17+$0x70] =	vst v16  }
0xc8: {  	v16 =	vld [tilespmem:$0x180];
	_ =	sdelay $0x4  }
0xc9: {  	v16 =	vadd.s32 s20, v16  }
0xca: {  	[tilespmem:s17+$0x80] =	vst v16  }
0xcb: {  	v16 =	vld [tilespmem:$0x190];
	_ =	sdelay $0x4  }
0xcc: {  	v16 =	vadd.s32 s20, v16  }
0xcd: {  	[tilespmem:s17+$0x90] =	vst v16  }
0xce: {  	v16 =	vld [tilespmem:$0x1A0];
	_ =	sdelay $0x4  }
0xcf: {  	v16 =	vadd.s32 s20, v16  }
0xd0: {  	[tilespmem:s17+$0xA0] =	vst v16  }
0xd1: {  	v16 =	vld [tilespmem:$0x1B0];
	_ =	sdelay $0x4  }
0xd2: {  	v16 =	vadd.s32 s20, v16  }
0xd3: {  	[tilespmem:s17+$0xB0] =	vst v16  }
0xd4: {  	v16 =	vld [tilespmem:$0x1C0];
	_ =	sdelay $0x4  }
0xd5: {  	v16 =	vadd.s32 s20, v16  }
0xd6: {  	[tilespmem:s17+$0xC0] =	vst v16  }
0xd7: {  	v16 =	vld [tilespmem:$0x1D0];
	_ =	sdelay $0x4  }
0xd8: {  	v16 =	vadd.s32 s20, v16  }
0xd9: {  	[tilespmem:s17+$0xD0] =	vst v16  }
0xda: {  	v16 =	vld [tilespmem:$0x1E0];
	_ =	sdelay $0x4  }
0xdb: {  	v16 =	vadd.s32 s20, v16  }
0xdc: {  	[tilespmem:s17+$0xE0] =	vst v16  }
0xdd: {  	v16 =	vld [tilespmem:$0x1F0];
	_ =	sdelay $0x1  }
.Ltmp1:
0xde: {  	(pc) =	sbr.rel @p1 .LBB2_5-.Ltmp1, $3  }
0xdf: {  	_ =	sdelay $0x1  }
0xe0: {  	v16 =	vadd.s32 s20, v16  }
0xe1: {  	s18 =	sadd.s32 $0x100, s18;
	s17 =	sadd.s32 $0x100, s17;
	[tilespmem:s15+$0xF0] =	vst v16  }
0xe2: {  	[tilespmem:s19], [sflag:$0x1] =	stream.indirect.gather [hbm4b:s4+s10], $0x1, s15, s10, $0xb8;
	[tilespmem:$0x13300] =	vst v63  }
0xe3: {  	s15 =	simm.s32 $0x0  }
0xe4: {  	s16 =	simm.s32 $0x5300;
	s17 =	simm.s32 $0x2;
	s18 =	simm.s32 $0x300  }
0xe5: {  	s19 =	simm.s32 $0x16E3600;
	s20 =	simm.s32 $0x3300;
	s21 =	simm.s32 $0x0  }
.LBB2_7:
0xe6: {  	s22 =	sadd.s32 $0x2, s21  }
0xe7: {  	s23 =	smul.u32 $0xAB, s22;
	_ =	sdelay $0x1  }
0xe8: {  	s23 =	sshrl.u32 s23, $0x9  }
0xe9: {  	s23 =	sand.u32 $0x7F, s23  }
0xea: {  	s23 =	smul.u32 $0x3, s23  }
0xeb: {  	s24 =	sshll.u32 s22, $0xE  }
0xec: {  	s25 =	smulhi.u32 $0xAAAAAAAB, s17;
	s26 =	sor.u32 s14, s24;
	s22 =	ssub.s32 s22, s23  }
0xed: {  	s23 =	sshrl.u32 s26, $0x3;
	s22 =	sand.u32 $0xFF, s22  }
0xee: {  	s31 =	sshrl.u32 s25, $0x1;
	s23 =	sadd.s32 s3, s23;
	s22 =	sshll.u32 s22, $0x8  }
0xef: {  	[tilespmem:s22], [sflag:$0x2] =	stream.linear.gather [hbm4b:s23+s15], $0x100, $0x38;
	[tilespmem:$0x13300] =	vst v63  }
0xf0: {  	s25 =	smul.u32 $0xFFFF4000, s31;
	_ =	swait.ge [sflag:s9], $0x100  }
0xf1: {  	[sflag:s9] =	ssyncset.done $0x0  }
0xf2: {  	s26 =	sshra.s32 s25, $0x2;
	[sflag:s9] =	ssyncadd.s32 $0xFFFFFF00  }
0xf3: {  	s23 =	sadd.s32 s26, s18;
	v17 =	vld [tilespmem:s22+$0x0]  }
0xf4: {  	v16 =	vmov s23;
	_ =	sdelay $0x3  }
0xf5: {  	s28 =	simm.s32 $0x0;
	v17 =	vadd.s32 s19, v17  }
0xf6: {  	[tilespmem:v16+s28+$0x2000 ss:$0x1] =	vst.idx.msk $0xffff, v17  }
0xf7: {  	v17 =	vld [tilespmem:s22+$0x10];
	_ =	sdelay $0x4  }
0xf8: {  	v17 =	vadd.s32 s19, v17  }
0xf9: {  	[tilespmem:v16+s28+$0x2010 ss:$0x1] =	vst.idx.msk $0xffff, v17  }
0xfa: {  	v17 =	vld [tilespmem:s22+$0x20];
	_ =	sdelay $0x4  }
0xfb: {  	v17 =	vadd.s32 s19, v17  }
0xfc: {  	[tilespmem:v16+s28+$0x2020 ss:$0x1] =	vst.idx.msk $0xffff, v17  }
0xfd: {  	v17 =	vld [tilespmem:s22+$0x30];
	_ =	sdelay $0x4  }
0xfe: {  	v17 =	vadd.s32 s19, v17  }
0xff: {  	[tilespmem:v16+s28+$0x2030 ss:$0x1] =	vst.idx.msk $0xffff, v17  }
0x100: {  	v17 =	vld [tilespmem:s22+$0x40];
	_ =	sdelay $0x4  }
0x101: {  	v17 =	vadd.s32 s19, v17  }
0x102: {  	[tilespmem:v16+s28+$0x2040 ss:$0x1] =	vst.idx.msk $0xffff, v17  }
0x103: {  	v17 =	vld [tilespmem:s22+$0x50];
	_ =	sdelay $0x4  }
0x104: {  	v17 =	vadd.s32 s19, v17  }
0x105: {  	[tilespmem:v16+s28+$0x2050 ss:$0x1] =	vst.idx.msk $0xffff, v17  }
0x106: {  	v17 =	vld [tilespmem:s22+$0x60];
	_ =	sdelay $0x4  }
0x107: {  	v17 =	vadd.s32 s19, v17  }
0x108: {  	[tilespmem:v16+s28+$0x2060 ss:$0x1] =	vst.idx.msk $0xffff, v17  }
0x109: {  	v17 =	vld [tilespmem:s22+$0x70];
	_ =	sdelay $0x4  }
0x10a: {  	v17 =	vadd.s32 s19, v17  }
0x10b: {  	[tilespmem:v16+s28+$0x2070 ss:$0x1] =	vst.idx.msk $0xffff, v17  }
0x10c: {  	v17 =	vld [tilespmem:s22+$0x80];
	_ =	sdelay $0x4  }
0x10d: {  	v17 =	vadd.s32 s19, v17  }
0x10e: {  	[tilespmem:v16+s28+$0x2080 ss:$0x1] =	vst.idx.msk $0xffff, v17  }
0x10f: {  	v17 =	vld [tilespmem:s22+$0x90];
	_ =	sdelay $0x4  }
0x110: {  	v17 =	vadd.s32 s19, v17  }
0x111: {  	[tilespmem:v16+s28+$0x2090 ss:$0x1] =	vst.idx.msk $0xffff, v17  }
0x112: {  	v17 =	vld [tilespmem:s22+$0xA0];
	_ =	sdelay $0x4  }
0x113: {  	v17 =	vadd.s32 s19, v17  }
0x114: {  	[tilespmem:v16+s28+$0x20A0 ss:$0x1] =	vst.idx.msk $0xffff, v17  }
0x115: {  	v17 =	vld [tilespmem:s22+$0xB0];
	_ =	sdelay $0x4  }
0x116: {  	v17 =	vadd.s32 s19, v17  }
0x117: {  	[tilespmem:v16+s28+$0x20B0 ss:$0x1] =	vst.idx.msk $0xffff, v17  }
0x118: {  	v17 =	vld [tilespmem:s22+$0xC0];
	_ =	sdelay $0x4  }
0x119: {  	v17 =	vadd.s32 s19, v17  }
0x11a: {  	[tilespmem:v16+s28+$0x20C0 ss:$0x1] =	vst.idx.msk $0xffff, v17  }
0x11b: {  	v17 =	vld [tilespmem:s22+$0xD0];
	_ =	sdelay $0x4  }
0x11c: {  	v17 =	vadd.s32 s19, v17  }
0x11d: {  	[tilespmem:v16+s28+$0x20D0 ss:$0x1] =	vst.idx.msk $0xffff, v17  }
0x11e: {  	v17 =	vld [tilespmem:s22+$0xE0];
	_ =	sdelay $0x4  }
0x11f: {  	v17 =	vadd.s32 s19, v17  }
0x120: {  	s31 =	smulhi.u32 $0xAAAAAAAB, s21;
	[tilespmem:v16+s28+$0x20E0 ss:$0x1] =	vst.idx.msk $0xffff, v17  }
0x121: {  	v17 =	vld [tilespmem:s22+$0xF0]  }
0x122: {  	s24 =	sshrl.u32 s31, $0x1  }
0x123: {  	s24 =	smul.u32 $0xFFFF4000, s24;
	_ =	sdelay $0x1  }
0x124: {  	s24 =	sshra.s32 s24, $0x2;
	s25 =	sadd.s32 s26, s16  }
0x125: {  	s24 =	sadd.s32 s24, s20;
	s26 =	simm.s32 $0x400;
	s29 =	sadd.s32 $0x0, s23;
	v17 =	vadd.s32 s19, v17  }
0x126: {  	s30 =	sadd.s32 $0x2000, s29;
	s29 =	sadd.s32 $0x0, s25;
	[tilespmem:v16+s28+$0x20F0 ss:$0x1] =	vst.idx.msk $0xffff, v17;
	s28 =	sadd.s32 $0x186A0, s19  }
.LBB2_8:
0x127: {  	[tilespmem:s29], [sflag:$0x1] =	stream.indirect.gather [hbm4b:s4+s10], $0x1, s30, s10, $0xb8;
	[tilespmem:$0x13300] =	vst v63  }
0x128: {  	p1 =	sne.s32 s26, $0x3C00;
	s29 =	smov.u32 s26;
	s26 =	sadd.s32 $0x400, s26;
	v17 =	vld [tilespmem:s22+$0x0]  }
0x129: {  	_ =	sdelay $0x3  }
0x12a: {  	s29 =	sshra.s32 s29, $0x2;
	v17 =	vadd.s32 s28, v17  }
0x12b: {  	s30 =	sadd.s32 s29, s23;
	[tilespmem:v16+s29+$0x2000 ss:$0x1] =	vst.idx.msk $0xffff, v17  }
0x12c: {  	v17 =	vld [tilespmem:s22+$0x10];
	_ =	sdelay $0x4  }
0x12d: {  	v17 =	vadd.s32 s28, v17  }
0x12e: {  	[tilespmem:v16+s29+$0x2010 ss:$0x1] =	vst.idx.msk $0xffff, v17  }
0x12f: {  	v17 =	vld [tilespmem:s22+$0x20];
	_ =	sdelay $0x4  }
0x130: {  	v17 =	vadd.s32 s28, v17  }
0x131: {  	[tilespmem:v16+s29+$0x2020 ss:$0x1] =	vst.idx.msk $0xffff, v17  }
0x132: {  	v17 =	vld [tilespmem:s22+$0x30];
	_ =	sdelay $0x4  }
0x133: {  	v17 =	vadd.s32 s28, v17  }
0x134: {  	[tilespmem:v16+s29+$0x2030 ss:$0x1] =	vst.idx.msk $0xffff, v17  }
0x135: {  	v17 =	vld [tilespmem:s22+$0x40];
	_ =	sdelay $0x4  }
0x136: {  	v17 =	vadd.s32 s28, v17  }
0x137: {  	[tilespmem:v16+s29+$0x2040 ss:$0x1] =	vst.idx.msk $0xffff, v17  }
0x138: {  	v17 =	vld [tilespmem:s22+$0x50];
	_ =	sdelay $0x4  }
0x139: {  	v17 =	vadd.s32 s28, v17  }
0x13a: {  	[tilespmem:v16+s29+$0x2050 ss:$0x1] =	vst.idx.msk $0xffff, v17  }
0x13b: {  	v17 =	vld [tilespmem:s22+$0x60];
	_ =	sdelay $0x4  }
0x13c: {  	v17 =	vadd.s32 s28, v17  }
0x13d: {  	[tilespmem:v16+s29+$0x2060 ss:$0x1] =	vst.idx.msk $0xffff, v17  }
0x13e: {  	v17 =	vld [tilespmem:s22+$0x70];
	_ =	sdelay $0x4  }
0x13f: {  	v17 =	vadd.s32 s28, v17  }
0x140: {  	[tilespmem:v16+s29+$0x2070 ss:$0x1] =	vst.idx.msk $0xffff, v17  }
0x141: {  	v17 =	vld [tilespmem:s22+$0x80];
	_ =	sdelay $0x4  }
0x142: {  	v17 =	vadd.s32 s28, v17  }
0x143: {  	[tilespmem:v16+s29+$0x2080 ss:$0x1] =	vst.idx.msk $0xffff, v17  }
0x144: {  	v17 =	vld [tilespmem:s22+$0x90];
	_ =	sdelay $0x4  }
0x145: {  	v17 =	vadd.s32 s28, v17  }
0x146: {  	[tilespmem:v16+s29+$0x2090 ss:$0x1] =	vst.idx.msk $0xffff, v17  }
0x147: {  	v17 =	vld [tilespmem:s22+$0xA0];
	_ =	sdelay $0x4  }
0x148: {  	v17 =	vadd.s32 s28, v17  }
0x149: {  	[tilespmem:v16+s29+$0x20A0 ss:$0x1] =	vst.idx.msk $0xffff, v17  }
0x14a: {  	v17 =	vld [tilespmem:s22+$0xB0];
	_ =	sdelay $0x4  }
0x14b: {  	v17 =	vadd.s32 s28, v17  }
0x14c: {  	[tilespmem:v16+s29+$0x20B0 ss:$0x1] =	vst.idx.msk $0xffff, v17  }
0x14d: {  	v17 =	vld [tilespmem:s22+$0xC0];
	_ =	sdelay $0x4  }
0x14e: {  	v17 =	vadd.s32 s28, v17  }
0x14f: {  	[tilespmem:v16+s29+$0x20C0 ss:$0x1] =	vst.idx.msk $0xffff, v17  }
0x150: {  	v17 =	vld [tilespmem:s22+$0xD0];
	_ =	sdelay $0x4  }
0x151: {  	v17 =	vadd.s32 s28, v17  }
0x152: {  	[tilespmem:v16+s29+$0x20D0 ss:$0x1] =	vst.idx.msk $0xffff, v17  }
0x153: {  	v17 =	vld [tilespmem:s22+$0xE0];
	_ =	sdelay $0x4  }
0x154: {  	v17 =	vadd.s32 s28, v17  }
0x155: {  	[tilespmem:v16+s29+$0x20E0 ss:$0x1] =	vst.idx.msk $0xffff, v17  }
0x156: {  	v17 =	vld [tilespmem:s22+$0xF0];
	_ =	sdelay $0x1  }
.Ltmp2:
0x157: {  	(pc) =	sbr.rel @p1 .LBB2_8-.Ltmp2, $3  }
0x158: {  	_ =	sdelay $0x1  }
0x159: {  	v17 =	vadd.s32 s28, v17  }
0x15a: {  	s30 =	sadd.s32 $0x2000, s30;
	s28 =	sadd.s32 $0x186A0, s28;
	[tilespmem:v16+s29+$0x20F0 ss:$0x1] =	vst.idx.msk $0xffff, v17;
	s29 =	sadd.s32 s29, s25  }
0x15b: {  	[tilespmem:s29], [sflag:$0x1] =	stream.indirect.gather [hbm4b:s4+s10], $0x1, s30, s10, $0xb8;
	[tilespmem:$0x13300] =	vst v63  }
0x15c: {  	_ =	swait.ge [sflag:s11], $0x100  }
0x15d: {  	[sflag:s11] =	ssyncset.done $0x0  }
0x15e: {  	[sflag:s11] =	ssyncadd.s32 $0xFFFFFF00  }
0x15f: {  	_ =	swait.ge [sflag:s11], $0x100  }
0x160: {  	[sflag:s11] =	ssyncset.done $0x0  }
0x161: {  	[sflag:s11] =	ssyncadd.s32 $0xFFFFFF00  }
0x162: {  	_ =	swait.ge [sflag:s11], $0x100  }
0x163: {  	[sflag:s11] =	ssyncset.done $0x0  }
0x164: {  	[sflag:s11] =	ssyncadd.s32 $0xFFFFFF00  }
0x165: {  	_ =	swait.ge [sflag:s11], $0x100  }
0x166: {  	[sflag:s11] =	ssyncset.done $0x0  }
0x167: {  	[sflag:s11] =	ssyncadd.s32 $0xFFFFFF00  }
0x168: {  	_ =	swait.ge [sflag:s11], $0x100  }
0x169: {  	[sflag:s11] =	ssyncset.done $0x0  }
0x16a: {  	[sflag:s11] =	ssyncadd.s32 $0xFFFFFF00  }
0x16b: {  	_ =	swait.ge [sflag:s11], $0x100  }
0x16c: {  	[sflag:s11] =	ssyncset.done $0x0  }
0x16d: {  	[sflag:s11] =	ssyncadd.s32 $0xFFFFFF00  }
0x16e: {  	_ =	swait.ge [sflag:s11], $0x100  }
0x16f: {  	[sflag:s11] =	ssyncset.done $0x0  }
0x170: {  	[sflag:s11] =	ssyncadd.s32 $0xFFFFFF00  }
0x171: {  	_ =	swait.ge [sflag:s11], $0x100  }
0x172: {  	[sflag:s11] =	ssyncset.done $0x0  }
0x173: {  	[sflag:s11] =	ssyncadd.s32 $0xFFFFFF00  }
0x174: {  	_ =	swait.ge [sflag:s11], $0x100  }
0x175: {  	[sflag:s11] =	ssyncset.done $0x0  }
0x176: {  	[sflag:s11] =	ssyncadd.s32 $0xFFFFFF00  }
0x177: {  	_ =	swait.ge [sflag:s11], $0x100  }
0x178: {  	[sflag:s11] =	ssyncset.done $0x0  }
0x179: {  	[sflag:s11] =	ssyncadd.s32 $0xFFFFFF00  }
0x17a: {  	_ =	swait.ge [sflag:s11], $0x100  }
0x17b: {  	[sflag:s11] =	ssyncset.done $0x0  }
0x17c: {  	[sflag:s11] =	ssyncadd.s32 $0xFFFFFF00  }
0x17d: {  	_ =	swait.ge [sflag:s11], $0x100  }
0x17e: {  	[sflag:s11] =	ssyncset.done $0x0  }
0x17f: {  	[sflag:s11] =	ssyncadd.s32 $0xFFFFFF00  }
0x180: {  	_ =	swait.ge [sflag:s11], $0x100  }
0x181: {  	[sflag:s11] =	ssyncset.done $0x0  }
0x182: {  	[sflag:s11] =	ssyncadd.s32 $0xFFFFFF00  }
0x183: {  	_ =	swait.ge [sflag:s11], $0x100  }
0x184: {  	[sflag:s11] =	ssyncset.done $0x0  }
0x185: {  	[sflag:s11] =	ssyncadd.s32 $0xFFFFFF00  }
0x186: {  	_ =	swait.ge [sflag:s11], $0x100  }
0x187: {  	v16 =	vmov s24;
	[sflag:s11] =	ssyncset.done $0x0  }
0x188: {  	s22 =	sshll.u32 s21, $0x4;
	[sflag:s11] =	ssyncadd.s32 $0xFFFFFF00  }
0x189: {  	s23 =	sadd.s32 $0x0, s22;
	_ =	swait.ge [sflag:s11], $0x100  }
0x18a: {  	v17 =	vmov s23;
	[sflag:s11] =	ssyncset.done $0x0  }
0x18b: {  	s31 =	simm.s32 $0x0;
	v17 =	vand.u32 $0xFF, v17;
	[sflag:s11] =	ssyncadd.s32 $0xFFFFFF00  }
0x18c: {  	v19 =	vadd.s32 v0, v17;
	v18 =	vld.idx.msk [tilespmem:v16+s31+$0x0 ss:$0x1], $0xffff;
	_ =	sdelay $0x4  }
0x18d: {  	[tilespmem:v19+s12+$0x0] =	vst.idx.msk $0xffff, v18  }
0x18e: {  	v19 =	vadd.s32 v1, v17;
	v18 =	vld.idx.msk [tilespmem:v16+s31+$0x10 ss:$0x1], $0xffff;
	_ =	sdelay $0x4  }
0x18f: {  	[tilespmem:v19+s12+$0x0] =	vst.idx.msk $0xffff, v18  }
0x190: {  	v19 =	vadd.s32 v2, v17;
	v18 =	vld.idx.msk [tilespmem:v16+s31+$0x20 ss:$0x1], $0xffff;
	_ =	sdelay $0x4  }
0x191: {  	[tilespmem:v19+s12+$0x0] =	vst.idx.msk $0xffff, v18  }
0x192: {  	v19 =	vadd.s32 v3, v17;
	v18 =	vld.idx.msk [tilespmem:v16+s31+$0x30 ss:$0x1], $0xffff;
	_ =	sdelay $0x4  }
0x193: {  	[tilespmem:v19+s12+$0x0] =	vst.idx.msk $0xffff, v18  }
0x194: {  	v19 =	vadd.s32 v4, v17;
	v18 =	vld.idx.msk [tilespmem:v16+s31+$0x40 ss:$0x1], $0xffff;
	_ =	sdelay $0x4  }
0x195: {  	[tilespmem:v19+s12+$0x0] =	vst.idx.msk $0xffff, v18  }
0x196: {  	v19 =	vadd.s32 v5, v17;
	v18 =	vld.idx.msk [tilespmem:v16+s31+$0x50 ss:$0x1], $0xffff;
	_ =	sdelay $0x4  }
0x197: {  	[tilespmem:v19+s12+$0x0] =	vst.idx.msk $0xffff, v18  }
0x198: {  	v19 =	vadd.s32 v6, v17;
	v18 =	vld.idx.msk [tilespmem:v16+s31+$0x60 ss:$0x1], $0xffff;
	_ =	sdelay $0x4  }
0x199: {  	[tilespmem:v19+s12+$0x0] =	vst.idx.msk $0xffff, v18  }
0x19a: {  	v19 =	vadd.s32 v7, v17;
	v18 =	vld.idx.msk [tilespmem:v16+s31+$0x70 ss:$0x1], $0xffff;
	_ =	sdelay $0x4  }
0x19b: {  	[tilespmem:v19+s12+$0x0] =	vst.idx.msk $0xffff, v18  }
0x19c: {  	v19 =	vadd.s32 v8, v17;
	v18 =	vld.idx.msk [tilespmem:v16+s31+$0x80 ss:$0x1], $0xffff;
	_ =	sdelay $0x4  }
0x19d: {  	[tilespmem:v19+s12+$0x0] =	vst.idx.msk $0xffff, v18  }
0x19e: {  	v19 =	vadd.s32 v9, v17;
	v18 =	vld.idx.msk [tilespmem:v16+s31+$0x90 ss:$0x1], $0xffff;
	_ =	sdelay $0x4  }
0x19f: {  	[tilespmem:v19+s12+$0x0] =	vst.idx.msk $0xffff, v18  }
0x1a0: {  	v19 =	vadd.s32 v10, v17;
	v18 =	vld.idx.msk [tilespmem:v16+s31+$0xA0 ss:$0x1], $0xffff;
	_ =	sdelay $0x4  }
0x1a1: {  	[tilespmem:v19+s12+$0x0] =	vst.idx.msk $0xffff, v18  }
0x1a2: {  	v19 =	vadd.s32 v11, v17;
	v18 =	vld.idx.msk [tilespmem:v16+s31+$0xB0 ss:$0x1], $0xffff;
	_ =	sdelay $0x4  }
0x1a3: {  	[tilespmem:v19+s12+$0x0] =	vst.idx.msk $0xffff, v18  }
0x1a4: {  	v19 =	vadd.s32 v12, v17;
	v18 =	vld.idx.msk [tilespmem:v16+s31+$0xC0 ss:$0x1], $0xffff;
	_ =	sdelay $0x4  }
0x1a5: {  	[tilespmem:v19+s12+$0x0] =	vst.idx.msk $0xffff, v18  }
0x1a6: {  	v19 =	vadd.s32 v13, v17;
	v18 =	vld.idx.msk [tilespmem:v16+s31+$0xD0 ss:$0x1], $0xffff;
	_ =	sdelay $0x4  }
0x1a7: {  	[tilespmem:v19+s12+$0x0] =	vst.idx.msk $0xffff, v18  }
0x1a8: {  	v19 =	vadd.s32 v14, v17;
	v18 =	vld.idx.msk [tilespmem:v16+s31+$0xE0 ss:$0x1], $0xffff;
	_ =	sdelay $0x4  }
0x1a9: {  	[tilespmem:v19+s12+$0x0] =	vst.idx.msk $0xffff, v18  }
0x1aa: {  	v17 =	vadd.s32 v15, v17;
	v18 =	vld.idx.msk [tilespmem:v16+s31+$0xF0 ss:$0x1], $0xffff;
	_ =	sdelay $0x2  }
0x1ab: {  	s24 =	simm.s32 $0x1  }
0x1ac: {  	s25 =	simm.s32 $0x800;
	s26 =	sadd.s32 $0x1, s22;
	s23 =	simm.s32 $0x400  }
.LBB2_10:
0x1ad: {  	p1 =	sne.s32 s25, $0x3C00;
	v19 =	vmov s26;
	s26 =	sshra.s32 s23, $0x2;
	[tilespmem:v17+s12+$0x0] =	vst.idx.msk $0xffff, v18;
	s23 =	smov.u32 s25  }
0x1ae: {  	v18 =	vld.idx.msk [tilespmem:v16+s26+$0x0 ss:$0x1], $0xffff;
	v17 =	vand.u32 $0xFF, v19  }
0x1af: {  	v19 =	vadd.s32 v0, v17;
	_ =	sdelay $0x4  }
0x1b0: {  	[tilespmem:v19+s12+$0x0] =	vst.idx.msk $0xffff, v18  }
0x1b1: {  	v18 =	vld.idx.msk [tilespmem:v16+s26+$0x10 ss:$0x1], $0xffff  }
0x1b2: {  	v19 =	vadd.s32 v1, v17;
	_ =	sdelay $0x4  }
0x1b3: {  	[tilespmem:v19+s12+$0x0] =	vst.idx.msk $0xffff, v18  }
0x1b4: {  	v18 =	vld.idx.msk [tilespmem:v16+s26+$0x20 ss:$0x1], $0xffff  }
0x1b5: {  	v19 =	vadd.s32 v2, v17;
	_ =	sdelay $0x4  }
0x1b6: {  	[tilespmem:v19+s12+$0x0] =	vst.idx.msk $0xffff, v18  }
0x1b7: {  	v18 =	vld.idx.msk [tilespmem:v16+s26+$0x30 ss:$0x1], $0xffff  }
0x1b8: {  	v19 =	vadd.s32 v3, v17;
	_ =	sdelay $0x4  }
0x1b9: {  	[tilespmem:v19+s12+$0x0] =	vst.idx.msk $0xffff, v18  }
0x1ba: {  	v18 =	vld.idx.msk [tilespmem:v16+s26+$0x40 ss:$0x1], $0xffff  }
0x1bb: {  	v19 =	vadd.s32 v4, v17;
	_ =	sdelay $0x4  }
0x1bc: {  	[tilespmem:v19+s12+$0x0] =	vst.idx.msk $0xffff, v18  }
0x1bd: {  	v18 =	vld.idx.msk [tilespmem:v16+s26+$0x50 ss:$0x1], $0xffff  }
0x1be: {  	v19 =	vadd.s32 v5, v17;
	_ =	sdelay $0x4  }
0x1bf: {  	[tilespmem:v19+s12+$0x0] =	vst.idx.msk $0xffff, v18  }
0x1c0: {  	v18 =	vld.idx.msk [tilespmem:v16+s26+$0x60 ss:$0x1], $0xffff  }
0x1c1: {  	v19 =	vadd.s32 v6, v17;
	_ =	sdelay $0x4  }
0x1c2: {  	[tilespmem:v19+s12+$0x0] =	vst.idx.msk $0xffff, v18  }
0x1c3: {  	v18 =	vld.idx.msk [tilespmem:v16+s26+$0x70 ss:$0x1], $0xffff  }
0x1c4: {  	v19 =	vadd.s32 v7, v17;
	_ =	sdelay $0x4  }
0x1c5: {  	[tilespmem:v19+s12+$0x0] =	vst.idx.msk $0xffff, v18  }
0x1c6: {  	v18 =	vld.idx.msk [tilespmem:v16+s26+$0x80 ss:$0x1], $0xffff  }
0x1c7: {  	v19 =	vadd.s32 v8, v17;
	_ =	sdelay $0x4  }
0x1c8: {  	[tilespmem:v19+s12+$0x0] =	vst.idx.msk $0xffff, v18  }
0x1c9: {  	v18 =	vld.idx.msk [tilespmem:v16+s26+$0x90 ss:$0x1], $0xffff  }
0x1ca: {  	v19 =	vadd.s32 v9, v17;
	_ =	sdelay $0x4  }
0x1cb: {  	[tilespmem:v19+s12+$0x0] =	vst.idx.msk $0xffff, v18  }
0x1cc: {  	v18 =	vld.idx.msk [tilespmem:v16+s26+$0xA0 ss:$0x1], $0xffff  }
0x1cd: {  	v19 =	vadd.s32 v10, v17;
	_ =	sdelay $0x4  }
0x1ce: {  	[tilespmem:v19+s12+$0x0] =	vst.idx.msk $0xffff, v18  }
0x1cf: {  	v18 =	vld.idx.msk [tilespmem:v16+s26+$0xB0 ss:$0x1], $0xffff  }
0x1d0: {  	v19 =	vadd.s32 v11, v17;
	_ =	sdelay $0x4  }
0x1d1: {  	[tilespmem:v19+s12+$0x0] =	vst.idx.msk $0xffff, v18  }
0x1d2: {  	v18 =	vld.idx.msk [tilespmem:v16+s26+$0xC0 ss:$0x1], $0xffff  }
0x1d3: {  	v19 =	vadd.s32 v12, v17;
	_ =	sdelay $0x4  }
0x1d4: {  	[tilespmem:v19+s12+$0x0] =	vst.idx.msk $0xffff, v18  }
0x1d5: {  	v18 =	vld.idx.msk [tilespmem:v16+s26+$0xD0 ss:$0x1], $0xffff  }
0x1d6: {  	v19 =	vadd.s32 v13, v17;
	_ =	sdelay $0x4  }
0x1d7: {  	[tilespmem:v19+s12+$0x0] =	vst.idx.msk $0xffff, v18  }
0x1d8: {  	v18 =	vld.idx.msk [tilespmem:v16+s26+$0xE0 ss:$0x1], $0xffff  }
0x1d9: {  	v19 =	vadd.s32 v14, v17;
	_ =	sdelay $0x4  }
0x1da: {  	[tilespmem:v19+s12+$0x0] =	vst.idx.msk $0xffff, v18  }
0x1db: {  	v18 =	vld.idx.msk [tilespmem:v16+s26+$0xF0 ss:$0x1], $0xffff  }
.Ltmp3:
0x1dc: {  	v17 =	vadd.s32 v15, v17;
	(pc) =	sbr.rel @p1 .LBB2_10-.Ltmp3, $3  }
0x1dd: {  	_ =	sdelay $0x1  }
0x1de: {  	s24 =	sadd.s32 $0x1, s24  }
0x1df: {  	s25 =	sadd.s32 $0x400, s25;
	s26 =	sadd.s32 s22, s24  }
0x1e0: {  	_ =	sdelay $0x2  }
0x1e1: {  	v19 =	vmov s26  }
0x1e2: {  	s22 =	sshra.s32 s23, $0x2;
	[tilespmem:v17+s12+$0x0] =	vst.idx.msk $0xffff, v18;
	v17 =	vand.u32 $0xFF, v19  }
0x1e3: {  	v18 =	vld.idx.msk [tilespmem:v16+s22+$0x0 ss:$0x1], $0xffff;
	v19 =	vadd.s32 v0, v17;
	_ =	sdelay $0x4  }
0x1e4: {  	[tilespmem:v19+s12+$0x0] =	vst.idx.msk $0xffff, v18  }
0x1e5: {  	v50 =	vadd.s32 v1, v17;
	v18 =	vld.idx.msk [tilespmem:v16+s22+$0x10 ss:$0x1], $0xffff;
	_ =	sdelay $0x4  }
0x1e6: {  	[tilespmem:v50+s12+$0x0] =	vst.idx.msk $0xffff, v18  }
0x1e7: {  	v51 =	vadd.s32 v2, v17;
	v18 =	vld.idx.msk [tilespmem:v16+s22+$0x20 ss:$0x1], $0xffff;
	_ =	sdelay $0x4  }
0x1e8: {  	[tilespmem:v51+s12+$0x0] =	vst.idx.msk $0xffff, v18  }
0x1e9: {  	v52 =	vadd.s32 v3, v17;
	v18 =	vld.idx.msk [tilespmem:v16+s22+$0x30 ss:$0x1], $0xffff;
	_ =	sdelay $0x4  }
0x1ea: {  	[tilespmem:v52+s12+$0x0] =	vst.idx.msk $0xffff, v18  }
0x1eb: {  	v53 =	vadd.s32 v4, v17;
	v18 =	vld.idx.msk [tilespmem:v16+s22+$0x40 ss:$0x1], $0xffff;
	_ =	sdelay $0x4  }
0x1ec: {  	[tilespmem:v53+s12+$0x0] =	vst.idx.msk $0xffff, v18  }
0x1ed: {  	v54 =	vadd.s32 v5, v17;
	v18 =	vld.idx.msk [tilespmem:v16+s22+$0x50 ss:$0x1], $0xffff;
	_ =	sdelay $0x4  }
0x1ee: {  	[tilespmem:v54+s12+$0x0] =	vst.idx.msk $0xffff, v18  }
0x1ef: {  	v55 =	vadd.s32 v6, v17;
	v18 =	vld.idx.msk [tilespmem:v16+s22+$0x60 ss:$0x1], $0xffff;
	_ =	sdelay $0x4  }
0x1f0: {  	[tilespmem:v55+s12+$0x0] =	vst.idx.msk $0xffff, v18  }
0x1f1: {  	v56 =	vadd.s32 v7, v17;
	v18 =	vld.idx.msk [tilespmem:v16+s22+$0x70 ss:$0x1], $0xffff;
	_ =	sdelay $0x4  }
0x1f2: {  	[tilespmem:v56+s12+$0x0] =	vst.idx.msk $0xffff, v18  }
0x1f3: {  	v57 =	vadd.s32 v8, v17;
	v18 =	vld.idx.msk [tilespmem:v16+s22+$0x80 ss:$0x1], $0xffff;
	_ =	sdelay $0x4  }
0x1f4: {  	[tilespmem:v57+s12+$0x0] =	vst.idx.msk $0xffff, v18  }
0x1f5: {  	v58 =	vadd.s32 v9, v17;
	v18 =	vld.idx.msk [tilespmem:v16+s22+$0x90 ss:$0x1], $0xffff;
	_ =	sdelay $0x4  }
0x1f6: {  	[tilespmem:v58+s12+$0x0] =	vst.idx.msk $0xffff, v18  }
0x1f7: {  	v59 =	vadd.s32 v10, v17;
	v18 =	vld.idx.msk [tilespmem:v16+s22+$0xA0 ss:$0x1], $0xffff;
	_ =	sdelay $0x4  }
0x1f8: {  	[tilespmem:v59+s12+$0x0] =	vst.idx.msk $0xffff, v18  }
0x1f9: {  	v60 =	vadd.s32 v11, v17;
	v18 =	vld.idx.msk [tilespmem:v16+s22+$0xB0 ss:$0x1], $0xffff;
	_ =	sdelay $0x4  }
0x1fa: {  	[tilespmem:v60+s12+$0x0] =	vst.idx.msk $0xffff, v18  }
0x1fb: {  	v61 =	vadd.s32 v12, v17;
	v18 =	vld.idx.msk [tilespmem:v16+s22+$0xC0 ss:$0x1], $0xffff;
	_ =	sdelay $0x4  }
0x1fc: {  	[tilespmem:v61+s12+$0x0] =	vst.idx.msk $0xffff, v18  }
0x1fd: {  	v62 =	vadd.s32 v13, v17;
	v18 =	vld.idx.msk [tilespmem:v16+s22+$0xD0 ss:$0x1], $0xffff;
	_ =	sdelay $0x4  }
0x1fe: {  	[tilespmem:v62+s12+$0x0] =	vst.idx.msk $0xffff, v18  }
0x1ff: {  	v63 =	vadd.s32 v14, v17;
	v18 =	vld.idx.msk [tilespmem:v16+s22+$0xE0 ss:$0x1], $0xffff;
	_ =	sdelay $0x4  }
0x200: {  	s21 =	sadd.s32 $0x1, s21;
	[tilespmem:v63+s12+$0x0] =	vst.idx.msk $0xffff, v18  }
0x201: {  	p1 =	sne.s32 s21, $0xB;
	v17 =	vadd.s32 v15, v17;
	v16 =	vld.idx.msk [tilespmem:v16+s22+$0xF0 ss:$0x1], $0xffff  }
.Ltmp4:
0x202: {  	_ = 	snop;
	(pc) =	sbr.rel @p1 .LBB2_7-.Ltmp4, $3  }
0x203: {  	_ =	sdelay $0x1  }
0x204: {  	s16 =	sadd.s32 $0x1000, s16;
	s17 =	sadd.s32 $0x1, s17  }
0x205: {  	s18 =	sadd.s32 $0x1000, s18;
	s19 =	sadd.s32 $0x186A00, s19;
	s20 =	sadd.s32 $0x1000, s20;
	[tilespmem:v17+s12+$0x0] =	vst.idx.msk $0xffff, v16  }
0x206: {  	_ =	swait.ge [sflag:s11], $0x100  }
0x207: {  	[sflag:s11] =	ssyncset.done $0x0  }
0x208: {  	[sflag:s11] =	ssyncadd.s32 $0xFFFFFF00  }
0x209: {  	_ =	swait.ge [sflag:s11], $0x100  }
0x20a: {  	[sflag:s11] =	ssyncset.done $0x0  }
0x20b: {  	[sflag:s11] =	ssyncadd.s32 $0xFFFFFF00  }
0x20c: {  	_ =	swait.ge [sflag:s11], $0x100  }
0x20d: {  	[sflag:s11] =	ssyncset.done $0x0  }
0x20e: {  	[sflag:s11] =	ssyncadd.s32 $0xFFFFFF00  }
0x20f: {  	_ =	swait.ge [sflag:s11], $0x100  }
0x210: {  	[sflag:s11] =	ssyncset.done $0x0  }
0x211: {  	[sflag:s11] =	ssyncadd.s32 $0xFFFFFF00  }
0x212: {  	_ =	swait.ge [sflag:s11], $0x100  }
0x213: {  	[sflag:s11] =	ssyncset.done $0x0  }
0x214: {  	[sflag:s11] =	ssyncadd.s32 $0xFFFFFF00  }
0x215: {  	_ =	swait.ge [sflag:s11], $0x100  }
0x216: {  	[sflag:s11] =	ssyncset.done $0x0  }
0x217: {  	[sflag:s11] =	ssyncadd.s32 $0xFFFFFF00  }
0x218: {  	_ =	swait.ge [sflag:s11], $0x100  }
0x219: {  	[sflag:s11] =	ssyncset.done $0x0  }
0x21a: {  	[sflag:s11] =	ssyncadd.s32 $0xFFFFFF00  }
0x21b: {  	_ =	swait.ge [sflag:s11], $0x100  }
0x21c: {  	[sflag:s11] =	ssyncset.done $0x0  }
0x21d: {  	[sflag:s11] =	ssyncadd.s32 $0xFFFFFF00  }
0x21e: {  	_ =	swait.ge [sflag:s11], $0x100  }
0x21f: {  	[sflag:s11] =	ssyncset.done $0x0  }
0x220: {  	[sflag:s11] =	ssyncadd.s32 $0xFFFFFF00  }
0x221: {  	_ =	swait.ge [sflag:s11], $0x100  }
0x222: {  	[sflag:s11] =	ssyncset.done $0x0  }
0x223: {  	[sflag:s11] =	ssyncadd.s32 $0xFFFFFF00  }
0x224: {  	_ =	swait.ge [sflag:s11], $0x100  }
0x225: {  	[sflag:s11] =	ssyncset.done $0x0  }
0x226: {  	[sflag:s11] =	ssyncadd.s32 $0xFFFFFF00  }
0x227: {  	_ =	swait.ge [sflag:s11], $0x100  }
0x228: {  	[sflag:s11] =	ssyncset.done $0x0  }
0x229: {  	[sflag:s11] =	ssyncadd.s32 $0xFFFFFF00  }
0x22a: {  	_ =	swait.ge [sflag:s11], $0x100  }
0x22b: {  	[sflag:s11] =	ssyncset.done $0x0  }
0x22c: {  	[sflag:s11] =	ssyncadd.s32 $0xFFFFFF00  }
0x22d: {  	_ =	swait.ge [sflag:s11], $0x100  }
0x22e: {  	[sflag:s11] =	ssyncset.done $0x0  }
0x22f: {  	[sflag:s11] =	ssyncadd.s32 $0xFFFFFF00  }
0x230: {  	s15 =	simm.s32 $0x0;
	_ =	swait.ge [sflag:s11], $0x100  }
0x231: {  	v16 =	vmov s15;
	[sflag:s11] =	ssyncset.done $0x0  }
0x232: {  	v16 =	vadd.s32 $0xB0, v16;
	[sflag:s11] =	ssyncadd.s32 $0xFFFFFF00  }
0x233: {  	v16 =	vand.u32 $0xBF, v16;
	_ =	swait.ge [sflag:s11], $0x100  }
0x234: {  	v16 =	vbroadcast v16, $0x0;
	[sflag:s11] =	ssyncset.done $0x0  }
0x235: {  	s15 =	simm.s32 $0x53F0;
	[sflag:s11] =	ssyncadd.s32 $0xFFFFFF00  }
0x236: {  	v18 =	vadd.s32 v0, v16;
	v17 =	vld [tilespmem:s15+$0xFFFFFF10];
	_ =	sdelay $0x4  }
0x237: {  	[tilespmem:v18+s12+$0x0] =	vst.idx.msk $0xffff, v17  }
0x238: {  	v18 =	vadd.s32 v1, v16;
	v17 =	vld [tilespmem:s15+$0xFFFFFF20];
	_ =	sdelay $0x4  }
0x239: {  	[tilespmem:v18+s12+$0x0] =	vst.idx.msk $0xffff, v17  }
0x23a: {  	v18 =	vadd.s32 v2, v16;
	v17 =	vld [tilespmem:s15+$0xFFFFFF30];
	_ =	sdelay $0x4  }
0x23b: {  	[tilespmem:v18+s12+$0x0] =	vst.idx.msk $0xffff, v17  }
0x23c: {  	v18 =	vadd.s32 v3, v16;
	v17 =	vld [tilespmem:s15+$0xFFFFFF40];
	_ =	sdelay $0x4  }
0x23d: {  	[tilespmem:v18+s12+$0x0] =	vst.idx.msk $0xffff, v17  }
0x23e: {  	v18 =	vadd.s32 v4, v16;
	v17 =	vld [tilespmem:s15+$0xFFFFFF50];
	_ =	sdelay $0x4  }
0x23f: {  	[tilespmem:v18+s12+$0x0] =	vst.idx.msk $0xffff, v17  }
0x240: {  	v18 =	vadd.s32 v5, v16;
	v17 =	vld [tilespmem:s15+$0xFFFFFF60];
	_ =	sdelay $0x4  }
0x241: {  	[tilespmem:v18+s12+$0x0] =	vst.idx.msk $0xffff, v17  }
0x242: {  	v18 =	vadd.s32 v6, v16;
	v17 =	vld [tilespmem:s15+$0xFFFFFF70];
	_ =	sdelay $0x4  }
0x243: {  	[tilespmem:v18+s12+$0x0] =	vst.idx.msk $0xffff, v17  }
0x244: {  	v18 =	vadd.s32 v7, v16;
	v17 =	vld [tilespmem:s15+$0xFFFFFF80];
	_ =	sdelay $0x4  }
0x245: {  	[tilespmem:v18+s12+$0x0] =	vst.idx.msk $0xffff, v17  }
0x246: {  	v18 =	vadd.s32 v8, v16;
	v17 =	vld [tilespmem:s15+$0xFFFFFF90];
	_ =	sdelay $0x4  }
0x247: {  	[tilespmem:v18+s12+$0x0] =	vst.idx.msk $0xffff, v17  }
0x248: {  	v18 =	vadd.s32 v9, v16;
	v17 =	vld [tilespmem:s15+$0xFFFFFFA0];
	_ =	sdelay $0x4  }
0x249: {  	[tilespmem:v18+s12+$0x0] =	vst.idx.msk $0xffff, v17  }
0x24a: {  	v18 =	vadd.s32 v10, v16;
	v17 =	vld [tilespmem:s15+$0xFFFFFFB0];
	_ =	sdelay $0x4  }
0x24b: {  	[tilespmem:v18+s12+$0x0] =	vst.idx.msk $0xffff, v17  }
0x24c: {  	v18 =	vadd.s32 v11, v16;
	v17 =	vld [tilespmem:s15+$0xFFFFFFC0];
	_ =	sdelay $0x4  }
0x24d: {  	[tilespmem:v18+s12+$0x0] =	vst.idx.msk $0xffff, v17  }
0x24e: {  	v18 =	vadd.s32 v12, v16;
	v17 =	vld [tilespmem:s15+$0xFFFFFFD0];
	_ =	sdelay $0x4  }
0x24f: {  	[tilespmem:v18+s12+$0x0] =	vst.idx.msk $0xffff, v17  }
0x250: {  	v18 =	vadd.s32 v13, v16;
	v17 =	vld [tilespmem:s15+$0xFFFFFFE0];
	_ =	sdelay $0x4  }
0x251: {  	[tilespmem:v18+s12+$0x0] =	vst.idx.msk $0xffff, v17  }
0x252: {  	v18 =	vadd.s32 v14, v16;
	v17 =	vld [tilespmem:s15+$0xFFFFFFF0];
	_ =	sdelay $0x4  }
0x253: {  	[tilespmem:v18+s12+$0x0] =	vst.idx.msk $0xffff, v17  }
0x254: {  	s16 =	simm.s32 $0x1;
	v18 =	vadd.s32 v15, v16;
	v17 =	vld [tilespmem:s15+$0x0]  }
0x255: {  	v16 =	vmov s16;
	s16 =	simm.s32 $0x2  }
.LBB2_13:
0x256: {  	p1 =	sne.s32 s16, $0xF;
	v16 =	vadd.s32 $0xB0, v16  }
0x257: {  	v16 =	vand.u32 $0xBF, v16  }
0x258: {  	v16 =	vbroadcast v16, $0x0  }
0x259: {  	s15 =	sadd.s32 $0x100, s15;
	[tilespmem:v18+s12+$0x0] =	vst.idx.msk $0xffff, v17  }
0x25a: {  	v17 =	vld [tilespmem:s15+$0xFFFFFF10];
	v18 =	vadd.s32 v0, v16;
	_ =	sdelay $0x4  }
0x25b: {  	[tilespmem:v18+s12+$0x0] =	vst.idx.msk $0xffff, v17  }
0x25c: {  	v18 =	vadd.s32 v1, v16;
	v17 =	vld [tilespmem:s15+$0xFFFFFF20];
	_ =	sdelay $0x4  }
0x25d: {  	[tilespmem:v18+s12+$0x0] =	vst.idx.msk $0xffff, v17  }
0x25e: {  	v18 =	vadd.s32 v2, v16;
	v17 =	vld [tilespmem:s15+$0xFFFFFF30];
	_ =	sdelay $0x4  }
0x25f: {  	[tilespmem:v18+s12+$0x0] =	vst.idx.msk $0xffff, v17  }
0x260: {  	v18 =	vadd.s32 v3, v16;
	v17 =	vld [tilespmem:s15+$0xFFFFFF40];
	_ =	sdelay $0x4  }
0x261: {  	[tilespmem:v18+s12+$0x0] =	vst.idx.msk $0xffff, v17  }
0x262: {  	v18 =	vadd.s32 v4, v16;
	v17 =	vld [tilespmem:s15+$0xFFFFFF50];
	_ =	sdelay $0x4  }
0x263: {  	[tilespmem:v18+s12+$0x0] =	vst.idx.msk $0xffff, v17  }
0x264: {  	v18 =	vadd.s32 v5, v16;
	v17 =	vld [tilespmem:s15+$0xFFFFFF60];
	_ =	sdelay $0x4  }
0x265: {  	[tilespmem:v18+s12+$0x0] =	vst.idx.msk $0xffff, v17  }
0x266: {  	v18 =	vadd.s32 v6, v16;
	v17 =	vld [tilespmem:s15+$0xFFFFFF70];
	_ =	sdelay $0x4  }
0x267: {  	[tilespmem:v18+s12+$0x0] =	vst.idx.msk $0xffff, v17  }
0x268: {  	v18 =	vadd.s32 v7, v16;
	v17 =	vld [tilespmem:s15+$0xFFFFFF80];
	_ =	sdelay $0x4  }
0x269: {  	[tilespmem:v18+s12+$0x0] =	vst.idx.msk $0xffff, v17  }
0x26a: {  	v18 =	vadd.s32 v8, v16;
	v17 =	vld [tilespmem:s15+$0xFFFFFF90];
	_ =	sdelay $0x4  }
0x26b: {  	[tilespmem:v18+s12+$0x0] =	vst.idx.msk $0xffff, v17  }
0x26c: {  	v18 =	vadd.s32 v9, v16;
	v17 =	vld [tilespmem:s15+$0xFFFFFFA0];
	_ =	sdelay $0x4  }
0x26d: {  	[tilespmem:v18+s12+$0x0] =	vst.idx.msk $0xffff, v17  }
0x26e: {  	v18 =	vadd.s32 v10, v16;
	v17 =	vld [tilespmem:s15+$0xFFFFFFB0];
	_ =	sdelay $0x4  }
0x26f: {  	[tilespmem:v18+s12+$0x0] =	vst.idx.msk $0xffff, v17  }
0x270: {  	v18 =	vadd.s32 v11, v16;
	v17 =	vld [tilespmem:s15+$0xFFFFFFC0];
	_ =	sdelay $0x4  }
0x271: {  	[tilespmem:v18+s12+$0x0] =	vst.idx.msk $0xffff, v17  }
0x272: {  	v18 =	vadd.s32 v12, v16;
	v17 =	vld [tilespmem:s15+$0xFFFFFFD0];
	_ =	sdelay $0x4  }
0x273: {  	[tilespmem:v18+s12+$0x0] =	vst.idx.msk $0xffff, v17  }
0x274: {  	v18 =	vadd.s32 v13, v16;
	v17 =	vld [tilespmem:s15+$0xFFFFFFE0];
	_ =	sdelay $0x4  }
0x275: {  	[tilespmem:v18+s12+$0x0] =	vst.idx.msk $0xffff, v17  }
0x276: {  	v18 =	vadd.s32 v14, v16;
	v17 =	vld [tilespmem:s15+$0xFFFFFFF0];
	_ =	sdelay $0x2  }
.Ltmp5:
0x277: {  	(pc) =	sbr.rel @p1 .LBB2_13-.Ltmp5, $4  }
0x278: {  	_ = 	snop  }
0x279: {  	[tilespmem:v18+s12+$0x0] =	vst.idx.msk $0xffff, v17  }
0x27a: {  	v18 =	vadd.s32 v15, v16;
	v17 =	vld [tilespmem:s15+$0x0]  }
0x27b: {  	v16 =	vmov s16;
	s16 =	sadd.s32 $0x1, s16  }
0x27c: {  	_ = 	snop  }
0x27d: {  	v16 =	vadd.s32 $0xB0, v16  }
0x27e: {  	v16 =	vand.u32 $0xBF, v16  }
0x27f: {  	v16 =	vbroadcast v16, $0x0  }
0x280: {  	s15 =	sadd.s32 $0x100, s15;
	[tilespmem:v18+s12+$0x0] =	vst.idx.msk $0xffff, v17  }
0x281: {  	v17 =	vld [tilespmem:s15+$0xFFFFFF10];
	v18 =	vadd.s32 v0, v16;
	_ =	sdelay $0x4  }
0x282: {  	[tilespmem:v18+s12+$0x0] =	vst.idx.msk $0xffff, v17  }
0x283: {  	v18 =	vadd.s32 v1, v16;
	v17 =	vld [tilespmem:s15+$0xFFFFFF20];
	_ =	sdelay $0x4  }
0x284: {  	[tilespmem:v18+s12+$0x0] =	vst.idx.msk $0xffff, v17  }
0x285: {  	v18 =	vadd.s32 v2, v16;
	v17 =	vld [tilespmem:s15+$0xFFFFFF30];
	_ =	sdelay $0x4  }
0x286: {  	[tilespmem:v18+s12+$0x0] =	vst.idx.msk $0xffff, v17  }
0x287: {  	v18 =	vadd.s32 v3, v16;
	v17 =	vld [tilespmem:s15+$0xFFFFFF40];
	_ =	sdelay $0x4  }
0x288: {  	[tilespmem:v18+s12+$0x0] =	vst.idx.msk $0xffff, v17  }
0x289: {  	v18 =	vadd.s32 v4, v16;
	v17 =	vld [tilespmem:s15+$0xFFFFFF50];
	_ =	sdelay $0x4  }
0x28a: {  	[tilespmem:v18+s12+$0x0] =	vst.idx.msk $0xffff, v17  }
0x28b: {  	v18 =	vadd.s32 v5, v16;
	v17 =	vld [tilespmem:s15+$0xFFFFFF60];
	_ =	sdelay $0x4  }
0x28c: {  	[tilespmem:v18+s12+$0x0] =	vst.idx.msk $0xffff, v17  }
0x28d: {  	v18 =	vadd.s32 v6, v16;
	v17 =	vld [tilespmem:s15+$0xFFFFFF70];
	_ =	sdelay $0x4  }
0x28e: {  	[tilespmem:v18+s12+$0x0] =	vst.idx.msk $0xffff, v17  }
0x28f: {  	v18 =	vadd.s32 v7, v16;
	v17 =	vld [tilespmem:s15+$0xFFFFFF80];
	_ =	sdelay $0x4  }
0x290: {  	[tilespmem:v18+s12+$0x0] =	vst.idx.msk $0xffff, v17  }
0x291: {  	v18 =	vadd.s32 v8, v16;
	v17 =	vld [tilespmem:s15+$0xFFFFFF90];
	_ =	sdelay $0x4  }
0x292: {  	[tilespmem:v18+s12+$0x0] =	vst.idx.msk $0xffff, v17  }
0x293: {  	v18 =	vadd.s32 v9, v16;
	v17 =	vld [tilespmem:s15+$0xFFFFFFA0];
	_ =	sdelay $0x4  }
0x294: {  	[tilespmem:v18+s12+$0x0] =	vst.idx.msk $0xffff, v17  }
0x295: {  	v18 =	vadd.s32 v10, v16;
	v17 =	vld [tilespmem:s15+$0xFFFFFFB0];
	_ =	sdelay $0x4  }
0x296: {  	[tilespmem:v18+s12+$0x0] =	vst.idx.msk $0xffff, v17  }
0x297: {  	v18 =	vadd.s32 v11, v16;
	v17 =	vld [tilespmem:s15+$0xFFFFFFC0];
	_ =	sdelay $0x4  }
0x298: {  	[tilespmem:v18+s12+$0x0] =	vst.idx.msk $0xffff, v17  }
0x299: {  	v18 =	vadd.s32 v12, v16;
	v17 =	vld [tilespmem:s15+$0xFFFFFFD0];
	_ =	sdelay $0x4  }
0x29a: {  	[tilespmem:v18+s12+$0x0] =	vst.idx.msk $0xffff, v17  }
0x29b: {  	v18 =	vadd.s32 v13, v16;
	v17 =	vld [tilespmem:s15+$0xFFFFFFE0];
	_ =	sdelay $0x4  }
0x29c: {  	[tilespmem:v18+s12+$0x0] =	vst.idx.msk $0xffff, v17  }
0x29d: {  	v18 =	vadd.s32 v14, v16;
	v17 =	vld [tilespmem:s15+$0xFFFFFFF0];
	_ =	sdelay $0x4  }
0x29e: {  	[tilespmem:v18+s12+$0x0] =	vst.idx.msk $0xffff, v17  }
0x29f: {  	v16 =	vadd.s32 v15, v16;
	v17 =	vld [tilespmem:s15+$0x0];
	_ =	sdelay $0x4  }
0x2a0: {  	[tilespmem:v16+s12+$0x0] =	vst.idx.msk $0xffff, v17  }
0x2a1: {  	_ =	swait.ge [sflag:s11], $0x100  }
0x2a2: {  	[sflag:s11] =	ssyncset.done $0x0  }
0x2a3: {  	[sflag:s11] =	ssyncadd.s32 $0xFFFFFF00  }
0x2a4: {  	_ =	swait.ge [sflag:s11], $0x100  }
0x2a5: {  	[sflag:s11] =	ssyncset.done $0x0  }
0x2a6: {  	[sflag:s11] =	ssyncadd.s32 $0xFFFFFF00  }
0x2a7: {  	_ =	swait.ge [sflag:s11], $0x100  }
0x2a8: {  	[sflag:s11] =	ssyncset.done $0x0  }
0x2a9: {  	[sflag:s11] =	ssyncadd.s32 $0xFFFFFF00  }
0x2aa: {  	_ =	swait.ge [sflag:s11], $0x100  }
0x2ab: {  	[sflag:s11] =	ssyncset.done $0x0  }
0x2ac: {  	[sflag:s11] =	ssyncadd.s32 $0xFFFFFF00  }
0x2ad: {  	_ =	swait.ge [sflag:s11], $0x100  }
0x2ae: {  	[sflag:s11] =	ssyncset.done $0x0  }
0x2af: {  	[sflag:s11] =	ssyncadd.s32 $0xFFFFFF00  }
0x2b0: {  	_ =	swait.ge [sflag:s11], $0x100  }
0x2b1: {  	[sflag:s11] =	ssyncset.done $0x0  }
0x2b2: {  	[sflag:s11] =	ssyncadd.s32 $0xFFFFFF00  }
0x2b3: {  	_ =	swait.ge [sflag:s11], $0x100  }
0x2b4: {  	[sflag:s11] =	ssyncset.done $0x0  }
0x2b5: {  	[sflag:s11] =	ssyncadd.s32 $0xFFFFFF00  }
0x2b6: {  	_ =	swait.ge [sflag:s11], $0x100  }
0x2b7: {  	[sflag:s11] =	ssyncset.done $0x0  }
0x2b8: {  	[sflag:s11] =	ssyncadd.s32 $0xFFFFFF00  }
0x2b9: {  	_ =	swait.ge [sflag:s11], $0x100  }
0x2ba: {  	[sflag:s11] =	ssyncset.done $0x0  }
0x2bb: {  	[sflag:s11] =	ssyncadd.s32 $0xFFFFFF00  }
0x2bc: {  	_ =	swait.ge [sflag:s11], $0x100  }
0x2bd: {  	[sflag:s11] =	ssyncset.done $0x0  }
0x2be: {  	[sflag:s11] =	ssyncadd.s32 $0xFFFFFF00  }
0x2bf: {  	_ =	swait.ge [sflag:s11], $0x100  }
0x2c0: {  	[sflag:s11] =	ssyncset.done $0x0  }
0x2c1: {  	[sflag:s11] =	ssyncadd.s32 $0xFFFFFF00  }
0x2c2: {  	_ =	swait.ge [sflag:s11], $0x100  }
0x2c3: {  	[sflag:s11] =	ssyncset.done $0x0  }
0x2c4: {  	[sflag:s11] =	ssyncadd.s32 $0xFFFFFF00  }
0x2c5: {  	_ =	swait.ge [sflag:s11], $0x100  }
0x2c6: {  	[sflag:s11] =	ssyncset.done $0x0  }
0x2c7: {  	[sflag:s11] =	ssyncadd.s32 $0xFFFFFF00  }
0x2c8: {  	_ =	swait.ge [sflag:s11], $0x100  }
0x2c9: {  	[sflag:s11] =	ssyncset.done $0x0  }
0x2ca: {  	[sflag:s11] =	ssyncadd.s32 $0xFFFFFF00  }
0x2cb: {  	s31 =	simm.s32 $0x0;
	_ =	swait.ge [sflag:s11], $0x100  }
0x2cc: {  	v16 =	vmov s31;
	[sflag:s11] =	ssyncset.done $0x0  }
0x2cd: {  	v16 =	vadd.s32 $0xC0, v16;
	[sflag:s11] =	ssyncadd.s32 $0xFFFFFF00  }
0x2ce: {  	v16 =	vand.u32 $0xCF, v16;
	_ =	swait.ge [sflag:s11], $0x100  }
0x2cf: {  	v16 =	vbroadcast v16, $0x0;
	[sflag:s11] =	ssyncset.done $0x0  }
0x2d0: {  	s15 =	simm.s32 $0x3380;
	[sflag:s11] =	ssyncadd.s32 $0xFFFFFF00  }
0x2d1: {  	v18 =	vadd.s32 v0, v16;
	v17 =	vld [tilespmem:s15+$0xFFFFFF80];
	_ =	sdelay $0x4  }
0x2d2: {  	[tilespmem:v18+s12+$0x0] =	vst.idx.msk $0xffff, v17  }
0x2d3: {  	v18 =	vadd.s32 v1, v16;
	v17 =	vld [tilespmem:s15+$0xFFFFFF90];
	_ =	sdelay $0x4  }
0x2d4: {  	[tilespmem:v18+s12+$0x0] =	vst.idx.msk $0xffff, v17  }
0x2d5: {  	v18 =	vadd.s32 v2, v16;
	v17 =	vld [tilespmem:s15+$0xFFFFFFA0];
	_ =	sdelay $0x4  }
0x2d6: {  	[tilespmem:v18+s12+$0x0] =	vst.idx.msk $0xffff, v17  }
0x2d7: {  	v18 =	vadd.s32 v3, v16;
	v17 =	vld [tilespmem:s15+$0xFFFFFFB0];
	_ =	sdelay $0x4  }
0x2d8: {  	[tilespmem:v18+s12+$0x0] =	vst.idx.msk $0xffff, v17  }
0x2d9: {  	v18 =	vadd.s32 v4, v16;
	v17 =	vld [tilespmem:s15+$0xFFFFFFC0];
	_ =	sdelay $0x4  }
0x2da: {  	[tilespmem:v18+s12+$0x0] =	vst.idx.msk $0xffff, v17  }
0x2db: {  	v18 =	vadd.s32 v5, v16;
	v17 =	vld [tilespmem:s15+$0xFFFFFFD0];
	_ =	sdelay $0x4  }
0x2dc: {  	[tilespmem:v18+s12+$0x0] =	vst.idx.msk $0xffff, v17  }
0x2dd: {  	v18 =	vadd.s32 v6, v16;
	v17 =	vld [tilespmem:s15+$0xFFFFFFE0];
	_ =	sdelay $0x4  }
0x2de: {  	[tilespmem:v18+s12+$0x0] =	vst.idx.msk $0xffff, v17  }
0x2df: {  	v18 =	vadd.s32 v7, v16;
	v17 =	vld [tilespmem:s15+$0xFFFFFFF0];
	_ =	sdelay $0x4  }
0x2e0: {  	[tilespmem:v18+s12+$0x0] =	vst.idx.msk $0xffff, v17  }
0x2e1: {  	v18 =	vadd.s32 v8, v16;
	v17 =	vld [tilespmem:s15+$0x0];
	_ =	sdelay $0x4  }
0x2e2: {  	[tilespmem:v18+s12+$0x0] =	vst.idx.msk $0xffff, v17  }
0x2e3: {  	v18 =	vadd.s32 v9, v16;
	v17 =	vld [tilespmem:s15+$0x10];
	_ =	sdelay $0x4  }
0x2e4: {  	[tilespmem:v18+s12+$0x0] =	vst.idx.msk $0xffff, v17  }
0x2e5: {  	v18 =	vadd.s32 v10, v16;
	v17 =	vld [tilespmem:s15+$0x20];
	_ =	sdelay $0x4  }
0x2e6: {  	[tilespmem:v18+s12+$0x0] =	vst.idx.msk $0xffff, v17  }
0x2e7: {  	v18 =	vadd.s32 v11, v16;
	v17 =	vld [tilespmem:s15+$0x30];
	_ =	sdelay $0x4  }
0x2e8: {  	[tilespmem:v18+s12+$0x0] =	vst.idx.msk $0xffff, v17  }
0x2e9: {  	v18 =	vadd.s32 v12, v16;
	v17 =	vld [tilespmem:s15+$0x40];
	_ =	sdelay $0x4  }
0x2ea: {  	[tilespmem:v18+s12+$0x0] =	vst.idx.msk $0xffff, v17  }
0x2eb: {  	v18 =	vadd.s32 v13, v16;
	v17 =	vld [tilespmem:s15+$0x50];
	_ =	sdelay $0x4  }
0x2ec: {  	[tilespmem:v18+s12+$0x0] =	vst.idx.msk $0xffff, v17  }
0x2ed: {  	v18 =	vadd.s32 v14, v16;
	v17 =	vld [tilespmem:s15+$0x60];
	_ =	sdelay $0x4  }
0x2ee: {  	[tilespmem:v18+s12+$0x0] =	vst.idx.msk $0xffff, v17  }
0x2ef: {  	s16 =	simm.s32 $0x1;
	v18 =	vadd.s32 v15, v16;
	v17 =	vld [tilespmem:s15+$0x70]  }
0x2f0: {  	v16 =	vmov s16;
	s16 =	simm.s32 $0x2  }
.LBB2_15:
0x2f1: {  	p1 =	sne.s32 s16, $0xF;
	v16 =	vadd.s32 $0xC0, v16  }
0x2f2: {  	v16 =	vand.u32 $0xCF, v16  }
0x2f3: {  	v16 =	vbroadcast v16, $0x0  }
0x2f4: {  	s15 =	sadd.s32 $0x100, s15;
	[tilespmem:v18+s12+$0x0] =	vst.idx.msk $0xffff, v17  }
0x2f5: {  	v17 =	vld [tilespmem:s15+$0xFFFFFF80];
	v18 =	vadd.s32 v0, v16;
	_ =	sdelay $0x4  }
0x2f6: {  	[tilespmem:v18+s12+$0x0] =	vst.idx.msk $0xffff, v17  }
0x2f7: {  	v18 =	vadd.s32 v1, v16;
	v17 =	vld [tilespmem:s15+$0xFFFFFF90];
	_ =	sdelay $0x4  }
0x2f8: {  	[tilespmem:v18+s12+$0x0] =	vst.idx.msk $0xffff, v17  }
0x2f9: {  	v18 =	vadd.s32 v2, v16;
	v17 =	vld [tilespmem:s15+$0xFFFFFFA0];
	_ =	sdelay $0x4  }
0x2fa: {  	[tilespmem:v18+s12+$0x0] =	vst.idx.msk $0xffff, v17  }
0x2fb: {  	v18 =	vadd.s32 v3, v16;
	v17 =	vld [tilespmem:s15+$0xFFFFFFB0];
	_ =	sdelay $0x4  }
0x2fc: {  	[tilespmem:v18+s12+$0x0] =	vst.idx.msk $0xffff, v17  }
0x2fd: {  	v18 =	vadd.s32 v4, v16;
	v17 =	vld [tilespmem:s15+$0xFFFFFFC0];
	_ =	sdelay $0x4  }
0x2fe: {  	[tilespmem:v18+s12+$0x0] =	vst.idx.msk $0xffff, v17  }
0x2ff: {  	v18 =	vadd.s32 v5, v16;
	v17 =	vld [tilespmem:s15+$0xFFFFFFD0];
	_ =	sdelay $0x4  }
0x300: {  	[tilespmem:v18+s12+$0x0] =	vst.idx.msk $0xffff, v17  }
0x301: {  	v18 =	vadd.s32 v6, v16;
	v17 =	vld [tilespmem:s15+$0xFFFFFFE0];
	_ =	sdelay $0x4  }
0x302: {  	[tilespmem:v18+s12+$0x0] =	vst.idx.msk $0xffff, v17  }
0x303: {  	v18 =	vadd.s32 v7, v16;
	v17 =	vld [tilespmem:s15+$0xFFFFFFF0];
	_ =	sdelay $0x4  }
0x304: {  	[tilespmem:v18+s12+$0x0] =	vst.idx.msk $0xffff, v17  }
0x305: {  	v18 =	vadd.s32 v8, v16;
	v17 =	vld [tilespmem:s15+$0x0];
	_ =	sdelay $0x4  }
0x306: {  	[tilespmem:v18+s12+$0x0] =	vst.idx.msk $0xffff, v17  }
0x307: {  	v18 =	vadd.s32 v9, v16;
	v17 =	vld [tilespmem:s15+$0x10];
	_ =	sdelay $0x4  }
0x308: {  	[tilespmem:v18+s12+$0x0] =	vst.idx.msk $0xffff, v17  }
0x309: {  	v18 =	vadd.s32 v10, v16;
	v17 =	vld [tilespmem:s15+$0x20];
	_ =	sdelay $0x4  }
0x30a: {  	[tilespmem:v18+s12+$0x0] =	vst.idx.msk $0xffff, v17  }
0x30b: {  	v18 =	vadd.s32 v11, v16;
	v17 =	vld [tilespmem:s15+$0x30];
	_ =	sdelay $0x4  }
0x30c: {  	[tilespmem:v18+s12+$0x0] =	vst.idx.msk $0xffff, v17  }
0x30d: {  	v18 =	vadd.s32 v12, v16;
	v17 =	vld [tilespmem:s15+$0x40];
	_ =	sdelay $0x4  }
0x30e: {  	[tilespmem:v18+s12+$0x0] =	vst.idx.msk $0xffff, v17  }
0x30f: {  	v18 =	vadd.s32 v13, v16;
	v17 =	vld [tilespmem:s15+$0x50];
	_ =	sdelay $0x4  }
0x310: {  	[tilespmem:v18+s12+$0x0] =	vst.idx.msk $0xffff, v17  }
0x311: {  	v18 =	vadd.s32 v14, v16;
	v17 =	vld [tilespmem:s15+$0x60];
	_ =	sdelay $0x2  }
.Ltmp6:
0x312: {  	(pc) =	sbr.rel @p1 .LBB2_15-.Ltmp6, $4  }
0x313: {  	_ = 	snop  }
0x314: {  	[tilespmem:v18+s12+$0x0] =	vst.idx.msk $0xffff, v17  }
0x315: {  	v18 =	vadd.s32 v15, v16;
	v17 =	vld [tilespmem:s15+$0x70]  }
0x316: {  	v16 =	vmov s16;
	s16 =	sadd.s32 $0x1, s16  }
0x317: {  	_ = 	snop  }
0x318: {  	v16 =	vadd.s32 $0xC0, v16  }
0x319: {  	v16 =	vand.u32 $0xCF, v16  }
0x31a: {  	v16 =	vbroadcast v16, $0x0  }
0x31b: {  	s15 =	sadd.s32 $0x100, s15;
	[tilespmem:v18+s12+$0x0] =	vst.idx.msk $0xffff, v17  }
0x31c: {  	v17 =	vld [tilespmem:s15+$0xFFFFFF80];
	v49 =	vadd.s32 v0, v16;
	_ =	sdelay $0x4  }
0x31d: {  	[tilespmem:v49+s12+$0x0] =	vst.idx.msk $0xffff, v17  }
0x31e: {  	v50 =	vadd.s32 v1, v16;
	v17 =	vld [tilespmem:s15+$0xFFFFFF90];
	_ =	sdelay $0x4  }
0x31f: {  	[tilespmem:v50+s12+$0x0] =	vst.idx.msk $0xffff, v17  }
0x320: {  	v51 =	vadd.s32 v2, v16;
	v17 =	vld [tilespmem:s15+$0xFFFFFFA0];
	_ =	sdelay $0x4  }
0x321: {  	[tilespmem:v51+s12+$0x0] =	vst.idx.msk $0xffff, v17  }
0x322: {  	v52 =	vadd.s32 v3, v16;
	v17 =	vld [tilespmem:s15+$0xFFFFFFB0];
	_ =	sdelay $0x4  }
0x323: {  	[tilespmem:v52+s12+$0x0] =	vst.idx.msk $0xffff, v17  }
0x324: {  	v53 =	vadd.s32 v4, v16;
	v17 =	vld [tilespmem:s15+$0xFFFFFFC0];
	_ =	sdelay $0x4  }
0x325: {  	[tilespmem:v53+s12+$0x0] =	vst.idx.msk $0xffff, v17  }
0x326: {  	v54 =	vadd.s32 v5, v16;
	v17 =	vld [tilespmem:s15+$0xFFFFFFD0];
	_ =	sdelay $0x4  }
0x327: {  	[tilespmem:v54+s12+$0x0] =	vst.idx.msk $0xffff, v17  }
0x328: {  	v55 =	vadd.s32 v6, v16;
	v17 =	vld [tilespmem:s15+$0xFFFFFFE0];
	_ =	sdelay $0x4  }
0x329: {  	[tilespmem:v55+s12+$0x0] =	vst.idx.msk $0xffff, v17  }
0x32a: {  	v56 =	vadd.s32 v7, v16;
	v17 =	vld [tilespmem:s15+$0xFFFFFFF0];
	_ =	sdelay $0x4  }
0x32b: {  	[tilespmem:v56+s12+$0x0] =	vst.idx.msk $0xffff, v17  }
0x32c: {  	v57 =	vadd.s32 v8, v16;
	v17 =	vld [tilespmem:s15+$0x0];
	_ =	sdelay $0x4  }
0x32d: {  	[tilespmem:v57+s12+$0x0] =	vst.idx.msk $0xffff, v17  }
0x32e: {  	v58 =	vadd.s32 v9, v16;
	v17 =	vld [tilespmem:s15+$0x10];
	_ =	sdelay $0x4  }
0x32f: {  	[tilespmem:v58+s12+$0x0] =	vst.idx.msk $0xffff, v17  }
0x330: {  	v59 =	vadd.s32 v10, v16;
	v17 =	vld [tilespmem:s15+$0x20];
	_ =	sdelay $0x4  }
0x331: {  	[tilespmem:v59+s12+$0x0] =	vst.idx.msk $0xffff, v17  }
0x332: {  	v60 =	vadd.s32 v11, v16;
	v17 =	vld [tilespmem:s15+$0x30];
	_ =	sdelay $0x4  }
0x333: {  	[tilespmem:v60+s12+$0x0] =	vst.idx.msk $0xffff, v17  }
0x334: {  	v61 =	vadd.s32 v12, v16;
	v17 =	vld [tilespmem:s15+$0x40];
	_ =	sdelay $0x4  }
0x335: {  	[tilespmem:v61+s12+$0x0] =	vst.idx.msk $0xffff, v17  }
0x336: {  	v62 =	vadd.s32 v13, v16;
	v17 =	vld [tilespmem:s15+$0x50];
	_ =	sdelay $0x4  }
0x337: {  	[tilespmem:v62+s12+$0x0] =	vst.idx.msk $0xffff, v17  }
0x338: {  	v63 =	vadd.s32 v14, v16;
	v17 =	vld [tilespmem:s15+$0x60];
	_ =	sdelay $0x4  }
0x339: {  	[tilespmem:v63+s12+$0x0] =	vst.idx.msk $0xffff, v17  }
0x33a: {  	v16 =	vadd.s32 v15, v16;
	v17 =	vld [tilespmem:s15+$0x70];
	_ =	sdelay $0x2  }
0x33b: {  	s14 =	smul.u32 $0x1A, s14;
	_ =	sdelay $0x1  }
.Ltmp7:
0x33c: {  	s14 =	sadd.s32 s5, s14;
	[tilespmem:v16+s12+$0x0] =	vst.idx.msk $0xffff, v17;
	(pc) =	sbr.rel @p0 .LBB2_2-.Ltmp7, $4  }
0x33d: {  	[hbm4b:s14+s1] =	stream.linear.scatter [tilespmem:s12], [sflag:$0x2], $0xD000, $0x38;
	[tilespmem:$0x13300] =	vst v63  }
0x33e: {  	_ =	swait.ge [sflag:s9], $0xD000  }
0x33f: {  	[sflag:s9] =	ssyncset.done $0x0  }
0x340: {  	p1 =	por $0x0, $0x0;
	s14 =	simm.s32 $0x100;
	[sflag:s9] =	ssyncadd.s32 $0xFFFF3000  }
0x341: {  	s13 =	sadd.s32 $0x1, s13  }
0x342: {  	p0 =	sne.s32 s13, s8  }
.Ltmp8:
0x343: {  	_ = 	snop;
	(pc) =	sbr.rel @p0 .LBB2_1-.Ltmp8, $1  }
0x344: {  	_ =	sdelay $0x3  }
0x345: {  	_ =	sfence.sel $0x180000  }
0x346: {  	[bflag:$0x0] =	sbarrier.arrive $0xFFFF  }
0x347: {  	p0 =	sne.s32 s2, $0x0;
	_ =	strace $0x90000047  }
0x348: {  	s0 =	sadd.s32 @!p0 $0x100000, s0;
	[bflag:$0x2] =	sbarrier.arrive $0xFFFF  }
0x349: {  	[sflag:s0] =	ssyncadd.tile.s32 @!p0 $0x1;
	_ =	shalt  }
.Lfunc_end2:
_tile_overlayer_lowered:
.L_overlay_start_2:
0x34a: {  	(tag) =	ssettag $0x2  }
0x34b: {  	s0 =	rddreg [dreg:$0x0];
	s2 =	stileid.u32  }
0x34c: {  	s1 =	rddreg [dreg:$0x1];
	p0 =	sne.s32 s2, $0x0  }
0x34d: {  	s3 =	rddreg [dreg:$0x2];
	[bflag:$0x3] =	sbarrier.arrive $0xFFFF;
	s2 =	simm.s32 @!p0 $0x1C02  }
0x34e: {  	[timem:s3], [sflag:s2] =	dma.local @!p0 [hbm:s0], s1  }
0x34f: {  	s0 =	simm.s32 @!p0 $0x2  }
0x350: {  	_ =	swait.ge @!p0 [sflag:s0], s1  }
0x351: {  	s1 =	ssub.s32 @!p0 $0x0, s1;
	[sflag:s0] =	ssyncset.done @!p0 $0x0  }
0x352: {  	[sflag:s0] =	ssyncadd.s32 @!p0 s1  }
0x353: {  	[bflag:$0x3] =	sbarrier.arrive $0xFFFF  }
0x354: {  	_ =	shalt  }

</sc_bundles>
